<compile_context>
chip_gen: v7x
topology: tpu7x:2x2x1
jax: 0.10.2.dev20260603
libtpu: 0.0.44.dev20260713+nightly
codegen_flags: <defaults>
</compile_context>

<pallas_src>
import jax
import jax.numpy as jnp
from jax import lax
from jax.experimental import pallas as pl
from jax.experimental.pallas import tpu as pltpu
from jax.experimental.pallas import tpu_sc as plsc

N_NODES = 10000
N_EDGES = 320000
D_IN = 128
D_H = 16
D_OUT = 5

NC = 2
NS = 16
NW = NC * NS
G = 128
NG = N_EDGES // G
KMAX = (NG + NW - 1) // NW
NGP = KMAX * NW
E_PAD = NGP * G
NODE_PAD = 16
NT = N_NODES + NODE_PAD
ROWS_PER_TILE = (N_NODES // NS) // 8 * 8
TAIL_ROWS = N_NODES - NS * ROWS_PER_TILE
NEG_SLOPE = 0.2

_mesh = plsc.VectorSubcoreMesh(core_axis_name="c", subcore_axis_name="s",
                               num_cores=NC, num_subcores=NS)


def _leaky(x):
    return jnp.where(x >= 0, x, NEG_SLOPE * x)


def _edge_body(h_hbm, src_hbm, dst_hbm, als_hbm, ald_hbm, zeros_hbm, zerosd_hbm,
               acc_out, den_out,
               als_t, ald_t, sidx, didx, rows, wide, ebuf, dval, drep,
               acc_sh, den_sh, h_sh, semA, semB, semC, semD):
    c = lax.axis_index("c")
    s = lax.axis_index("s")
    w = s * NC + c

    def issue_idx(slot, g):
        base = g * G
        pltpu.async_copy(src_hbm.at[pl.ds(base, G)], sidx.at[slot], semA)
        pltpu.async_copy(dst_hbm.at[pl.ds(base, G)], didx.at[slot], semA)

    def wait_idx():
        pltpu.make_async_copy(src_hbm.at[pl.ds(0, G)], sidx.at[0], semA).wait()
        pltpu.make_async_copy(dst_hbm.at[pl.ds(0, G)], didx.at[0], semA).wait()

    def issue_gather(slot4, slot2):
        pltpu.async_copy(h_sh.at[sidx.at[slot4]], rows.at[slot2], semB)

    def wait_gather():
        pltpu.make_async_copy(h_sh.at[sidx.at[0]], rows.at[0], semB).wait()

    def wait_scatter():
        pltpu.make_async_copy(wide.at[0], acc_sh.at[didx.at[0]], semC).wait()
        pltpu.make_async_copy(ebuf.at[0], den_sh.at[didx.at[0]], semD).wait()

    pltpu.sync_copy(als_hbm, als_t)
    pltpu.sync_copy(ald_hbm, ald_t)
    pltpu.sync_copy(h_hbm.at[pl.ds(s * ROWS_PER_TILE, ROWS_PER_TILE)],
                    h_sh.at[pl.ds(s * ROWS_PER_TILE, ROWS_PER_TILE)])

    @pl.when(s == NS - 1)
    def _():
        pltpu.sync_copy(
            h_hbm.at[pl.ds(NS * ROWS_PER_TILE, NT - NS * ROWS_PER_TILE)],
            h_sh.at[pl.ds(NS * ROWS_PER_TILE, NT - NS * ROWS_PER_TILE)])
    pltpu.sync_copy(zeros_hbm.at[pl.ds(s * ROWS_PER_TILE, ROWS_PER_TILE)],
                    acc_sh.at[pl.ds(s * ROWS_PER_TILE, ROWS_PER_TILE)])
    pltpu.sync_copy(zerosd_hbm.at[pl.ds(s * ROWS_PER_TILE, ROWS_PER_TILE)],
                    den_sh.at[pl.ds(s * ROWS_PER_TILE, ROWS_PER_TILE)])

    @pl.when(s == NS - 1)
    def _():
        pltpu.sync_copy(
            zeros_hbm.at[pl.ds(NS * ROWS_PER_TILE, NT - NS * ROWS_PER_TILE)],
            acc_sh.at[pl.ds(NS * ROWS_PER_TILE, NT - NS * ROWS_PER_TILE)])
        pltpu.sync_copy(
            zerosd_hbm.at[pl.ds(NS * ROWS_PER_TILE, NT - NS * ROWS_PER_TILE)],
            den_sh.at[pl.ds(NS * ROWS_PER_TILE, NT - NS * ROWS_PER_TILE)])
    plsc.subcore_barrier()

    issue_idx(0, w)
    issue_idx(1, w + NW)
    issue_idx(2, w + 2 * NW)
    wait_idx()
    issue_gather(0, 0)
    wait_idx()
    issue_gather(1, 1)

    def step(k, carry):
        s8 = lax.rem(k, 8)
        s3 = lax.rem(k, 3)
        s2 = lax.rem(k, 2)

        @pl.when(k >= 3)
        def _():
            wait_scatter()

        @pl.when(k + 2 < KMAX)
        def _():
            wait_idx()
            issue_gather(lax.rem(k + 2, 8), lax.rem(k + 2, 3))
        wait_gather()

        sx = sidx.at[s8]
        dx = didx.at[s8]
        rw = rows.at[s3]
        wd = wide.at[s3]
        eb = ebuf.at[s3]

        @plsc.parallel_loop(0, G, step=16, unroll=4)
        def _(j):
            av = plsc.load_gather(als_t, [sx[pl.ds(j, 16)]])
            bv = plsc.load_gather(ald_t, [dx[pl.ds(j, 16)]])
            eb[pl.ds(j, 16)] = jnp.exp(_leaky(av + bv))

        @plsc.parallel_loop(0, G, unroll=8)
        def _(i):
            ev = plsc.load_gather(eb, [jnp.broadcast_to(i, (16,))])
            wd[i, :] = rw[i, :] * ev

        pltpu.async_copy(wd, acc_sh.at[dx], semC, add=True)
        pltpu.async_copy(eb, den_sh.at[dx], semD, add=True)

        @pl.when(k + 3 < KMAX)
        def _():
            issue_idx(lax.rem(k + 3, 8), w + NW * (k + 3))
        return carry

    lax.fori_loop(0, KMAX, step, 0)
    wait_scatter()
    wait_scatter()
    wait_scatter()
    plsc.subcore_barrier()
    pltpu.sync_copy(acc_sh.at[pl.ds(s * ROWS_PER_TILE, ROWS_PER_TILE)],
                    acc_out.at[c, pl.ds(s * ROWS_PER_TILE, ROWS_PER_TILE)])

    pltpu.sync_copy(den_sh.at[pl.ds(s * ROWS_PER_TILE, ROWS_PER_TILE)],
                    dval.at[pl.ds(0, ROWS_PER_TILE)])

    def expand(i, carry):
        ev = plsc.load_gather(dval, [jnp.broadcast_to(i, (16,))])
        drep[i, :] = ev
        return carry

    lax.fori_loop(0, ROWS_PER_TILE, expand, 0)
    pltpu.sync_copy(drep.at[pl.ds(0, ROWS_PER_TILE)],
                    den_out.at[c, pl.ds(s * ROWS_PER_TILE, ROWS_PER_TILE)])

    @pl.when(s == NS - 1)
    def _():
        pltpu.sync_copy(acc_sh.at[pl.ds(NS * ROWS_PER_TILE, TAIL_ROWS)],
                        acc_out.at[c, pl.ds(NS * ROWS_PER_TILE, TAIL_ROWS)])
        pltpu.sync_copy(den_sh.at[pl.ds(NS * ROWS_PER_TILE, TAIL_ROWS)],
                        dval.at[pl.ds(0, TAIL_ROWS)])
        for i in range(TAIL_ROWS):
            ev = plsc.load_gather(dval, [jnp.full((16,), i, jnp.int32)])
            drep[i, :] = ev
        pltpu.sync_copy(drep.at[pl.ds(0, TAIL_ROWS)],
                        den_out.at[c, pl.ds(NS * ROWS_PER_TILE, TAIL_ROWS)])


_edge_pass = pl.kernel(
    _edge_body,
    out_type=[jax.ShapeDtypeStruct((NC, N_NODES, D_H), jnp.float32),
              jax.ShapeDtypeStruct((NC, N_NODES, D_H), jnp.float32)],
    mesh=_mesh,
    scratch_types=[
        pltpu.VMEM((NT,), jnp.float32),
        pltpu.VMEM((NT,), jnp.float32),
        pltpu.VMEM((8, G), jnp.int32),
        pltpu.VMEM((8, G), jnp.int32),
        pltpu.VMEM((3, G, D_H), jnp.float32),
        pltpu.VMEM((3, G, D_H), jnp.float32),
        pltpu.VMEM((3, G), jnp.float32),
        pltpu.VMEM((ROWS_PER_TILE,), jnp.float32),
        pltpu.VMEM((ROWS_PER_TILE, D_H), jnp.float32),
        pltpu.VMEM_SHARED((NT, D_H), jnp.float32),
        pltpu.VMEM_SHARED((NT,), jnp.float32),
        pltpu.VMEM_SHARED((NT, D_H), jnp.float32),
        pltpu.SemaphoreType.DMA,
        pltpu.SemaphoreType.DMA,
        pltpu.SemaphoreType.DMA,
        pltpu.SemaphoreType.DMA,
    ],
    compiler_params=pltpu.CompilerParams(needs_layout_passes=False,
                                         use_tc_tiling_on_sc=False),
)

BN = 1000


def _tc1_body(x_ref, w1_ref, asr_ref, adr_ref, h_ref, as_ref, ad_ref):
    h = jnp.dot(x_ref[...], w1_ref[...], preferred_element_type=jnp.float32,
                precision=lax.Precision.HIGHEST)
    h_ref[...] = h
    as_ref[...] = jnp.sum(h * asr_ref[...], axis=1, keepdims=True)
    ad_ref[...] = jnp.sum(h * adr_ref[...], axis=1, keepdims=True)


def _tc2_body(a0_ref, a1_ref, d0_ref, d1_ref, h1_ref, as1_ref, ad1_ref,
              b1_ref, w2_ref, asr2_ref, adr2_ref, h2_ref, as2_ref, ad2_ref):
    xx = as1_ref[...] + ad1_ref[...]
    es = jnp.exp(_leaky(xx))
    acc = a0_ref[...][0] + a1_ref[...][0] + h1_ref[...] * es
    den = d0_ref[...][0] + d1_ref[...][0] + es + 1e-16
    h1r = jnp.maximum(acc / den + b1_ref[...], 0.0)
    h2 = jnp.dot(h1r, w2_ref[...], preferred_element_type=jnp.float32,
                 precision=lax.Precision.HIGHEST)
    h2_ref[...] = h2
    as2_ref[...] = jnp.sum(h2 * asr2_ref[...], axis=1, keepdims=True)
    ad2_ref[...] = jnp.sum(h2 * adr2_ref[...], axis=1, keepdims=True)


def _tc3_body(a0_ref, a1_ref, d0_ref, d1_ref, h2_ref, as2_ref, ad2_ref,
              b2_ref, out_ref):
    xx = as2_ref[...] + ad2_ref[...]
    es = jnp.exp(_leaky(xx))
    acc = a0_ref[...][0] + a1_ref[...][0] + h2_ref[...] * es
    den = d0_ref[...][0] + d1_ref[...][0] + es + 1e-16
    logits = acc / den + b2_ref[...]
    col = lax.broadcasted_iota(jnp.int32, (BN, D_H), 1)
    masked = jnp.where(col < D_OUT, logits, -jnp.inf)
    m = jnp.max(masked, axis=1, keepdims=True)
    lse = m + jnp.log(jnp.sum(jnp.exp(masked - m), axis=1, keepdims=True))
    out_ref[...] = logits - lse


def _row_spec(width):
    return pl.BlockSpec((BN, width), lambda i: (i, 0))


def _full_spec(shape):
    return pl.BlockSpec(shape, lambda i: tuple(0 for _ in shape))


_GRID = N_NODES // BN

_tc1 = pl.pallas_call(
    _tc1_body,
    grid=(_GRID,),
    in_specs=[_row_spec(D_IN), _full_spec((D_IN, D_H)), _full_spec((1, D_H)),
              _full_spec((1, D_H))],
    out_specs=[_row_spec(D_H), _row_spec(1), _row_spec(1)],
    out_shape=[jax.ShapeDtypeStruct((N_NODES, D_H), jnp.float32),
               jax.ShapeDtypeStruct((N_NODES, 1), jnp.float32),
               jax.ShapeDtypeStruct((N_NODES, 1), jnp.float32)],
)

_acc0_spec = pl.BlockSpec((1, BN, D_H), lambda i: (0, i, 0))
_acc1_spec = pl.BlockSpec((1, BN, D_H), lambda i: (1, i, 0))

_tc2 = pl.pallas_call(
    _tc2_body,
    grid=(_GRID,),
    in_specs=[_acc0_spec, _acc1_spec, _acc0_spec, _acc1_spec,
              _row_spec(D_H), _row_spec(1), _row_spec(1),
              _full_spec((1, D_H)), _full_spec((D_H, D_H)),
              _full_spec((1, D_H)), _full_spec((1, D_H))],
    out_specs=[_row_spec(D_H), _row_spec(1), _row_spec(1)],
    out_shape=[jax.ShapeDtypeStruct((N_NODES, D_H), jnp.float32),
               jax.ShapeDtypeStruct((N_NODES, 1), jnp.float32),
               jax.ShapeDtypeStruct((N_NODES, 1), jnp.float32)],
)

_tc3 = pl.pallas_call(
    _tc3_body,
    grid=(_GRID,),
    in_specs=[_acc0_spec, _acc1_spec, _acc0_spec, _acc1_spec,
              _row_spec(D_H), _row_spec(1), _row_spec(1),
              _full_spec((1, D_H))],
    out_specs=_row_spec(D_H),
    out_shape=jax.ShapeDtypeStruct((N_NODES, D_H), jnp.float32),
)


def kernel(x, edge_index, W1, a_src1, a_dst1, b1, W2, a_src2, a_dst2, b2):
    padv = jnp.full((E_PAD - N_EDGES,), N_NODES, jnp.int32)
    src = jnp.concatenate([edge_index[0], padv])
    dst = jnp.concatenate([edge_index[1], padv])
    zeros = jnp.zeros((NT, D_H), jnp.float32)
    zerosd = jnp.zeros((NT,), jnp.float32)

    def node_pad(a):
        return jnp.pad(a.reshape(-1), (0, NODE_PAD))

    h1, as1, ad1 = _tc1(x, W1, a_src1.reshape(1, D_H), a_dst1.reshape(1, D_H))
    h1p = jnp.pad(h1, ((0, NODE_PAD), (0, 0)))
    acc1, den1 = _edge_pass(h1p, src, dst, node_pad(as1), node_pad(ad1),
                            zeros, zerosd)

    pad = D_H - D_OUT
    w2p = jnp.pad(W2, ((0, 0), (0, pad)))
    asr2 = jnp.pad(a_src2, (0, pad)).reshape(1, D_H)
    adr2 = jnp.pad(a_dst2, (0, pad)).reshape(1, D_H)
    b1r = b1.reshape(1, D_H)
    h2, as2, ad2 = _tc2(acc1, acc1, den1, den1,
                        h1, as1, ad1, b1r, w2p, asr2, adr2)

    h2p = jnp.pad(h2, ((0, NODE_PAD), (0, 0)))
    acc2, den2 = _edge_pass(h2p, src, dst, node_pad(as2), node_pad(ad2),
                            zeros, zerosd)
    b2r = jnp.pad(b2, (0, pad)).reshape(1, D_H)
    out16 = _tc3(acc2, acc2, den2, den2, h2, as2, ad2, b2r)
    return out16[:N_NODES, :D_OUT]

# --- scband reference (transcript-rebuilt; emitter-appended) ---
"""Pipeline reference for scband-gcn-21320217658153 (READ-ONLY COPY).

The authoritative reference and input builder live on the scoring server;
editing this copy changes nothing except your own understanding.
"""

import jax, jax.numpy as jnp
import numpy as np

N = 10000
E = 320000
D_IN = 128
D_H = 16
D_OUT = 5


def setup_inputs(seed: int = 0) -> dict:
    key = jax.random.key(seed)
    ks = jax.random.split(key, 12)
    x = jax.random.normal(ks[0], (N, D_IN), dtype=jnp.float32)
    edge_index = jax.random.randint(ks[1], (2, E), 0, N, dtype=jnp.int32)
    s1 = 1.0 / np.sqrt(D_IN)
    s2 = 1.0 / np.sqrt(D_H)
    W1 = jax.random.normal(ks[2], (D_IN, D_H), dtype=jnp.float32) * s1
    a_src1 = jax.random.normal(ks[3], (D_H,), dtype=jnp.float32) * s2
    a_dst1 = jax.random.normal(ks[4], (D_H,), dtype=jnp.float32) * s2
    b1 = jnp.zeros((D_H,), dtype=jnp.float32)
    W2 = jax.random.normal(ks[5], (D_H, D_OUT), dtype=jnp.float32) * s2
    a_src2 = jax.random.normal(ks[6], (D_OUT,), dtype=jnp.float32) * (1.0 / np.sqrt(D_OUT))
    a_dst2 = jax.random.normal(ks[7], (D_OUT,), dtype=jnp.float32) * (1.0 / np.sqrt(D_OUT))
    b2 = jnp.zeros((D_OUT,), dtype=jnp.float32)
    return {"x": x, "edge_index": edge_index, "W1": W1, "a_src1": a_src1,
            "a_dst1": a_dst1, "b1": b1, "W2": W2, "a_src2": a_src2,
            "a_dst2": a_dst2, "b2": b2}


def gat_conv(x, edge_index, W, a_src, a_dst, b):
    # PyG GATConv, heads=1, add_self_loops=True, negative_slope=0.2
    num_nodes = x.shape[0]
    loop = jnp.arange(num_nodes, dtype=edge_index.dtype)
    src = jnp.concatenate([edge_index[0], loop])
    dst = jnp.concatenate([edge_index[1], loop])
    h = x @ W                                  # [N, out]
    alpha_s = (h * a_src).sum(axis=-1)         # [N]
    alpha_d = (h * a_dst).sum(axis=-1)         # [N]
    e = jax.nn.leaky_relu(alpha_s[src] + alpha_d[dst], negative_slope=0.2)
    e_max = jax.ops.segment_max(e, dst, num_segments=num_nodes)
    e = jnp.exp(e - jax.lax.stop_gradient(e_max)[dst])
    denom = jax.ops.segment_sum(e, dst, num_segments=num_nodes)
    alpha = e / (denom[dst] + 1e-16)
    out = jax.ops.segment_sum(h[src] * alpha[:, None], dst, num_segments=num_nodes)
    return out + b


def reference(x, edge_index, W1, a_src1, a_dst1, b1, W2, a_src2, a_dst2, b2):
    h = gat_conv(x, edge_index, W1, a_src1, a_dst1, b1)
    h = jax.nn.relu(h)
    h = gat_conv(h, edge_index, W2, a_src2, a_dst2, b2)
    return jax.nn.log_softmax(h, axis=1)

if __name__ == "__main__":
    import jax
    _d = setup_inputs()
    print(jax.jit(kernel)(*tuple(_d.values())))

</pallas_src>

<mosaic_0001>
#map = affine_map<(d0, d1) -> (0, 0)>
#map1 = affine_map<(d0, d1) -> (0)>
#map2 = affine_map<(d0, d1) -> (0, 0, 0)>
module attributes {stable_mosaic.version = 14 : i64} {
  func.func @_edge_body(%arg0: i32, %arg1: i32, %arg2: memref<10016x16xf32, #tpu.memory_space<hbm>>, %arg3: memref<323584xi32, #tpu.memory_space<hbm>>, %arg4: memref<323584xi32, #tpu.memory_space<hbm>>, %arg5: memref<10016xf32, #tpu.memory_space<hbm>>, %arg6: memref<10016xf32, #tpu.memory_space<hbm>>, %arg7: memref<10016x16xf32, #tpu.memory_space<hbm>>, %arg8: memref<10016xf32, #tpu.memory_space<hbm>>, %arg9: memref<2x10000x16xf32, #tpu.memory_space<hbm>>, %arg10: memref<2x10000x16xf32, #tpu.memory_space<hbm>>, %arg11: memref<10016xf32, #tpu.memory_space<vmem>>, %arg12: memref<10016xf32, #tpu.memory_space<vmem>>, %arg13: memref<8x128xi32, #tpu.memory_space<vmem>>, %arg14: memref<8x128xi32, #tpu.memory_space<vmem>>, %arg15: memref<3x128x16xf32, #tpu.memory_space<vmem>>, %arg16: memref<3x128x16xf32, #tpu.memory_space<vmem>>, %arg17: memref<3x128xf32, #tpu.memory_space<vmem>>, %arg18: memref<624xf32, #tpu.memory_space<vmem>>, %arg19: memref<624x16xf32, #tpu.memory_space<vmem>>, %arg20: memref<10016x16xf32, #tpu.memory_space<vmem_shared>>, %arg21: memref<10016xf32, #tpu.memory_space<vmem_shared>>, %arg22: memref<10016x16xf32, #tpu.memory_space<vmem_shared>>, %arg23: memref<!tpu.dma_semaphore, #tpu.memory_space<semaphore_mem>>, %arg24: memref<!tpu.dma_semaphore, #tpu.memory_space<semaphore_mem>>, %arg25: memref<!tpu.dma_semaphore, #tpu.memory_space<semaphore_mem>>, %arg26: memref<!tpu.dma_semaphore, #tpu.memory_space<semaphore_mem>>) attributes {dimension_semantics = [#tpu.dimension_semantics<core_parallel>, #tpu.dimension_semantics<subcore_parallel>], iteration_bounds = array<i64: 2, 16>, scalar_prefetch = 0 : i64, scratch_operands = 16 : i64, tpu.core_type = #tpu.core_type<sc_vector_subcore>, window_params = [{transform_indices = #map}, {transform_indices = #map1}, {transform_indices = #map1}, {transform_indices = #map1}, {transform_indices = #map1}, {transform_indices = #map}, {transform_indices = #map1}, {transform_indices = #map2}, {transform_indices = #map2}]} {
    %mul3A = arith.constant 2 : i32
    %mul3A_0 = arith.muli %arg1, %mul3A : i32
    %add3A = arith.addi %mul3A_0, %arg0 : i32
    "tpu.region"() ({
      %run_scoped3A = tpu.sem_alloc : memref<!tpu.dma_semaphore, #tpu.memory_space<semaphore_mem>>
      tpu.enqueue_dma source(%arg5 : memref<10016xf32, #tpu.memory_space<hbm>>) target(%arg11 : memref<10016xf32, #tpu.memory_space<vmem>>) target_semaphore(%run_scoped3A : memref<!tpu.dma_semaphore, #tpu.memory_space<semaphore_mem>>)
      tpu.wait_dma2 semaphore(%run_scoped3A : memref<!tpu.dma_semaphore, #tpu.memory_space<semaphore_mem>>) src(%arg5 : memref<10016xf32, #tpu.memory_space<hbm>>) dst(%arg11 : memref<10016xf32, #tpu.memory_space<vmem>>)
      tpu.yield
    }) : () -> ()
    "tpu.region"() ({
      %run_scoped3A = tpu.sem_alloc : memref<!tpu.dma_semaphore, #tpu.memory_space<semaphore_mem>>
      tpu.enqueue_dma source(%arg6 : memref<10016xf32, #tpu.memory_space<hbm>>) target(%arg12 : memref<10016xf32, #tpu.memory_space<vmem>>) target_semaphore(%run_scoped3A : memref<!tpu.dma_semaphore, #tpu.memory_space<semaphore_mem>>)
      tpu.wait_dma2 semaphore(%run_scoped3A : memref<!tpu.dma_semaphore, #tpu.memory_space<semaphore_mem>>) src(%arg6 : memref<10016xf32, #tpu.memory_space<hbm>>) dst(%arg12 : memref<10016xf32, #tpu.memory_space<vmem>>)
      tpu.yield
    }) : () -> ()
    %mul3A_1 = arith.constant 624 : i32
    %mul3A_2 = arith.muli %arg1, %mul3A_1 : i32
    %mul3A_3 = arith.constant 624 : i32
    %mul3A_4 = arith.muli %arg1, %mul3A_3 : i32
    "tpu.region"() ({
      %run_scoped3A = tpu.sem_alloc : memref<!tpu.dma_semaphore, #tpu.memory_space<semaphore_mem>>
      %dma_start3A_241 = arith.constant 0 : i32
      %dma_start3A_242 = tpu.memref_slice %arg22[%mul3A_4, %dma_start3A_241] : memref<10016x16xf32, #tpu.memory_space<vmem_shared>> -> memref<624x16xf32, #tpu.memory_space<vmem_shared>>
      %dma_start3A_243 = arith.constant 0 : i32
      %dma_start3A_244 = tpu.memref_slice %arg2[%mul3A_2, %dma_start3A_243] : memref<10016x16xf32, #tpu.memory_space<hbm>> -> memref<624x16xf32, #tpu.memory_space<hbm>>
      tpu.enqueue_dma source(%dma_start3A_244 : memref<624x16xf32, #tpu.memory_space<hbm>>) target(%dma_start3A_242 : memref<624x16xf32, #tpu.memory_space<vmem_shared>>) target_semaphore(%run_scoped3A : memref<!tpu.dma_semaphore, #tpu.memory_space<semaphore_mem>>)
      %dma_wait3A_245 = arith.constant 0 : i32
      %dma_wait3A_246 = tpu.memref_slice %arg22[%mul3A_4, %dma_wait3A_245] : memref<10016x16xf32, #tpu.memory_space<vmem_shared>> -> memref<624x16xf32, #tpu.memory_space<vmem_shared>>
      %dma_wait3A_247 = arith.constant 0 : i32
      %dma_wait3A_248 = tpu.memref_slice %arg2[%mul3A_2, %dma_wait3A_247] : memref<10016x16xf32, #tpu.memory_space<hbm>> -> memref<624x16xf32, #tpu.memory_space<hbm>>
      tpu.wait_dma2 semaphore(%run_scoped3A : memref<!tpu.dma_semaphore, #tpu.memory_space<semaphore_mem>>) src(%dma_wait3A_248 : memref<624x16xf32, #tpu.memory_space<hbm>>) dst(%dma_wait3A_246 : memref<624x16xf32, #tpu.memory_space<vmem_shared>>)
      tpu.yield
    }) : () -> ()
    %eq3A = arith.constant 15 : i32
    %eq3A_5 = arith.cmpi eq, %arg1, %eq3A : i32
    %convert_element_type3A = arith.extui %eq3A_5 : i1 to i32
    %cond3A = arith.constant 0 : i32
    %cond3A_6 = arith.cmpi ne, %convert_element_type3A, %cond3A : i32
    scf.if %cond3A_6 {
      "tpu.region"() ({
        %run_scoped3A = tpu.sem_alloc : memref<!tpu.dma_semaphore, #tpu.memory_space<semaphore_mem>>
        %dma_start3A_241 = arith.constant 9984 : i32
        %dma_start3A_242 = arith.constant 0 : i32
        %dma_start3A_243 = tpu.memref_slice %arg22[%dma_start3A_241, %dma_start3A_242] : memref<10016x16xf32, #tpu.memory_space<vmem_shared>> -> memref<32x16xf32, #tpu.memory_space<vmem_shared>>
        %dma_start3A_244 = arith.constant 9984 : i32
        %dma_start3A_245 = arith.constant 0 : i32
        %dma_start3A_246 = tpu.memref_slice %arg2[%dma_start3A_244, %dma_start3A_245] : memref<10016x16xf32, #tpu.memory_space<hbm>> -> memref<32x16xf32, #tpu.memory_space<hbm>>
        tpu.enqueue_dma source(%dma_start3A_246 : memref<32x16xf32, #tpu.memory_space<hbm>>) target(%dma_start3A_243 : memref<32x16xf32, #tpu.memory_space<vmem_shared>>) target_semaphore(%run_scoped3A : memref<!tpu.dma_semaphore, #tpu.memory_space<semaphore_mem>>)
        %dma_wait3A_247 = arith.constant 9984 : i32
        %dma_wait3A_248 = arith.constant 0 : i32
        %dma_wait3A_249 = tpu.memref_slice %arg22[%dma_wait3A_247, %dma_wait3A_248] : memref<10016x16xf32, #tpu.memory_space<vmem_shared>> -> memref<32x16xf32, #tpu.memory_space<vmem_shared>>
        %dma_wait3A_250 = arith.constant 9984 : i32
        %dma_wait3A_251 = arith.constant 0 : i32
        %dma_wait3A_252 = tpu.memref_slice %arg2[%dma_wait3A_250, %dma_wait3A_251] : memref<10016x16xf32, #tpu.memory_space<hbm>> -> memref<32x16xf32, #tpu.memory_space<hbm>>
        tpu.wait_dma2 semaphore(%run_scoped3A : memref<!tpu.dma_semaphore, #tpu.memory_space<semaphore_mem>>) src(%dma_wait3A_252 : memref<32x16xf32, #tpu.memory_space<hbm>>) dst(%dma_wait3A_249 : memref<32x16xf32, #tpu.memory_space<vmem_shared>>)
        tpu.yield
      }) : () -> ()
    } else {
    }
    %mul3A_7 = arith.constant 624 : i32
    %mul3A_8 = arith.muli %arg1, %mul3A_7 : i32
    %mul3A_9 = arith.constant 624 : i32
    %mul3A_10 = arith.muli %arg1, %mul3A_9 : i32
    "tpu.region"() ({
      %run_scoped3A = tpu.sem_alloc : memref<!tpu.dma_semaphore, #tpu.memory_space<semaphore_mem>>
      %dma_start3A_241 = arith.constant 0 : i32
      %dma_start3A_242 = tpu.memref_slice %arg20[%mul3A_10, %dma_start3A_241] : memref<10016x16xf32, #tpu.memory_space<vmem_shared>> -> memref<624x16xf32, #tpu.memory_space<vmem_shared>>
      %dma_start3A_243 = arith.constant 0 : i32
      %dma_start3A_244 = tpu.memref_slice %arg7[%mul3A_8, %dma_start3A_243] : memref<10016x16xf32, #tpu.memory_space<hbm>> -> memref<624x16xf32, #tpu.memory_space<hbm>>
      tpu.enqueue_dma source(%dma_start3A_244 : memref<624x16xf32, #tpu.memory_space<hbm>>) target(%dma_start3A_242 : memref<624x16xf32, #tpu.memory_space<vmem_shared>>) target_semaphore(%run_scoped3A : memref<!tpu.dma_semaphore, #tpu.memory_space<semaphore_mem>>)
      %dma_wait3A_245 = arith.constant 0 : i32
      %dma_wait3A_246 = tpu.memref_slice %arg20[%mul3A_10, %dma_wait3A_245] : memref<10016x16xf32, #tpu.memory_space<vmem_shared>> -> memref<624x16xf32, #tpu.memory_space<vmem_shared>>
      %dma_wait3A_247 = arith.constant 0 : i32
      %dma_wait3A_248 = tpu.memref_slice %arg7[%mul3A_8, %dma_wait3A_247] : memref<10016x16xf32, #tpu.memory_space<hbm>> -> memref<624x16xf32, #tpu.memory_space<hbm>>
      tpu.wait_dma2 semaphore(%run_scoped3A : memref<!tpu.dma_semaphore, #tpu.memory_space<semaphore_mem>>) src(%dma_wait3A_248 : memref<624x16xf32, #tpu.memory_space<hbm>>) dst(%dma_wait3A_246 : memref<624x16xf32, #tpu.memory_space<vmem_shared>>)
      tpu.yield
    }) : () -> ()
    %mul3A_11 = arith.constant 624 : i32
    %mul3A_12 = arith.muli %arg1, %mul3A_11 : i32
    %mul3A_13 = arith.constant 624 : i32
    %mul3A_14 = arith.muli %arg1, %mul3A_13 : i32
    "tpu.region"() ({
      %run_scoped3A = tpu.sem_alloc : memref<!tpu.dma_semaphore, #tpu.memory_space<semaphore_mem>>
      %dma_start3A_241 = tpu.memref_slice %arg21[%mul3A_14] : memref<10016xf32, #tpu.memory_space<vmem_shared>> -> memref<624xf32, #tpu.memory_space<vmem_shared>>
      %dma_start3A_242 = tpu.memref_slice %arg8[%mul3A_12] : memref<10016xf32, #tpu.memory_space<hbm>> -> memref<624xf32, #tpu.memory_space<hbm>>
      tpu.enqueue_dma source(%dma_start3A_242 : memref<624xf32, #tpu.memory_space<hbm>>) target(%dma_start3A_241 : memref<624xf32, #tpu.memory_space<vmem_shared>>) target_semaphore(%run_scoped3A : memref<!tpu.dma_semaphore, #tpu.memory_space<semaphore_mem>>)
      %dma_wait3A_243 = tpu.memref_slice %arg21[%mul3A_14] : memref<10016xf32, #tpu.memory_space<vmem_shared>> -> memref<624xf32, #tpu.memory_space<vmem_shared>>
      %dma_wait3A_244 = tpu.memref_slice %arg8[%mul3A_12] : memref<10016xf32, #tpu.memory_space<hbm>> -> memref<624xf32, #tpu.memory_space<hbm>>
      tpu.wait_dma2 semaphore(%run_scoped3A : memref<!tpu.dma_semaphore, #tpu.memory_space<semaphore_mem>>) src(%dma_wait3A_244 : memref<624xf32, #tpu.memory_space<hbm>>) dst(%dma_wait3A_243 : memref<624xf32, #tpu.memory_space<vmem_shared>>)
      tpu.yield
    }) : () -> ()
    %eq3A_15 = arith.constant 15 : i32
    %eq3A_16 = arith.cmpi eq, %arg1, %eq3A_15 : i32
    %convert_element_type3A_17 = arith.extui %eq3A_16 : i1 to i32
    %cond3A_18 = arith.constant 0 : i32
    %cond3A_19 = arith.cmpi ne, %convert_element_type3A_17, %cond3A_18 : i32
    scf.if %cond3A_19 {
      "tpu.region"() ({
        %run_scoped3A = tpu.sem_alloc : memref<!tpu.dma_semaphore, #tpu.memory_space<semaphore_mem>>
        %dma_start3A_241 = arith.constant 9984 : i32
        %dma_start3A_242 = arith.constant 0 : i32
        %dma_start3A_243 = tpu.memref_slice %arg20[%dma_start3A_241, %dma_start3A_242] : memref<10016x16xf32, #tpu.memory_space<vmem_shared>> -> memref<32x16xf32, #tpu.memory_space<vmem_shared>>
        %dma_start3A_244 = arith.constant 9984 : i32
        %dma_start3A_245 = arith.constant 0 : i32
        %dma_start3A_246 = tpu.memref_slice %arg7[%dma_start3A_244, %dma_start3A_245] : memref<10016x16xf32, #tpu.memory_space<hbm>> -> memref<32x16xf32, #tpu.memory_space<hbm>>
        tpu.enqueue_dma source(%dma_start3A_246 : memref<32x16xf32, #tpu.memory_space<hbm>>) target(%dma_start3A_243 : memref<32x16xf32, #tpu.memory_space<vmem_shared>>) target_semaphore(%run_scoped3A : memref<!tpu.dma_semaphore, #tpu.memory_space<semaphore_mem>>)
        %dma_wait3A_247 = arith.constant 9984 : i32
        %dma_wait3A_248 = arith.constant 0 : i32
        %dma_wait3A_249 = tpu.memref_slice %arg20[%dma_wait3A_247, %dma_wait3A_248] : memref<10016x16xf32, #tpu.memory_space<vmem_shared>> -> memref<32x16xf32, #tpu.memory_space<vmem_shared>>
        %dma_wait3A_250 = arith.constant 9984 : i32
        %dma_wait3A_251 = arith.constant 0 : i32
        %dma_wait3A_252 = tpu.memref_slice %arg7[%dma_wait3A_250, %dma_wait3A_251] : memref<10016x16xf32, #tpu.memory_space<hbm>> -> memref<32x16xf32, #tpu.memory_space<hbm>>
        tpu.wait_dma2 semaphore(%run_scoped3A : memref<!tpu.dma_semaphore, #tpu.memory_space<semaphore_mem>>) src(%dma_wait3A_252 : memref<32x16xf32, #tpu.memory_space<hbm>>) dst(%dma_wait3A_249 : memref<32x16xf32, #tpu.memory_space<vmem_shared>>)
        tpu.yield
      }) : () -> ()
      "tpu.region"() ({
        %run_scoped3A = tpu.sem_alloc : memref<!tpu.dma_semaphore, #tpu.memory_space<semaphore_mem>>
        %dma_start3A_241 = arith.constant 9984 : i32
        %dma_start3A_242 = tpu.memref_slice %arg21[%dma_start3A_241] : memref<10016xf32, #tpu.memory_space<vmem_shared>> -> memref<32xf32, #tpu.memory_space<vmem_shared>>
        %dma_start3A_243 = arith.constant 9984 : i32
        %dma_start3A_244 = tpu.memref_slice %arg8[%dma_start3A_243] : memref<10016xf32, #tpu.memory_space<hbm>> -> memref<32xf32, #tpu.memory_space<hbm>>
        tpu.enqueue_dma source(%dma_start3A_244 : memref<32xf32, #tpu.memory_space<hbm>>) target(%dma_start3A_242 : memref<32xf32, #tpu.memory_space<vmem_shared>>) target_semaphore(%run_scoped3A : memref<!tpu.dma_semaphore, #tpu.memory_space<semaphore_mem>>)
        %dma_wait3A_245 = arith.constant 9984 : i32
        %dma_wait3A_246 = tpu.memref_slice %arg21[%dma_wait3A_245] : memref<10016xf32, #tpu.memory_space<vmem_shared>> -> memref<32xf32, #tpu.memory_space<vmem_shared>>
        %dma_wait3A_247 = arith.constant 9984 : i32
        %dma_wait3A_248 = tpu.memref_slice %arg8[%dma_wait3A_247] : memref<10016xf32, #tpu.memory_space<hbm>> -> memref<32xf32, #tpu.memory_space<hbm>>
        tpu.wait_dma2 semaphore(%run_scoped3A : memref<!tpu.dma_semaphore, #tpu.memory_space<semaphore_mem>>) src(%dma_wait3A_248 : memref<32xf32, #tpu.memory_space<hbm>>) dst(%dma_wait3A_246 : memref<32xf32, #tpu.memory_space<vmem_shared>>)
        tpu.yield
      }) : () -> ()
    } else {
    }
    %barrier3A = arith.constant 0 : index
    tpu.barrier barrier_id(%barrier3A)
    %mul3A_20 = arith.constant 128 : i32
    %mul3A_21 = arith.muli %add3A, %mul3A_20 : i32
    %dma_start3A = arith.constant 0 : i32
    %dma_start3A_22 = arith.constant 0 : i32
    %dma_start3A_23 = tpu.memref_slice %arg13[%dma_start3A, %dma_start3A_22] : memref<8x128xi32, #tpu.memory_space<vmem>> -> memref<1x128xi32, #tpu.memory_space<vmem>>
    %dma_start3A_24 = tpu.memref_squeeze %dma_start3A_23 : memref<1x128xi32, #tpu.memory_space<vmem>> -> memref<128xi32, #tpu.memory_space<vmem>>
    %dma_start3A_25 = tpu.memref_slice %arg3[%mul3A_21] : memref<323584xi32, #tpu.memory_space<hbm>> -> memref<128xi32, #tpu.memory_space<hbm>>
    %dma_start3A_26 = arith.constant 0 : i32
    %dma_start3A_27 = tpu.memref_slice %arg13[%dma_start3A, %dma_start3A_26] : memref<8x128xi32, #tpu.memory_space<vmem>> -> memref<1x128xi32, #tpu.memory_space<vmem>>
    %dma_start3A_28 = tpu.memref_squeeze %dma_start3A_27 : memref<1x128xi32, #tpu.memory_space<vmem>> -> memref<128xi32, #tpu.memory_space<vmem>>
    %dma_start3A_29 = tpu.memref_slice %arg3[%mul3A_21] : memref<323584xi32, #tpu.memory_space<hbm>> -> memref<128xi32, #tpu.memory_space<hbm>>
    tpu.enqueue_dma source(%dma_start3A_29 : memref<128xi32, #tpu.memory_space<hbm>>) target(%dma_start3A_28 : memref<128xi32, #tpu.memory_space<vmem>>) target_semaphore(%arg23 : memref<!tpu.dma_semaphore, #tpu.memory_space<semaphore_mem>>)
    %dma_start3A_30 = arith.constant 0 : i32
    %dma_start3A_31 = arith.constant 0 : i32
    %dma_start3A_32 = tpu.memref_slice %arg14[%dma_start3A_30, %dma_start3A_31] : memref<8x128xi32, #tpu.memory_space<vmem>> -> memref<1x128xi32, #tpu.memory_space<vmem>>
    %dma_start3A_33 = tpu.memref_squeeze %dma_start3A_32 : memref<1x128xi32, #tpu.memory_space<vmem>> -> memref<128xi32, #tpu.memory_space<vmem>>
    %dma_start3A_34 = tpu.memref_slice %arg4[%mul3A_21] : memref<323584xi32, #tpu.memory_space<hbm>> -> memref<128xi32, #tpu.memory_space<hbm>>
    %dma_start3A_35 = arith.constant 0 : i32
    %dma_start3A_36 = tpu.memref_slice %arg14[%dma_start3A_30, %dma_start3A_35] : memref<8x128xi32, #tpu.memory_space<vmem>> -> memref<1x128xi32, #tpu.memory_space<vmem>>
    %dma_start3A_37 = tpu.memref_squeeze %dma_start3A_36 : memref<1x128xi32, #tpu.memory_space<vmem>> -> memref<128xi32, #tpu.memory_space<vmem>>
    %dma_start3A_38 = tpu.memref_slice %arg4[%mul3A_21] : memref<323584xi32, #tpu.memory_space<hbm>> -> memref<128xi32, #tpu.memory_space<hbm>>
    tpu.enqueue_dma source(%dma_start3A_38 : memref<128xi32, #tpu.memory_space<hbm>>) target(%dma_start3A_37 : memref<128xi32, #tpu.memory_space<vmem>>) target_semaphore(%arg23 : memref<!tpu.dma_semaphore, #tpu.memory_space<semaphore_mem>>)
    %add3A_39 = arith.constant 32 : i32
    %add3A_40 = arith.addi %add3A, %add3A_39 : i32
    %mul3A_41 = arith.constant 128 : i32
    %mul3A_42 = arith.muli %add3A_40, %mul3A_41 : i32
    %dma_start3A_43 = arith.constant 1 : i32
    %dma_start3A_44 = arith.constant 0 : i32
    %dma_start3A_45 = tpu.memref_slice %arg13[%dma_start3A_43, %dma_start3A_44] : memref<8x128xi32, #tpu.memory_space<vmem>> -> memref<1x128xi32, #tpu.memory_space<vmem>>
    %dma_start3A_46 = tpu.memref_squeeze %dma_start3A_45 : memref<1x128xi32, #tpu.memory_space<vmem>> -> memref<128xi32, #tpu.memory_space<vmem>>
    %dma_start3A_47 = tpu.memref_slice %arg3[%mul3A_42] : memref<323584xi32, #tpu.memory_space<hbm>> -> memref<128xi32, #tpu.memory_space<hbm>>
    %dma_start3A_48 = arith.constant 0 : i32
    %dma_start3A_49 = tpu.memref_slice %arg13[%dma_start3A_43, %dma_start3A_48] : memref<8x128xi32, #tpu.memory_space<vmem>> -> memref<1x128xi32, #tpu.memory_space<vmem>>
    %dma_start3A_50 = tpu.memref_squeeze %dma_start3A_49 : memref<1x128xi32, #tpu.memory_space<vmem>> -> memref<128xi32, #tpu.memory_space<vmem>>
    %dma_start3A_51 = tpu.memref_slice %arg3[%mul3A_42] : memref<323584xi32, #tpu.memory_space<hbm>> -> memref<128xi32, #tpu.memory_space<hbm>>
    tpu.enqueue_dma source(%dma_start3A_51 : memref<128xi32, #tpu.memory_space<hbm>>) target(%dma_start3A_50 : memref<128xi32, #tpu.memory_space<vmem>>) target_semaphore(%arg23 : memref<!tpu.dma_semaphore, #tpu.memory_space<semaphore_mem>>)
    %dma_start3A_52 = arith.constant 1 : i32
    %dma_start3A_53 = arith.constant 0 : i32
    %dma_start3A_54 = tpu.memref_slice %arg14[%dma_start3A_52, %dma_start3A_53] : memref<8x128xi32, #tpu.memory_space<vmem>> -> memref<1x128xi32, #tpu.memory_space<vmem>>
    %dma_start3A_55 = tpu.memref_squeeze %dma_start3A_54 : memref<1x128xi32, #tpu.memory_space<vmem>> -> memref<128xi32, #tpu.memory_space<vmem>>
    %dma_start3A_56 = tpu.memref_slice %arg4[%mul3A_42] : memref<323584xi32, #tpu.memory_space<hbm>> -> memref<128xi32, #tpu.memory_space<hbm>>
    %dma_start3A_57 = arith.constant 0 : i32
    %dma_start3A_58 = tpu.memref_slice %arg14[%dma_start3A_52, %dma_start3A_57] : memref<8x128xi32, #tpu.memory_space<vmem>> -> memref<1x128xi32, #tpu.memory_space<vmem>>
    %dma_start3A_59 = tpu.memref_squeeze %dma_start3A_58 : memref<1x128xi32, #tpu.memory_space<vmem>> -> memref<128xi32, #tpu.memory_space<vmem>>
    %dma_start3A_60 = tpu.memref_slice %arg4[%mul3A_42] : memref<323584xi32, #tpu.memory_space<hbm>> -> memref<128xi32, #tpu.memory_space<hbm>>
    tpu.enqueue_dma source(%dma_start3A_60 : memref<128xi32, #tpu.memory_space<hbm>>) target(%dma_start3A_59 : memref<128xi32, #tpu.memory_space<vmem>>) target_semaphore(%arg23 : memref<!tpu.dma_semaphore, #tpu.memory_space<semaphore_mem>>)
    %add3A_61 = arith.constant 64 : i32
    %add3A_62 = arith.addi %add3A, %add3A_61 : i32
    %mul3A_63 = arith.constant 128 : i32
    %mul3A_64 = arith.muli %add3A_62, %mul3A_63 : i32
    %dma_start3A_65 = arith.constant 2 : i32
    %dma_start3A_66 = arith.constant 0 : i32
    %dma_start3A_67 = tpu.memref_slice %arg13[%dma_start3A_65, %dma_start3A_66] : memref<8x128xi32, #tpu.memory_space<vmem>> -> memref<1x128xi32, #tpu.memory_space<vmem>>
    %dma_start3A_68 = tpu.memref_squeeze %dma_start3A_67 : memref<1x128xi32, #tpu.memory_space<vmem>> -> memref<128xi32, #tpu.memory_space<vmem>>
    %dma_start3A_69 = tpu.memref_slice %arg3[%mul3A_64] : memref<323584xi32, #tpu.memory_space<hbm>> -> memref<128xi32, #tpu.memory_space<hbm>>
    %dma_start3A_70 = arith.constant 0 : i32
    %dma_start3A_71 = tpu.memref_slice %arg13[%dma_start3A_65, %dma_start3A_70] : memref<8x128xi32, #tpu.memory_space<vmem>> -> memref<1x128xi32, #tpu.memory_space<vmem>>
    %dma_start3A_72 = tpu.memref_squeeze %dma_start3A_71 : memref<1x128xi32, #tpu.memory_space<vmem>> -> memref<128xi32, #tpu.memory_space<vmem>>
    %dma_start3A_73 = tpu.memref_slice %arg3[%mul3A_64] : memref<323584xi32, #tpu.memory_space<hbm>> -> memref<128xi32, #tpu.memory_space<hbm>>
    tpu.enqueue_dma source(%dma_start3A_73 : memref<128xi32, #tpu.memory_space<hbm>>) target(%dma_start3A_72 : memref<128xi32, #tpu.memory_space<vmem>>) target_semaphore(%arg23 : memref<!tpu.dma_semaphore, #tpu.memory_space<semaphore_mem>>)
    %dma_start3A_74 = arith.constant 2 : i32
    %dma_start3A_75 = arith.constant 0 : i32
    %dma_start3A_76 = tpu.memref_slice %arg14[%dma_start3A_74, %dma_start3A_75] : memref<8x128xi32, #tpu.memory_space<vmem>> -> memref<1x128xi32, #tpu.memory_space<vmem>>
    %dma_start3A_77 = tpu.memref_squeeze %dma_start3A_76 : memref<1x128xi32, #tpu.memory_space<vmem>> -> memref<128xi32, #tpu.memory_space<vmem>>
    %dma_start3A_78 = tpu.memref_slice %arg4[%mul3A_64] : memref<323584xi32, #tpu.memory_space<hbm>> -> memref<128xi32, #tpu.memory_space<hbm>>
    %dma_start3A_79 = arith.constant 0 : i32
    %dma_start3A_80 = tpu.memref_slice %arg14[%dma_start3A_74, %dma_start3A_79] : memref<8x128xi32, #tpu.memory_space<vmem>> -> memref<1x128xi32, #tpu.memory_space<vmem>>
    %dma_start3A_81 = tpu.memref_squeeze %dma_start3A_80 : memref<1x128xi32, #tpu.memory_space<vmem>> -> memref<128xi32, #tpu.memory_space<vmem>>
    %dma_start3A_82 = tpu.memref_slice %arg4[%mul3A_64] : memref<323584xi32, #tpu.memory_space<hbm>> -> memref<128xi32, #tpu.memory_space<hbm>>
    tpu.enqueue_dma source(%dma_start3A_82 : memref<128xi32, #tpu.memory_space<hbm>>) target(%dma_start3A_81 : memref<128xi32, #tpu.memory_space<vmem>>) target_semaphore(%arg23 : memref<!tpu.dma_semaphore, #tpu.memory_space<semaphore_mem>>)
    %dma_wait3A = arith.constant 0 : i32
    %dma_wait3A_83 = arith.constant 0 : i32
    %dma_wait3A_84 = tpu.memref_slice %arg13[%dma_wait3A, %dma_wait3A_83] : memref<8x128xi32, #tpu.memory_space<vmem>> -> memref<1x128xi32, #tpu.memory_space<vmem>>
    %dma_wait3A_85 = tpu.memref_squeeze %dma_wait3A_84 : memref<1x128xi32, #tpu.memory_space<vmem>> -> memref<128xi32, #tpu.memory_space<vmem>>
    %dma_wait3A_86 = arith.constant 0 : i32
    %dma_wait3A_87 = tpu.memref_slice %arg3[%dma_wait3A_86] : memref<323584xi32, #tpu.memory_space<hbm>> -> memref<128xi32, #tpu.memory_space<hbm>>
    %dma_wait3A_88 = arith.constant 0 : i32
    %dma_wait3A_89 = tpu.memref_slice %arg13[%dma_wait3A, %dma_wait3A_88] : memref<8x128xi32, #tpu.memory_space<vmem>> -> memref<1x128xi32, #tpu.memory_space<vmem>>
    %dma_wait3A_90 = tpu.memref_squeeze %dma_wait3A_89 : memref<1x128xi32, #tpu.memory_space<vmem>> -> memref<128xi32, #tpu.memory_space<vmem>>
    %dma_wait3A_91 = arith.constant 0 : i32
    %dma_wait3A_92 = tpu.memref_slice %arg3[%dma_wait3A_91] : memref<323584xi32, #tpu.memory_space<hbm>> -> memref<128xi32, #tpu.memory_space<hbm>>
    tpu.wait_dma2 semaphore(%arg23 : memref<!tpu.dma_semaphore, #tpu.memory_space<semaphore_mem>>) src(%dma_wait3A_92 : memref<128xi32, #tpu.memory_space<hbm>>) dst(%dma_wait3A_90 : memref<128xi32, #tpu.memory_space<vmem>>)
    %dma_wait3A_93 = arith.constant 0 : i32
    %dma_wait3A_94 = arith.constant 0 : i32
    %dma_wait3A_95 = tpu.memref_slice %arg14[%dma_wait3A_93, %dma_wait3A_94] : memref<8x128xi32, #tpu.memory_space<vmem>> -> memref<1x128xi32, #tpu.memory_space<vmem>>
    %dma_wait3A_96 = tpu.memref_squeeze %dma_wait3A_95 : memref<1x128xi32, #tpu.memory_space<vmem>> -> memref<128xi32, #tpu.memory_space<vmem>>
    %dma_wait3A_97 = arith.constant 0 : i32
    %dma_wait3A_98 = tpu.memref_slice %arg4[%dma_wait3A_97] : memref<323584xi32, #tpu.memory_space<hbm>> -> memref<128xi32, #tpu.memory_space<hbm>>
    %dma_wait3A_99 = arith.constant 0 : i32
    %dma_wait3A_100 = tpu.memref_slice %arg14[%dma_wait3A_93, %dma_wait3A_99] : memref<8x128xi32, #tpu.memory_space<vmem>> -> memref<1x128xi32, #tpu.memory_space<vmem>>
    %dma_wait3A_101 = tpu.memref_squeeze %dma_wait3A_100 : memref<1x128xi32, #tpu.memory_space<vmem>> -> memref<128xi32, #tpu.memory_space<vmem>>
    %dma_wait3A_102 = arith.constant 0 : i32
    %dma_wait3A_103 = tpu.memref_slice %arg4[%dma_wait3A_102] : memref<323584xi32, #tpu.memory_space<hbm>> -> memref<128xi32, #tpu.memory_space<hbm>>
    tpu.wait_dma2 semaphore(%arg23 : memref<!tpu.dma_semaphore, #tpu.memory_space<semaphore_mem>>) src(%dma_wait3A_103 : memref<128xi32, #tpu.memory_space<hbm>>) dst(%dma_wait3A_101 : memref<128xi32, #tpu.memory_space<vmem>>)
    %dma_start3A_104 = arith.constant 0 : i32
    %dma_start3A_105 = arith.constant 0 : i32
    %dma_start3A_106 = arith.constant 0 : i32
    %dma_start3A_107 = arith.constant 0 : i32
    %dma_start3A_108 = tpu.memref_slice %arg15[%dma_start3A_105, %dma_start3A_106, %dma_start3A_107] : memref<3x128x16xf32, #tpu.memory_space<vmem>> -> memref<1x128x16xf32, #tpu.memory_space<vmem>>
    %dma_start3A_109 = tpu.memref_squeeze %dma_start3A_108 : memref<1x128x16xf32, #tpu.memory_space<vmem>> -> memref<128x16xf32, #tpu.memory_space<vmem>>
    %dma_start3A_110 = arith.constant 0 : i32
    %dma_start3A_111 = tpu.memref_slice %arg13[%dma_start3A_104, %dma_start3A_110] : memref<8x128xi32, #tpu.memory_space<vmem>> -> memref<1x128xi32, #tpu.memory_space<vmem>>
    %dma_start3A_112 = tpu.memref_squeeze %dma_start3A_111 : memref<1x128xi32, #tpu.memory_space<vmem>> -> memref<128xi32, #tpu.memory_space<vmem>>
    %dma_start3A_113 = arith.constant 0 : i32
    %dma_start3A_114 = arith.constant 0 : i32
    %dma_start3A_115 = tpu.memref_slice %arg22[%dma_start3A_113, %dma_start3A_114] : memref<10016x16xf32, #tpu.memory_space<vmem_shared>> -> memref<10016x16xf32, #tpu.memory_space<vmem_shared>>
    tpu.enqueue_indirect_dma source(%dma_start3A_115 : memref<10016x16xf32, #tpu.memory_space<vmem_shared>>) target(%dma_start3A_109 : memref<128x16xf32, #tpu.memory_space<vmem>>) offsets(%dma_start3A_112 : memref<128xi32, #tpu.memory_space<vmem>>) semaphore(%arg24 : memref<!tpu.dma_semaphore, #tpu.memory_space<semaphore_mem>>)
    %dma_wait3A_116 = arith.constant 0 : i32
    %dma_wait3A_117 = arith.constant 0 : i32
    %dma_wait3A_118 = tpu.memref_slice %arg13[%dma_wait3A_116, %dma_wait3A_117] : memref<8x128xi32, #tpu.memory_space<vmem>> -> memref<1x128xi32, #tpu.memory_space<vmem>>
    %dma_wait3A_119 = tpu.memref_squeeze %dma_wait3A_118 : memref<1x128xi32, #tpu.memory_space<vmem>> -> memref<128xi32, #tpu.memory_space<vmem>>
    %dma_wait3A_120 = arith.constant 0 : i32
    %dma_wait3A_121 = tpu.memref_slice %arg3[%dma_wait3A_120] : memref<323584xi32, #tpu.memory_space<hbm>> -> memref<128xi32, #tpu.memory_space<hbm>>
    %dma_wait3A_122 = arith.constant 0 : i32
    %dma_wait3A_123 = tpu.memref_slice %arg13[%dma_wait3A_116, %dma_wait3A_122] : memref<8x128xi32, #tpu.memory_space<vmem>> -> memref<1x128xi32, #tpu.memory_space<vmem>>
    %dma_wait3A_124 = tpu.memref_squeeze %dma_wait3A_123 : memref<1x128xi32, #tpu.memory_space<vmem>> -> memref<128xi32, #tpu.memory_space<vmem>>
    %dma_wait3A_125 = arith.constant 0 : i32
    %dma_wait3A_126 = tpu.memref_slice %arg3[%dma_wait3A_125] : memref<323584xi32, #tpu.memory_space<hbm>> -> memref<128xi32, #tpu.memory_space<hbm>>
    tpu.wait_dma2 semaphore(%arg23 : memref<!tpu.dma_semaphore, #tpu.memory_space<semaphore_mem>>) src(%dma_wait3A_126 : memref<128xi32, #tpu.memory_space<hbm>>) dst(%dma_wait3A_124 : memref<128xi32, #tpu.memory_space<vmem>>)
    %dma_wait3A_127 = arith.constant 0 : i32
    %dma_wait3A_128 = arith.constant 0 : i32
    %dma_wait3A_129 = tpu.memref_slice %arg14[%dma_wait3A_127, %dma_wait3A_128] : memref<8x128xi32, #tpu.memory_space<vmem>> -> memref<1x128xi32, #tpu.memory_space<vmem>>
    %dma_wait3A_130 = tpu.memref_squeeze %dma_wait3A_129 : memref<1x128xi32, #tpu.memory_space<vmem>> -> memref<128xi32, #tpu.memory_space<vmem>>
    %dma_wait3A_131 = arith.constant 0 : i32
    %dma_wait3A_132 = tpu.memref_slice %arg4[%dma_wait3A_131] : memref<323584xi32, #tpu.memory_space<hbm>> -> memref<128xi32, #tpu.memory_space<hbm>>
    %dma_wait3A_133 = arith.constant 0 : i32
    %dma_wait3A_134 = tpu.memref_slice %arg14[%dma_wait3A_127, %dma_wait3A_133] : memref<8x128xi32, #tpu.memory_space<vmem>> -> memref<1x128xi32, #tpu.memory_space<vmem>>
    %dma_wait3A_135 = tpu.memref_squeeze %dma_wait3A_134 : memref<1x128xi32, #tpu.memory_space<vmem>> -> memref<128xi32, #tpu.memory_space<vmem>>
    %dma_wait3A_136 = arith.constant 0 : i32
    %dma_wait3A_137 = tpu.memref_slice %arg4[%dma_wait3A_136] : memref<323584xi32, #tpu.memory_space<hbm>> -> memref<128xi32, #tpu.memory_space<hbm>>
    tpu.wait_dma2 semaphore(%arg23 : memref<!tpu.dma_semaphore, #tpu.memory_space<semaphore_mem>>) src(%dma_wait3A_137 : memref<128xi32, #tpu.memory_space<hbm>>) dst(%dma_wait3A_135 : memref<128xi32, #tpu.memory_space<vmem>>)
    %dma_start3A_138 = arith.constant 1 : i32
    %dma_start3A_139 = arith.constant 1 : i32
    %dma_start3A_140 = arith.constant 0 : i32
    %dma_start3A_141 = arith.constant 0 : i32
    %dma_start3A_142 = tpu.memref_slice %arg15[%dma_start3A_139, %dma_start3A_140, %dma_start3A_141] : memref<3x128x16xf32, #tpu.memory_space<vmem>> -> memref<1x128x16xf32, #tpu.memory_space<vmem>>
    %dma_start3A_143 = tpu.memref_squeeze %dma_start3A_142 : memref<1x128x16xf32, #tpu.memory_space<vmem>> -> memref<128x16xf32, #tpu.memory_space<vmem>>
    %dma_start3A_144 = arith.constant 0 : i32
    %dma_start3A_145 = tpu.memref_slice %arg13[%dma_start3A_138, %dma_start3A_144] : memref<8x128xi32, #tpu.memory_space<vmem>> -> memref<1x128xi32, #tpu.memory_space<vmem>>
    %dma_start3A_146 = tpu.memref_squeeze %dma_start3A_145 : memref<1x128xi32, #tpu.memory_space<vmem>> -> memref<128xi32, #tpu.memory_space<vmem>>
    %dma_start3A_147 = arith.constant 0 : i32
    %dma_start3A_148 = arith.constant 0 : i32
    %dma_start3A_149 = tpu.memref_slice %arg22[%dma_start3A_147, %dma_start3A_148] : memref<10016x16xf32, #tpu.memory_space<vmem_shared>> -> memref<10016x16xf32, #tpu.memory_space<vmem_shared>>
    tpu.enqueue_indirect_dma source(%dma_start3A_149 : memref<10016x16xf32, #tpu.memory_space<vmem_shared>>) target(%dma_start3A_143 : memref<128x16xf32, #tpu.memory_space<vmem>>) offsets(%dma_start3A_146 : memref<128xi32, #tpu.memory_space<vmem>>) semaphore(%arg24 : memref<!tpu.dma_semaphore, #tpu.memory_space<semaphore_mem>>)
    %scan3A = arith.constant 0 : i32
    %scan3A_150 = arith.constant 0 : i32
    %scan3A_151 = arith.constant 79 : i32
    %scan3A_152 = arith.addi %scan3A_150, %scan3A_151 : i32
    %scan3A_153 = arith.constant 1 : i32
    scf.for %scan3A_241 = %scan3A_150 to %scan3A_152 step %scan3A_153  : i32 {
      %rem3A = arith.constant 8 : i32
      %rem3A_242 = arith.remsi %scan3A_241, %rem3A : i32
      %rem3A_243 = arith.constant 3 : i32
      %rem3A_244 = arith.remsi %scan3A_241, %rem3A_243 : i32
      %rem3A_245 = arith.constant 2 : i32
      %rem3A_246 = arith.remsi %scan3A_241, %rem3A_245 : i32
      %ge3A = arith.constant 3 : i32
      %ge3A_247 = arith.cmpi sge, %scan3A_241, %ge3A : i32
      %convert_element_type3A_248 = arith.extui %ge3A_247 : i1 to i32
      %cond3A_249 = arith.constant 0 : i32
      %cond3A_250 = arith.cmpi ne, %convert_element_type3A_248, %cond3A_249 : i32
      scf.if %cond3A_250 {
        %dma_wait3A_299 = arith.constant 0 : i32
        %dma_wait3A_300 = arith.constant 0 : i32
        %dma_wait3A_301 = arith.constant 0 : i32
        %dma_wait3A_302 = arith.constant 0 : i32
        %dma_wait3A_303 = tpu.memref_slice %arg16[%dma_wait3A_299, %dma_wait3A_301, %dma_wait3A_302] : memref<3x128x16xf32, #tpu.memory_space<vmem>> -> memref<1x128x16xf32, #tpu.memory_space<vmem>>
        %dma_wait3A_304 = tpu.memref_squeeze %dma_wait3A_303 : memref<1x128x16xf32, #tpu.memory_space<vmem>> -> memref<128x16xf32, #tpu.memory_space<vmem>>
        %dma_wait3A_305 = arith.constant 0 : i32
        %dma_wait3A_306 = tpu.memref_slice %arg14[%dma_wait3A_300, %dma_wait3A_305] : memref<8x128xi32, #tpu.memory_space<vmem>> -> memref<1x128xi32, #tpu.memory_space<vmem>>
        %dma_wait3A_307 = tpu.memref_squeeze %dma_wait3A_306 : memref<1x128xi32, #tpu.memory_space<vmem>> -> memref<128xi32, #tpu.memory_space<vmem>>
        %dma_wait3A_308 = arith.constant 0 : i32
        %dma_wait3A_309 = arith.constant 0 : i32
        %dma_wait3A_310 = tpu.memref_slice %arg20[%dma_wait3A_308, %dma_wait3A_309] : memref<10016x16xf32, #tpu.memory_space<vmem_shared>> -> memref<10016x16xf32, #tpu.memory_space<vmem_shared>>
        tpu.wait_indirect_dma semaphore(%arg25 : memref<!tpu.dma_semaphore, #tpu.memory_space<semaphore_mem>>) src(%dma_wait3A_304 : memref<128x16xf32, #tpu.memory_space<vmem>>) dst(%dma_wait3A_310 : memref<10016x16xf32, #tpu.memory_space<vmem_shared>>)
        %dma_wait3A_311 = arith.constant 0 : i32
        %dma_wait3A_312 = arith.constant 0 : i32
        %dma_wait3A_313 = arith.constant 0 : i32
        %dma_wait3A_314 = tpu.memref_slice %arg17[%dma_wait3A_311, %dma_wait3A_313] : memref<3x128xf32, #tpu.memory_space<vmem>> -> memref<1x128xf32, #tpu.memory_space<vmem>>
        %dma_wait3A_315 = tpu.memref_squeeze %dma_wait3A_314 : memref<1x128xf32, #tpu.memory_space<vmem>> -> memref<128xf32, #tpu.memory_space<vmem>>
        %dma_wait3A_316 = arith.constant 0 : i32
        %dma_wait3A_317 = tpu.memref_slice %arg14[%dma_wait3A_312, %dma_wait3A_316] : memref<8x128xi32, #tpu.memory_space<vmem>> -> memref<1x128xi32, #tpu.memory_space<vmem>>
        %dma_wait3A_318 = tpu.memref_squeeze %dma_wait3A_317 : memref<1x128xi32, #tpu.memory_space<vmem>> -> memref<128xi32, #tpu.memory_space<vmem>>
        %dma_wait3A_319 = arith.constant 0 : i32
        %dma_wait3A_320 = tpu.memref_slice %arg21[%dma_wait3A_319] : memref<10016xf32, #tpu.memory_space<vmem_shared>> -> memref<10016xf32, #tpu.memory_space<vmem_shared>>
        tpu.wait_indirect_dma semaphore(%arg26 : memref<!tpu.dma_semaphore, #tpu.memory_space<semaphore_mem>>) src(%dma_wait3A_315 : memref<128xf32, #tpu.memory_space<vmem>>) dst(%dma_wait3A_320 : memref<10016xf32, #tpu.memory_space<vmem_shared>>)
      } else {
      }
      %add3A_251 = arith.constant 2 : i32
      %add3A_252 = arith.addi %scan3A_241, %add3A_251 : i32
      %lt3A = arith.constant 79 : i32
      %lt3A_253 = arith.cmpi slt, %add3A_252, %lt3A : i32
      %convert_element_type3A_254 = arith.extui %lt3A_253 : i1 to i32
      %cond3A_255 = arith.constant 0 : i32
      %cond3A_256 = arith.cmpi ne, %convert_element_type3A_254, %cond3A_255 : i32
      scf.if %cond3A_256 {
        %dma_wait3A_299 = arith.constant 0 : i32
        %dma_wait3A_300 = arith.constant 0 : i32
        %dma_wait3A_301 = tpu.memref_slice %arg13[%dma_wait3A_299, %dma_wait3A_300] : memref<8x128xi32, #tpu.memory_space<vmem>> -> memref<1x128xi32, #tpu.memory_space<vmem>>
        %dma_wait3A_302 = tpu.memref_squeeze %dma_wait3A_301 : memref<1x128xi32, #tpu.memory_space<vmem>> -> memref<128xi32, #tpu.memory_space<vmem>>
        %dma_wait3A_303 = arith.constant 0 : i32
        %dma_wait3A_304 = tpu.memref_slice %arg3[%dma_wait3A_303] : memref<323584xi32, #tpu.memory_space<hbm>> -> memref<128xi32, #tpu.memory_space<hbm>>
        %dma_wait3A_305 = arith.constant 0 : i32
        %dma_wait3A_306 = tpu.memref_slice %arg13[%dma_wait3A_299, %dma_wait3A_305] : memref<8x128xi32, #tpu.memory_space<vmem>> -> memref<1x128xi32, #tpu.memory_space<vmem>>
        %dma_wait3A_307 = tpu.memref_squeeze %dma_wait3A_306 : memref<1x128xi32, #tpu.memory_space<vmem>> -> memref<128xi32, #tpu.memory_space<vmem>>
        %dma_wait3A_308 = arith.constant 0 : i32
        %dma_wait3A_309 = tpu.memref_slice %arg3[%dma_wait3A_308] : memref<323584xi32, #tpu.memory_space<hbm>> -> memref<128xi32, #tpu.memory_space<hbm>>
        tpu.wait_dma2 semaphore(%arg23 : memref<!tpu.dma_semaphore, #tpu.memory_space<semaphore_mem>>) src(%dma_wait3A_309 : memref<128xi32, #tpu.memory_space<hbm>>) dst(%dma_wait3A_307 : memref<128xi32, #tpu.memory_space<vmem>>)
        %dma_wait3A_310 = arith.constant 0 : i32
        %dma_wait3A_311 = arith.constant 0 : i32
        %dma_wait3A_312 = tpu.memref_slice %arg14[%dma_wait3A_310, %dma_wait3A_311] : memref<8x128xi32, #tpu.memory_space<vmem>> -> memref<1x128xi32, #tpu.memory_space<vmem>>
        %dma_wait3A_313 = tpu.memref_squeeze %dma_wait3A_312 : memref<1x128xi32, #tpu.memory_space<vmem>> -> memref<128xi32, #tpu.memory_space<vmem>>
        %dma_wait3A_314 = arith.constant 0 : i32
        %dma_wait3A_315 = tpu.memref_slice %arg4[%dma_wait3A_314] : memref<323584xi32, #tpu.memory_space<hbm>> -> memref<128xi32, #tpu.memory_space<hbm>>
        %dma_wait3A_316 = arith.constant 0 : i32
        %dma_wait3A_317 = tpu.memref_slice %arg14[%dma_wait3A_310, %dma_wait3A_316] : memref<8x128xi32, #tpu.memory_space<vmem>> -> memref<1x128xi32, #tpu.memory_space<vmem>>
        %dma_wait3A_318 = tpu.memref_squeeze %dma_wait3A_317 : memref<1x128xi32, #tpu.memory_space<vmem>> -> memref<128xi32, #tpu.memory_space<vmem>>
        %dma_wait3A_319 = arith.constant 0 : i32
        %dma_wait3A_320 = tpu.memref_slice %arg4[%dma_wait3A_319] : memref<323584xi32, #tpu.memory_space<hbm>> -> memref<128xi32, #tpu.memory_space<hbm>>
        tpu.wait_dma2 semaphore(%arg23 : memref<!tpu.dma_semaphore, #tpu.memory_space<semaphore_mem>>) src(%dma_wait3A_320 : memref<128xi32, #tpu.memory_space<hbm>>) dst(%dma_wait3A_318 : memref<128xi32, #tpu.memory_space<vmem>>)
        %add3A_321 = arith.constant 2 : i32
        %add3A_322 = arith.addi %scan3A_241, %add3A_321 : i32
        %rem3A_323 = arith.constant 8 : i32
        %rem3A_324 = arith.remsi %add3A_322, %rem3A_323 : i32
        %add3A_325 = arith.constant 2 : i32
        %add3A_326 = arith.addi %scan3A_241, %add3A_325 : i32
        %rem3A_327 = arith.constant 3 : i32
        %rem3A_328 = arith.remsi %add3A_326, %rem3A_327 : i32
        %dma_start3A_329 = arith.constant 0 : i32
        %dma_start3A_330 = arith.constant 0 : i32
        %dma_start3A_331 = tpu.memref_slice %arg15[%rem3A_328, %dma_start3A_329, %dma_start3A_330] : memref<3x128x16xf32, #tpu.memory_space<vmem>> -> memref<1x128x16xf32, #tpu.memory_space<vmem>>
        %dma_start3A_332 = tpu.memref_squeeze %dma_start3A_331 : memref<1x128x16xf32, #tpu.memory_space<vmem>> -> memref<128x16xf32, #tpu.memory_space<vmem>>
        %dma_start3A_333 = arith.constant 0 : i32
        %dma_start3A_334 = tpu.memref_slice %arg13[%rem3A_324, %dma_start3A_333] : memref<8x128xi32, #tpu.memory_space<vmem>> -> memref<1x128xi32, #tpu.memory_space<vmem>>
        %dma_start3A_335 = tpu.memref_squeeze %dma_start3A_334 : memref<1x128xi32, #tpu.memory_space<vmem>> -> memref<128xi32, #tpu.memory_space<vmem>>
        %dma_start3A_336 = arith.constant 0 : i32
        %dma_start3A_337 = arith.constant 0 : i32
        %dma_start3A_338 = tpu.memref_slice %arg22[%dma_start3A_336, %dma_start3A_337] : memref<10016x16xf32, #tpu.memory_space<vmem_shared>> -> memref<10016x16xf32, #tpu.memory_space<vmem_shared>>
        tpu.enqueue_indirect_dma source(%dma_start3A_338 : memref<10016x16xf32, #tpu.memory_space<vmem_shared>>) target(%dma_start3A_332 : memref<128x16xf32, #tpu.memory_space<vmem>>) offsets(%dma_start3A_335 : memref<128xi32, #tpu.memory_space<vmem>>) semaphore(%arg24 : memref<!tpu.dma_semaphore, #tpu.memory_space<semaphore_mem>>)
      } else {
      }
      %dma_wait3A_257 = arith.constant 0 : i32
      %dma_wait3A_258 = arith.constant 0 : i32
      %dma_wait3A_259 = arith.constant 0 : i32
      %dma_wait3A_260 = arith.constant 0 : i32
      %dma_wait3A_261 = tpu.memref_slice %arg15[%dma_wait3A_258, %dma_wait3A_259, %dma_wait3A_260] : memref<3x128x16xf32, #tpu.memory_space<vmem>> -> memref<1x128x16xf32, #tpu.memory_space<vmem>>
      %dma_wait3A_262 = tpu.memref_squeeze %dma_wait3A_261 : memref<1x128x16xf32, #tpu.memory_space<vmem>> -> memref<128x16xf32, #tpu.memory_space<vmem>>
      %dma_wait3A_263 = arith.constant 0 : i32
      %dma_wait3A_264 = tpu.memref_slice %arg13[%dma_wait3A_257, %dma_wait3A_263] : memref<8x128xi32, #tpu.memory_space<vmem>> -> memref<1x128xi32, #tpu.memory_space<vmem>>
      %dma_wait3A_265 = tpu.memref_squeeze %dma_wait3A_264 : memref<1x128xi32, #tpu.memory_space<vmem>> -> memref<128xi32, #tpu.memory_space<vmem>>
      %dma_wait3A_266 = arith.constant 0 : i32
      %dma_wait3A_267 = arith.constant 0 : i32
      %dma_wait3A_268 = tpu.memref_slice %arg22[%dma_wait3A_266, %dma_wait3A_267] : memref<10016x16xf32, #tpu.memory_space<vmem_shared>> -> memref<10016x16xf32, #tpu.memory_space<vmem_shared>>
      tpu.wait_indirect_dma semaphore(%arg24 : memref<!tpu.dma_semaphore, #tpu.memory_space<semaphore_mem>>) src(%dma_wait3A_268 : memref<10016x16xf32, #tpu.memory_space<vmem_shared>>) dst(%dma_wait3A_262 : memref<128x16xf32, #tpu.memory_space<vmem>>)
      %parallel_loop3A = arith.constant 0 : i32
      %parallel_loop3A_269 = arith.constant 128 : i32
      %parallel_loop3A_270 = arith.constant 16 : i32
      scf.for %parallel_loop3A_299 = %parallel_loop3A to %parallel_loop3A_269 step %parallel_loop3A_270  : i32 {
        %parallel_loop3A_300 = arith.constant 0 : i32
        %parallel_loop3A_301 = tpu.memref_slice %arg13[%rem3A_242, %parallel_loop3A_300] : memref<8x128xi32, #tpu.memory_space<vmem>> -> memref<1x128xi32, #tpu.memory_space<vmem>>
        %parallel_loop3A_302 = tpu.memref_squeeze %parallel_loop3A_301 : memref<1x128xi32, #tpu.memory_space<vmem>> -> memref<128xi32, #tpu.memory_space<vmem>>
        %parallel_loop3A_303 = arith.index_cast %parallel_loop3A_299 : i32 to index
        %parallel_loop3A_304 = tpu.vector_load %parallel_loop3A_302[%parallel_loop3A_303] {strides = array<i32>} : memref<128xi32, #tpu.memory_space<vmem>>, vector<16xi32>,
        %parallel_loop3A_305 = tpu.vector_load_idx %arg11[%parallel_loop3A_304] : memref<10016xf32, #tpu.memory_space<vmem>>[vector<16xi32>], vector<16xf32>,
        %parallel_loop3A_306 = arith.constant 0 : i32
        %parallel_loop3A_307 = tpu.memref_slice %arg14[%rem3A_242, %parallel_loop3A_306] : memref<8x128xi32, #tpu.memory_space<vmem>> -> memref<1x128xi32, #tpu.memory_space<vmem>>
        %parallel_loop3A_308 = tpu.memref_squeeze %parallel_loop3A_307 : memref<1x128xi32, #tpu.memory_space<vmem>> -> memref<128xi32, #tpu.memory_space<vmem>>
        %parallel_loop3A_309 = arith.index_cast %parallel_loop3A_299 : i32 to index
        %parallel_loop3A_310 = tpu.vector_load %parallel_loop3A_308[%parallel_loop3A_309] {strides = array<i32>} : memref<128xi32, #tpu.memory_space<vmem>>, vector<16xi32>,
        %parallel_loop3A_311 = tpu.vector_load_idx %arg12[%parallel_loop3A_310] : memref<10016xf32, #tpu.memory_space<vmem>>[vector<16xi32>], vector<16xf32>,
        %parallel_loop3A_312 = arith.addf %parallel_loop3A_305, %parallel_loop3A_311 : vector<16xf32>
        %parallel_loop3A_313 = arith.constant 0.000000e+00 : f32
        %parallel_loop3A_314 = vector.broadcast %parallel_loop3A_313 : f32 to vector<16xf32>
        %parallel_loop3A_315 = arith.cmpf oge, %parallel_loop3A_312, %parallel_loop3A_314 : vector<16xf32>
        %parallel_loop3A_316 = arith.constant 2.000000e-01 : f32
        %parallel_loop3A_317 = vector.broadcast %parallel_loop3A_316 : f32 to vector<16xf32>
        %parallel_loop3A_318 = arith.mulf %parallel_loop3A_317, %parallel_loop3A_312 : vector<16xf32>
        %parallel_loop3A_319 = arith.select %parallel_loop3A_315, %parallel_loop3A_312, %parallel_loop3A_318 : vector<16xi1>, vector<16xf32>
        %parallel_loop3A_320 = math.exp %parallel_loop3A_319 : vector<16xf32>
        %parallel_loop3A_321 = arith.constant 0 : i32
        %parallel_loop3A_322 = tpu.memref_slice %arg17[%rem3A_244, %parallel_loop3A_321] : memref<3x128xf32, #tpu.memory_space<vmem>> -> memref<1x128xf32, #tpu.memory_space<vmem>>
        %parallel_loop3A_323 = tpu.memref_squeeze %parallel_loop3A_322 : memref<1x128xf32, #tpu.memory_space<vmem>> -> memref<128xf32, #tpu.memory_space<vmem>>
        %parallel_loop3A_324 = arith.index_cast %parallel_loop3A_299 : i32 to index
        %parallel_loop3A_325 = tpu.vector_load %parallel_loop3A_323[%parallel_loop3A_324] {strides = array<i32>} : memref<128xf32, #tpu.memory_space<vmem>>, vector<16xf32>,
        tpu.vector_store %parallel_loop3A_323[%parallel_loop3A_324], %parallel_loop3A_320 {strides = array<i32>} : memref<128xf32, #tpu.memory_space<vmem>>, vector<16xf32>,
      } {sc.loop_unroll_factor = 4 : i64, sc.parallel_access}
      %parallel_loop3A_271 = arith.constant 0 : i32
      %parallel_loop3A_272 = arith.constant 128 : i32
      %parallel_loop3A_273 = arith.constant 1 : i32
      scf.for %parallel_loop3A_299 = %parallel_loop3A_271 to %parallel_loop3A_272 step %parallel_loop3A_273  : i32 {
        %parallel_loop3A_300 = vector.broadcast %parallel_loop3A_299 : i32 to vector<16xi32>
        %parallel_loop3A_301 = arith.constant 0 : i32
        %parallel_loop3A_302 = tpu.memref_slice %arg17[%rem3A_244, %parallel_loop3A_301] : memref<3x128xf32, #tpu.memory_space<vmem>> -> memref<1x128xf32, #tpu.memory_space<vmem>>
        %parallel_loop3A_303 = tpu.memref_squeeze %parallel_loop3A_302 : memref<1x128xf32, #tpu.memory_space<vmem>> -> memref<128xf32, #tpu.memory_space<vmem>>
        %parallel_loop3A_304 = tpu.vector_load_idx %parallel_loop3A_303[%parallel_loop3A_300] : memref<128xf32, #tpu.memory_space<vmem>>[vector<16xi32>], vector<16xf32>,
        %parallel_loop3A_305 = arith.constant 0 : i32
        %parallel_loop3A_306 = arith.constant 0 : i32
        %parallel_loop3A_307 = tpu.memref_slice %arg15[%rem3A_244, %parallel_loop3A_305, %parallel_loop3A_306] : memref<3x128x16xf32, #tpu.memory_space<vmem>> -> memref<1x128x16xf32, #tpu.memory_space<vmem>>
        %parallel_loop3A_308 = tpu.memref_squeeze %parallel_loop3A_307 : memref<1x128x16xf32, #tpu.memory_space<vmem>> -> memref<128x16xf32, #tpu.memory_space<vmem>>
        %parallel_loop3A_309 = arith.index_cast %parallel_loop3A_299 : i32 to index
        %parallel_loop3A_310 = arith.constant 0 : index
        %parallel_loop3A_311 = tpu.vector_load %parallel_loop3A_308[%parallel_loop3A_309, %parallel_loop3A_310] {strides = array<i32>} : memref<128x16xf32, #tpu.memory_space<vmem>>, vector<16xf32>,
        %parallel_loop3A_312 = arith.mulf %parallel_loop3A_311, %parallel_loop3A_304 : vector<16xf32>
        %parallel_loop3A_313 = arith.constant 0 : i32
        %parallel_loop3A_314 = arith.constant 0 : i32
        %parallel_loop3A_315 = tpu.memref_slice %arg16[%rem3A_244, %parallel_loop3A_313, %parallel_loop3A_314] : memref<3x128x16xf32, #tpu.memory_space<vmem>> -> memref<1x128x16xf32, #tpu.memory_space<vmem>>
        %parallel_loop3A_316 = tpu.memref_squeeze %parallel_loop3A_315 : memref<1x128x16xf32, #tpu.memory_space<vmem>> -> memref<128x16xf32, #tpu.memory_space<vmem>>
        %parallel_loop3A_317 = arith.index_cast %parallel_loop3A_299 : i32 to index
        %parallel_loop3A_318 = arith.constant 0 : index
        %parallel_loop3A_319 = tpu.vector_load %parallel_loop3A_316[%parallel_loop3A_317, %parallel_loop3A_318] {strides = array<i32>} : memref<128x16xf32, #tpu.memory_space<vmem>>, vector<16xf32>,
        tpu.vector_store %parallel_loop3A_316[%parallel_loop3A_317, %parallel_loop3A_318], %parallel_loop3A_312 {strides = array<i32>} : memref<128x16xf32, #tpu.memory_space<vmem>>, vector<16xf32>,
      } {sc.loop_unroll_factor = 8 : i64, sc.parallel_access}
      %dma_start3A_274 = arith.constant 0 : i32
      %dma_start3A_275 = arith.constant 0 : i32
      %dma_start3A_276 = tpu.memref_slice %arg16[%rem3A_244, %dma_start3A_274, %dma_start3A_275] : memref<3x128x16xf32, #tpu.memory_space<vmem>> -> memref<1x128x16xf32, #tpu.memory_space<vmem>>
      %dma_start3A_277 = tpu.memref_squeeze %dma_start3A_276 : memref<1x128x16xf32, #tpu.memory_space<vmem>> -> memref<128x16xf32, #tpu.memory_space<vmem>>
      %dma_start3A_278 = arith.constant 0 : i32
      %dma_start3A_279 = tpu.memref_slice %arg14[%rem3A_242, %dma_start3A_278] : memref<8x128xi32, #tpu.memory_space<vmem>> -> memref<1x128xi32, #tpu.memory_space<vmem>>
      %dma_start3A_280 = tpu.memref_squeeze %dma_start3A_279 : memref<1x128xi32, #tpu.memory_space<vmem>> -> memref<128xi32, #tpu.memory_space<vmem>>
      %dma_start3A_281 = arith.constant 0 : i32
      %dma_start3A_282 = arith.constant 0 : i32
      %dma_start3A_283 = tpu.memref_slice %arg20[%dma_start3A_281, %dma_start3A_282] : memref<10016x16xf32, #tpu.memory_space<vmem_shared>> -> memref<10016x16xf32, #tpu.memory_space<vmem_shared>>
      tpu.enqueue_indirect_dma source(%dma_start3A_277 : memref<128x16xf32, #tpu.memory_space<vmem>>) target(%dma_start3A_283 : memref<10016x16xf32, #tpu.memory_space<vmem_shared>>) offsets(%dma_start3A_280 : memref<128xi32, #tpu.memory_space<vmem>>) semaphore(%arg25 : memref<!tpu.dma_semaphore, #tpu.memory_space<semaphore_mem>>) {add = true}
      %dma_start3A_284 = arith.constant 0 : i32
      %dma_start3A_285 = tpu.memref_slice %arg17[%rem3A_244, %dma_start3A_284] : memref<3x128xf32, #tpu.memory_space<vmem>> -> memref<1x128xf32, #tpu.memory_space<vmem>>
      %dma_start3A_286 = tpu.memref_squeeze %dma_start3A_285 : memref<1x128xf32, #tpu.memory_space<vmem>> -> memref<128xf32, #tpu.memory_space<vmem>>
      %dma_start3A_287 = arith.constant 0 : i32
      %dma_start3A_288 = tpu.memref_slice %arg14[%rem3A_242, %dma_start3A_287] : memref<8x128xi32, #tpu.memory_space<vmem>> -> memref<1x128xi32, #tpu.memory_space<vmem>>
      %dma_start3A_289 = tpu.memref_squeeze %dma_start3A_288 : memref<1x128xi32, #tpu.memory_space<vmem>> -> memref<128xi32, #tpu.memory_space<vmem>>
      %dma_start3A_290 = arith.constant 0 : i32
      %dma_start3A_291 = tpu.memref_slice %arg21[%dma_start3A_290] : memref<10016xf32, #tpu.memory_space<vmem_shared>> -> memref<10016xf32, #tpu.memory_space<vmem_shared>>
      tpu.enqueue_indirect_dma source(%dma_start3A_286 : memref<128xf32, #tpu.memory_space<vmem>>) target(%dma_start3A_291 : memref<10016xf32, #tpu.memory_space<vmem_shared>>) offsets(%dma_start3A_289 : memref<128xi32, #tpu.memory_space<vmem>>) semaphore(%arg26 : memref<!tpu.dma_semaphore, #tpu.memory_space<semaphore_mem>>) {add = true}
      %add3A_292 = arith.constant 3 : i32
      %add3A_293 = arith.addi %scan3A_241, %add3A_292 : i32
      %lt3A_294 = arith.constant 79 : i32
      %lt3A_295 = arith.cmpi slt, %add3A_293, %lt3A_294 : i32
      %convert_element_type3A_296 = arith.extui %lt3A_295 : i1 to i32
      %cond3A_297 = arith.constant 0 : i32
      %cond3A_298 = arith.cmpi ne, %convert_element_type3A_296, %cond3A_297 : i32
      scf.if %cond3A_298 {
        %add3A_299 = arith.constant 3 : i32
        %add3A_300 = arith.addi %scan3A_241, %add3A_299 : i32
        %rem3A_301 = arith.constant 8 : i32
        %rem3A_302 = arith.remsi %add3A_300, %rem3A_301 : i32
        %add3A_303 = arith.constant 3 : i32
        %add3A_304 = arith.addi %scan3A_241, %add3A_303 : i32
        %mul3A_305 = arith.constant 32 : i32
        %mul3A_306 = arith.muli %mul3A_305, %add3A_304 : i32
        %add3A_307 = arith.addi %add3A, %mul3A_306 : i32
        %mul3A_308 = arith.constant 128 : i32
        %mul3A_309 = arith.muli %add3A_307, %mul3A_308 : i32
        %dma_start3A_310 = arith.constant 0 : i32
        %dma_start3A_311 = tpu.memref_slice %arg13[%rem3A_302, %dma_start3A_310] : memref<8x128xi32, #tpu.memory_space<vmem>> -> memref<1x128xi32, #tpu.memory_space<vmem>>
        %dma_start3A_312 = tpu.memref_squeeze %dma_start3A_311 : memref<1x128xi32, #tpu.memory_space<vmem>> -> memref<128xi32, #tpu.memory_space<vmem>>
        %dma_start3A_313 = tpu.memref_slice %arg3[%mul3A_309] : memref<323584xi32, #tpu.memory_space<hbm>> -> memref<128xi32, #tpu.memory_space<hbm>>
        %dma_start3A_314 = arith.constant 0 : i32
        %dma_start3A_315 = tpu.memref_slice %arg13[%rem3A_302, %dma_start3A_314] : memref<8x128xi32, #tpu.memory_space<vmem>> -> memref<1x128xi32, #tpu.memory_space<vmem>>
        %dma_start3A_316 = tpu.memref_squeeze %dma_start3A_315 : memref<1x128xi32, #tpu.memory_space<vmem>> -> memref<128xi32, #tpu.memory_space<vmem>>
        %dma_start3A_317 = tpu.memref_slice %arg3[%mul3A_309] : memref<323584xi32, #tpu.memory_space<hbm>> -> memref<128xi32, #tpu.memory_space<hbm>>
        tpu.enqueue_dma source(%dma_start3A_317 : memref<128xi32, #tpu.memory_space<hbm>>) target(%dma_start3A_316 : memref<128xi32, #tpu.memory_space<vmem>>) target_semaphore(%arg23 : memref<!tpu.dma_semaphore, #tpu.memory_space<semaphore_mem>>)
        %dma_start3A_318 = arith.constant 0 : i32
        %dma_start3A_319 = tpu.memref_slice %arg14[%rem3A_302, %dma_start3A_318] : memref<8x128xi32, #tpu.memory_space<vmem>> -> memref<1x128xi32, #tpu.memory_space<vmem>>
        %dma_start3A_320 = tpu.memref_squeeze %dma_start3A_319 : memref<1x128xi32, #tpu.memory_space<vmem>> -> memref<128xi32, #tpu.memory_space<vmem>>
        %dma_start3A_321 = tpu.memref_slice %arg4[%mul3A_309] : memref<323584xi32, #tpu.memory_space<hbm>> -> memref<128xi32, #tpu.memory_space<hbm>>
        %dma_start3A_322 = arith.constant 0 : i32
        %dma_start3A_323 = tpu.memref_slice %arg14[%rem3A_302, %dma_start3A_322] : memref<8x128xi32, #tpu.memory_space<vmem>> -> memref<1x128xi32, #tpu.memory_space<vmem>>
        %dma_start3A_324 = tpu.memref_squeeze %dma_start3A_323 : memref<1x128xi32, #tpu.memory_space<vmem>> -> memref<128xi32, #tpu.memory_space<vmem>>
        %dma_start3A_325 = tpu.memref_slice %arg4[%mul3A_309] : memref<323584xi32, #tpu.memory_space<hbm>> -> memref<128xi32, #tpu.memory_space<hbm>>
        tpu.enqueue_dma source(%dma_start3A_325 : memref<128xi32, #tpu.memory_space<hbm>>) target(%dma_start3A_324 : memref<128xi32, #tpu.memory_space<vmem>>) target_semaphore(%arg23 : memref<!tpu.dma_semaphore, #tpu.memory_space<semaphore_mem>>)
      } else {
      }
    }
    %scan3A_154 = arith.constant 79 : i32
    %dma_wait3A_155 = arith.constant 0 : i32
    %dma_wait3A_156 = arith.constant 0 : i32
    %dma_wait3A_157 = arith.constant 0 : i32
    %dma_wait3A_158 = arith.constant 0 : i32
    %dma_wait3A_159 = tpu.memref_slice %arg16[%dma_wait3A_155, %dma_wait3A_157, %dma_wait3A_158] : memref<3x128x16xf32, #tpu.memory_space<vmem>> -> memref<1x128x16xf32, #tpu.memory_space<vmem>>
    %dma_wait3A_160 = tpu.memref_squeeze %dma_wait3A_159 : memref<1x128x16xf32, #tpu.memory_space<vmem>> -> memref<128x16xf32, #tpu.memory_space<vmem>>
    %dma_wait3A_161 = arith.constant 0 : i32
    %dma_wait3A_162 = tpu.memref_slice %arg14[%dma_wait3A_156, %dma_wait3A_161] : memref<8x128xi32, #tpu.memory_space<vmem>> -> memref<1x128xi32, #tpu.memory_space<vmem>>
    %dma_wait3A_163 = tpu.memref_squeeze %dma_wait3A_162 : memref<1x128xi32, #tpu.memory_space<vmem>> -> memref<128xi32, #tpu.memory_space<vmem>>
    %dma_wait3A_164 = arith.constant 0 : i32
    %dma_wait3A_165 = arith.constant 0 : i32
    %dma_wait3A_166 = tpu.memref_slice %arg20[%dma_wait3A_164, %dma_wait3A_165] : memref<10016x16xf32, #tpu.memory_space<vmem_shared>> -> memref<10016x16xf32, #tpu.memory_space<vmem_shared>>
    tpu.wait_indirect_dma semaphore(%arg25 : memref<!tpu.dma_semaphore, #tpu.memory_space<semaphore_mem>>) src(%dma_wait3A_160 : memref<128x16xf32, #tpu.memory_space<vmem>>) dst(%dma_wait3A_166 : memref<10016x16xf32, #tpu.memory_space<vmem_shared>>)
    %dma_wait3A_167 = arith.constant 0 : i32
    %dma_wait3A_168 = arith.constant 0 : i32
    %dma_wait3A_169 = arith.constant 0 : i32
    %dma_wait3A_170 = tpu.memref_slice %arg17[%dma_wait3A_167, %dma_wait3A_169] : memref<3x128xf32, #tpu.memory_space<vmem>> -> memref<1x128xf32, #tpu.memory_space<vmem>>
    %dma_wait3A_171 = tpu.memref_squeeze %dma_wait3A_170 : memref<1x128xf32, #tpu.memory_space<vmem>> -> memref<128xf32, #tpu.memory_space<vmem>>
    %dma_wait3A_172 = arith.constant 0 : i32
    %dma_wait3A_173 = tpu.memref_slice %arg14[%dma_wait3A_168, %dma_wait3A_172] : memref<8x128xi32, #tpu.memory_space<vmem>> -> memref<1x128xi32, #tpu.memory_space<vmem>>
    %dma_wait3A_174 = tpu.memref_squeeze %dma_wait3A_173 : memref<1x128xi32, #tpu.memory_space<vmem>> -> memref<128xi32, #tpu.memory_space<vmem>>
    %dma_wait3A_175 = arith.constant 0 : i32
    %dma_wait3A_176 = tpu.memref_slice %arg21[%dma_wait3A_175] : memref<10016xf32, #tpu.memory_space<vmem_shared>> -> memref<10016xf32, #tpu.memory_space<vmem_shared>>
    tpu.wait_indirect_dma semaphore(%arg26 : memref<!tpu.dma_semaphore, #tpu.memory_space<semaphore_mem>>) src(%dma_wait3A_171 : memref<128xf32, #tpu.memory_space<vmem>>) dst(%dma_wait3A_176 : memref<10016xf32, #tpu.memory_space<vmem_shared>>)
    %dma_wait3A_177 = arith.constant 0 : i32
    %dma_wait3A_178 = arith.constant 0 : i32
    %dma_wait3A_179 = arith.constant 0 : i32
    %dma_wait3A_180 = arith.constant 0 : i32
    %dma_wait3A_181 = tpu.memref_slice %arg16[%dma_wait3A_177, %dma_wait3A_179, %dma_wait3A_180] : memref<3x128x16xf32, #tpu.memory_space<vmem>> -> memref<1x128x16xf32, #tpu.memory_space<vmem>>
    %dma_wait3A_182 = tpu.memref_squeeze %dma_wait3A_181 : memref<1x128x16xf32, #tpu.memory_space<vmem>> -> memref<128x16xf32, #tpu.memory_space<vmem>>
    %dma_wait3A_183 = arith.constant 0 : i32
    %dma_wait3A_184 = tpu.memref_slice %arg14[%dma_wait3A_178, %dma_wait3A_183] : memref<8x128xi32, #tpu.memory_space<vmem>> -> memref<1x128xi32, #tpu.memory_space<vmem>>
    %dma_wait3A_185 = tpu.memref_squeeze %dma_wait3A_184 : memref<1x128xi32, #tpu.memory_space<vmem>> -> memref<128xi32, #tpu.memory_space<vmem>>
    %dma_wait3A_186 = arith.constant 0 : i32
    %dma_wait3A_187 = arith.constant 0 : i32
    %dma_wait3A_188 = tpu.memref_slice %arg20[%dma_wait3A_186, %dma_wait3A_187] : memref<10016x16xf32, #tpu.memory_space<vmem_shared>> -> memref<10016x16xf32, #tpu.memory_space<vmem_shared>>
    tpu.wait_indirect_dma semaphore(%arg25 : memref<!tpu.dma_semaphore, #tpu.memory_space<semaphore_mem>>) src(%dma_wait3A_182 : memref<128x16xf32, #tpu.memory_space<vmem>>) dst(%dma_wait3A_188 : memref<10016x16xf32, #tpu.memory_space<vmem_shared>>)
    %dma_wait3A_189 = arith.constant 0 : i32
    %dma_wait3A_190 = arith.constant 0 : i32
    %dma_wait3A_191 = arith.constant 0 : i32
    %dma_wait3A_192 = tpu.memref_slice %arg17[%dma_wait3A_189, %dma_wait3A_191] : memref<3x128xf32, #tpu.memory_space<vmem>> -> memref<1x128xf32, #tpu.memory_space<vmem>>
    %dma_wait3A_193 = tpu.memref_squeeze %dma_wait3A_192 : memref<1x128xf32, #tpu.memory_space<vmem>> -> memref<128xf32, #tpu.memory_space<vmem>>
    %dma_wait3A_194 = arith.constant 0 : i32
    %dma_wait3A_195 = tpu.memref_slice %arg14[%dma_wait3A_190, %dma_wait3A_194] : memref<8x128xi32, #tpu.memory_space<vmem>> -> memref<1x128xi32, #tpu.memory_space<vmem>>
    %dma_wait3A_196 = tpu.memref_squeeze %dma_wait3A_195 : memref<1x128xi32, #tpu.memory_space<vmem>> -> memref<128xi32, #tpu.memory_space<vmem>>
    %dma_wait3A_197 = arith.constant 0 : i32
    %dma_wait3A_198 = tpu.memref_slice %arg21[%dma_wait3A_197] : memref<10016xf32, #tpu.memory_space<vmem_shared>> -> memref<10016xf32, #tpu.memory_space<vmem_shared>>
    tpu.wait_indirect_dma semaphore(%arg26 : memref<!tpu.dma_semaphore, #tpu.memory_space<semaphore_mem>>) src(%dma_wait3A_193 : memref<128xf32, #tpu.memory_space<vmem>>) dst(%dma_wait3A_198 : memref<10016xf32, #tpu.memory_space<vmem_shared>>)
    %dma_wait3A_199 = arith.constant 0 : i32
    %dma_wait3A_200 = arith.constant 0 : i32
    %dma_wait3A_201 = arith.constant 0 : i32
    %dma_wait3A_202 = arith.constant 0 : i32
    %dma_wait3A_203 = tpu.memref_slice %arg16[%dma_wait3A_199, %dma_wait3A_201, %dma_wait3A_202] : memref<3x128x16xf32, #tpu.memory_space<vmem>> -> memref<1x128x16xf32, #tpu.memory_space<vmem>>
    %dma_wait3A_204 = tpu.memref_squeeze %dma_wait3A_203 : memref<1x128x16xf32, #tpu.memory_space<vmem>> -> memref<128x16xf32, #tpu.memory_space<vmem>>
    %dma_wait3A_205 = arith.constant 0 : i32
    %dma_wait3A_206 = tpu.memref_slice %arg14[%dma_wait3A_200, %dma_wait3A_205] : memref<8x128xi32, #tpu.memory_space<vmem>> -> memref<1x128xi32, #tpu.memory_space<vmem>>
    %dma_wait3A_207 = tpu.memref_squeeze %dma_wait3A_206 : memref<1x128xi32, #tpu.memory_space<vmem>> -> memref<128xi32, #tpu.memory_space<vmem>>
    %dma_wait3A_208 = arith.constant 0 : i32
    %dma_wait3A_209 = arith.constant 0 : i32
    %dma_wait3A_210 = tpu.memref_slice %arg20[%dma_wait3A_208, %dma_wait3A_209] : memref<10016x16xf32, #tpu.memory_space<vmem_shared>> -> memref<10016x16xf32, #tpu.memory_space<vmem_shared>>
    tpu.wait_indirect_dma semaphore(%arg25 : memref<!tpu.dma_semaphore, #tpu.memory_space<semaphore_mem>>) src(%dma_wait3A_204 : memref<128x16xf32, #tpu.memory_space<vmem>>) dst(%dma_wait3A_210 : memref<10016x16xf32, #tpu.memory_space<vmem_shared>>)
    %dma_wait3A_211 = arith.constant 0 : i32
    %dma_wait3A_212 = arith.constant 0 : i32
    %dma_wait3A_213 = arith.constant 0 : i32
    %dma_wait3A_214 = tpu.memref_slice %arg17[%dma_wait3A_211, %dma_wait3A_213] : memref<3x128xf32, #tpu.memory_space<vmem>> -> memref<1x128xf32, #tpu.memory_space<vmem>>
    %dma_wait3A_215 = tpu.memref_squeeze %dma_wait3A_214 : memref<1x128xf32, #tpu.memory_space<vmem>> -> memref<128xf32, #tpu.memory_space<vmem>>
    %dma_wait3A_216 = arith.constant 0 : i32
    %dma_wait3A_217 = tpu.memref_slice %arg14[%dma_wait3A_212, %dma_wait3A_216] : memref<8x128xi32, #tpu.memory_space<vmem>> -> memref<1x128xi32, #tpu.memory_space<vmem>>
    %dma_wait3A_218 = tpu.memref_squeeze %dma_wait3A_217 : memref<1x128xi32, #tpu.memory_space<vmem>> -> memref<128xi32, #tpu.memory_space<vmem>>
    %dma_wait3A_219 = arith.constant 0 : i32
    %dma_wait3A_220 = tpu.memref_slice %arg21[%dma_wait3A_219] : memref<10016xf32, #tpu.memory_space<vmem_shared>> -> memref<10016xf32, #tpu.memory_space<vmem_shared>>
    tpu.wait_indirect_dma semaphore(%arg26 : memref<!tpu.dma_semaphore, #tpu.memory_space<semaphore_mem>>) src(%dma_wait3A_215 : memref<128xf32, #tpu.memory_space<vmem>>) dst(%dma_wait3A_220 : memref<10016xf32, #tpu.memory_space<vmem_shared>>)
    %barrier3A_221 = arith.constant 0 : index
    tpu.barrier barrier_id(%barrier3A_221)
    %mul3A_222 = arith.constant 624 : i32
    %mul3A_223 = arith.muli %arg1, %mul3A_222 : i32
    %mul3A_224 = arith.constant 624 : i32
    %mul3A_225 = arith.muli %arg1, %mul3A_224 : i32
    "tpu.region"() ({
      %run_scoped3A = tpu.sem_alloc : memref<!tpu.dma_semaphore, #tpu.memory_space<semaphore_mem>>
      %dma_start3A_241 = arith.constant 0 : i32
      %dma_start3A_242 = tpu.memref_slice %arg9[%arg0, %mul3A_225, %dma_start3A_241] : memref<2x10000x16xf32, #tpu.memory_space<hbm>> -> memref<1x624x16xf32, #tpu.memory_space<hbm>>
      %dma_start3A_243 = tpu.memref_squeeze %dma_start3A_242 : memref<1x624x16xf32, #tpu.memory_space<hbm>> -> memref<624x16xf32, #tpu.memory_space<hbm>>
      %dma_start3A_244 = arith.constant 0 : i32
      %dma_start3A_245 = tpu.memref_slice %arg20[%mul3A_223, %dma_start3A_244] : memref<10016x16xf32, #tpu.memory_space<vmem_shared>> -> memref<624x16xf32, #tpu.memory_space<vmem_shared>>
      tpu.enqueue_dma source(%dma_start3A_245 : memref<624x16xf32, #tpu.memory_space<vmem_shared>>) target(%dma_start3A_243 : memref<624x16xf32, #tpu.memory_space<hbm>>) target_semaphore(%run_scoped3A : memref<!tpu.dma_semaphore, #tpu.memory_space<semaphore_mem>>)
      %dma_wait3A_246 = arith.constant 0 : i32
      %dma_wait3A_247 = tpu.memref_slice %arg9[%arg0, %mul3A_225, %dma_wait3A_246] : memref<2x10000x16xf32, #tpu.memory_space<hbm>> -> memref<1x624x16xf32, #tpu.memory_space<hbm>>
      %dma_wait3A_248 = tpu.memref_squeeze %dma_wait3A_247 : memref<1x624x16xf32, #tpu.memory_space<hbm>> -> memref<624x16xf32, #tpu.memory_space<hbm>>
      %dma_wait3A_249 = arith.constant 0 : i32
      %dma_wait3A_250 = tpu.memref_slice %arg20[%mul3A_223, %dma_wait3A_249] : memref<10016x16xf32, #tpu.memory_space<vmem_shared>> -> memref<624x16xf32, #tpu.memory_space<vmem_shared>>
      tpu.wait_dma2 semaphore(%run_scoped3A : memref<!tpu.dma_semaphore, #tpu.memory_space<semaphore_mem>>) src(%dma_wait3A_250 : memref<624x16xf32, #tpu.memory_space<vmem_shared>>) dst(%dma_wait3A_248 : memref<624x16xf32, #tpu.memory_space<hbm>>)
      tpu.yield
    }) : () -> ()
    %mul3A_226 = arith.constant 624 : i32
    %mul3A_227 = arith.muli %arg1, %mul3A_226 : i32
    "tpu.region"() ({
      %run_scoped3A = tpu.sem_alloc : memref<!tpu.dma_semaphore, #tpu.memory_space<semaphore_mem>>
      %dma_start3A_241 = arith.constant 0 : i32
      %dma_start3A_242 = tpu.memref_slice %arg18[%dma_start3A_241] : memref<624xf32, #tpu.memory_space<vmem>> -> memref<624xf32, #tpu.memory_space<vmem>>
      %dma_start3A_243 = tpu.memref_slice %arg21[%mul3A_227] : memref<10016xf32, #tpu.memory_space<vmem_shared>> -> memref<624xf32, #tpu.memory_space<vmem_shared>>
      %dma_start3A_244 = arith.constant 0 : i32
      %dma_start3A_245 = tpu.memref_slice %arg18[%dma_start3A_244] : memref<624xf32, #tpu.memory_space<vmem>> -> memref<624xf32, #tpu.memory_space<vmem>>
      %dma_start3A_246 = tpu.memref_slice %arg21[%mul3A_227] : memref<10016xf32, #tpu.memory_space<vmem_shared>> -> memref<624xf32, #tpu.memory_space<vmem_shared>>
      tpu.enqueue_dma source(%dma_start3A_246 : memref<624xf32, #tpu.memory_space<vmem_shared>>) target(%dma_start3A_245 : memref<624xf32, #tpu.memory_space<vmem>>) target_semaphore(%run_scoped3A : memref<!tpu.dma_semaphore, #tpu.memory_space<semaphore_mem>>)
      %dma_wait3A_247 = arith.constant 0 : i32
      %dma_wait3A_248 = tpu.memref_slice %arg18[%dma_wait3A_247] : memref<624xf32, #tpu.memory_space<vmem>> -> memref<624xf32, #tpu.memory_space<vmem>>
      %dma_wait3A_249 = tpu.memref_slice %arg21[%mul3A_227] : memref<10016xf32, #tpu.memory_space<vmem_shared>> -> memref<624xf32, #tpu.memory_space<vmem_shared>>
      %dma_wait3A_250 = arith.constant 0 : i32
      %dma_wait3A_251 = tpu.memref_slice %arg18[%dma_wait3A_250] : memref<624xf32, #tpu.memory_space<vmem>> -> memref<624xf32, #tpu.memory_space<vmem>>
      %dma_wait3A_252 = tpu.memref_slice %arg21[%mul3A_227] : memref<10016xf32, #tpu.memory_space<vmem_shared>> -> memref<624xf32, #tpu.memory_space<vmem_shared>>
      tpu.wait_dma2 semaphore(%run_scoped3A : memref<!tpu.dma_semaphore, #tpu.memory_space<semaphore_mem>>) src(%dma_wait3A_252 : memref<624xf32, #tpu.memory_space<vmem_shared>>) dst(%dma_wait3A_251 : memref<624xf32, #tpu.memory_space<vmem>>)
      tpu.yield
    }) : () -> ()
    %scan3A_228 = arith.constant 0 : i32
    %scan3A_229 = arith.constant 0 : i32
    %scan3A_230 = arith.constant 624 : i32
    %scan3A_231 = arith.addi %scan3A_229, %scan3A_230 : i32
    %scan3A_232 = arith.constant 1 : i32
    scf.for %scan3A_241 = %scan3A_229 to %scan3A_231 step %scan3A_232  : i32 {
      %broadcast_in_dim3A = vector.broadcast %scan3A_241 : i32 to vector<16xi32>
      %gather3A = tpu.vector_load_idx %arg18[%broadcast_in_dim3A] : memref<624xf32, #tpu.memory_space<vmem>>[vector<16xi32>], vector<16xf32>,
      %swap3A = arith.index_cast %scan3A_241 : i32 to index
      %swap3A_242 = arith.constant 0 : index
      %swap3A_243 = tpu.vector_load %arg19[%swap3A, %swap3A_242] {strides = array<i32>} : memref<624x16xf32, #tpu.memory_space<vmem>>, vector<16xf32>,
      tpu.vector_store %arg19[%swap3A, %swap3A_242], %gather3A {strides = array<i32>} : memref<624x16xf32, #tpu.memory_space<vmem>>, vector<16xf32>,
    }
    %scan3A_233 = arith.constant 624 : i32
    %mul3A_234 = arith.constant 624 : i32
    %mul3A_235 = arith.muli %arg1, %mul3A_234 : i32
    "tpu.region"() ({
      %run_scoped3A = tpu.sem_alloc : memref<!tpu.dma_semaphore, #tpu.memory_space<semaphore_mem>>
      %dma_start3A_241 = arith.constant 0 : i32
      %dma_start3A_242 = arith.constant 0 : i32
      %dma_start3A_243 = tpu.memref_slice %arg19[%dma_start3A_241, %dma_start3A_242] : memref<624x16xf32, #tpu.memory_space<vmem>> -> memref<624x16xf32, #tpu.memory_space<vmem>>
      %dma_start3A_244 = arith.constant 0 : i32
      %dma_start3A_245 = tpu.memref_slice %arg10[%arg0, %mul3A_235, %dma_start3A_244] : memref<2x10000x16xf32, #tpu.memory_space<hbm>> -> memref<1x624x16xf32, #tpu.memory_space<hbm>>
      %dma_start3A_246 = tpu.memref_squeeze %dma_start3A_245 : memref<1x624x16xf32, #tpu.memory_space<hbm>> -> memref<624x16xf32, #tpu.memory_space<hbm>>
      %dma_start3A_247 = arith.constant 0 : i32
      %dma_start3A_248 = tpu.memref_slice %arg10[%arg0, %mul3A_235, %dma_start3A_247] : memref<2x10000x16xf32, #tpu.memory_space<hbm>> -> memref<1x624x16xf32, #tpu.memory_space<hbm>>
      %dma_start3A_249 = tpu.memref_squeeze %dma_start3A_248 : memref<1x624x16xf32, #tpu.memory_space<hbm>> -> memref<624x16xf32, #tpu.memory_space<hbm>>
      %dma_start3A_250 = arith.constant 0 : i32
      %dma_start3A_251 = arith.constant 0 : i32
      %dma_start3A_252 = tpu.memref_slice %arg19[%dma_start3A_250, %dma_start3A_251] : memref<624x16xf32, #tpu.memory_space<vmem>> -> memref<624x16xf32, #tpu.memory_space<vmem>>
      tpu.enqueue_dma source(%dma_start3A_252 : memref<624x16xf32, #tpu.memory_space<vmem>>) target(%dma_start3A_249 : memref<624x16xf32, #tpu.memory_space<hbm>>) target_semaphore(%run_scoped3A : memref<!tpu.dma_semaphore, #tpu.memory_space<semaphore_mem>>)
      %dma_wait3A_253 = arith.constant 0 : i32
      %dma_wait3A_254 = arith.constant 0 : i32
      %dma_wait3A_255 = tpu.memref_slice %arg19[%dma_wait3A_253, %dma_wait3A_254] : memref<624x16xf32, #tpu.memory_space<vmem>> -> memref<624x16xf32, #tpu.memory_space<vmem>>
      %dma_wait3A_256 = arith.constant 0 : i32
      %dma_wait3A_257 = tpu.memref_slice %arg10[%arg0, %mul3A_235, %dma_wait3A_256] : memref<2x10000x16xf32, #tpu.memory_space<hbm>> -> memref<1x624x16xf32, #tpu.memory_space<hbm>>
      %dma_wait3A_258 = tpu.memref_squeeze %dma_wait3A_257 : memref<1x624x16xf32, #tpu.memory_space<hbm>> -> memref<624x16xf32, #tpu.memory_space<hbm>>
      %dma_wait3A_259 = arith.constant 0 : i32
      %dma_wait3A_260 = tpu.memref_slice %arg10[%arg0, %mul3A_235, %dma_wait3A_259] : memref<2x10000x16xf32, #tpu.memory_space<hbm>> -> memref<1x624x16xf32, #tpu.memory_space<hbm>>
      %dma_wait3A_261 = tpu.memref_squeeze %dma_wait3A_260 : memref<1x624x16xf32, #tpu.memory_space<hbm>> -> memref<624x16xf32, #tpu.memory_space<hbm>>
      %dma_wait3A_262 = arith.constant 0 : i32
      %dma_wait3A_263 = arith.constant 0 : i32
      %dma_wait3A_264 = tpu.memref_slice %arg19[%dma_wait3A_262, %dma_wait3A_263] : memref<624x16xf32, #tpu.memory_space<vmem>> -> memref<624x16xf32, #tpu.memory_space<vmem>>
      tpu.wait_dma2 semaphore(%run_scoped3A : memref<!tpu.dma_semaphore, #tpu.memory_space<semaphore_mem>>) src(%dma_wait3A_264 : memref<624x16xf32, #tpu.memory_space<vmem>>) dst(%dma_wait3A_261 : memref<624x16xf32, #tpu.memory_space<hbm>>)
      tpu.yield
    }) : () -> ()
    %eq3A_236 = arith.constant 15 : i32
    %eq3A_237 = arith.cmpi eq, %arg1, %eq3A_236 : i32
    %convert_element_type3A_238 = arith.extui %eq3A_237 : i1 to i32
    %cond3A_239 = arith.constant 0 : i32
    %cond3A_240 = arith.cmpi ne, %convert_element_type3A_238, %cond3A_239 : i32
    scf.if %cond3A_240 {
      "tpu.region"() ({
        %run_scoped3A = tpu.sem_alloc : memref<!tpu.dma_semaphore, #tpu.memory_space<semaphore_mem>>
        %dma_start3A_350 = arith.constant 9984 : i32
        %dma_start3A_351 = arith.constant 0 : i32
        %dma_start3A_352 = tpu.memref_slice %arg9[%arg0, %dma_start3A_350, %dma_start3A_351] : memref<2x10000x16xf32, #tpu.memory_space<hbm>> -> memref<1x16x16xf32, #tpu.memory_space<hbm>>
        %dma_start3A_353 = tpu.memref_squeeze %dma_start3A_352 : memref<1x16x16xf32, #tpu.memory_space<hbm>> -> memref<16x16xf32, #tpu.memory_space<hbm>>
        %dma_start3A_354 = arith.constant 9984 : i32
        %dma_start3A_355 = arith.constant 0 : i32
        %dma_start3A_356 = tpu.memref_slice %arg20[%dma_start3A_354, %dma_start3A_355] : memref<10016x16xf32, #tpu.memory_space<vmem_shared>> -> memref<16x16xf32, #tpu.memory_space<vmem_shared>>
        tpu.enqueue_dma source(%dma_start3A_356 : memref<16x16xf32, #tpu.memory_space<vmem_shared>>) target(%dma_start3A_353 : memref<16x16xf32, #tpu.memory_space<hbm>>) target_semaphore(%run_scoped3A : memref<!tpu.dma_semaphore, #tpu.memory_space<semaphore_mem>>)
        %dma_wait3A_357 = arith.constant 9984 : i32
        %dma_wait3A_358 = arith.constant 0 : i32
        %dma_wait3A_359 = tpu.memref_slice %arg9[%arg0, %dma_wait3A_357, %dma_wait3A_358] : memref<2x10000x16xf32, #tpu.memory_space<hbm>> -> memref<1x16x16xf32, #tpu.memory_space<hbm>>
        %dma_wait3A_360 = tpu.memref_squeeze %dma_wait3A_359 : memref<1x16x16xf32, #tpu.memory_space<hbm>> -> memref<16x16xf32, #tpu.memory_space<hbm>>
        %dma_wait3A_361 = arith.constant 9984 : i32
        %dma_wait3A_362 = arith.constant 0 : i32
        %dma_wait3A_363 = tpu.memref_slice %arg20[%dma_wait3A_361, %dma_wait3A_362] : memref<10016x16xf32, #tpu.memory_space<vmem_shared>> -> memref<16x16xf32, #tpu.memory_space<vmem_shared>>
        tpu.wait_dma2 semaphore(%run_scoped3A : memref<!tpu.dma_semaphore, #tpu.memory_space<semaphore_mem>>) src(%dma_wait3A_363 : memref<16x16xf32, #tpu.memory_space<vmem_shared>>) dst(%dma_wait3A_360 : memref<16x16xf32, #tpu.memory_space<hbm>>)
        tpu.yield
      }) : () -> ()
      "tpu.region"() ({
        %run_scoped3A = tpu.sem_alloc : memref<!tpu.dma_semaphore, #tpu.memory_space<semaphore_mem>>
        %dma_start3A_350 = arith.constant 0 : i32
        %dma_start3A_351 = tpu.memref_slice %arg18[%dma_start3A_350] : memref<624xf32, #tpu.memory_space<vmem>> -> memref<16xf32, #tpu.memory_space<vmem>>
        %dma_start3A_352 = arith.constant 9984 : i32
        %dma_start3A_353 = tpu.memref_slice %arg21[%dma_start3A_352] : memref<10016xf32, #tpu.memory_space<vmem_shared>> -> memref<16xf32, #tpu.memory_space<vmem_shared>>
        %dma_start3A_354 = arith.constant 0 : i32
        %dma_start3A_355 = tpu.memref_slice %arg18[%dma_start3A_354] : memref<624xf32, #tpu.memory_space<vmem>> -> memref<16xf32, #tpu.memory_space<vmem>>
        %dma_start3A_356 = arith.constant 9984 : i32
        %dma_start3A_357 = tpu.memref_slice %arg21[%dma_start3A_356] : memref<10016xf32, #tpu.memory_space<vmem_shared>> -> memref<16xf32, #tpu.memory_space<vmem_shared>>
        tpu.enqueue_dma source(%dma_start3A_357 : memref<16xf32, #tpu.memory_space<vmem_shared>>) target(%dma_start3A_355 : memref<16xf32, #tpu.memory_space<vmem>>) target_semaphore(%run_scoped3A : memref<!tpu.dma_semaphore, #tpu.memory_space<semaphore_mem>>)
        %dma_wait3A_358 = arith.constant 0 : i32
        %dma_wait3A_359 = tpu.memref_slice %arg18[%dma_wait3A_358] : memref<624xf32, #tpu.memory_space<vmem>> -> memref<16xf32, #tpu.memory_space<vmem>>
        %dma_wait3A_360 = arith.constant 9984 : i32
        %dma_wait3A_361 = tpu.memref_slice %arg21[%dma_wait3A_360] : memref<10016xf32, #tpu.memory_space<vmem_shared>> -> memref<16xf32, #tpu.memory_space<vmem_shared>>
        %dma_wait3A_362 = arith.constant 0 : i32
        %dma_wait3A_363 = tpu.memref_slice %arg18[%dma_wait3A_362] : memref<624xf32, #tpu.memory_space<vmem>> -> memref<16xf32, #tpu.memory_space<vmem>>
        %dma_wait3A_364 = arith.constant 9984 : i32
        %dma_wait3A_365 = tpu.memref_slice %arg21[%dma_wait3A_364] : memref<10016xf32, #tpu.memory_space<vmem_shared>> -> memref<16xf32, #tpu.memory_space<vmem_shared>>
        tpu.wait_dma2 semaphore(%run_scoped3A : memref<!tpu.dma_semaphore, #tpu.memory_space<semaphore_mem>>) src(%dma_wait3A_365 : memref<16xf32, #tpu.memory_space<vmem_shared>>) dst(%dma_wait3A_363 : memref<16xf32, #tpu.memory_space<vmem>>)
        tpu.yield
      }) : () -> ()
      %broadcast_in_dim3A = arith.constant 0 : i32
      %broadcast_in_dim3A_241 = vector.broadcast %broadcast_in_dim3A : i32 to vector<16xi32>
      %gather3A = tpu.vector_load_idx %arg18[%broadcast_in_dim3A_241] : memref<624xf32, #tpu.memory_space<vmem>>[vector<16xi32>], vector<16xf32>,
      %swap3A = arith.constant 0 : i32
      %swap3A_242 = arith.index_cast %swap3A : i32 to index
      %swap3A_243 = arith.constant 0 : index
      %swap3A_244 = tpu.vector_load %arg19[%swap3A_242, %swap3A_243] {strides = array<i32>} : memref<624x16xf32, #tpu.memory_space<vmem>>, vector<16xf32>,
      tpu.vector_store %arg19[%swap3A_242, %swap3A_243], %gather3A {strides = array<i32>} : memref<624x16xf32, #tpu.memory_space<vmem>>, vector<16xf32>,
      %broadcast_in_dim3A_245 = arith.constant 1 : i32
      %broadcast_in_dim3A_246 = vector.broadcast %broadcast_in_dim3A_245 : i32 to vector<16xi32>
      %gather3A_247 = tpu.vector_load_idx %arg18[%broadcast_in_dim3A_246] : memref<624xf32, #tpu.memory_space<vmem>>[vector<16xi32>], vector<16xf32>,
      %swap3A_248 = arith.constant 1 : i32
      %swap3A_249 = arith.index_cast %swap3A_248 : i32 to index
      %swap3A_250 = arith.constant 0 : index
      %swap3A_251 = tpu.vector_load %arg19[%swap3A_249, %swap3A_250] {strides = array<i32>} : memref<624x16xf32, #tpu.memory_space<vmem>>, vector<16xf32>,
      tpu.vector_store %arg19[%swap3A_249, %swap3A_250], %gather3A_247 {strides = array<i32>} : memref<624x16xf32, #tpu.memory_space<vmem>>, vector<16xf32>,
      %broadcast_in_dim3A_252 = arith.constant 2 : i32
      %broadcast_in_dim3A_253 = vector.broadcast %broadcast_in_dim3A_252 : i32 to vector<16xi32>
      %gather3A_254 = tpu.vector_load_idx %arg18[%broadcast_in_dim3A_253] : memref<624xf32, #tpu.memory_space<vmem>>[vector<16xi32>], vector<16xf32>,
      %swap3A_255 = arith.constant 2 : i32
      %swap3A_256 = arith.index_cast %swap3A_255 : i32 to index
      %swap3A_257 = arith.constant 0 : index
      %swap3A_258 = tpu.vector_load %arg19[%swap3A_256, %swap3A_257] {strides = array<i32>} : memref<624x16xf32, #tpu.memory_space<vmem>>, vector<16xf32>,
      tpu.vector_store %arg19[%swap3A_256, %swap3A_257], %gather3A_254 {strides = array<i32>} : memref<624x16xf32, #tpu.memory_space<vmem>>, vector<16xf32>,
      %broadcast_in_dim3A_259 = arith.constant 3 : i32
      %broadcast_in_dim3A_260 = vector.broadcast %broadcast_in_dim3A_259 : i32 to vector<16xi32>
      %gather3A_261 = tpu.vector_load_idx %arg18[%broadcast_in_dim3A_260] : memref<624xf32, #tpu.memory_space<vmem>>[vector<16xi32>], vector<16xf32>,
      %swap3A_262 = arith.constant 3 : i32
      %swap3A_263 = arith.index_cast %swap3A_262 : i32 to index
      %swap3A_264 = arith.constant 0 : index
      %swap3A_265 = tpu.vector_load %arg19[%swap3A_263, %swap3A_264] {strides = array<i32>} : memref<624x16xf32, #tpu.memory_space<vmem>>, vector<16xf32>,
      tpu.vector_store %arg19[%swap3A_263, %swap3A_264], %gather3A_261 {strides = array<i32>} : memref<624x16xf32, #tpu.memory_space<vmem>>, vector<16xf32>,
      %broadcast_in_dim3A_266 = arith.constant 4 : i32
      %broadcast_in_dim3A_267 = vector.broadcast %broadcast_in_dim3A_266 : i32 to vector<16xi32>
      %gather3A_268 = tpu.vector_load_idx %arg18[%broadcast_in_dim3A_267] : memref<624xf32, #tpu.memory_space<vmem>>[vector<16xi32>], vector<16xf32>,
      %swap3A_269 = arith.constant 4 : i32
      %swap3A_270 = arith.index_cast %swap3A_269 : i32 to index
      %swap3A_271 = arith.constant 0 : index
      %swap3A_272 = tpu.vector_load %arg19[%swap3A_270, %swap3A_271] {strides = array<i32>} : memref<624x16xf32, #tpu.memory_space<vmem>>, vector<16xf32>,
      tpu.vector_store %arg19[%swap3A_270, %swap3A_271], %gather3A_268 {strides = array<i32>} : memref<624x16xf32, #tpu.memory_space<vmem>>, vector<16xf32>,
      %broadcast_in_dim3A_273 = arith.constant 5 : i32
      %broadcast_in_dim3A_274 = vector.broadcast %broadcast_in_dim3A_273 : i32 to vector<16xi32>
      %gather3A_275 = tpu.vector_load_idx %arg18[%broadcast_in_dim3A_274] : memref<624xf32, #tpu.memory_space<vmem>>[vector<16xi32>], vector<16xf32>,
      %swap3A_276 = arith.constant 5 : i32
      %swap3A_277 = arith.index_cast %swap3A_276 : i32 to index
      %swap3A_278 = arith.constant 0 : index
      %swap3A_279 = tpu.vector_load %arg19[%swap3A_277, %swap3A_278] {strides = array<i32>} : memref<624x16xf32, #tpu.memory_space<vmem>>, vector<16xf32>,
      tpu.vector_store %arg19[%swap3A_277, %swap3A_278], %gather3A_275 {strides = array<i32>} : memref<624x16xf32, #tpu.memory_space<vmem>>, vector<16xf32>,
      %broadcast_in_dim3A_280 = arith.constant 6 : i32
      %broadcast_in_dim3A_281 = vector.broadcast %broadcast_in_dim3A_280 : i32 to vector<16xi32>
      %gather3A_282 = tpu.vector_load_idx %arg18[%broadcast_in_dim3A_281] : memref<624xf32, #tpu.memory_space<vmem>>[vector<16xi32>], vector<16xf32>,
      %swap3A_283 = arith.constant 6 : i32
      %swap3A_284 = arith.index_cast %swap3A_283 : i32 to index
      %swap3A_285 = arith.constant 0 : index
      %swap3A_286 = tpu.vector_load %arg19[%swap3A_284, %swap3A_285] {strides = array<i32>} : memref<624x16xf32, #tpu.memory_space<vmem>>, vector<16xf32>,
      tpu.vector_store %arg19[%swap3A_284, %swap3A_285], %gather3A_282 {strides = array<i32>} : memref<624x16xf32, #tpu.memory_space<vmem>>, vector<16xf32>,
      %broadcast_in_dim3A_287 = arith.constant 7 : i32
      %broadcast_in_dim3A_288 = vector.broadcast %broadcast_in_dim3A_287 : i32 to vector<16xi32>
      %gather3A_289 = tpu.vector_load_idx %arg18[%broadcast_in_dim3A_288] : memref<624xf32, #tpu.memory_space<vmem>>[vector<16xi32>], vector<16xf32>,
      %swap3A_290 = arith.constant 7 : i32
      %swap3A_291 = arith.index_cast %swap3A_290 : i32 to index
      %swap3A_292 = arith.constant 0 : index
      %swap3A_293 = tpu.vector_load %arg19[%swap3A_291, %swap3A_292] {strides = array<i32>} : memref<624x16xf32, #tpu.memory_space<vmem>>, vector<16xf32>,
      tpu.vector_store %arg19[%swap3A_291, %swap3A_292], %gather3A_289 {strides = array<i32>} : memref<624x16xf32, #tpu.memory_space<vmem>>, vector<16xf32>,
      %broadcast_in_dim3A_294 = arith.constant 8 : i32
      %broadcast_in_dim3A_295 = vector.broadcast %broadcast_in_dim3A_294 : i32 to vector<16xi32>
      %gather3A_296 = tpu.vector_load_idx %arg18[%broadcast_in_dim3A_295] : memref<624xf32, #tpu.memory_space<vmem>>[vector<16xi32>], vector<16xf32>,
      %swap3A_297 = arith.constant 8 : i32
      %swap3A_298 = arith.index_cast %swap3A_297 : i32 to index
      %swap3A_299 = arith.constant 0 : index
      %swap3A_300 = tpu.vector_load %arg19[%swap3A_298, %swap3A_299] {strides = array<i32>} : memref<624x16xf32, #tpu.memory_space<vmem>>, vector<16xf32>,
      tpu.vector_store %arg19[%swap3A_298, %swap3A_299], %gather3A_296 {strides = array<i32>} : memref<624x16xf32, #tpu.memory_space<vmem>>, vector<16xf32>,
      %broadcast_in_dim3A_301 = arith.constant 9 : i32
      %broadcast_in_dim3A_302 = vector.broadcast %broadcast_in_dim3A_301 : i32 to vector<16xi32>
      %gather3A_303 = tpu.vector_load_idx %arg18[%broadcast_in_dim3A_302] : memref<624xf32, #tpu.memory_space<vmem>>[vector<16xi32>], vector<16xf32>,
      %swap3A_304 = arith.constant 9 : i32
      %swap3A_305 = arith.index_cast %swap3A_304 : i32 to index
      %swap3A_306 = arith.constant 0 : index
      %swap3A_307 = tpu.vector_load %arg19[%swap3A_305, %swap3A_306] {strides = array<i32>} : memref<624x16xf32, #tpu.memory_space<vmem>>, vector<16xf32>,
      tpu.vector_store %arg19[%swap3A_305, %swap3A_306], %gather3A_303 {strides = array<i32>} : memref<624x16xf32, #tpu.memory_space<vmem>>, vector<16xf32>,
      %broadcast_in_dim3A_308 = arith.constant 10 : i32
      %broadcast_in_dim3A_309 = vector.broadcast %broadcast_in_dim3A_308 : i32 to vector<16xi32>
      %gather3A_310 = tpu.vector_load_idx %arg18[%broadcast_in_dim3A_309] : memref<624xf32, #tpu.memory_space<vmem>>[vector<16xi32>], vector<16xf32>,
      %swap3A_311 = arith.constant 10 : i32
      %swap3A_312 = arith.index_cast %swap3A_311 : i32 to index
      %swap3A_313 = arith.constant 0 : index
      %swap3A_314 = tpu.vector_load %arg19[%swap3A_312, %swap3A_313] {strides = array<i32>} : memref<624x16xf32, #tpu.memory_space<vmem>>, vector<16xf32>,
      tpu.vector_store %arg19[%swap3A_312, %swap3A_313], %gather3A_310 {strides = array<i32>} : memref<624x16xf32, #tpu.memory_space<vmem>>, vector<16xf32>,
      %broadcast_in_dim3A_315 = arith.constant 11 : i32
      %broadcast_in_dim3A_316 = vector.broadcast %broadcast_in_dim3A_315 : i32 to vector<16xi32>
      %gather3A_317 = tpu.vector_load_idx %arg18[%broadcast_in_dim3A_316] : memref<624xf32, #tpu.memory_space<vmem>>[vector<16xi32>], vector<16xf32>,
      %swap3A_318 = arith.constant 11 : i32
      %swap3A_319 = arith.index_cast %swap3A_318 : i32 to index
      %swap3A_320 = arith.constant 0 : index
      %swap3A_321 = tpu.vector_load %arg19[%swap3A_319, %swap3A_320] {strides = array<i32>} : memref<624x16xf32, #tpu.memory_space<vmem>>, vector<16xf32>,
      tpu.vector_store %arg19[%swap3A_319, %swap3A_320], %gather3A_317 {strides = array<i32>} : memref<624x16xf32, #tpu.memory_space<vmem>>, vector<16xf32>,
      %broadcast_in_dim3A_322 = arith.constant 12 : i32
      %broadcast_in_dim3A_323 = vector.broadcast %broadcast_in_dim3A_322 : i32 to vector<16xi32>
      %gather3A_324 = tpu.vector_load_idx %arg18[%broadcast_in_dim3A_323] : memref<624xf32, #tpu.memory_space<vmem>>[vector<16xi32>], vector<16xf32>,
      %swap3A_325 = arith.constant 12 : i32
      %swap3A_326 = arith.index_cast %swap3A_325 : i32 to index
      %swap3A_327 = arith.constant 0 : index
      %swap3A_328 = tpu.vector_load %arg19[%swap3A_326, %swap3A_327] {strides = array<i32>} : memref<624x16xf32, #tpu.memory_space<vmem>>, vector<16xf32>,
      tpu.vector_store %arg19[%swap3A_326, %swap3A_327], %gather3A_324 {strides = array<i32>} : memref<624x16xf32, #tpu.memory_space<vmem>>, vector<16xf32>,
      %broadcast_in_dim3A_329 = arith.constant 13 : i32
      %broadcast_in_dim3A_330 = vector.broadcast %broadcast_in_dim3A_329 : i32 to vector<16xi32>
      %gather3A_331 = tpu.vector_load_idx %arg18[%broadcast_in_dim3A_330] : memref<624xf32, #tpu.memory_space<vmem>>[vector<16xi32>], vector<16xf32>,
      %swap3A_332 = arith.constant 13 : i32
      %swap3A_333 = arith.index_cast %swap3A_332 : i32 to index
      %swap3A_334 = arith.constant 0 : index
      %swap3A_335 = tpu.vector_load %arg19[%swap3A_333, %swap3A_334] {strides = array<i32>} : memref<624x16xf32, #tpu.memory_space<vmem>>, vector<16xf32>,
      tpu.vector_store %arg19[%swap3A_333, %swap3A_334], %gather3A_331 {strides = array<i32>} : memref<624x16xf32, #tpu.memory_space<vmem>>, vector<16xf32>,
      %broadcast_in_dim3A_336 = arith.constant 14 : i32
      %broadcast_in_dim3A_337 = vector.broadcast %broadcast_in_dim3A_336 : i32 to vector<16xi32>
      %gather3A_338 = tpu.vector_load_idx %arg18[%broadcast_in_dim3A_337] : memref<624xf32, #tpu.memory_space<vmem>>[vector<16xi32>], vector<16xf32>,
      %swap3A_339 = arith.constant 14 : i32
      %swap3A_340 = arith.index_cast %swap3A_339 : i32 to index
      %swap3A_341 = arith.constant 0 : index
      %swap3A_342 = tpu.vector_load %arg19[%swap3A_340, %swap3A_341] {strides = array<i32>} : memref<624x16xf32, #tpu.memory_space<vmem>>, vector<16xf32>,
      tpu.vector_store %arg19[%swap3A_340, %swap3A_341], %gather3A_338 {strides = array<i32>} : memref<624x16xf32, #tpu.memory_space<vmem>>, vector<16xf32>,
      %broadcast_in_dim3A_343 = arith.constant 15 : i32
      %broadcast_in_dim3A_344 = vector.broadcast %broadcast_in_dim3A_343 : i32 to vector<16xi32>
      %gather3A_345 = tpu.vector_load_idx %arg18[%broadcast_in_dim3A_344] : memref<624xf32, #tpu.memory_space<vmem>>[vector<16xi32>], vector<16xf32>,
      %swap3A_346 = arith.constant 15 : i32
      %swap3A_347 = arith.index_cast %swap3A_346 : i32 to index
      %swap3A_348 = arith.constant 0 : index
      %swap3A_349 = tpu.vector_load %arg19[%swap3A_347, %swap3A_348] {strides = array<i32>} : memref<624x16xf32, #tpu.memory_space<vmem>>, vector<16xf32>,
      tpu.vector_store %arg19[%swap3A_347, %swap3A_348], %gather3A_345 {strides = array<i32>} : memref<624x16xf32, #tpu.memory_space<vmem>>, vector<16xf32>,
      "tpu.region"() ({
        %run_scoped3A = tpu.sem_alloc : memref<!tpu.dma_semaphore, #tpu.memory_space<semaphore_mem>>
        %dma_start3A_350 = arith.constant 0 : i32
        %dma_start3A_351 = arith.constant 0 : i32
        %dma_start3A_352 = tpu.memref_slice %arg19[%dma_start3A_350, %dma_start3A_351] : memref<624x16xf32, #tpu.memory_space<vmem>> -> memref<16x16xf32, #tpu.memory_space<vmem>>
        %dma_start3A_353 = arith.constant 9984 : i32
        %dma_start3A_354 = arith.constant 0 : i32
        %dma_start3A_355 = tpu.memref_slice %arg10[%arg0, %dma_start3A_353, %dma_start3A_354] : memref<2x10000x16xf32, #tpu.memory_space<hbm>> -> memref<1x16x16xf32, #tpu.memory_space<hbm>>
        %dma_start3A_356 = tpu.memref_squeeze %dma_start3A_355 : memref<1x16x16xf32, #tpu.memory_space<hbm>> -> memref<16x16xf32, #tpu.memory_space<hbm>>
        %dma_start3A_357 = arith.constant 9984 : i32
        %dma_start3A_358 = arith.constant 0 : i32
        %dma_start3A_359 = tpu.memref_slice %arg10[%arg0, %dma_start3A_357, %dma_start3A_358] : memref<2x10000x16xf32, #tpu.memory_space<hbm>> -> memref<1x16x16xf32, #tpu.memory_space<hbm>>
        %dma_start3A_360 = tpu.memref_squeeze %dma_start3A_359 : memref<1x16x16xf32, #tpu.memory_space<hbm>> -> memref<16x16xf32, #tpu.memory_space<hbm>>
        %dma_start3A_361 = arith.constant 0 : i32
        %dma_start3A_362 = arith.constant 0 : i32
        %dma_start3A_363 = tpu.memref_slice %arg19[%dma_start3A_361, %dma_start3A_362] : memref<624x16xf32, #tpu.memory_space<vmem>> -> memref<16x16xf32, #tpu.memory_space<vmem>>
        tpu.enqueue_dma source(%dma_start3A_363 : memref<16x16xf32, #tpu.memory_space<vmem>>) target(%dma_start3A_360 : memref<16x16xf32, #tpu.memory_space<hbm>>) target_semaphore(%run_scoped3A : memref<!tpu.dma_semaphore, #tpu.memory_space<semaphore_mem>>)
        %dma_wait3A_364 = arith.constant 0 : i32
        %dma_wait3A_365 = arith.constant 0 : i32
        %dma_wait3A_366 = tpu.memref_slice %arg19[%dma_wait3A_364, %dma_wait3A_365] : memref<624x16xf32, #tpu.memory_space<vmem>> -> memref<16x16xf32, #tpu.memory_space<vmem>>
        %dma_wait3A_367 = arith.constant 9984 : i32
        %dma_wait3A_368 = arith.constant 0 : i32
        %dma_wait3A_369 = tpu.memref_slice %arg10[%arg0, %dma_wait3A_367, %dma_wait3A_368] : memref<2x10000x16xf32, #tpu.memory_space<hbm>> -> memref<1x16x16xf32, #tpu.memory_space<hbm>>
        %dma_wait3A_370 = tpu.memref_squeeze %dma_wait3A_369 : memref<1x16x16xf32, #tpu.memory_space<hbm>> -> memref<16x16xf32, #tpu.memory_space<hbm>>
        %dma_wait3A_371 = arith.constant 9984 : i32
        %dma_wait3A_372 = arith.constant 0 : i32
        %dma_wait3A_373 = tpu.memref_slice %arg10[%arg0, %dma_wait3A_371, %dma_wait3A_372] : memref<2x10000x16xf32, #tpu.memory_space<hbm>> -> memref<1x16x16xf32, #tpu.memory_space<hbm>>
        %dma_wait3A_374 = tpu.memref_squeeze %dma_wait3A_373 : memref<1x16x16xf32, #tpu.memory_space<hbm>> -> memref<16x16xf32, #tpu.memory_space<hbm>>
        %dma_wait3A_375 = arith.constant 0 : i32
        %dma_wait3A_376 = arith.constant 0 : i32
        %dma_wait3A_377 = tpu.memref_slice %arg19[%dma_wait3A_375, %dma_wait3A_376] : memref<624x16xf32, #tpu.memory_space<vmem>> -> memref<16x16xf32, #tpu.memory_space<vmem>>
        tpu.wait_dma2 semaphore(%run_scoped3A : memref<!tpu.dma_semaphore, #tpu.memory_space<semaphore_mem>>) src(%dma_wait3A_377 : memref<16x16xf32, #tpu.memory_space<vmem>>) dst(%dma_wait3A_374 : memref<16x16xf32, #tpu.memory_space<hbm>>)
        tpu.yield
      }) : () -> ()
    } else {
    }
    return
  }
}

#map = affine_map<(d0, d1) -> (0, 0)>
#map1 = affine_map<(d0, d1) -> (0)>
#map2 = affine_map<(d0, d1) -> (0, 0, 0)>
module attributes {stable_mosaic.version = 14 : i64} {
  func.func @_edge_body(%arg0: i32, %arg1: i32, %arg2: memref<10016x16xf32, #tpu.memory_space<hbm>>, %arg3: memref<323584xi32, #tpu.memory_space<hbm>>, %arg4: memref<323584xi32, #tpu.memory_space<hbm>>, %arg5: memref<10016xf32, #tpu.memory_space<hbm>>, %arg6: memref<10016xf32, #tpu.memory_space<hbm>>, %arg7: memref<10016x16xf32, #tpu.memory_space<hbm>>, %arg8: memref<10016xf32, #tpu.memory_space<hbm>>, %arg9: memref<2x10000x16xf32, #tpu.memory_space<hbm>>, %arg10: memref<2x10000x16xf32, #tpu.memory_space<hbm>>, %arg11: memref<10016xf32, #tpu.memory_space<vmem>>, %arg12: memref<10016xf32, #tpu.memory_space<vmem>>, %arg13: memref<8x128xi32, #tpu.memory_space<vmem>>, %arg14: memref<8x128xi32, #tpu.memory_space<vmem>>, %arg15: memref<3x128x16xf32, #tpu.memory_space<vmem>>, %arg16: memref<3x128x16xf32, #tpu.memory_space<vmem>>, %arg17: memref<3x128xf32, #tpu.memory_space<vmem>>, %arg18: memref<624xf32, #tpu.memory_space<vmem>>, %arg19: memref<624x16xf32, #tpu.memory_space<vmem>>, %arg20: memref<10016x16xf32, #tpu.memory_space<vmem_shared>>, %arg21: memref<10016xf32, #tpu.memory_space<vmem_shared>>, %arg22: memref<10016x16xf32, #tpu.memory_space<vmem_shared>>, %arg23: memref<!tpu.dma_semaphore, #tpu.memory_space<semaphore_mem>>, %arg24: memref<!tpu.dma_semaphore, #tpu.memory_space<semaphore_mem>>, %arg25: memref<!tpu.dma_semaphore, #tpu.memory_space<semaphore_mem>>, %arg26: memref<!tpu.dma_semaphore, #tpu.memory_space<semaphore_mem>>) attributes {dimension_semantics = [#tpu.dimension_semantics<core_parallel>, #tpu.dimension_semantics<subcore_parallel>], iteration_bounds = array<i64: 2, 16>, scalar_prefetch = 0 : i64, scratch_operands = 16 : i64, tpu.core_type = #tpu.core_type<sc_vector_subcore>, window_params = [{transform_indices = #map}, {transform_indices = #map1}, {transform_indices = #map1}, {transform_indices = #map1}, {transform_indices = #map1}, {transform_indices = #map}, {transform_indices = #map1}, {transform_indices = #map2}, {transform_indices = #map2}]} {
    %mul3A = arith.constant 2 : i32
    %mul3A_0 = arith.muli %arg1, %mul3A : i32
    %add3A = arith.addi %mul3A_0, %arg0 : i32
    "tpu.region"() ({
      %run_scoped3A = tpu.sem_alloc : memref<!tpu.dma_semaphore, #tpu.memory_space<semaphore_mem>>
      tpu.enqueue_dma source(%arg5 : memref<10016xf32, #tpu.memory_space<hbm>>) target(%arg11 : memref<10016xf32, #tpu.memory_space<vmem>>) target_semaphore(%run_scoped3A : memref<!tpu.dma_semaphore, #tpu.memory_space<semaphore_mem>>)
      tpu.wait_dma2 semaphore(%run_scoped3A : memref<!tpu.dma_semaphore, #tpu.memory_space<semaphore_mem>>) src(%arg5 : memref<10016xf32, #tpu.memory_space<hbm>>) dst(%arg11 : memref<10016xf32, #tpu.memory_space<vmem>>)
      tpu.yield
    }) : () -> ()
    "tpu.region"() ({
      %run_scoped3A = tpu.sem_alloc : memref<!tpu.dma_semaphore, #tpu.memory_space<semaphore_mem>>
      tpu.enqueue_dma source(%arg6 : memref<10016xf32, #tpu.memory_space<hbm>>) target(%arg12 : memref<10016xf32, #tpu.memory_space<vmem>>) target_semaphore(%run_scoped3A : memref<!tpu.dma_semaphore, #tpu.memory_space<semaphore_mem>>)
      tpu.wait_dma2 semaphore(%run_scoped3A : memref<!tpu.dma_semaphore, #tpu.memory_space<semaphore_mem>>) src(%arg6 : memref<10016xf32, #tpu.memory_space<hbm>>) dst(%arg12 : memref<10016xf32, #tpu.memory_space<vmem>>)
      tpu.yield
    }) : () -> ()
    %mul3A_1 = arith.constant 624 : i32
    %mul3A_2 = arith.muli %arg1, %mul3A_1 : i32
    %mul3A_3 = arith.constant 624 : i32
    %mul3A_4 = arith.muli %arg1, %mul3A_3 : i32
    "tpu.region"() ({
      %run_scoped3A = tpu.sem_alloc : memref<!tpu.dma_semaphore, #tpu.memory_space<semaphore_mem>>
      %dma_start3A_241 = arith.constant 0 : i32
      %dma_start3A_242 = tpu.memref_slice %arg22[%mul3A_4, %dma_start3A_241] : memref<10016x16xf32, #tpu.memory_space<vmem_shared>> -> memref<624x16xf32, #tpu.memory_space<vmem_shared>>
      %dma_start3A_243 = arith.constant 0 : i32
      %dma_start3A_244 = tpu.memref_slice %arg2[%mul3A_2, %dma_start3A_243] : memref<10016x16xf32, #tpu.memory_space<hbm>> -> memref<624x16xf32, #tpu.memory_space<hbm>>
      tpu.enqueue_dma source(%dma_start3A_244 : memref<624x16xf32, #tpu.memory_space<hbm>>) target(%dma_start3A_242 : memref<624x16xf32, #tpu.memory_space<vmem_shared>>) target_semaphore(%run_scoped3A : memref<!tpu.dma_semaphore, #tpu.memory_space<semaphore_mem>>)
      %dma_wait3A_245 = arith.constant 0 : i32
      %dma_wait3A_246 = tpu.memref_slice %arg22[%mul3A_4, %dma_wait3A_245] : memref<10016x16xf32, #tpu.memory_space<vmem_shared>> -> memref<624x16xf32, #tpu.memory_space<vmem_shared>>
      %dma_wait3A_247 = arith.constant 0 : i32
      %dma_wait3A_248 = tpu.memref_slice %arg2[%mul3A_2, %dma_wait3A_247] : memref<10016x16xf32, #tpu.memory_space<hbm>> -> memref<624x16xf32, #tpu.memory_space<hbm>>
      tpu.wait_dma2 semaphore(%run_scoped3A : memref<!tpu.dma_semaphore, #tpu.memory_space<semaphore_mem>>) src(%dma_wait3A_248 : memref<624x16xf32, #tpu.memory_space<hbm>>) dst(%dma_wait3A_246 : memref<624x16xf32, #tpu.memory_space<vmem_shared>>)
      tpu.yield
    }) : () -> ()
    %eq3A = arith.constant 15 : i32
    %eq3A_5 = arith.cmpi eq, %arg1, %eq3A : i32
    %convert_element_type3A = arith.extui %eq3A_5 : i1 to i32
    %cond3A = arith.constant 0 : i32
    %cond3A_6 = arith.cmpi ne, %convert_element_type3A, %cond3A : i32
    scf.if %cond3A_6 {
      "tpu.region"() ({
        %run_scoped3A = tpu.sem_alloc : memref<!tpu.dma_semaphore, #tpu.memory_space<semaphore_mem>>
        %dma_start3A_241 = arith.constant 9984 : i32
        %dma_start3A_242 = arith.constant 0 : i32
        %dma_start3A_243 = tpu.memref_slice %arg22[%dma_start3A_241, %dma_start3A_242] : memref<10016x16xf32, #tpu.memory_space<vmem_shared>> -> memref<32x16xf32, #tpu.memory_space<vmem_shared>>
        %dma_start3A_244 = arith.constant 9984 : i32
        %dma_start3A_245 = arith.constant 0 : i32
        %dma_start3A_246 = tpu.memref_slice %arg2[%dma_start3A_244, %dma_start3A_245] : memref<10016x16xf32, #tpu.memory_space<hbm>> -> memref<32x16xf32, #tpu.memory_space<hbm>>
        tpu.enqueue_dma source(%dma_start3A_246 : memref<32x16xf32, #tpu.memory_space<hbm>>) target(%dma_start3A_243 : memref<32x16xf32, #tpu.memory_space<vmem_shared>>) target_semaphore(%run_scoped3A : memref<!tpu.dma_semaphore, #tpu.memory_space<semaphore_mem>>)
        %dma_wait3A_247 = arith.constant 9984 : i32
        %dma_wait3A_248 = arith.constant 0 : i32
        %dma_wait3A_249 = tpu.memref_slice %arg22[%dma_wait3A_247, %dma_wait3A_248] : memref<10016x16xf32, #tpu.memory_space<vmem_shared>> -> memref<32x16xf32, #tpu.memory_space<vmem_shared>>
        %dma_wait3A_250 = arith.constant 9984 : i32
        %dma_wait3A_251 = arith.constant 0 : i32
        %dma_wait3A_252 = tpu.memref_slice %arg2[%dma_wait3A_250, %dma_wait3A_251] : memref<10016x16xf32, #tpu.memory_space<hbm>> -> memref<32x16xf32, #tpu.memory_space<hbm>>
        tpu.wait_dma2 semaphore(%run_scoped3A : memref<!tpu.dma_semaphore, #tpu.memory_space<semaphore_mem>>) src(%dma_wait3A_252 : memref<32x16xf32, #tpu.memory_space<hbm>>) dst(%dma_wait3A_249 : memref<32x16xf32, #tpu.memory_space<vmem_shared>>)
        tpu.yield
      }) : () -> ()
    } else {
    }
    %mul3A_7 = arith.constant 624 : i32
    %mul3A_8 = arith.muli %arg1, %mul3A_7 : i32
    %mul3A_9 = arith.constant 624 : i32
    %mul3A_10 = arith.muli %arg1, %mul3A_9 : i32
    "tpu.region"() ({
      %run_scoped3A = tpu.sem_alloc : memref<!tpu.dma_semaphore, #tpu.memory_space<semaphore_mem>>
      %dma_start3A_241 = arith.constant 0 : i32
      %dma_start3A_242 = tpu.memref_slice %arg20[%mul3A_10, %dma_start3A_241] : memref<10016x16xf32, #tpu.memory_space<vmem_shared>> -> memref<624x16xf32, #tpu.memory_space<vmem_shared>>
      %dma_start3A_243 = arith.constant 0 : i32
      %dma_start3A_244 = tpu.memref_slice %arg7[%mul3A_8, %dma_start3A_243] : memref<10016x16xf32, #tpu.memory_space<hbm>> -> memref<624x16xf32, #tpu.memory_space<hbm>>
      tpu.enqueue_dma source(%dma_start3A_244 : memref<624x16xf32, #tpu.memory_space<hbm>>) target(%dma_start3A_242 : memref<624x16xf32, #tpu.memory_space<vmem_shared>>) target_semaphore(%run_scoped3A : memref<!tpu.dma_semaphore, #tpu.memory_space<semaphore_mem>>)
      %dma_wait3A_245 = arith.constant 0 : i32
      %dma_wait3A_246 = tpu.memref_slice %arg20[%mul3A_10, %dma_wait3A_245] : memref<10016x16xf32, #tpu.memory_space<vmem_shared>> -> memref<624x16xf32, #tpu.memory_space<vmem_shared>>
      %dma_wait3A_247 = arith.constant 0 : i32
      %dma_wait3A_248 = tpu.memref_slice %arg7[%mul3A_8, %dma_wait3A_247] : memref<10016x16xf32, #tpu.memory_space<hbm>> -> memref<624x16xf32, #tpu.memory_space<hbm>>
      tpu.wait_dma2 semaphore(%run_scoped3A : memref<!tpu.dma_semaphore, #tpu.memory_space<semaphore_mem>>) src(%dma_wait3A_248 : memref<624x16xf32, #tpu.memory_space<hbm>>) dst(%dma_wait3A_246 : memref<624x16xf32, #tpu.memory_space<vmem_shared>>)
      tpu.yield
    }) : () -> ()
    %mul3A_11 = arith.constant 624 : i32
    %mul3A_12 = arith.muli %arg1, %mul3A_11 : i32
    %mul3A_13 = arith.constant 624 : i32
    %mul3A_14 = arith.muli %arg1, %mul3A_13 : i32
    "tpu.region"() ({
      %run_scoped3A = tpu.sem_alloc : memref<!tpu.dma_semaphore, #tpu.memory_space<semaphore_mem>>
      %dma_start3A_241 = tpu.memref_slice %arg21[%mul3A_14] : memref<10016xf32, #tpu.memory_space<vmem_shared>> -> memref<624xf32, #tpu.memory_space<vmem_shared>>
      %dma_start3A_242 = tpu.memref_slice %arg8[%mul3A_12] : memref<10016xf32, #tpu.memory_space<hbm>> -> memref<624xf32, #tpu.memory_space<hbm>>
      tpu.enqueue_dma source(%dma_start3A_242 : memref<624xf32, #tpu.memory_space<hbm>>) target(%dma_start3A_241 : memref<624xf32, #tpu.memory_space<vmem_shared>>) target_semaphore(%run_scoped3A : memref<!tpu.dma_semaphore, #tpu.memory_space<semaphore_mem>>)
      %dma_wait3A_243 = tpu.memref_slice %arg21[%mul3A_14] : memref<10016xf32, #tpu.memory_space<vmem_shared>> -> memref<624xf32, #tpu.memory_space<vmem_shared>>
      %dma_wait3A_244 = tpu.memref_slice %arg8[%mul3A_12] : memref<10016xf32, #tpu.memory_space<hbm>> -> memref<624xf32, #tpu.memory_space<hbm>>
      tpu.wait_dma2 semaphore(%run_scoped3A : memref<!tpu.dma_semaphore, #tpu.memory_space<semaphore_mem>>) src(%dma_wait3A_244 : memref<624xf32, #tpu.memory_space<hbm>>) dst(%dma_wait3A_243 : memref<624xf32, #tpu.memory_space<vmem_shared>>)
      tpu.yield
    }) : () -> ()
    %eq3A_15 = arith.constant 15 : i32
    %eq3A_16 = arith.cmpi eq, %arg1, %eq3A_15 : i32
    %convert_element_type3A_17 = arith.extui %eq3A_16 : i1 to i32
    %cond3A_18 = arith.constant 0 : i32
    %cond3A_19 = arith.cmpi ne, %convert_element_type3A_17, %cond3A_18 : i32
    scf.if %cond3A_19 {
      "tpu.region"() ({
        %run_scoped3A = tpu.sem_alloc : memref<!tpu.dma_semaphore, #tpu.memory_space<semaphore_mem>>
        %dma_start3A_241 = arith.constant 9984 : i32
        %dma_start3A_242 = arith.constant 0 : i32
        %dma_start3A_243 = tpu.memref_slice %arg20[%dma_start3A_241, %dma_start3A_242] : memref<10016x16xf32, #tpu.memory_space<vmem_shared>> -> memref<32x16xf32, #tpu.memory_space<vmem_shared>>
        %dma_start3A_244 = arith.constant 9984 : i32
        %dma_start3A_245 = arith.constant 0 : i32
        %dma_start3A_246 = tpu.memref_slice %arg7[%dma_start3A_244, %dma_start3A_245] : memref<10016x16xf32, #tpu.memory_space<hbm>> -> memref<32x16xf32, #tpu.memory_space<hbm>>
        tpu.enqueue_dma source(%dma_start3A_246 : memref<32x16xf32, #tpu.memory_space<hbm>>) target(%dma_start3A_243 : memref<32x16xf32, #tpu.memory_space<vmem_shared>>) target_semaphore(%run_scoped3A : memref<!tpu.dma_semaphore, #tpu.memory_space<semaphore_mem>>)
        %dma_wait3A_247 = arith.constant 9984 : i32
        %dma_wait3A_248 = arith.constant 0 : i32
        %dma_wait3A_249 = tpu.memref_slice %arg20[%dma_wait3A_247, %dma_wait3A_248] : memref<10016x16xf32, #tpu.memory_space<vmem_shared>> -> memref<32x16xf32, #tpu.memory_space<vmem_shared>>
        %dma_wait3A_250 = arith.constant 9984 : i32
        %dma_wait3A_251 = arith.constant 0 : i32
        %dma_wait3A_252 = tpu.memref_slice %arg7[%dma_wait3A_250, %dma_wait3A_251] : memref<10016x16xf32, #tpu.memory_space<hbm>> -> memref<32x16xf32, #tpu.memory_space<hbm>>
        tpu.wait_dma2 semaphore(%run_scoped3A : memref<!tpu.dma_semaphore, #tpu.memory_space<semaphore_mem>>) src(%dma_wait3A_252 : memref<32x16xf32, #tpu.memory_space<hbm>>) dst(%dma_wait3A_249 : memref<32x16xf32, #tpu.memory_space<vmem_shared>>)
        tpu.yield
      }) : () -> ()
      "tpu.region"() ({
        %run_scoped3A = tpu.sem_alloc : memref<!tpu.dma_semaphore, #tpu.memory_space<semaphore_mem>>
        %dma_start3A_241 = arith.constant 9984 : i32
        %dma_start3A_242 = tpu.memref_slice %arg21[%dma_start3A_241] : memref<10016xf32, #tpu.memory_space<vmem_shared>> -> memref<32xf32, #tpu.memory_space<vmem_shared>>
        %dma_start3A_243 = arith.constant 9984 : i32
        %dma_start3A_244 = tpu.memref_slice %arg8[%dma_start3A_243] : memref<10016xf32, #tpu.memory_space<hbm>> -> memref<32xf32, #tpu.memory_space<hbm>>
        tpu.enqueue_dma source(%dma_start3A_244 : memref<32xf32, #tpu.memory_space<hbm>>) target(%dma_start3A_242 : memref<32xf32, #tpu.memory_space<vmem_shared>>) target_semaphore(%run_scoped3A : memref<!tpu.dma_semaphore, #tpu.memory_space<semaphore_mem>>)
        %dma_wait3A_245 = arith.constant 9984 : i32
        %dma_wait3A_246 = tpu.memref_slice %arg21[%dma_wait3A_245] : memref<10016xf32, #tpu.memory_space<vmem_shared>> -> memref<32xf32, #tpu.memory_space<vmem_shared>>
        %dma_wait3A_247 = arith.constant 9984 : i32
        %dma_wait3A_248 = tpu.memref_slice %arg8[%dma_wait3A_247] : memref<10016xf32, #tpu.memory_space<hbm>> -> memref<32xf32, #tpu.memory_space<hbm>>
        tpu.wait_dma2 semaphore(%run_scoped3A : memref<!tpu.dma_semaphore, #tpu.memory_space<semaphore_mem>>) src(%dma_wait3A_248 : memref<32xf32, #tpu.memory_space<hbm>>) dst(%dma_wait3A_246 : memref<32xf32, #tpu.memory_space<vmem_shared>>)
        tpu.yield
      }) : () -> ()
    } else {
    }
    %barrier3A = arith.constant 0 : index
    tpu.barrier barrier_id(%barrier3A)
    %mul3A_20 = arith.constant 128 : i32
    %mul3A_21 = arith.muli %add3A, %mul3A_20 : i32
    %dma_start3A = arith.constant 0 : i32
    %dma_start3A_22 = arith.constant 0 : i32
    %dma_start3A_23 = tpu.memref_slice %arg13[%dma_start3A, %dma_start3A_22] : memref<8x128xi32, #tpu.memory_space<vmem>> -> memref<1x128xi32, #tpu.memory_space<vmem>>
    %dma_start3A_24 = tpu.memref_squeeze %dma_start3A_23 : memref<1x128xi32, #tpu.memory_space<vmem>> -> memref<128xi32, #tpu.memory_space<vmem>>
    %dma_start3A_25 = tpu.memref_slice %arg3[%mul3A_21] : memref<323584xi32, #tpu.memory_space<hbm>> -> memref<128xi32, #tpu.memory_space<hbm>>
    %dma_start3A_26 = arith.constant 0 : i32
    %dma_start3A_27 = tpu.memref_slice %arg13[%dma_start3A, %dma_start3A_26] : memref<8x128xi32, #tpu.memory_space<vmem>> -> memref<1x128xi32, #tpu.memory_space<vmem>>
    %dma_start3A_28 = tpu.memref_squeeze %dma_start3A_27 : memref<1x128xi32, #tpu.memory_space<vmem>> -> memref<128xi32, #tpu.memory_space<vmem>>
    %dma_start3A_29 = tpu.memref_slice %arg3[%mul3A_21] : memref<323584xi32, #tpu.memory_space<hbm>> -> memref<128xi32, #tpu.memory_space<hbm>>
    tpu.enqueue_dma source(%dma_start3A_29 : memref<128xi32, #tpu.memory_space<hbm>>) target(%dma_start3A_28 : memref<128xi32, #tpu.memory_space<vmem>>) target_semaphore(%arg23 : memref<!tpu.dma_semaphore, #tpu.memory_space<semaphore_mem>>)
    %dma_start3A_30 = arith.constant 0 : i32
    %dma_start3A_31 = arith.constant 0 : i32
    %dma_start3A_32 = tpu.memref_slice %arg14[%dma_start3A_30, %dma_start3A_31] : memref<8x128xi32, #tpu.memory_space<vmem>> -> memref<1x128xi32, #tpu.memory_space<vmem>>
    %dma_start3A_33 = tpu.memref_squeeze %dma_start3A_32 : memref<1x128xi32, #tpu.memory_space<vmem>> -> memref<128xi32, #tpu.memory_space<vmem>>
    %dma_start3A_34 = tpu.memref_slice %arg4[%mul3A_21] : memref<323584xi32, #tpu.memory_space<hbm>> -> memref<128xi32, #tpu.memory_space<hbm>>
    %dma_start3A_35 = arith.constant 0 : i32
    %dma_start3A_36 = tpu.memref_slice %arg14[%dma_start3A_30, %dma_start3A_35] : memref<8x128xi32, #tpu.memory_space<vmem>> -> memref<1x128xi32, #tpu.memory_space<vmem>>
    %dma_start3A_37 = tpu.memref_squeeze %dma_start3A_36 : memref<1x128xi32, #tpu.memory_space<vmem>> -> memref<128xi32, #tpu.memory_space<vmem>>
    %dma_start3A_38 = tpu.memref_slice %arg4[%mul3A_21] : memref<323584xi32, #tpu.memory_space<hbm>> -> memref<128xi32, #tpu.memory_space<hbm>>
    tpu.enqueue_dma source(%dma_start3A_38 : memref<128xi32, #tpu.memory_space<hbm>>) target(%dma_start3A_37 : memref<128xi32, #tpu.memory_space<vmem>>) target_semaphore(%arg23 : memref<!tpu.dma_semaphore, #tpu.memory_space<semaphore_mem>>)
    %add3A_39 = arith.constant 32 : i32
    %add3A_40 = arith.addi %add3A, %add3A_39 : i32
    %mul3A_41 = arith.constant 128 : i32
    %mul3A_42 = arith.muli %add3A_40, %mul3A_41 : i32
    %dma_start3A_43 = arith.constant 1 : i32
    %dma_start3A_44 = arith.constant 0 : i32
    %dma_start3A_45 = tpu.memref_slice %arg13[%dma_start3A_43, %dma_start3A_44] : memref<8x128xi32, #tpu.memory_space<vmem>> -> memref<1x128xi32, #tpu.memory_space<vmem>>
    %dma_start3A_46 = tpu.memref_squeeze %dma_start3A_45 : memref<1x128xi32, #tpu.memory_space<vmem>> -> memref<128xi32, #tpu.memory_space<vmem>>
    %dma_start3A_47 = tpu.memref_slice %arg3[%mul3A_42] : memref<323584xi32, #tpu.memory_space<hbm>> -> memref<128xi32, #tpu.memory_space<hbm>>
    %dma_start3A_48 = arith.constant 0 : i32
    %dma_start3A_49 = tpu.memref_slice %arg13[%dma_start3A_43, %dma_start3A_48] : memref<8x128xi32, #tpu.memory_space<vmem>> -> memref<1x128xi32, #tpu.memory_space<vmem>>
    %dma_start3A_50 = tpu.memref_squeeze %dma_start3A_49 : memref<1x128xi32, #tpu.memory_space<vmem>> -> memref<128xi32, #tpu.memory_space<vmem>>
    %dma_start3A_51 = tpu.memref_slice %arg3[%mul3A_42] : memref<323584xi32, #tpu.memory_space<hbm>> -> memref<128xi32, #tpu.memory_space<hbm>>
    tpu.enqueue_dma source(%dma_start3A_51 : memref<128xi32, #tpu.memory_space<hbm>>) target(%dma_start3A_50 : memref<128xi32, #tpu.memory_space<vmem>>) target_semaphore(%arg23 : memref<!tpu.dma_semaphore, #tpu.memory_space<semaphore_mem>>)
    %dma_start3A_52 = arith.constant 1 : i32
    %dma_start3A_53 = arith.constant 0 : i32
    %dma_start3A_54 = tpu.memref_slice %arg14[%dma_start3A_52, %dma_start3A_53] : memref<8x128xi32, #tpu.memory_space<vmem>> -> memref<1x128xi32, #tpu.memory_space<vmem>>
    %dma_start3A_55 = tpu.memref_squeeze %dma_start3A_54 : memref<1x128xi32, #tpu.memory_space<vmem>> -> memref<128xi32, #tpu.memory_space<vmem>>
    %dma_start3A_56 = tpu.memref_slice %arg4[%mul3A_42] : memref<323584xi32, #tpu.memory_space<hbm>> -> memref<128xi32, #tpu.memory_space<hbm>>
    %dma_start3A_57 = arith.constant 0 : i32
    %dma_start3A_58 = tpu.memref_slice %arg14[%dma_start3A_52, %dma_start3A_57] : memref<8x128xi32, #tpu.memory_space<vmem>> -> memref<1x128xi32, #tpu.memory_space<vmem>>
    %dma_start3A_59 = tpu.memref_squeeze %dma_start3A_58 : memref<1x128xi32, #tpu.memory_space<vmem>> -> memref<128xi32, #tpu.memory_space<vmem>>
    %dma_start3A_60 = tpu.memref_slice %arg4[%mul3A_42] : memref<323584xi32, #tpu.memory_space<hbm>> -> memref<128xi32, #tpu.memory_space<hbm>>
    tpu.enqueue_dma source(%dma_start3A_60 : memref<128xi32, #tpu.memory_space<hbm>>) target(%dma_start3A_59 : memref<128xi32, #tpu.memory_space<vmem>>) target_semaphore(%arg23 : memref<!tpu.dma_semaphore, #tpu.memory_space<semaphore_mem>>)
    %add3A_61 = arith.constant 64 : i32
    %add3A_62 = arith.addi %add3A, %add3A_61 : i32
    %mul3A_63 = arith.constant 128 : i32
    %mul3A_64 = arith.muli %add3A_62, %mul3A_63 : i32
    %dma_start3A_65 = arith.constant 2 : i32
    %dma_start3A_66 = arith.constant 0 : i32
    %dma_start3A_67 = tpu.memref_slice %arg13[%dma_start3A_65, %dma_start3A_66] : memref<8x128xi32, #tpu.memory_space<vmem>> -> memref<1x128xi32, #tpu.memory_space<vmem>>
    %dma_start3A_68 = tpu.memref_squeeze %dma_start3A_67 : memref<1x128xi32, #tpu.memory_space<vmem>> -> memref<128xi32, #tpu.memory_space<vmem>>
    %dma_start3A_69 = tpu.memref_slice %arg3[%mul3A_64] : memref<323584xi32, #tpu.memory_space<hbm>> -> memref<128xi32, #tpu.memory_space<hbm>>
    %dma_start3A_70 = arith.constant 0 : i32
    %dma_start3A_71 = tpu.memref_slice %arg13[%dma_start3A_65, %dma_start3A_70] : memref<8x128xi32, #tpu.memory_space<vmem>> -> memref<1x128xi32, #tpu.memory_space<vmem>>
    %dma_start3A_72 = tpu.memref_squeeze %dma_start3A_71 : memref<1x128xi32, #tpu.memory_space<vmem>> -> memref<128xi32, #tpu.memory_space<vmem>>
    %dma_start3A_73 = tpu.memref_slice %arg3[%mul3A_64] : memref<323584xi32, #tpu.memory_space<hbm>> -> memref<128xi32, #tpu.memory_space<hbm>>
    tpu.enqueue_dma source(%dma_start3A_73 : memref<128xi32, #tpu.memory_space<hbm>>) target(%dma_start3A_72 : memref<128xi32, #tpu.memory_space<vmem>>) target_semaphore(%arg23 : memref<!tpu.dma_semaphore, #tpu.memory_space<semaphore_mem>>)
    %dma_start3A_74 = arith.constant 2 : i32
    %dma_start3A_75 = arith.constant 0 : i32
    %dma_start3A_76 = tpu.memref_slice %arg14[%dma_start3A_74, %dma_start3A_75] : memref<8x128xi32, #tpu.memory_space<vmem>> -> memref<1x128xi32, #tpu.memory_space<vmem>>
    %dma_start3A_77 = tpu.memref_squeeze %dma_start3A_76 : memref<1x128xi32, #tpu.memory_space<vmem>> -> memref<128xi32, #tpu.memory_space<vmem>>
    %dma_start3A_78 = tpu.memref_slice %arg4[%mul3A_64] : memref<323584xi32, #tpu.memory_space<hbm>> -> memref<128xi32, #tpu.memory_space<hbm>>
    %dma_start3A_79 = arith.constant 0 : i32
    %dma_start3A_80 = tpu.memref_slice %arg14[%dma_start3A_74, %dma_start3A_79] : memref<8x128xi32, #tpu.memory_space<vmem>> -> memref<1x128xi32, #tpu.memory_space<vmem>>
    %dma_start3A_81 = tpu.memref_squeeze %dma_start3A_80 : memref<1x128xi32, #tpu.memory_space<vmem>> -> memref<128xi32, #tpu.memory_space<vmem>>
    %dma_start3A_82 = tpu.memref_slice %arg4[%mul3A_64] : memref<323584xi32, #tpu.memory_space<hbm>> -> memref<128xi32, #tpu.memory_space<hbm>>
    tpu.enqueue_dma source(%dma_start3A_82 : memref<128xi32, #tpu.memory_space<hbm>>) target(%dma_start3A_81 : memref<128xi32, #tpu.memory_space<vmem>>) target_semaphore(%arg23 : memref<!tpu.dma_semaphore, #tpu.memory_space<semaphore_mem>>)
    %dma_wait3A = arith.constant 0 : i32
    %dma_wait3A_83 = arith.constant 0 : i32
    %dma_wait3A_84 = tpu.memref_slice %arg13[%dma_wait3A, %dma_wait3A_83] : memref<8x128xi32, #tpu.memory_space<vmem>> -> memref<1x128xi32, #tpu.memory_space<vmem>>
    %dma_wait3A_85 = tpu.memref_squeeze %dma_wait3A_84 : memref<1x128xi32, #tpu.memory_space<vmem>> -> memref<128xi32, #tpu.memory_space<vmem>>
    %dma_wait3A_86 = arith.constant 0 : i32
    %dma_wait3A_87 = tpu.memref_slice %arg3[%dma_wait3A_86] : memref<323584xi32, #tpu.memory_space<hbm>> -> memref<128xi32, #tpu.memory_space<hbm>>
    %dma_wait3A_88 = arith.constant 0 : i32
    %dma_wait3A_89 = tpu.memref_slice %arg13[%dma_wait3A, %dma_wait3A_88] : memref<8x128xi32, #tpu.memory_space<vmem>> -> memref<1x128xi32, #tpu.memory_space<vmem>>
    %dma_wait3A_90 = tpu.memref_squeeze %dma_wait3A_89 : memref<1x128xi32, #tpu.memory_space<vmem>> -> memref<128xi32, #tpu.memory_space<vmem>>
    %dma_wait3A_91 = arith.constant 0 : i32
    %dma_wait3A_92 = tpu.memref_slice %arg3[%dma_wait3A_91] : memref<323584xi32, #tpu.memory_space<hbm>> -> memref<128xi32, #tpu.memory_space<hbm>>
    tpu.wait_dma2 semaphore(%arg23 : memref<!tpu.dma_semaphore, #tpu.memory_space<semaphore_mem>>) src(%dma_wait3A_92 : memref<128xi32, #tpu.memory_space<hbm>>) dst(%dma_wait3A_90 : memref<128xi32, #tpu.memory_space<vmem>>)
    %dma_wait3A_93 = arith.constant 0 : i32
    %dma_wait3A_94 = arith.constant 0 : i32
    %dma_wait3A_95 = tpu.memref_slice %arg14[%dma_wait3A_93, %dma_wait3A_94] : memref<8x128xi32, #tpu.memory_space<vmem>> -> memref<1x128xi32, #tpu.memory_space<vmem>>
    %dma_wait3A_96 = tpu.memref_squeeze %dma_wait3A_95 : memref<1x128xi32, #tpu.memory_space<vmem>> -> memref<128xi32, #tpu.memory_space<vmem>>
    %dma_wait3A_97 = arith.constant 0 : i32
    %dma_wait3A_98 = tpu.memref_slice %arg4[%dma_wait3A_97] : memref<323584xi32, #tpu.memory_space<hbm>> -> memref<128xi32, #tpu.memory_space<hbm>>
    %dma_wait3A_99 = arith.constant 0 : i32
    %dma_wait3A_100 = tpu.memref_slice %arg14[%dma_wait3A_93, %dma_wait3A_99] : memref<8x128xi32, #tpu.memory_space<vmem>> -> memref<1x128xi32, #tpu.memory_space<vmem>>
    %dma_wait3A_101 = tpu.memref_squeeze %dma_wait3A_100 : memref<1x128xi32, #tpu.memory_space<vmem>> -> memref<128xi32, #tpu.memory_space<vmem>>
    %dma_wait3A_102 = arith.constant 0 : i32
    %dma_wait3A_103 = tpu.memref_slice %arg4[%dma_wait3A_102] : memref<323584xi32, #tpu.memory_space<hbm>> -> memref<128xi32, #tpu.memory_space<hbm>>
    tpu.wait_dma2 semaphore(%arg23 : memref<!tpu.dma_semaphore, #tpu.memory_space<semaphore_mem>>) src(%dma_wait3A_103 : memref<128xi32, #tpu.memory_space<hbm>>) dst(%dma_wait3A_101 : memref<128xi32, #tpu.memory_space<vmem>>)
    %dma_start3A_104 = arith.constant 0 : i32
    %dma_start3A_105 = arith.constant 0 : i32
    %dma_start3A_106 = arith.constant 0 : i32
    %dma_start3A_107 = arith.constant 0 : i32
    %dma_start3A_108 = tpu.memref_slice %arg15[%dma_start3A_105, %dma_start3A_106, %dma_start3A_107] : memref<3x128x16xf32, #tpu.memory_space<vmem>> -> memref<1x128x16xf32, #tpu.memory_space<vmem>>
    %dma_start3A_109 = tpu.memref_squeeze %dma_start3A_108 : memref<1x128x16xf32, #tpu.memory_space<vmem>> -> memref<128x16xf32, #tpu.memory_space<vmem>>
    %dma_start3A_110 = arith.constant 0 : i32
    %dma_start3A_111 = tpu.memref_slice %arg13[%dma_start3A_104, %dma_start3A_110] : memref<8x128xi32, #tpu.memory_space<vmem>> -> memref<1x128xi32, #tpu.memory_space<vmem>>
    %dma_start3A_112 = tpu.memref_squeeze %dma_start3A_111 : memref<1x128xi32, #tpu.memory_space<vmem>> -> memref<128xi32, #tpu.memory_space<vmem>>
    %dma_start3A_113 = arith.constant 0 : i32
    %dma_start3A_114 = arith.constant 0 : i32
    %dma_start3A_115 = tpu.memref_slice %arg22[%dma_start3A_113, %dma_start3A_114] : memref<10016x16xf32, #tpu.memory_space<vmem_shared>> -> memref<10016x16xf32, #tpu.memory_space<vmem_shared>>
    tpu.enqueue_indirect_dma source(%dma_start3A_115 : memref<10016x16xf32, #tpu.memory_space<vmem_shared>>) target(%dma_start3A_109 : memref<128x16xf32, #tpu.memory_space<vmem>>) offsets(%dma_start3A_112 : memref<128xi32, #tpu.memory_space<vmem>>) semaphore(%arg24 : memref<!tpu.dma_semaphore, #tpu.memory_space<semaphore_mem>>)
    %dma_wait3A_116 = arith.constant 0 : i32
    %dma_wait3A_117 = arith.constant 0 : i32
    %dma_wait3A_118 = tpu.memref_slice %arg13[%dma_wait3A_116, %dma_wait3A_117] : memref<8x128xi32, #tpu.memory_space<vmem>> -> memref<1x128xi32, #tpu.memory_space<vmem>>
    %dma_wait3A_119 = tpu.memref_squeeze %dma_wait3A_118 : memref<1x128xi32, #tpu.memory_space<vmem>> -> memref<128xi32, #tpu.memory_space<vmem>>
    %dma_wait3A_120 = arith.constant 0 : i32
    %dma_wait3A_121 = tpu.memref_slice %arg3[%dma_wait3A_120] : memref<323584xi32, #tpu.memory_space<hbm>> -> memref<128xi32, #tpu.memory_space<hbm>>
    %dma_wait3A_122 = arith.constant 0 : i32
    %dma_wait3A_123 = tpu.memref_slice %arg13[%dma_wait3A_116, %dma_wait3A_122] : memref<8x128xi32, #tpu.memory_space<vmem>> -> memref<1x128xi32, #tpu.memory_space<vmem>>
    %dma_wait3A_124 = tpu.memref_squeeze %dma_wait3A_123 : memref<1x128xi32, #tpu.memory_space<vmem>> -> memref<128xi32, #tpu.memory_space<vmem>>
    %dma_wait3A_125 = arith.constant 0 : i32
    %dma_wait3A_126 = tpu.memref_slice %arg3[%dma_wait3A_125] : memref<323584xi32, #tpu.memory_space<hbm>> -> memref<128xi32, #tpu.memory_space<hbm>>
    tpu.wait_dma2 semaphore(%arg23 : memref<!tpu.dma_semaphore, #tpu.memory_space<semaphore_mem>>) src(%dma_wait3A_126 : memref<128xi32, #tpu.memory_space<hbm>>) dst(%dma_wait3A_124 : memref<128xi32, #tpu.memory_space<vmem>>)
    %dma_wait3A_127 = arith.constant 0 : i32
    %dma_wait3A_128 = arith.constant 0 : i32
    %dma_wait3A_129 = tpu.memref_slice %arg14[%dma_wait3A_127, %dma_wait3A_128] : memref<8x128xi32, #tpu.memory_space<vmem>> -> memref<1x128xi32, #tpu.memory_space<vmem>>
    %dma_wait3A_130 = tpu.memref_squeeze %dma_wait3A_129 : memref<1x128xi32, #tpu.memory_space<vmem>> -> memref<128xi32, #tpu.memory_space<vmem>>
    %dma_wait3A_131 = arith.constant 0 : i32
    %dma_wait3A_132 = tpu.memref_slice %arg4[%dma_wait3A_131] : memref<323584xi32, #tpu.memory_space<hbm>> -> memref<128xi32, #tpu.memory_space<hbm>>
    %dma_wait3A_133 = arith.constant 0 : i32
    %dma_wait3A_134 = tpu.memref_slice %arg14[%dma_wait3A_127, %dma_wait3A_133] : memref<8x128xi32, #tpu.memory_space<vmem>> -> memref<1x128xi32, #tpu.memory_space<vmem>>
    %dma_wait3A_135 = tpu.memref_squeeze %dma_wait3A_134 : memref<1x128xi32, #tpu.memory_space<vmem>> -> memref<128xi32, #tpu.memory_space<vmem>>
    %dma_wait3A_136 = arith.constant 0 : i32
    %dma_wait3A_137 = tpu.memref_slice %arg4[%dma_wait3A_136] : memref<323584xi32, #tpu.memory_space<hbm>> -> memref<128xi32, #tpu.memory_space<hbm>>
    tpu.wait_dma2 semaphore(%arg23 : memref<!tpu.dma_semaphore, #tpu.memory_space<semaphore_mem>>) src(%dma_wait3A_137 : memref<128xi32, #tpu.memory_space<hbm>>) dst(%dma_wait3A_135 : memref<128xi32, #tpu.memory_space<vmem>>)
    %dma_start3A_138 = arith.constant 1 : i32
    %dma_start3A_139 = arith.constant 1 : i32
    %dma_start3A_140 = arith.constant 0 : i32
    %dma_start3A_141 = arith.constant 0 : i32
    %dma_start3A_142 = tpu.memref_slice %arg15[%dma_start3A_139, %dma_start3A_140, %dma_start3A_141] : memref<3x128x16xf32, #tpu.memory_space<vmem>> -> memref<1x128x16xf32, #tpu.memory_space<vmem>>
    %dma_start3A_143 = tpu.memref_squeeze %dma_start3A_142 : memref<1x128x16xf32, #tpu.memory_space<vmem>> -> memref<128x16xf32, #tpu.memory_space<vmem>>
    %dma_start3A_144 = arith.constant 0 : i32
    %dma_start3A_145 = tpu.memref_slice %arg13[%dma_start3A_138, %dma_start3A_144] : memref<8x128xi32, #tpu.memory_space<vmem>> -> memref<1x128xi32, #tpu.memory_space<vmem>>
    %dma_start3A_146 = tpu.memref_squeeze %dma_start3A_145 : memref<1x128xi32, #tpu.memory_space<vmem>> -> memref<128xi32, #tpu.memory_space<vmem>>
    %dma_start3A_147 = arith.constant 0 : i32
    %dma_start3A_148 = arith.constant 0 : i32
    %dma_start3A_149 = tpu.memref_slice %arg22[%dma_start3A_147, %dma_start3A_148] : memref<10016x16xf32, #tpu.memory_space<vmem_shared>> -> memref<10016x16xf32, #tpu.memory_space<vmem_shared>>
    tpu.enqueue_indirect_dma source(%dma_start3A_149 : memref<10016x16xf32, #tpu.memory_space<vmem_shared>>) target(%dma_start3A_143 : memref<128x16xf32, #tpu.memory_space<vmem>>) offsets(%dma_start3A_146 : memref<128xi32, #tpu.memory_space<vmem>>) semaphore(%arg24 : memref<!tpu.dma_semaphore, #tpu.memory_space<semaphore_mem>>)
    %scan3A = arith.constant 0 : i32
    %scan3A_150 = arith.constant 0 : i32
    %scan3A_151 = arith.constant 79 : i32
    %scan3A_152 = arith.addi %scan3A_150, %scan3A_151 : i32
    %scan3A_153 = arith.constant 1 : i32
    scf.for %scan3A_241 = %scan3A_150 to %scan3A_152 step %scan3A_153  : i32 {
      %rem3A = arith.constant 8 : i32
      %rem3A_242 = arith.remsi %scan3A_241, %rem3A : i32
      %rem3A_243 = arith.constant 3 : i32
      %rem3A_244 = arith.remsi %scan3A_241, %rem3A_243 : i32
      %rem3A_245 = arith.constant 2 : i32
      %rem3A_246 = arith.remsi %scan3A_241, %rem3A_245 : i32
      %ge3A = arith.constant 3 : i32
      %ge3A_247 = arith.cmpi sge, %scan3A_241, %ge3A : i32
      %convert_element_type3A_248 = arith.extui %ge3A_247 : i1 to i32
      %cond3A_249 = arith.constant 0 : i32
      %cond3A_250 = arith.cmpi ne, %convert_element_type3A_248, %cond3A_249 : i32
      scf.if %cond3A_250 {
        %dma_wait3A_299 = arith.constant 0 : i32
        %dma_wait3A_300 = arith.constant 0 : i32
        %dma_wait3A_301 = arith.constant 0 : i32
        %dma_wait3A_302 = arith.constant 0 : i32
        %dma_wait3A_303 = tpu.memref_slice %arg16[%dma_wait3A_299, %dma_wait3A_301, %dma_wait3A_302] : memref<3x128x16xf32, #tpu.memory_space<vmem>> -> memref<1x128x16xf32, #tpu.memory_space<vmem>>
        %dma_wait3A_304 = tpu.memref_squeeze %dma_wait3A_303 : memref<1x128x16xf32, #tpu.memory_space<vmem>> -> memref<128x16xf32, #tpu.memory_space<vmem>>
        %dma_wait3A_305 = arith.constant 0 : i32
        %dma_wait3A_306 = tpu.memref_slice %arg14[%dma_wait3A_300, %dma_wait3A_305] : memref<8x128xi32, #tpu.memory_space<vmem>> -> memref<1x128xi32, #tpu.memory_space<vmem>>
        %dma_wait3A_307 = tpu.memref_squeeze %dma_wait3A_306 : memref<1x128xi32, #tpu.memory_space<vmem>> -> memref<128xi32, #tpu.memory_space<vmem>>
        %dma_wait3A_308 = arith.constant 0 : i32
        %dma_wait3A_309 = arith.constant 0 : i32
        %dma_wait3A_310 = tpu.memref_slice %arg20[%dma_wait3A_308, %dma_wait3A_309] : memref<10016x16xf32, #tpu.memory_space<vmem_shared>> -> memref<10016x16xf32, #tpu.memory_space<vmem_shared>>
        tpu.wait_indirect_dma semaphore(%arg25 : memref<!tpu.dma_semaphore, #tpu.memory_space<semaphore_mem>>) src(%dma_wait3A_304 : memref<128x16xf32, #tpu.memory_space<vmem>>) dst(%dma_wait3A_310 : memref<10016x16xf32, #tpu.memory_space<vmem_shared>>)
        %dma_wait3A_311 = arith.constant 0 : i32
        %dma_wait3A_312 = arith.constant 0 : i32
        %dma_wait3A_313 = arith.constant 0 : i32
        %dma_wait3A_314 = tpu.memref_slice %arg17[%dma_wait3A_311, %dma_wait3A_313] : memref<3x128xf32, #tpu.memory_space<vmem>> -> memref<1x128xf32, #tpu.memory_space<vmem>>
        %dma_wait3A_315 = tpu.memref_squeeze %dma_wait3A_314 : memref<1x128xf32, #tpu.memory_space<vmem>> -> memref<128xf32, #tpu.memory_space<vmem>>
        %dma_wait3A_316 = arith.constant 0 : i32
        %dma_wait3A_317 = tpu.memref_slice %arg14[%dma_wait3A_312, %dma_wait3A_316] : memref<8x128xi32, #tpu.memory_space<vmem>> -> memref<1x128xi32, #tpu.memory_space<vmem>>
        %dma_wait3A_318 = tpu.memref_squeeze %dma_wait3A_317 : memref<1x128xi32, #tpu.memory_space<vmem>> -> memref<128xi32, #tpu.memory_space<vmem>>
        %dma_wait3A_319 = arith.constant 0 : i32
        %dma_wait3A_320 = tpu.memref_slice %arg21[%dma_wait3A_319] : memref<10016xf32, #tpu.memory_space<vmem_shared>> -> memref<10016xf32, #tpu.memory_space<vmem_shared>>
        tpu.wait_indirect_dma semaphore(%arg26 : memref<!tpu.dma_semaphore, #tpu.memory_space<semaphore_mem>>) src(%dma_wait3A_315 : memref<128xf32, #tpu.memory_space<vmem>>) dst(%dma_wait3A_320 : memref<10016xf32, #tpu.memory_space<vmem_shared>>)
      } else {
      }
      %add3A_251 = arith.constant 2 : i32
      %add3A_252 = arith.addi %scan3A_241, %add3A_251 : i32
      %lt3A = arith.constant 79 : i32
      %lt3A_253 = arith.cmpi slt, %add3A_252, %lt3A : i32
      %convert_element_type3A_254 = arith.extui %lt3A_253 : i1 to i32
      %cond3A_255 = arith.constant 0 : i32
      %cond3A_256 = arith.cmpi ne, %convert_element_type3A_254, %cond3A_255 : i32
      scf.if %cond3A_256 {
        %dma_wait3A_299 = arith.constant 0 : i32
        %dma_wait3A_300 = arith.constant 0 : i32
        %dma_wait3A_301 = tpu.memref_slice %arg13[%dma_wait3A_299, %dma_wait3A_300] : memref<8x128xi32, #tpu.memory_space<vmem>> -> memref<1x128xi32, #tpu.memory_space<vmem>>
        %dma_wait3A_302 = tpu.memref_squeeze %dma_wait3A_301 : memref<1x128xi32, #tpu.memory_space<vmem>> -> memref<128xi32, #tpu.memory_space<vmem>>
        %dma_wait3A_303 = arith.constant 0 : i32
        %dma_wait3A_304 = tpu.memref_slice %arg3[%dma_wait3A_303] : memref<323584xi32, #tpu.memory_space<hbm>> -> memref<128xi32, #tpu.memory_space<hbm>>
        %dma_wait3A_305 = arith.constant 0 : i32
        %dma_wait3A_306 = tpu.memref_slice %arg13[%dma_wait3A_299, %dma_wait3A_305] : memref<8x128xi32, #tpu.memory_space<vmem>> -> memref<1x128xi32, #tpu.memory_space<vmem>>
        %dma_wait3A_307 = tpu.memref_squeeze %dma_wait3A_306 : memref<1x128xi32, #tpu.memory_space<vmem>> -> memref<128xi32, #tpu.memory_space<vmem>>
        %dma_wait3A_308 = arith.constant 0 : i32
        %dma_wait3A_309 = tpu.memref_slice %arg3[%dma_wait3A_308] : memref<323584xi32, #tpu.memory_space<hbm>> -> memref<128xi32, #tpu.memory_space<hbm>>
        tpu.wait_dma2 semaphore(%arg23 : memref<!tpu.dma_semaphore, #tpu.memory_space<semaphore_mem>>) src(%dma_wait3A_309 : memref<128xi32, #tpu.memory_space<hbm>>) dst(%dma_wait3A_307 : memref<128xi32, #tpu.memory_space<vmem>>)
        %dma_wait3A_310 = arith.constant 0 : i32
        %dma_wait3A_311 = arith.constant 0 : i32
        %dma_wait3A_312 = tpu.memref_slice %arg14[%dma_wait3A_310, %dma_wait3A_311] : memref<8x128xi32, #tpu.memory_space<vmem>> -> memref<1x128xi32, #tpu.memory_space<vmem>>
        %dma_wait3A_313 = tpu.memref_squeeze %dma_wait3A_312 : memref<1x128xi32, #tpu.memory_space<vmem>> -> memref<128xi32, #tpu.memory_space<vmem>>
        %dma_wait3A_314 = arith.constant 0 : i32
        %dma_wait3A_315 = tpu.memref_slice %arg4[%dma_wait3A_314] : memref<323584xi32, #tpu.memory_space<hbm>> -> memref<128xi32, #tpu.memory_space<hbm>>
        %dma_wait3A_316 = arith.constant 0 : i32
        %dma_wait3A_317 = tpu.memref_slice %arg14[%dma_wait3A_310, %dma_wait3A_316] : memref<8x128xi32, #tpu.memory_space<vmem>> -> memref<1x128xi32, #tpu.memory_space<vmem>>
        %dma_wait3A_318 = tpu.memref_squeeze %dma_wait3A_317 : memref<1x128xi32, #tpu.memory_space<vmem>> -> memref<128xi32, #tpu.memory_space<vmem>>
        %dma_wait3A_319 = arith.constant 0 : i32
        %dma_wait3A_320 = tpu.memref_slice %arg4[%dma_wait3A_319] : memref<323584xi32, #tpu.memory_space<hbm>> -> memref<128xi32, #tpu.memory_space<hbm>>
        tpu.wait_dma2 semaphore(%arg23 : memref<!tpu.dma_semaphore, #tpu.memory_space<semaphore_mem>>) src(%dma_wait3A_320 : memref<128xi32, #tpu.memory_space<hbm>>) dst(%dma_wait3A_318 : memref<128xi32, #tpu.memory_space<vmem>>)
        %add3A_321 = arith.constant 2 : i32
        %add3A_322 = arith.addi %scan3A_241, %add3A_321 : i32
        %rem3A_323 = arith.constant 8 : i32
        %rem3A_324 = arith.remsi %add3A_322, %rem3A_323 : i32
        %add3A_325 = arith.constant 2 : i32
        %add3A_326 = arith.addi %scan3A_241, %add3A_325 : i32
        %rem3A_327 = arith.constant 3 : i32
        %rem3A_328 = arith.remsi %add3A_326, %rem3A_327 : i32
        %dma_start3A_329 = arith.constant 0 : i32
        %dma_start3A_330 = arith.constant 0 : i32
        %dma_start3A_331 = tpu.memref_slice %arg15[%rem3A_328, %dma_start3A_329, %dma_start3A_330] : memref<3x128x16xf32, #tpu.memory_space<vmem>> -> memref<1x128x16xf32, #tpu.memory_space<vmem>>
        %dma_start3A_332 = tpu.memref_squeeze %dma_start3A_331 : memref<1x128x16xf32, #tpu.memory_space<vmem>> -> memref<128x16xf32, #tpu.memory_space<vmem>>
        %dma_start3A_333 = arith.constant 0 : i32
        %dma_start3A_334 = tpu.memref_slice %arg13[%rem3A_324, %dma_start3A_333] : memref<8x128xi32, #tpu.memory_space<vmem>> -> memref<1x128xi32, #tpu.memory_space<vmem>>
        %dma_start3A_335 = tpu.memref_squeeze %dma_start3A_334 : memref<1x128xi32, #tpu.memory_space<vmem>> -> memref<128xi32, #tpu.memory_space<vmem>>
        %dma_start3A_336 = arith.constant 0 : i32
        %dma_start3A_337 = arith.constant 0 : i32
        %dma_start3A_338 = tpu.memref_slice %arg22[%dma_start3A_336, %dma_start3A_337] : memref<10016x16xf32, #tpu.memory_space<vmem_shared>> -> memref<10016x16xf32, #tpu.memory_space<vmem_shared>>
        tpu.enqueue_indirect_dma source(%dma_start3A_338 : memref<10016x16xf32, #tpu.memory_space<vmem_shared>>) target(%dma_start3A_332 : memref<128x16xf32, #tpu.memory_space<vmem>>) offsets(%dma_start3A_335 : memref<128xi32, #tpu.memory_space<vmem>>) semaphore(%arg24 : memref<!tpu.dma_semaphore, #tpu.memory_space<semaphore_mem>>)
      } else {
      }
      %dma_wait3A_257 = arith.constant 0 : i32
      %dma_wait3A_258 = arith.constant 0 : i32
      %dma_wait3A_259 = arith.constant 0 : i32
      %dma_wait3A_260 = arith.constant 0 : i32
      %dma_wait3A_261 = tpu.memref_slice %arg15[%dma_wait3A_258, %dma_wait3A_259, %dma_wait3A_260] : memref<3x128x16xf32, #tpu.memory_space<vmem>> -> memref<1x128x16xf32, #tpu.memory_space<vmem>>
      %dma_wait3A_262 = tpu.memref_squeeze %dma_wait3A_261 : memref<1x128x16xf32, #tpu.memory_space<vmem>> -> memref<128x16xf32, #tpu.memory_space<vmem>>
      %dma_wait3A_263 = arith.constant 0 : i32
      %dma_wait3A_264 = tpu.memref_slice %arg13[%dma_wait3A_257, %dma_wait3A_263] : memref<8x128xi32, #tpu.memory_space<vmem>> -> memref<1x128xi32, #tpu.memory_space<vmem>>
      %dma_wait3A_265 = tpu.memref_squeeze %dma_wait3A_264 : memref<1x128xi32, #tpu.memory_space<vmem>> -> memref<128xi32, #tpu.memory_space<vmem>>
      %dma_wait3A_266 = arith.constant 0 : i32
      %dma_wait3A_267 = arith.constant 0 : i32
      %dma_wait3A_268 = tpu.memref_slice %arg22[%dma_wait3A_266, %dma_wait3A_267] : memref<10016x16xf32, #tpu.memory_space<vmem_shared>> -> memref<10016x16xf32, #tpu.memory_space<vmem_shared>>
      tpu.wait_indirect_dma semaphore(%arg24 : memref<!tpu.dma_semaphore, #tpu.memory_space<semaphore_mem>>) src(%dma_wait3A_268 : memref<10016x16xf32, #tpu.memory_space<vmem_shared>>) dst(%dma_wait3A_262 : memref<128x16xf32, #tpu.memory_space<vmem>>)
      %parallel_loop3A = arith.constant 0 : i32
      %parallel_loop3A_269 = arith.constant 128 : i32
      %parallel_loop3A_270 = arith.constant 16 : i32
      scf.for %parallel_loop3A_299 = %parallel_loop3A to %parallel_loop3A_269 step %parallel_loop3A_270  : i32 {
        %parallel_loop3A_300 = arith.constant 0 : i32
        %parallel_loop3A_301 = tpu.memref_slice %arg13[%rem3A_242, %parallel_loop3A_300] : memref<8x128xi32, #tpu.memory_space<vmem>> -> memref<1x128xi32, #tpu.memory_space<vmem>>
        %parallel_loop3A_302 = tpu.memref_squeeze %parallel_loop3A_301 : memref<1x128xi32, #tpu.memory_space<vmem>> -> memref<128xi32, #tpu.memory_space<vmem>>
        %parallel_loop3A_303 = arith.index_cast %parallel_loop3A_299 : i32 to index
        %parallel_loop3A_304 = tpu.vector_load %parallel_loop3A_302[%parallel_loop3A_303] {strides = array<i32>} : memref<128xi32, #tpu.memory_space<vmem>>, vector<16xi32>,
        %parallel_loop3A_305 = tpu.vector_load_idx %arg11[%parallel_loop3A_304] : memref<10016xf32, #tpu.memory_space<vmem>>[vector<16xi32>], vector<16xf32>,
        %parallel_loop3A_306 = arith.constant 0 : i32
        %parallel_loop3A_307 = tpu.memref_slice %arg14[%rem3A_242, %parallel_loop3A_306] : memref<8x128xi32, #tpu.memory_space<vmem>> -> memref<1x128xi32, #tpu.memory_space<vmem>>
        %parallel_loop3A_308 = tpu.memref_squeeze %parallel_loop3A_307 : memref<1x128xi32, #tpu.memory_space<vmem>> -> memref<128xi32, #tpu.memory_space<vmem>>
        %parallel_loop3A_309 = arith.index_cast %parallel_loop3A_299 : i32 to index
        %parallel_loop3A_310 = tpu.vector_load %parallel_loop3A_308[%parallel_loop3A_309] {strides = array<i32>} : memref<128xi32, #tpu.memory_space<vmem>>, vector<16xi32>,
        %parallel_loop3A_311 = tpu.vector_load_idx %arg12[%parallel_loop3A_310] : memref<10016xf32, #tpu.memory_space<vmem>>[vector<16xi32>], vector<16xf32>,
        %parallel_loop3A_312 = arith.addf %parallel_loop3A_305, %parallel_loop3A_311 : vector<16xf32>
        %parallel_loop3A_313 = arith.constant 0.000000e+00 : f32
        %parallel_loop3A_314 = vector.broadcast %parallel_loop3A_313 : f32 to vector<16xf32>
        %parallel_loop3A_315 = arith.cmpf oge, %parallel_loop3A_312, %parallel_loop3A_314 : vector<16xf32>
        %parallel_loop3A_316 = arith.constant 2.000000e-01 : f32
        %parallel_loop3A_317 = vector.broadcast %parallel_loop3A_316 : f32 to vector<16xf32>
        %parallel_loop3A_318 = arith.mulf %parallel_loop3A_317, %parallel_loop3A_312 : vector<16xf32>
        %parallel_loop3A_319 = arith.select %parallel_loop3A_315, %parallel_loop3A_312, %parallel_loop3A_318 : vector<16xi1>, vector<16xf32>
        %parallel_loop3A_320 = math.exp %parallel_loop3A_319 : vector<16xf32>
        %parallel_loop3A_321 = arith.constant 0 : i32
        %parallel_loop3A_322 = tpu.memref_slice %arg17[%rem3A_244, %parallel_loop3A_321] : memref<3x128xf32, #tpu.memory_space<vmem>> -> memref<1x128xf32, #tpu.memory_space<vmem>>
        %parallel_loop3A_323 = tpu.memref_squeeze %parallel_loop3A_322 : memref<1x128xf32, #tpu.memory_space<vmem>> -> memref<128xf32, #tpu.memory_space<vmem>>
        %parallel_loop3A_324 = arith.index_cast %parallel_loop3A_299 : i32 to index
        %parallel_loop3A_325 = tpu.vector_load %parallel_loop3A_323[%parallel_loop3A_324] {strides = array<i32>} : memref<128xf32, #tpu.memory_space<vmem>>, vector<16xf32>,
        tpu.vector_store %parallel_loop3A_323[%parallel_loop3A_324], %parallel_loop3A_320 {strides = array<i32>} : memref<128xf32, #tpu.memory_space<vmem>>, vector<16xf32>,
      } {sc.loop_unroll_factor = 4 : i64, sc.parallel_access}
      %parallel_loop3A_271 = arith.constant 0 : i32
      %parallel_loop3A_272 = arith.constant 128 : i32
      %parallel_loop3A_273 = arith.constant 1 : i32
      scf.for %parallel_loop3A_299 = %parallel_loop3A_271 to %parallel_loop3A_272 step %parallel_loop3A_273  : i32 {
        %parallel_loop3A_300 = vector.broadcast %parallel_loop3A_299 : i32 to vector<16xi32>
        %parallel_loop3A_301 = arith.constant 0 : i32
        %parallel_loop3A_302 = tpu.memref_slice %arg17[%rem3A_244, %parallel_loop3A_301] : memref<3x128xf32, #tpu.memory_space<vmem>> -> memref<1x128xf32, #tpu.memory_space<vmem>>
        %parallel_loop3A_303 = tpu.memref_squeeze %parallel_loop3A_302 : memref<1x128xf32, #tpu.memory_space<vmem>> -> memref<128xf32, #tpu.memory_space<vmem>>
        %parallel_loop3A_304 = tpu.vector_load_idx %parallel_loop3A_303[%parallel_loop3A_300] : memref<128xf32, #tpu.memory_space<vmem>>[vector<16xi32>], vector<16xf32>,
        %parallel_loop3A_305 = arith.constant 0 : i32
        %parallel_loop3A_306 = arith.constant 0 : i32
        %parallel_loop3A_307 = tpu.memref_slice %arg15[%rem3A_244, %parallel_loop3A_305, %parallel_loop3A_306] : memref<3x128x16xf32, #tpu.memory_space<vmem>> -> memref<1x128x16xf32, #tpu.memory_space<vmem>>
        %parallel_loop3A_308 = tpu.memref_squeeze %parallel_loop3A_307 : memref<1x128x16xf32, #tpu.memory_space<vmem>> -> memref<128x16xf32, #tpu.memory_space<vmem>>
        %parallel_loop3A_309 = arith.index_cast %parallel_loop3A_299 : i32 to index
        %parallel_loop3A_310 = arith.constant 0 : index
        %parallel_loop3A_311 = tpu.vector_load %parallel_loop3A_308[%parallel_loop3A_309, %parallel_loop3A_310] {strides = array<i32>} : memref<128x16xf32, #tpu.memory_space<vmem>>, vector<16xf32>,
        %parallel_loop3A_312 = arith.mulf %parallel_loop3A_311, %parallel_loop3A_304 : vector<16xf32>
        %parallel_loop3A_313 = arith.constant 0 : i32
        %parallel_loop3A_314 = arith.constant 0 : i32
        %parallel_loop3A_315 = tpu.memref_slice %arg16[%rem3A_244, %parallel_loop3A_313, %parallel_loop3A_314] : memref<3x128x16xf32, #tpu.memory_space<vmem>> -> memref<1x128x16xf32, #tpu.memory_space<vmem>>
        %parallel_loop3A_316 = tpu.memref_squeeze %parallel_loop3A_315 : memref<1x128x16xf32, #tpu.memory_space<vmem>> -> memref<128x16xf32, #tpu.memory_space<vmem>>
        %parallel_loop3A_317 = arith.index_cast %parallel_loop3A_299 : i32 to index
        %parallel_loop3A_318 = arith.constant 0 : index
        %parallel_loop3A_319 = tpu.vector_load %parallel_loop3A_316[%parallel_loop3A_317, %parallel_loop3A_318] {strides = array<i32>} : memref<128x16xf32, #tpu.memory_space<vmem>>, vector<16xf32>,
        tpu.vector_store %parallel_loop3A_316[%parallel_loop3A_317, %parallel_loop3A_318], %parallel_loop3A_312 {strides = array<i32>} : memref<128x16xf32, #tpu.memory_space<vmem>>, vector<16xf32>,
      } {sc.loop_unroll_factor = 8 : i64, sc.parallel_access}
      %dma_start3A_274 = arith.constant 0 : i32
      %dma_start3A_275 = arith.constant 0 : i32
      %dma_start3A_276 = tpu.memref_slice %arg16[%rem3A_244, %dma_start3A_274, %dma_start3A_275] : memref<3x128x16xf32, #tpu.memory_space<vmem>> -> memref<1x128x16xf32, #tpu.memory_space<vmem>>
      %dma_start3A_277 = tpu.memref_squeeze %dma_start3A_276 : memref<1x128x16xf32, #tpu.memory_space<vmem>> -> memref<128x16xf32, #tpu.memory_space<vmem>>
      %dma_start3A_278 = arith.constant 0 : i32
      %dma_start3A_279 = tpu.memref_slice %arg14[%rem3A_242, %dma_start3A_278] : memref<8x128xi32, #tpu.memory_space<vmem>> -> memref<1x128xi32, #tpu.memory_space<vmem>>
      %dma_start3A_280 = tpu.memref_squeeze %dma_start3A_279 : memref<1x128xi32, #tpu.memory_space<vmem>> -> memref<128xi32, #tpu.memory_space<vmem>>
      %dma_start3A_281 = arith.constant 0 : i32
      %dma_start3A_282 = arith.constant 0 : i32
      %dma_start3A_283 = tpu.memref_slice %arg20[%dma_start3A_281, %dma_start3A_282] : memref<10016x16xf32, #tpu.memory_space<vmem_shared>> -> memref<10016x16xf32, #tpu.memory_space<vmem_shared>>
      tpu.enqueue_indirect_dma source(%dma_start3A_277 : memref<128x16xf32, #tpu.memory_space<vmem>>) target(%dma_start3A_283 : memref<10016x16xf32, #tpu.memory_space<vmem_shared>>) offsets(%dma_start3A_280 : memref<128xi32, #tpu.memory_space<vmem>>) semaphore(%arg25 : memref<!tpu.dma_semaphore, #tpu.memory_space<semaphore_mem>>) {add = true}
      %dma_start3A_284 = arith.constant 0 : i32
      %dma_start3A_285 = tpu.memref_slice %arg17[%rem3A_244, %dma_start3A_284] : memref<3x128xf32, #tpu.memory_space<vmem>> -> memref<1x128xf32, #tpu.memory_space<vmem>>
      %dma_start3A_286 = tpu.memref_squeeze %dma_start3A_285 : memref<1x128xf32, #tpu.memory_space<vmem>> -> memref<128xf32, #tpu.memory_space<vmem>>
      %dma_start3A_287 = arith.constant 0 : i32
      %dma_start3A_288 = tpu.memref_slice %arg14[%rem3A_242, %dma_start3A_287] : memref<8x128xi32, #tpu.memory_space<vmem>> -> memref<1x128xi32, #tpu.memory_space<vmem>>
      %dma_start3A_289 = tpu.memref_squeeze %dma_start3A_288 : memref<1x128xi32, #tpu.memory_space<vmem>> -> memref<128xi32, #tpu.memory_space<vmem>>
      %dma_start3A_290 = arith.constant 0 : i32
      %dma_start3A_291 = tpu.memref_slice %arg21[%dma_start3A_290] : memref<10016xf32, #tpu.memory_space<vmem_shared>> -> memref<10016xf32, #tpu.memory_space<vmem_shared>>
      tpu.enqueue_indirect_dma source(%dma_start3A_286 : memref<128xf32, #tpu.memory_space<vmem>>) target(%dma_start3A_291 : memref<10016xf32, #tpu.memory_space<vmem_shared>>) offsets(%dma_start3A_289 : memref<128xi32, #tpu.memory_space<vmem>>) semaphore(%arg26 : memref<!tpu.dma_semaphore, #tpu.memory_space<semaphore_mem>>) {add = true}
      %add3A_292 = arith.constant 3 : i32
      %add3A_293 = arith.addi %scan3A_241, %add3A_292 : i32
      %lt3A_294 = arith.constant 79 : i32
      %lt3A_295 = arith.cmpi slt, %add3A_293, %lt3A_294 : i32
      %convert_element_type3A_296 = arith.extui %lt3A_295 : i1 to i32
      %cond3A_297 = arith.constant 0 : i32
      %cond3A_298 = arith.cmpi ne, %convert_element_type3A_296, %cond3A_297 : i32
      scf.if %cond3A_298 {
        %add3A_299 = arith.constant 3 : i32
        %add3A_300 = arith.addi %scan3A_241, %add3A_299 : i32
        %rem3A_301 = arith.constant 8 : i32
        %rem3A_302 = arith.remsi %add3A_300, %rem3A_301 : i32
        %add3A_303 = arith.constant 3 : i32
        %add3A_304 = arith.addi %scan3A_241, %add3A_303 : i32
        %mul3A_305 = arith.constant 32 : i32
        %mul3A_306 = arith.muli %mul3A_305, %add3A_304 : i32
        %add3A_307 = arith.addi %add3A, %mul3A_306 : i32
        %mul3A_308 = arith.constant 128 : i32
        %mul3A_309 = arith.muli %add3A_307, %mul3A_308 : i32
        %dma_start3A_310 = arith.constant 0 : i32
        %dma_start3A_311 = tpu.memref_slice %arg13[%rem3A_302, %dma_start3A_310] : memref<8x128xi32, #tpu.memory_space<vmem>> -> memref<1x128xi32, #tpu.memory_space<vmem>>
        %dma_start3A_312 = tpu.memref_squeeze %dma_start3A_311 : memref<1x128xi32, #tpu.memory_space<vmem>> -> memref<128xi32, #tpu.memory_space<vmem>>
        %dma_start3A_313 = tpu.memref_slice %arg3[%mul3A_309] : memref<323584xi32, #tpu.memory_space<hbm>> -> memref<128xi32, #tpu.memory_space<hbm>>
        %dma_start3A_314 = arith.constant 0 : i32
        %dma_start3A_315 = tpu.memref_slice %arg13[%rem3A_302, %dma_start3A_314] : memref<8x128xi32, #tpu.memory_space<vmem>> -> memref<1x128xi32, #tpu.memory_space<vmem>>
        %dma_start3A_316 = tpu.memref_squeeze %dma_start3A_315 : memref<1x128xi32, #tpu.memory_space<vmem>> -> memref<128xi32, #tpu.memory_space<vmem>>
        %dma_start3A_317 = tpu.memref_slice %arg3[%mul3A_309] : memref<323584xi32, #tpu.memory_space<hbm>> -> memref<128xi32, #tpu.memory_space<hbm>>
        tpu.enqueue_dma source(%dma_start3A_317 : memref<128xi32, #tpu.memory_space<hbm>>) target(%dma_start3A_316 : memref<128xi32, #tpu.memory_space<vmem>>) target_semaphore(%arg23 : memref<!tpu.dma_semaphore, #tpu.memory_space<semaphore_mem>>)
        %dma_start3A_318 = arith.constant 0 : i32
        %dma_start3A_319 = tpu.memref_slice %arg14[%rem3A_302, %dma_start3A_318] : memref<8x128xi32, #tpu.memory_space<vmem>> -> memref<1x128xi32, #tpu.memory_space<vmem>>
        %dma_start3A_320 = tpu.memref_squeeze %dma_start3A_319 : memref<1x128xi32, #tpu.memory_space<vmem>> -> memref<128xi32, #tpu.memory_space<vmem>>
        %dma_start3A_321 = tpu.memref_slice %arg4[%mul3A_309] : memref<323584xi32, #tpu.memory_space<hbm>> -> memref<128xi32, #tpu.memory_space<hbm>>
        %dma_start3A_322 = arith.constant 0 : i32
        %dma_start3A_323 = tpu.memref_slice %arg14[%rem3A_302, %dma_start3A_322] : memref<8x128xi32, #tpu.memory_space<vmem>> -> memref<1x128xi32, #tpu.memory_space<vmem>>
        %dma_start3A_324 = tpu.memref_squeeze %dma_start3A_323 : memref<1x128xi32, #tpu.memory_space<vmem>> -> memref<128xi32, #tpu.memory_space<vmem>>
        %dma_start3A_325 = tpu.memref_slice %arg4[%mul3A_309] : memref<323584xi32, #tpu.memory_space<hbm>> -> memref<128xi32, #tpu.memory_space<hbm>>
        tpu.enqueue_dma source(%dma_start3A_325 : memref<128xi32, #tpu.memory_space<hbm>>) target(%dma_start3A_324 : memref<128xi32, #tpu.memory_space<vmem>>) target_semaphore(%arg23 : memref<!tpu.dma_semaphore, #tpu.memory_space<semaphore_mem>>)
      } else {
      }
    }
    %scan3A_154 = arith.constant 79 : i32
    %dma_wait3A_155 = arith.constant 0 : i32
    %dma_wait3A_156 = arith.constant 0 : i32
    %dma_wait3A_157 = arith.constant 0 : i32
    %dma_wait3A_158 = arith.constant 0 : i32
    %dma_wait3A_159 = tpu.memref_slice %arg16[%dma_wait3A_155, %dma_wait3A_157, %dma_wait3A_158] : memref<3x128x16xf32, #tpu.memory_space<vmem>> -> memref<1x128x16xf32, #tpu.memory_space<vmem>>
    %dma_wait3A_160 = tpu.memref_squeeze %dma_wait3A_159 : memref<1x128x16xf32, #tpu.memory_space<vmem>> -> memref<128x16xf32, #tpu.memory_space<vmem>>
    %dma_wait3A_161 = arith.constant 0 : i32
    %dma_wait3A_162 = tpu.memref_slice %arg14[%dma_wait3A_156, %dma_wait3A_161] : memref<8x128xi32, #tpu.memory_space<vmem>> -> memref<1x128xi32, #tpu.memory_space<vmem>>
    %dma_wait3A_163 = tpu.memref_squeeze %dma_wait3A_162 : memref<1x128xi32, #tpu.memory_space<vmem>> -> memref<128xi32, #tpu.memory_space<vmem>>
    %dma_wait3A_164 = arith.constant 0 : i32
    %dma_wait3A_165 = arith.constant 0 : i32
    %dma_wait3A_166 = tpu.memref_slice %arg20[%dma_wait3A_164, %dma_wait3A_165] : memref<10016x16xf32, #tpu.memory_space<vmem_shared>> -> memref<10016x16xf32, #tpu.memory_space<vmem_shared>>
    tpu.wait_indirect_dma semaphore(%arg25 : memref<!tpu.dma_semaphore, #tpu.memory_space<semaphore_mem>>) src(%dma_wait3A_160 : memref<128x16xf32, #tpu.memory_space<vmem>>) dst(%dma_wait3A_166 : memref<10016x16xf32, #tpu.memory_space<vmem_shared>>)
    %dma_wait3A_167 = arith.constant 0 : i32
    %dma_wait3A_168 = arith.constant 0 : i32
    %dma_wait3A_169 = arith.constant 0 : i32
    %dma_wait3A_170 = tpu.memref_slice %arg17[%dma_wait3A_167, %dma_wait3A_169] : memref<3x128xf32, #tpu.memory_space<vmem>> -> memref<1x128xf32, #tpu.memory_space<vmem>>
    %dma_wait3A_171 = tpu.memref_squeeze %dma_wait3A_170 : memref<1x128xf32, #tpu.memory_space<vmem>> -> memref<128xf32, #tpu.memory_space<vmem>>
    %dma_wait3A_172 = arith.constant 0 : i32
    %dma_wait3A_173 = tpu.memref_slice %arg14[%dma_wait3A_168, %dma_wait3A_172] : memref<8x128xi32, #tpu.memory_space<vmem>> -> memref<1x128xi32, #tpu.memory_space<vmem>>
    %dma_wait3A_174 = tpu.memref_squeeze %dma_wait3A_173 : memref<1x128xi32, #tpu.memory_space<vmem>> -> memref<128xi32, #tpu.memory_space<vmem>>
    %dma_wait3A_175 = arith.constant 0 : i32
    %dma_wait3A_176 = tpu.memref_slice %arg21[%dma_wait3A_175] : memref<10016xf32, #tpu.memory_space<vmem_shared>> -> memref<10016xf32, #tpu.memory_space<vmem_shared>>
    tpu.wait_indirect_dma semaphore(%arg26 : memref<!tpu.dma_semaphore, #tpu.memory_space<semaphore_mem>>) src(%dma_wait3A_171 : memref<128xf32, #tpu.memory_space<vmem>>) dst(%dma_wait3A_176 : memref<10016xf32, #tpu.memory_space<vmem_shared>>)
    %dma_wait3A_177 = arith.constant 0 : i32
    %dma_wait3A_178 = arith.constant 0 : i32
    %dma_wait3A_179 = arith.constant 0 : i32
    %dma_wait3A_180 = arith.constant 0 : i32
    %dma_wait3A_181 = tpu.memref_slice %arg16[%dma_wait3A_177, %dma_wait3A_179, %dma_wait3A_180] : memref<3x128x16xf32, #tpu.memory_space<vmem>> -> memref<1x128x16xf32, #tpu.memory_space<vmem>>
    %dma_wait3A_182 = tpu.memref_squeeze %dma_wait3A_181 : memref<1x128x16xf32, #tpu.memory_space<vmem>> -> memref<128x16xf32, #tpu.memory_space<vmem>>
    %dma_wait3A_183 = arith.constant 0 : i32
    %dma_wait3A_184 = tpu.memref_slice %arg14[%dma_wait3A_178, %dma_wait3A_183] : memref<8x128xi32, #tpu.memory_space<vmem>> -> memref<1x128xi32, #tpu.memory_space<vmem>>
    %dma_wait3A_185 = tpu.memref_squeeze %dma_wait3A_184 : memref<1x128xi32, #tpu.memory_space<vmem>> -> memref<128xi32, #tpu.memory_space<vmem>>
    %dma_wait3A_186 = arith.constant 0 : i32
    %dma_wait3A_187 = arith.constant 0 : i32
    %dma_wait3A_188 = tpu.memref_slice %arg20[%dma_wait3A_186, %dma_wait3A_187] : memref<10016x16xf32, #tpu.memory_space<vmem_shared>> -> memref<10016x16xf32, #tpu.memory_space<vmem_shared>>
    tpu.wait_indirect_dma semaphore(%arg25 : memref<!tpu.dma_semaphore, #tpu.memory_space<semaphore_mem>>) src(%dma_wait3A_182 : memref<128x16xf32, #tpu.memory_space<vmem>>) dst(%dma_wait3A_188 : memref<10016x16xf32, #tpu.memory_space<vmem_shared>>)
    %dma_wait3A_189 = arith.constant 0 : i32
    %dma_wait3A_190 = arith.constant 0 : i32
    %dma_wait3A_191 = arith.constant 0 : i32
    %dma_wait3A_192 = tpu.memref_slice %arg17[%dma_wait3A_189, %dma_wait3A_191] : memref<3x128xf32, #tpu.memory_space<vmem>> -> memref<1x128xf32, #tpu.memory_space<vmem>>
    %dma_wait3A_193 = tpu.memref_squeeze %dma_wait3A_192 : memref<1x128xf32, #tpu.memory_space<vmem>> -> memref<128xf32, #tpu.memory_space<vmem>>
    %dma_wait3A_194 = arith.constant 0 : i32
    %dma_wait3A_195 = tpu.memref_slice %arg14[%dma_wait3A_190, %dma_wait3A_194] : memref<8x128xi32, #tpu.memory_space<vmem>> -> memref<1x128xi32, #tpu.memory_space<vmem>>
    %dma_wait3A_196 = tpu.memref_squeeze %dma_wait3A_195 : memref<1x128xi32, #tpu.memory_space<vmem>> -> memref<128xi32, #tpu.memory_space<vmem>>
    %dma_wait3A_197 = arith.constant 0 : i32
    %dma_wait3A_198 = tpu.memref_slice %arg21[%dma_wait3A_197] : memref<10016xf32, #tpu.memory_space<vmem_shared>> -> memref<10016xf32, #tpu.memory_space<vmem_shared>>
    tpu.wait_indirect_dma semaphore(%arg26 : memref<!tpu.dma_semaphore, #tpu.memory_space<semaphore_mem>>) src(%dma_wait3A_193 : memref<128xf32, #tpu.memory_space<vmem>>) dst(%dma_wait3A_198 : memref<10016xf32, #tpu.memory_space<vmem_shared>>)
    %dma_wait3A_199 = arith.constant 0 : i32
    %dma_wait3A_200 = arith.constant 0 : i32
    %dma_wait3A_201 = arith.constant 0 : i32
    %dma_wait3A_202 = arith.constant 0 : i32
    %dma_wait3A_203 = tpu.memref_slice %arg16[%dma_wait3A_199, %dma_wait3A_201, %dma_wait3A_202] : memref<3x128x16xf32, #tpu.memory_space<vmem>> -> memref<1x128x16xf32, #tpu.memory_space<vmem>>
    %dma_wait3A_204 = tpu.memref_squeeze %dma_wait3A_203 : memref<1x128x16xf32, #tpu.memory_space<vmem>> -> memref<128x16xf32, #tpu.memory_space<vmem>>
    %dma_wait3A_205 = arith.constant 0 : i32
    %dma_wait3A_206 = tpu.memref_slice %arg14[%dma_wait3A_200, %dma_wait3A_205] : memref<8x128xi32, #tpu.memory_space<vmem>> -> memref<1x128xi32, #tpu.memory_space<vmem>>
    %dma_wait3A_207 = tpu.memref_squeeze %dma_wait3A_206 : memref<1x128xi32, #tpu.memory_space<vmem>> -> memref<128xi32, #tpu.memory_space<vmem>>
    %dma_wait3A_208 = arith.constant 0 : i32
    %dma_wait3A_209 = arith.constant 0 : i32
    %dma_wait3A_210 = tpu.memref_slice %arg20[%dma_wait3A_208, %dma_wait3A_209] : memref<10016x16xf32, #tpu.memory_space<vmem_shared>> -> memref<10016x16xf32, #tpu.memory_space<vmem_shared>>
    tpu.wait_indirect_dma semaphore(%arg25 : memref<!tpu.dma_semaphore, #tpu.memory_space<semaphore_mem>>) src(%dma_wait3A_204 : memref<128x16xf32, #tpu.memory_space<vmem>>) dst(%dma_wait3A_210 : memref<10016x16xf32, #tpu.memory_space<vmem_shared>>)
    %dma_wait3A_211 = arith.constant 0 : i32
    %dma_wait3A_212 = arith.constant 0 : i32
    %dma_wait3A_213 = arith.constant 0 : i32
    %dma_wait3A_214 = tpu.memref_slice %arg17[%dma_wait3A_211, %dma_wait3A_213] : memref<3x128xf32, #tpu.memory_space<vmem>> -> memref<1x128xf32, #tpu.memory_space<vmem>>
    %dma_wait3A_215 = tpu.memref_squeeze %dma_wait3A_214 : memref<1x128xf32, #tpu.memory_space<vmem>> -> memref<128xf32, #tpu.memory_space<vmem>>
    %dma_wait3A_216 = arith.constant 0 : i32
    %dma_wait3A_217 = tpu.memref_slice %arg14[%dma_wait3A_212, %dma_wait3A_216] : memref<8x128xi32, #tpu.memory_space<vmem>> -> memref<1x128xi32, #tpu.memory_space<vmem>>
    %dma_wait3A_218 = tpu.memref_squeeze %dma_wait3A_217 : memref<1x128xi32, #tpu.memory_space<vmem>> -> memref<128xi32, #tpu.memory_space<vmem>>
    %dma_wait3A_219 = arith.constant 0 : i32
    %dma_wait3A_220 = tpu.memref_slice %arg21[%dma_wait3A_219] : memref<10016xf32, #tpu.memory_space<vmem_shared>> -> memref<10016xf32, #tpu.memory_space<vmem_shared>>
    tpu.wait_indirect_dma semaphore(%arg26 : memref<!tpu.dma_semaphore, #tpu.memory_space<semaphore_mem>>) src(%dma_wait3A_215 : memref<128xf32, #tpu.memory_space<vmem>>) dst(%dma_wait3A_220 : memref<10016xf32, #tpu.memory_space<vmem_shared>>)
    %barrier3A_221 = arith.constant 0 : index
    tpu.barrier barrier_id(%barrier3A_221)
    %mul3A_222 = arith.constant 624 : i32
    %mul3A_223 = arith.muli %arg1, %mul3A_222 : i32
    %mul3A_224 = arith.constant 624 : i32
    %mul3A_225 = arith.muli %arg1, %mul3A_224 : i32
    "tpu.region"() ({
      %run_scoped3A = tpu.sem_alloc : memref<!tpu.dma_semaphore, #tpu.memory_space<semaphore_mem>>
      %dma_start3A_241 = arith.constant 0 : i32
      %dma_start3A_242 = tpu.memref_slice %arg9[%arg0, %mul3A_225, %dma_start3A_241] : memref<2x10000x16xf32, #tpu.memory_space<hbm>> -> memref<1x624x16xf32, #tpu.memory_space<hbm>>
      %dma_start3A_243 = tpu.memref_squeeze %dma_start3A_242 : memref<1x624x16xf32, #tpu.memory_space<hbm>> -> memref<624x16xf32, #tpu.memory_space<hbm>>
      %dma_start3A_244 = arith.constant 0 : i32
      %dma_start3A_245 = tpu.memref_slice %arg20[%mul3A_223, %dma_start3A_244] : memref<10016x16xf32, #tpu.memory_space<vmem_shared>> -> memref<624x16xf32, #tpu.memory_space<vmem_shared>>
      tpu.enqueue_dma source(%dma_start3A_245 : memref<624x16xf32, #tpu.memory_space<vmem_shared>>) target(%dma_start3A_243 : memref<624x16xf32, #tpu.memory_space<hbm>>) target_semaphore(%run_scoped3A : memref<!tpu.dma_semaphore, #tpu.memory_space<semaphore_mem>>)
      %dma_wait3A_246 = arith.constant 0 : i32
      %dma_wait3A_247 = tpu.memref_slice %arg9[%arg0, %mul3A_225, %dma_wait3A_246] : memref<2x10000x16xf32, #tpu.memory_space<hbm>> -> memref<1x624x16xf32, #tpu.memory_space<hbm>>
      %dma_wait3A_248 = tpu.memref_squeeze %dma_wait3A_247 : memref<1x624x16xf32, #tpu.memory_space<hbm>> -> memref<624x16xf32, #tpu.memory_space<hbm>>
      %dma_wait3A_249 = arith.constant 0 : i32
      %dma_wait3A_250 = tpu.memref_slice %arg20[%mul3A_223, %dma_wait3A_249] : memref<10016x16xf32, #tpu.memory_space<vmem_shared>> -> memref<624x16xf32, #tpu.memory_space<vmem_shared>>
      tpu.wait_dma2 semaphore(%run_scoped3A : memref<!tpu.dma_semaphore, #tpu.memory_space<semaphore_mem>>) src(%dma_wait3A_250 : memref<624x16xf32, #tpu.memory_space<vmem_shared>>) dst(%dma_wait3A_248 : memref<624x16xf32, #tpu.memory_space<hbm>>)
      tpu.yield
    }) : () -> ()
    %mul3A_226 = arith.constant 624 : i32
    %mul3A_227 = arith.muli %arg1, %mul3A_226 : i32
    "tpu.region"() ({
      %run_scoped3A = tpu.sem_alloc : memref<!tpu.dma_semaphore, #tpu.memory_space<semaphore_mem>>
      %dma_start3A_241 = arith.constant 0 : i32
      %dma_start3A_242 = tpu.memref_slice %arg18[%dma_start3A_241] : memref<624xf32, #tpu.memory_space<vmem>> -> memref<624xf32, #tpu.memory_space<vmem>>
      %dma_start3A_243 = tpu.memref_slice %arg21[%mul3A_227] : memref<10016xf32, #tpu.memory_space<vmem_shared>> -> memref<624xf32, #tpu.memory_space<vmem_shared>>
      %dma_start3A_244 = arith.constant 0 : i32
      %dma_start3A_245 = tpu.memref_slice %arg18[%dma_start3A_244] : memref<624xf32, #tpu.memory_space<vmem>> -> memref<624xf32, #tpu.memory_space<vmem>>
      %dma_start3A_246 = tpu.memref_slice %arg21[%mul3A_227] : memref<10016xf32, #tpu.memory_space<vmem_shared>> -> memref<624xf32, #tpu.memory_space<vmem_shared>>
      tpu.enqueue_dma source(%dma_start3A_246 : memref<624xf32, #tpu.memory_space<vmem_shared>>) target(%dma_start3A_245 : memref<624xf32, #tpu.memory_space<vmem>>) target_semaphore(%run_scoped3A : memref<!tpu.dma_semaphore, #tpu.memory_space<semaphore_mem>>)
      %dma_wait3A_247 = arith.constant 0 : i32
      %dma_wait3A_248 = tpu.memref_slice %arg18[%dma_wait3A_247] : memref<624xf32, #tpu.memory_space<vmem>> -> memref<624xf32, #tpu.memory_space<vmem>>
      %dma_wait3A_249 = tpu.memref_slice %arg21[%mul3A_227] : memref<10016xf32, #tpu.memory_space<vmem_shared>> -> memref<624xf32, #tpu.memory_space<vmem_shared>>
      %dma_wait3A_250 = arith.constant 0 : i32
      %dma_wait3A_251 = tpu.memref_slice %arg18[%dma_wait3A_250] : memref<624xf32, #tpu.memory_space<vmem>> -> memref<624xf32, #tpu.memory_space<vmem>>
      %dma_wait3A_252 = tpu.memref_slice %arg21[%mul3A_227] : memref<10016xf32, #tpu.memory_space<vmem_shared>> -> memref<624xf32, #tpu.memory_space<vmem_shared>>
      tpu.wait_dma2 semaphore(%run_scoped3A : memref<!tpu.dma_semaphore, #tpu.memory_space<semaphore_mem>>) src(%dma_wait3A_252 : memref<624xf32, #tpu.memory_space<vmem_shared>>) dst(%dma_wait3A_251 : memref<624xf32, #tpu.memory_space<vmem>>)
      tpu.yield
    }) : () -> ()
    %scan3A_228 = arith.constant 0 : i32
    %scan3A_229 = arith.constant 0 : i32
    %scan3A_230 = arith.constant 624 : i32
    %scan3A_231 = arith.addi %scan3A_229, %scan3A_230 : i32
    %scan3A_232 = arith.constant 1 : i32
    scf.for %scan3A_241 = %scan3A_229 to %scan3A_231 step %scan3A_232  : i32 {
      %broadcast_in_dim3A = vector.broadcast %scan3A_241 : i32 to vector<16xi32>
      %gather3A = tpu.vector_load_idx %arg18[%broadcast_in_dim3A] : memref<624xf32, #tpu.memory_space<vmem>>[vector<16xi32>], vector<16xf32>,
      %swap3A = arith.index_cast %scan3A_241 : i32 to index
      %swap3A_242 = arith.constant 0 : index
      %swap3A_243 = tpu.vector_load %arg19[%swap3A, %swap3A_242] {strides = array<i32>} : memref<624x16xf32, #tpu.memory_space<vmem>>, vector<16xf32>,
      tpu.vector_store %arg19[%swap3A, %swap3A_242], %gather3A {strides = array<i32>} : memref<624x16xf32, #tpu.memory_space<vmem>>, vector<16xf32>,
    }
    %scan3A_233 = arith.constant 624 : i32
    %mul3A_234 = arith.constant 624 : i32
    %mul3A_235 = arith.muli %arg1, %mul3A_234 : i32
    "tpu.region"() ({
      %run_scoped3A = tpu.sem_alloc : memref<!tpu.dma_semaphore, #tpu.memory_space<semaphore_mem>>
      %dma_start3A_241 = arith.constant 0 : i32
      %dma_start3A_242 = arith.constant 0 : i32
      %dma_start3A_243 = tpu.memref_slice %arg19[%dma_start3A_241, %dma_start3A_242] : memref<624x16xf32, #tpu.memory_space<vmem>> -> memref<624x16xf32, #tpu.memory_space<vmem>>
      %dma_start3A_244 = arith.constant 0 : i32
      %dma_start3A_245 = tpu.memref_slice %arg10[%arg0, %mul3A_235, %dma_start3A_244] : memref<2x10000x16xf32, #tpu.memory_space<hbm>> -> memref<1x624x16xf32, #tpu.memory_space<hbm>>
      %dma_start3A_246 = tpu.memref_squeeze %dma_start3A_245 : memref<1x624x16xf32, #tpu.memory_space<hbm>> -> memref<624x16xf32, #tpu.memory_space<hbm>>
      %dma_start3A_247 = arith.constant 0 : i32
      %dma_start3A_248 = tpu.memref_slice %arg10[%arg0, %mul3A_235, %dma_start3A_247] : memref<2x10000x16xf32, #tpu.memory_space<hbm>> -> memref<1x624x16xf32, #tpu.memory_space<hbm>>
      %dma_start3A_249 = tpu.memref_squeeze %dma_start3A_248 : memref<1x624x16xf32, #tpu.memory_space<hbm>> -> memref<624x16xf32, #tpu.memory_space<hbm>>
      %dma_start3A_250 = arith.constant 0 : i32
      %dma_start3A_251 = arith.constant 0 : i32
      %dma_start3A_252 = tpu.memref_slice %arg19[%dma_start3A_250, %dma_start3A_251] : memref<624x16xf32, #tpu.memory_space<vmem>> -> memref<624x16xf32, #tpu.memory_space<vmem>>
      tpu.enqueue_dma source(%dma_start3A_252 : memref<624x16xf32, #tpu.memory_space<vmem>>) target(%dma_start3A_249 : memref<624x16xf32, #tpu.memory_space<hbm>>) target_semaphore(%run_scoped3A : memref<!tpu.dma_semaphore, #tpu.memory_space<semaphore_mem>>)
      %dma_wait3A_253 = arith.constant 0 : i32
      %dma_wait3A_254 = arith.constant 0 : i32
      %dma_wait3A_255 = tpu.memref_slice %arg19[%dma_wait3A_253, %dma_wait3A_254] : memref<624x16xf32, #tpu.memory_space<vmem>> -> memref<624x16xf32, #tpu.memory_space<vmem>>
      %dma_wait3A_256 = arith.constant 0 : i32
      %dma_wait3A_257 = tpu.memref_slice %arg10[%arg0, %mul3A_235, %dma_wait3A_256] : memref<2x10000x16xf32, #tpu.memory_space<hbm>> -> memref<1x624x16xf32, #tpu.memory_space<hbm>>
      %dma_wait3A_258 = tpu.memref_squeeze %dma_wait3A_257 : memref<1x624x16xf32, #tpu.memory_space<hbm>> -> memref<624x16xf32, #tpu.memory_space<hbm>>
      %dma_wait3A_259 = arith.constant 0 : i32
      %dma_wait3A_260 = tpu.memref_slice %arg10[%arg0, %mul3A_235, %dma_wait3A_259] : memref<2x10000x16xf32, #tpu.memory_space<hbm>> -> memref<1x624x16xf32, #tpu.memory_space<hbm>>
      %dma_wait3A_261 = tpu.memref_squeeze %dma_wait3A_260 : memref<1x624x16xf32, #tpu.memory_space<hbm>> -> memref<624x16xf32, #tpu.memory_space<hbm>>
      %dma_wait3A_262 = arith.constant 0 : i32
      %dma_wait3A_263 = arith.constant 0 : i32
      %dma_wait3A_264 = tpu.memref_slice %arg19[%dma_wait3A_262, %dma_wait3A_263] : memref<624x16xf32, #tpu.memory_space<vmem>> -> memref<624x16xf32, #tpu.memory_space<vmem>>
      tpu.wait_dma2 semaphore(%run_scoped3A : memref<!tpu.dma_semaphore, #tpu.memory_space<semaphore_mem>>) src(%dma_wait3A_264 : memref<624x16xf32, #tpu.memory_space<vmem>>) dst(%dma_wait3A_261 : memref<624x16xf32, #tpu.memory_space<hbm>>)
      tpu.yield
    }) : () -> ()
    %eq3A_236 = arith.constant 15 : i32
    %eq3A_237 = arith.cmpi eq, %arg1, %eq3A_236 : i32
    %convert_element_type3A_238 = arith.extui %eq3A_237 : i1 to i32
    %cond3A_239 = arith.constant 0 : i32
    %cond3A_240 = arith.cmpi ne, %convert_element_type3A_238, %cond3A_239 : i32
    scf.if %cond3A_240 {
      "tpu.region"() ({
        %run_scoped3A = tpu.sem_alloc : memref<!tpu.dma_semaphore, #tpu.memory_space<semaphore_mem>>
        %dma_start3A_350 = arith.constant 9984 : i32
        %dma_start3A_351 = arith.constant 0 : i32
        %dma_start3A_352 = tpu.memref_slice %arg9[%arg0, %dma_start3A_350, %dma_start3A_351] : memref<2x10000x16xf32, #tpu.memory_space<hbm>> -> memref<1x16x16xf32, #tpu.memory_space<hbm>>
        %dma_start3A_353 = tpu.memref_squeeze %dma_start3A_352 : memref<1x16x16xf32, #tpu.memory_space<hbm>> -> memref<16x16xf32, #tpu.memory_space<hbm>>
        %dma_start3A_354 = arith.constant 9984 : i32
        %dma_start3A_355 = arith.constant 0 : i32
        %dma_start3A_356 = tpu.memref_slice %arg20[%dma_start3A_354, %dma_start3A_355] : memref<10016x16xf32, #tpu.memory_space<vmem_shared>> -> memref<16x16xf32, #tpu.memory_space<vmem_shared>>
        tpu.enqueue_dma source(%dma_start3A_356 : memref<16x16xf32, #tpu.memory_space<vmem_shared>>) target(%dma_start3A_353 : memref<16x16xf32, #tpu.memory_space<hbm>>) target_semaphore(%run_scoped3A : memref<!tpu.dma_semaphore, #tpu.memory_space<semaphore_mem>>)
        %dma_wait3A_357 = arith.constant 9984 : i32
        %dma_wait3A_358 = arith.constant 0 : i32
        %dma_wait3A_359 = tpu.memref_slice %arg9[%arg0, %dma_wait3A_357, %dma_wait3A_358] : memref<2x10000x16xf32, #tpu.memory_space<hbm>> -> memref<1x16x16xf32, #tpu.memory_space<hbm>>
        %dma_wait3A_360 = tpu.memref_squeeze %dma_wait3A_359 : memref<1x16x16xf32, #tpu.memory_space<hbm>> -> memref<16x16xf32, #tpu.memory_space<hbm>>
        %dma_wait3A_361 = arith.constant 9984 : i32
        %dma_wait3A_362 = arith.constant 0 : i32
        %dma_wait3A_363 = tpu.memref_slice %arg20[%dma_wait3A_361, %dma_wait3A_362] : memref<10016x16xf32, #tpu.memory_space<vmem_shared>> -> memref<16x16xf32, #tpu.memory_space<vmem_shared>>
        tpu.wait_dma2 semaphore(%run_scoped3A : memref<!tpu.dma_semaphore, #tpu.memory_space<semaphore_mem>>) src(%dma_wait3A_363 : memref<16x16xf32, #tpu.memory_space<vmem_shared>>) dst(%dma_wait3A_360 : memref<16x16xf32, #tpu.memory_space<hbm>>)
        tpu.yield
      }) : () -> ()
      "tpu.region"() ({
        %run_scoped3A = tpu.sem_alloc : memref<!tpu.dma_semaphore, #tpu.memory_space<semaphore_mem>>
        %dma_start3A_350 = arith.constant 0 : i32
        %dma_start3A_351 = tpu.memref_slice %arg18[%dma_start3A_350] : memref<624xf32, #tpu.memory_space<vmem>> -> memref<16xf32, #tpu.memory_space<vmem>>
        %dma_start3A_352 = arith.constant 9984 : i32
        %dma_start3A_353 = tpu.memref_slice %arg21[%dma_start3A_352] : memref<10016xf32, #tpu.memory_space<vmem_shared>> -> memref<16xf32, #tpu.memory_space<vmem_shared>>
        %dma_start3A_354 = arith.constant 0 : i32
        %dma_start3A_355 = tpu.memref_slice %arg18[%dma_start3A_354] : memref<624xf32, #tpu.memory_space<vmem>> -> memref<16xf32, #tpu.memory_space<vmem>>
        %dma_start3A_356 = arith.constant 9984 : i32
        %dma_start3A_357 = tpu.memref_slice %arg21[%dma_start3A_356] : memref<10016xf32, #tpu.memory_space<vmem_shared>> -> memref<16xf32, #tpu.memory_space<vmem_shared>>
        tpu.enqueue_dma source(%dma_start3A_357 : memref<16xf32, #tpu.memory_space<vmem_shared>>) target(%dma_start3A_355 : memref<16xf32, #tpu.memory_space<vmem>>) target_semaphore(%run_scoped3A : memref<!tpu.dma_semaphore, #tpu.memory_space<semaphore_mem>>)
        %dma_wait3A_358 = arith.constant 0 : i32
        %dma_wait3A_359 = tpu.memref_slice %arg18[%dma_wait3A_358] : memref<624xf32, #tpu.memory_space<vmem>> -> memref<16xf32, #tpu.memory_space<vmem>>
        %dma_wait3A_360 = arith.constant 9984 : i32
        %dma_wait3A_361 = tpu.memref_slice %arg21[%dma_wait3A_360] : memref<10016xf32, #tpu.memory_space<vmem_shared>> -> memref<16xf32, #tpu.memory_space<vmem_shared>>
        %dma_wait3A_362 = arith.constant 0 : i32
        %dma_wait3A_363 = tpu.memref_slice %arg18[%dma_wait3A_362] : memref<624xf32, #tpu.memory_space<vmem>> -> memref<16xf32, #tpu.memory_space<vmem>>
        %dma_wait3A_364 = arith.constant 9984 : i32
        %dma_wait3A_365 = tpu.memref_slice %arg21[%dma_wait3A_364] : memref<10016xf32, #tpu.memory_space<vmem_shared>> -> memref<16xf32, #tpu.memory_space<vmem_shared>>
        tpu.wait_dma2 semaphore(%run_scoped3A : memref<!tpu.dma_semaphore, #tpu.memory_space<semaphore_mem>>) src(%dma_wait3A_365 : memref<16xf32, #tpu.memory_space<vmem_shared>>) dst(%dma_wait3A_363 : memref<16xf32, #tpu.memory_space<vmem>>)
        tpu.yield
      }) : () -> ()
      %broadcast_in_dim3A = arith.constant 0 : i32
      %broadcast_in_dim3A_241 = vector.broadcast %broadcast_in_dim3A : i32 to vector<16xi32>
      %gather3A = tpu.vector_load_idx %arg18[%broadcast_in_dim3A_241] : memref<624xf32, #tpu.memory_space<vmem>>[vector<16xi32>], vector<16xf32>,
      %swap3A = arith.constant 0 : i32
      %swap3A_242 = arith.index_cast %swap3A : i32 to index
      %swap3A_243 = arith.constant 0 : index
      %swap3A_244 = tpu.vector_load %arg19[%swap3A_242, %swap3A_243] {strides = array<i32>} : memref<624x16xf32, #tpu.memory_space<vmem>>, vector<16xf32>,
      tpu.vector_store %arg19[%swap3A_242, %swap3A_243], %gather3A {strides = array<i32>} : memref<624x16xf32, #tpu.memory_space<vmem>>, vector<16xf32>,
      %broadcast_in_dim3A_245 = arith.constant 1 : i32
      %broadcast_in_dim3A_246 = vector.broadcast %broadcast_in_dim3A_245 : i32 to vector<16xi32>
      %gather3A_247 = tpu.vector_load_idx %arg18[%broadcast_in_dim3A_246] : memref<624xf32, #tpu.memory_space<vmem>>[vector<16xi32>], vector<16xf32>,
      %swap3A_248 = arith.constant 1 : i32
      %swap3A_249 = arith.index_cast %swap3A_248 : i32 to index
      %swap3A_250 = arith.constant 0 : index
      %swap3A_251 = tpu.vector_load %arg19[%swap3A_249, %swap3A_250] {strides = array<i32>} : memref<624x16xf32, #tpu.memory_space<vmem>>, vector<16xf32>,
      tpu.vector_store %arg19[%swap3A_249, %swap3A_250], %gather3A_247 {strides = array<i32>} : memref<624x16xf32, #tpu.memory_space<vmem>>, vector<16xf32>,
      %broadcast_in_dim3A_252 = arith.constant 2 : i32
      %broadcast_in_dim3A_253 = vector.broadcast %broadcast_in_dim3A_252 : i32 to vector<16xi32>
      %gather3A_254 = tpu.vector_load_idx %arg18[%broadcast_in_dim3A_253] : memref<624xf32, #tpu.memory_space<vmem>>[vector<16xi32>], vector<16xf32>,
      %swap3A_255 = arith.constant 2 : i32
      %swap3A_256 = arith.index_cast %swap3A_255 : i32 to index
      %swap3A_257 = arith.constant 0 : index
      %swap3A_258 = tpu.vector_load %arg19[%swap3A_256, %swap3A_257] {strides = array<i32>} : memref<624x16xf32, #tpu.memory_space<vmem>>, vector<16xf32>,
      tpu.vector_store %arg19[%swap3A_256, %swap3A_257], %gather3A_254 {strides = array<i32>} : memref<624x16xf32, #tpu.memory_space<vmem>>, vector<16xf32>,
      %broadcast_in_dim3A_259 = arith.constant 3 : i32
      %broadcast_in_dim3A_260 = vector.broadcast %broadcast_in_dim3A_259 : i32 to vector<16xi32>
      %gather3A_261 = tpu.vector_load_idx %arg18[%broadcast_in_dim3A_260] : memref<624xf32, #tpu.memory_space<vmem>>[vector<16xi32>], vector<16xf32>,
      %swap3A_262 = arith.constant 3 : i32
      %swap3A_263 = arith.index_cast %swap3A_262 : i32 to index
      %swap3A_264 = arith.constant 0 : index
      %swap3A_265 = tpu.vector_load %arg19[%swap3A_263, %swap3A_264] {strides = array<i32>} : memref<624x16xf32, #tpu.memory_space<vmem>>, vector<16xf32>,
      tpu.vector_store %arg19[%swap3A_263, %swap3A_264], %gather3A_261 {strides = array<i32>} : memref<624x16xf32, #tpu.memory_space<vmem>>, vector<16xf32>,
      %broadcast_in_dim3A_266 = arith.constant 4 : i32
      %broadcast_in_dim3A_267 = vector.broadcast %broadcast_in_dim3A_266 : i32 to vector<16xi32>
      %gather3A_268 = tpu.vector_load_idx %arg18[%broadcast_in_dim3A_267] : memref<624xf32, #tpu.memory_space<vmem>>[vector<16xi32>], vector<16xf32>,
      %swap3A_269 = arith.constant 4 : i32
      %swap3A_270 = arith.index_cast %swap3A_269 : i32 to index
      %swap3A_271 = arith.constant 0 : index
      %swap3A_272 = tpu.vector_load %arg19[%swap3A_270, %swap3A_271] {strides = array<i32>} : memref<624x16xf32, #tpu.memory_space<vmem>>, vector<16xf32>,
      tpu.vector_store %arg19[%swap3A_270, %swap3A_271], %gather3A_268 {strides = array<i32>} : memref<624x16xf32, #tpu.memory_space<vmem>>, vector<16xf32>,
      %broadcast_in_dim3A_273 = arith.constant 5 : i32
      %broadcast_in_dim3A_274 = vector.broadcast %broadcast_in_dim3A_273 : i32 to vector<16xi32>
      %gather3A_275 = tpu.vector_load_idx %arg18[%broadcast_in_dim3A_274] : memref<624xf32, #tpu.memory_space<vmem>>[vector<16xi32>], vector<16xf32>,
      %swap3A_276 = arith.constant 5 : i32
      %swap3A_277 = arith.index_cast %swap3A_276 : i32 to index
      %swap3A_278 = arith.constant 0 : index
      %swap3A_279 = tpu.vector_load %arg19[%swap3A_277, %swap3A_278] {strides = array<i32>} : memref<624x16xf32, #tpu.memory_space<vmem>>, vector<16xf32>,
      tpu.vector_store %arg19[%swap3A_277, %swap3A_278], %gather3A_275 {strides = array<i32>} : memref<624x16xf32, #tpu.memory_space<vmem>>, vector<16xf32>,
      %broadcast_in_dim3A_280 = arith.constant 6 : i32
      %broadcast_in_dim3A_281 = vector.broadcast %broadcast_in_dim3A_280 : i32 to vector<16xi32>
      %gather3A_282 = tpu.vector_load_idx %arg18[%broadcast_in_dim3A_281] : memref<624xf32, #tpu.memory_space<vmem>>[vector<16xi32>], vector<16xf32>,
      %swap3A_283 = arith.constant 6 : i32
      %swap3A_284 = arith.index_cast %swap3A_283 : i32 to index
      %swap3A_285 = arith.constant 0 : index
      %swap3A_286 = tpu.vector_load %arg19[%swap3A_284, %swap3A_285] {strides = array<i32>} : memref<624x16xf32, #tpu.memory_space<vmem>>, vector<16xf32>,
      tpu.vector_store %arg19[%swap3A_284, %swap3A_285], %gather3A_282 {strides = array<i32>} : memref<624x16xf32, #tpu.memory_space<vmem>>, vector<16xf32>,
      %broadcast_in_dim3A_287 = arith.constant 7 : i32
      %broadcast_in_dim3A_288 = vector.broadcast %broadcast_in_dim3A_287 : i32 to vector<16xi32>
      %gather3A_289 = tpu.vector_load_idx %arg18[%broadcast_in_dim3A_288] : memref<624xf32, #tpu.memory_space<vmem>>[vector<16xi32>], vector<16xf32>,
      %swap3A_290 = arith.constant 7 : i32
      %swap3A_291 = arith.index_cast %swap3A_290 : i32 to index
      %swap3A_292 = arith.constant 0 : index
      %swap3A_293 = tpu.vector_load %arg19[%swap3A_291, %swap3A_292] {strides = array<i32>} : memref<624x16xf32, #tpu.memory_space<vmem>>, vector<16xf32>,
      tpu.vector_store %arg19[%swap3A_291, %swap3A_292], %gather3A_289 {strides = array<i32>} : memref<624x16xf32, #tpu.memory_space<vmem>>, vector<16xf32>,
      %broadcast_in_dim3A_294 = arith.constant 8 : i32
      %broadcast_in_dim3A_295 = vector.broadcast %broadcast_in_dim3A_294 : i32 to vector<16xi32>
      %gather3A_296 = tpu.vector_load_idx %arg18[%broadcast_in_dim3A_295] : memref<624xf32, #tpu.memory_space<vmem>>[vector<16xi32>], vector<16xf32>,
      %swap3A_297 = arith.constant 8 : i32
      %swap3A_298 = arith.index_cast %swap3A_297 : i32 to index
      %swap3A_299 = arith.constant 0 : index
      %swap3A_300 = tpu.vector_load %arg19[%swap3A_298, %swap3A_299] {strides = array<i32>} : memref<624x16xf32, #tpu.memory_space<vmem>>, vector<16xf32>,
      tpu.vector_store %arg19[%swap3A_298, %swap3A_299], %gather3A_296 {strides = array<i32>} : memref<624x16xf32, #tpu.memory_space<vmem>>, vector<16xf32>,
      %broadcast_in_dim3A_301 = arith.constant 9 : i32
      %broadcast_in_dim3A_302 = vector.broadcast %broadcast_in_dim3A_301 : i32 to vector<16xi32>
      %gather3A_303 = tpu.vector_load_idx %arg18[%broadcast_in_dim3A_302] : memref<624xf32, #tpu.memory_space<vmem>>[vector<16xi32>], vector<16xf32>,
      %swap3A_304 = arith.constant 9 : i32
      %swap3A_305 = arith.index_cast %swap3A_304 : i32 to index
      %swap3A_306 = arith.constant 0 : index
      %swap3A_307 = tpu.vector_load %arg19[%swap3A_305, %swap3A_306] {strides = array<i32>} : memref<624x16xf32, #tpu.memory_space<vmem>>, vector<16xf32>,
      tpu.vector_store %arg19[%swap3A_305, %swap3A_306], %gather3A_303 {strides = array<i32>} : memref<624x16xf32, #tpu.memory_space<vmem>>, vector<16xf32>,
      %broadcast_in_dim3A_308 = arith.constant 10 : i32
      %broadcast_in_dim3A_309 = vector.broadcast %broadcast_in_dim3A_308 : i32 to vector<16xi32>
      %gather3A_310 = tpu.vector_load_idx %arg18[%broadcast_in_dim3A_309] : memref<624xf32, #tpu.memory_space<vmem>>[vector<16xi32>], vector<16xf32>,
      %swap3A_311 = arith.constant 10 : i32
      %swap3A_312 = arith.index_cast %swap3A_311 : i32 to index
      %swap3A_313 = arith.constant 0 : index
      %swap3A_314 = tpu.vector_load %arg19[%swap3A_312, %swap3A_313] {strides = array<i32>} : memref<624x16xf32, #tpu.memory_space<vmem>>, vector<16xf32>,
      tpu.vector_store %arg19[%swap3A_312, %swap3A_313], %gather3A_310 {strides = array<i32>} : memref<624x16xf32, #tpu.memory_space<vmem>>, vector<16xf32>,
      %broadcast_in_dim3A_315 = arith.constant 11 : i32
      %broadcast_in_dim3A_316 = vector.broadcast %broadcast_in_dim3A_315 : i32 to vector<16xi32>
      %gather3A_317 = tpu.vector_load_idx %arg18[%broadcast_in_dim3A_316] : memref<624xf32, #tpu.memory_space<vmem>>[vector<16xi32>], vector<16xf32>,
      %swap3A_318 = arith.constant 11 : i32
      %swap3A_319 = arith.index_cast %swap3A_318 : i32 to index
      %swap3A_320 = arith.constant 0 : index
      %swap3A_321 = tpu.vector_load %arg19[%swap3A_319, %swap3A_320] {strides = array<i32>} : memref<624x16xf32, #tpu.memory_space<vmem>>, vector<16xf32>,
      tpu.vector_store %arg19[%swap3A_319, %swap3A_320], %gather3A_317 {strides = array<i32>} : memref<624x16xf32, #tpu.memory_space<vmem>>, vector<16xf32>,
      %broadcast_in_dim3A_322 = arith.constant 12 : i32
      %broadcast_in_dim3A_323 = vector.broadcast %broadcast_in_dim3A_322 : i32 to vector<16xi32>
      %gather3A_324 = tpu.vector_load_idx %arg18[%broadcast_in_dim3A_323] : memref<624xf32, #tpu.memory_space<vmem>>[vector<16xi32>], vector<16xf32>,
      %swap3A_325 = arith.constant 12 : i32
      %swap3A_326 = arith.index_cast %swap3A_325 : i32 to index
      %swap3A_327 = arith.constant 0 : index
      %swap3A_328 = tpu.vector_load %arg19[%swap3A_326, %swap3A_327] {strides = array<i32>} : memref<624x16xf32, #tpu.memory_space<vmem>>, vector<16xf32>,
      tpu.vector_store %arg19[%swap3A_326, %swap3A_327], %gather3A_324 {strides = array<i32>} : memref<624x16xf32, #tpu.memory_space<vmem>>, vector<16xf32>,
      %broadcast_in_dim3A_329 = arith.constant 13 : i32
      %broadcast_in_dim3A_330 = vector.broadcast %broadcast_in_dim3A_329 : i32 to vector<16xi32>
      %gather3A_331 = tpu.vector_load_idx %arg18[%broadcast_in_dim3A_330] : memref<624xf32, #tpu.memory_space<vmem>>[vector<16xi32>], vector<16xf32>,
      %swap3A_332 = arith.constant 13 : i32
      %swap3A_333 = arith.index_cast %swap3A_332 : i32 to index
      %swap3A_334 = arith.constant 0 : index
      %swap3A_335 = tpu.vector_load %arg19[%swap3A_333, %swap3A_334] {strides = array<i32>} : memref<624x16xf32, #tpu.memory_space<vmem>>, vector<16xf32>,
      tpu.vector_store %arg19[%swap3A_333, %swap3A_334], %gather3A_331 {strides = array<i32>} : memref<624x16xf32, #tpu.memory_space<vmem>>, vector<16xf32>,
      %broadcast_in_dim3A_336 = arith.constant 14 : i32
      %broadcast_in_dim3A_337 = vector.broadcast %broadcast_in_dim3A_336 : i32 to vector<16xi32>
      %gather3A_338 = tpu.vector_load_idx %arg18[%broadcast_in_dim3A_337] : memref<624xf32, #tpu.memory_space<vmem>>[vector<16xi32>], vector<16xf32>,
      %swap3A_339 = arith.constant 14 : i32
      %swap3A_340 = arith.index_cast %swap3A_339 : i32 to index
      %swap3A_341 = arith.constant 0 : index
      %swap3A_342 = tpu.vector_load %arg19[%swap3A_340, %swap3A_341] {strides = array<i32>} : memref<624x16xf32, #tpu.memory_space<vmem>>, vector<16xf32>,
      tpu.vector_store %arg19[%swap3A_340, %swap3A_341], %gather3A_338 {strides = array<i32>} : memref<624x16xf32, #tpu.memory_space<vmem>>, vector<16xf32>,
      %broadcast_in_dim3A_343 = arith.constant 15 : i32
      %broadcast_in_dim3A_344 = vector.broadcast %broadcast_in_dim3A_343 : i32 to vector<16xi32>
      %gather3A_345 = tpu.vector_load_idx %arg18[%broadcast_in_dim3A_344] : memref<624xf32, #tpu.memory_space<vmem>>[vector<16xi32>], vector<16xf32>,
      %swap3A_346 = arith.constant 15 : i32
      %swap3A_347 = arith.index_cast %swap3A_346 : i32 to index
      %swap3A_348 = arith.constant 0 : index
      %swap3A_349 = tpu.vector_load %arg19[%swap3A_347, %swap3A_348] {strides = array<i32>} : memref<624x16xf32, #tpu.memory_space<vmem>>, vector<16xf32>,
      tpu.vector_store %arg19[%swap3A_347, %swap3A_348], %gather3A_345 {strides = array<i32>} : memref<624x16xf32, #tpu.memory_space<vmem>>, vector<16xf32>,
      "tpu.region"() ({
        %run_scoped3A = tpu.sem_alloc : memref<!tpu.dma_semaphore, #tpu.memory_space<semaphore_mem>>
        %dma_start3A_350 = arith.constant 0 : i32
        %dma_start3A_351 = arith.constant 0 : i32
        %dma_start3A_352 = tpu.memref_slice %arg19[%dma_start3A_350, %dma_start3A_351] : memref<624x16xf32, #tpu.memory_space<vmem>> -> memref<16x16xf32, #tpu.memory_space<vmem>>
        %dma_start3A_353 = arith.constant 9984 : i32
        %dma_start3A_354 = arith.constant 0 : i32
        %dma_start3A_355 = tpu.memref_slice %arg10[%arg0, %dma_start3A_353, %dma_start3A_354] : memref<2x10000x16xf32, #tpu.memory_space<hbm>> -> memref<1x16x16xf32, #tpu.memory_space<hbm>>
        %dma_start3A_356 = tpu.memref_squeeze %dma_start3A_355 : memref<1x16x16xf32, #tpu.memory_space<hbm>> -> memref<16x16xf32, #tpu.memory_space<hbm>>
        %dma_start3A_357 = arith.constant 9984 : i32
        %dma_start3A_358 = arith.constant 0 : i32
        %dma_start3A_359 = tpu.memref_slice %arg10[%arg0, %dma_start3A_357, %dma_start3A_358] : memref<2x10000x16xf32, #tpu.memory_space<hbm>> -> memref<1x16x16xf32, #tpu.memory_space<hbm>>
        %dma_start3A_360 = tpu.memref_squeeze %dma_start3A_359 : memref<1x16x16xf32, #tpu.memory_space<hbm>> -> memref<16x16xf32, #tpu.memory_space<hbm>>
        %dma_start3A_361 = arith.constant 0 : i32
        %dma_start3A_362 = arith.constant 0 : i32
        %dma_start3A_363 = tpu.memref_slice %arg19[%dma_start3A_361, %dma_start3A_362] : memref<624x16xf32, #tpu.memory_space<vmem>> -> memref<16x16xf32, #tpu.memory_space<vmem>>
        tpu.enqueue_dma source(%dma_start3A_363 : memref<16x16xf32, #tpu.memory_space<vmem>>) target(%dma_start3A_360 : memref<16x16xf32, #tpu.memory_space<hbm>>) target_semaphore(%run_scoped3A : memref<!tpu.dma_semaphore, #tpu.memory_space<semaphore_mem>>)
        %dma_wait3A_364 = arith.constant 0 : i32
        %dma_wait3A_365 = arith.constant 0 : i32
        %dma_wait3A_366 = tpu.memref_slice %arg19[%dma_wait3A_364, %dma_wait3A_365] : memref<624x16xf32, #tpu.memory_space<vmem>> -> memref<16x16xf32, #tpu.memory_space<vmem>>
        %dma_wait3A_367 = arith.constant 9984 : i32
        %dma_wait3A_368 = arith.constant 0 : i32
        %dma_wait3A_369 = tpu.memref_slice %arg10[%arg0, %dma_wait3A_367, %dma_wait3A_368] : memref<2x10000x16xf32, #tpu.memory_space<hbm>> -> memref<1x16x16xf32, #tpu.memory_space<hbm>>
        %dma_wait3A_370 = tpu.memref_squeeze %dma_wait3A_369 : memref<1x16x16xf32, #tpu.memory_space<hbm>> -> memref<16x16xf32, #tpu.memory_space<hbm>>
        %dma_wait3A_371 = arith.constant 9984 : i32
        %dma_wait3A_372 = arith.constant 0 : i32
        %dma_wait3A_373 = tpu.memref_slice %arg10[%arg0, %dma_wait3A_371, %dma_wait3A_372] : memref<2x10000x16xf32, #tpu.memory_space<hbm>> -> memref<1x16x16xf32, #tpu.memory_space<hbm>>
        %dma_wait3A_374 = tpu.memref_squeeze %dma_wait3A_373 : memref<1x16x16xf32, #tpu.memory_space<hbm>> -> memref<16x16xf32, #tpu.memory_space<hbm>>
        %dma_wait3A_375 = arith.constant 0 : i32
        %dma_wait3A_376 = arith.constant 0 : i32
        %dma_wait3A_377 = tpu.memref_slice %arg19[%dma_wait3A_375, %dma_wait3A_376] : memref<624x16xf32, #tpu.memory_space<vmem>> -> memref<16x16xf32, #tpu.memory_space<vmem>>
        tpu.wait_dma2 semaphore(%run_scoped3A : memref<!tpu.dma_semaphore, #tpu.memory_space<semaphore_mem>>) src(%dma_wait3A_377 : memref<16x16xf32, #tpu.memory_space<vmem>>) dst(%dma_wait3A_374 : memref<16x16xf32, #tpu.memory_space<hbm>>)
        tpu.yield
      }) : () -> ()
    } else {
    }
    return
  }
}

module attributes {stable_mosaic.version = 14 : i64} {
  func.func @_tc1_body(%arg0: i32, %arg1: memref<1000x128xf32, #tpu.memory_space<vmem>>, %arg2: memref<128x16xf32, #tpu.memory_space<vmem>>, %arg3: memref<1x16xf32, #tpu.memory_space<vmem>>, %arg4: memref<1x16xf32, #tpu.memory_space<vmem>>, %arg5: memref<1000x16xf32, #tpu.memory_space<vmem>>, %arg6: memref<1000x1xf32, #tpu.memory_space<vmem>>, %arg7: memref<1000x1xf32, #tpu.memory_space<vmem>>) attributes {dimension_semantics = [#tpu.dimension_semantics<arbitrary>], iteration_bounds = array<i64: 10>, scalar_prefetch = 0 : i64, scratch_operands = 0 : i64, tpu.core_type = #tpu.core_type<tc>, window_params = [{transform_indices = @transform_0, window_bounds = array<i64: 1000, 128>}, {pipeline_mode = #tpu.pipeline_mode<synchronous>, transform_indices = @transform_1, window_bounds = array<i64: 128, 16>}, {pipeline_mode = #tpu.pipeline_mode<synchronous>, transform_indices = @transform_2, window_bounds = array<i64: 1, 16>}, {pipeline_mode = #tpu.pipeline_mode<synchronous>, transform_indices = @transform_3, window_bounds = array<i64: 1, 16>}, {transform_indices = @transform_4, window_bounds = array<i64: 1000, 16>}, {transform_indices = @transform_5, window_bounds = array<i64: 1000, 1>}, {transform_indices = @transform_6, window_bounds = array<i64: 1000, 1>}]} {
    %get3A = arith.constant 0 : index
    %get3A_0 = arith.constant 0 : index
    %get3A_1 = vector.load %arg1[%get3A, %get3A_0] : memref<1000x128xf32, #tpu.memory_space<vmem>>, vector<1000x128xf32>
    %get3A_2 = arith.constant 0 : index
    %get3A_3 = arith.constant 0 : index
    %get3A_4 = vector.load %arg2[%get3A_2, %get3A_3] : memref<128x16xf32, #tpu.memory_space<vmem>>, vector<128x16xf32>
    %dot_general3A = arith.constant dense<0.000000e+00> : vector<1000x16xf32>
    %dot_general3A_5 = tpu.matmul %get3A_1, %get3A_4, %dot_general3A {dimension_numbers = #tpu.dot_dimension_numbers<[1], [0], [0], [1], [0, 0, 1, 1], [], []>, precision = #tpu.contract_precision<fp32>, transpose_lhs_hint = false} : vector<1000x128xf32>, vector<128x16xf32>, vector<1000x16xf32> -> vector<1000x16xf32>
    %swap3A = arith.constant 0 : index
    %swap3A_6 = arith.constant 0 : index
    %swap3A_7 = vector.load %arg5[%swap3A, %swap3A_6] : memref<1000x16xf32, #tpu.memory_space<vmem>>, vector<1000x16xf32>
    tpu.vector_store %arg5[%swap3A, %swap3A_6], %dot_general3A_5 {strides = array<i32>} : memref<1000x16xf32, #tpu.memory_space<vmem>>, vector<1000x16xf32>,
    %get3A_8 = arith.constant 0 : index
    %get3A_9 = arith.constant 0 : index
    %get3A_10 = vector.load %arg3[%get3A_8, %get3A_9] : memref<1x16xf32, #tpu.memory_space<vmem>>, vector<1x16xf32>
    %mul3A = vector.broadcast %get3A_10 : vector<1x16xf32> to vector<1000x16xf32>
    %mul3A_11 = arith.mulf %dot_general3A_5, %mul3A : vector<1000x16xf32>
    %reduce_sum3A = arith.constant dense<0.000000e+00> : vector<1000xf32>
    %reduce_sum3A_12 = vector.multi_reduction <add>, %mul3A_11, %reduce_sum3A [1] : vector<1000x16xf32> to vector<1000xf32>
    %broadcast_in_dim3A = vector.shape_cast %reduce_sum3A_12 : vector<1000xf32> to vector<1000x1xf32>
    %swap3A_13 = arith.constant 0 : index
    %swap3A_14 = arith.constant 0 : index
    %swap3A_15 = vector.load %arg6[%swap3A_13, %swap3A_14] : memref<1000x1xf32, #tpu.memory_space<vmem>>, vector<1000x1xf32>
    tpu.vector_store %arg6[%swap3A_13, %swap3A_14], %broadcast_in_dim3A {strides = array<i32>} : memref<1000x1xf32, #tpu.memory_space<vmem>>, vector<1000x1xf32>,
    %get3A_16 = arith.constant 0 : index
    %get3A_17 = arith.constant 0 : index
    %get3A_18 = vector.load %arg4[%get3A_16, %get3A_17] : memref<1x16xf32, #tpu.memory_space<vmem>>, vector<1x16xf32>
    %mul3A_19 = vector.broadcast %get3A_18 : vector<1x16xf32> to vector<1000x16xf32>
    %mul3A_20 = arith.mulf %dot_general3A_5, %mul3A_19 : vector<1000x16xf32>
    %reduce_sum3A_21 = arith.constant dense<0.000000e+00> : vector<1000xf32>
    %reduce_sum3A_22 = vector.multi_reduction <add>, %mul3A_20, %reduce_sum3A_21 [1] : vector<1000x16xf32> to vector<1000xf32>
    %broadcast_in_dim3A_23 = vector.shape_cast %reduce_sum3A_22 : vector<1000xf32> to vector<1000x1xf32>
    %swap3A_24 = arith.constant 0 : index
    %swap3A_25 = arith.constant 0 : index
    %swap3A_26 = vector.load %arg7[%swap3A_24, %swap3A_25] : memref<1000x1xf32, #tpu.memory_space<vmem>>, vector<1000x1xf32>
    tpu.vector_store %arg7[%swap3A_24, %swap3A_25], %broadcast_in_dim3A_23 {strides = array<i32>} : memref<1000x1xf32, #tpu.memory_space<vmem>>, vector<1000x1xf32>,
    return
  }
  func.func @transform_0(%arg0: i32) -> (i32, i32) {
    %c0_i32 = arith.constant 0 : i32
    %c0_i32_0 = arith.constant 0 : i32
    return %arg0, %c0_i32 : i32, i32
  }
  func.func @transform_1(%arg0: i32) -> (i32, i32) {
    %c0_i32 = arith.constant 0 : i32
    %c0_i32_0 = arith.constant 0 : i32
    %c0_i32_1 = arith.constant 0 : i32
    return %c0_i32, %c0_i32_0 : i32, i32
  }
  func.func @transform_2(%arg0: i32) -> (i32, i32) {
    %c0_i32 = arith.constant 0 : i32
    %c0_i32_0 = arith.constant 0 : i32
    %c0_i32_1 = arith.constant 0 : i32
    return %c0_i32, %c0_i32_0 : i32, i32
  }
  func.func @transform_3(%arg0: i32) -> (i32, i32) {
    %c0_i32 = arith.constant 0 : i32
    %c0_i32_0 = arith.constant 0 : i32
    %c0_i32_1 = arith.constant 0 : i32
    return %c0_i32, %c0_i32_0 : i32, i32
  }
  func.func @transform_4(%arg0: i32) -> (i32, i32) {
    %c0_i32 = arith.constant 0 : i32
    %c0_i32_0 = arith.constant 0 : i32
    return %arg0, %c0_i32 : i32, i32
  }
  func.func @transform_5(%arg0: i32) -> (i32, i32) {
    %c0_i32 = arith.constant 0 : i32
    %c0_i32_0 = arith.constant 0 : i32
    return %arg0, %c0_i32 : i32, i32
  }
  func.func @transform_6(%arg0: i32) -> (i32, i32) {
    %c0_i32 = arith.constant 0 : i32
    %c0_i32_0 = arith.constant 0 : i32
    return %arg0, %c0_i32 : i32, i32
  }
}

module attributes {stable_mosaic.version = 14 : i64} {
  func.func @_tc2_body(%arg0: i32, %arg1: memref<1x1000x16xf32, #tpu.memory_space<vmem>>, %arg2: memref<1x1000x16xf32, #tpu.memory_space<vmem>>, %arg3: memref<1x1000x16xf32, #tpu.memory_space<vmem>>, %arg4: memref<1x1000x16xf32, #tpu.memory_space<vmem>>, %arg5: memref<1000x16xf32, #tpu.memory_space<vmem>>, %arg6: memref<1000x1xf32, #tpu.memory_space<vmem>>, %arg7: memref<1000x1xf32, #tpu.memory_space<vmem>>, %arg8: memref<1x16xf32, #tpu.memory_space<vmem>>, %arg9: memref<16x16xf32, #tpu.memory_space<vmem>>, %arg10: memref<1x16xf32, #tpu.memory_space<vmem>>, %arg11: memref<1x16xf32, #tpu.memory_space<vmem>>, %arg12: memref<1000x16xf32, #tpu.memory_space<vmem>>, %arg13: memref<1000x1xf32, #tpu.memory_space<vmem>>, %arg14: memref<1000x1xf32, #tpu.memory_space<vmem>>) attributes {dimension_semantics = [#tpu.dimension_semantics<arbitrary>], iteration_bounds = array<i64: 10>, scalar_prefetch = 0 : i64, scratch_operands = 0 : i64, tpu.core_type = #tpu.core_type<tc>, window_params = [{transform_indices = @transform_0, window_bounds = array<i64: 1, 1000, 16>}, {transform_indices = @transform_1, window_bounds = array<i64: 1, 1000, 16>}, {transform_indices = @transform_2, window_bounds = array<i64: 1, 1000, 16>}, {transform_indices = @transform_3, window_bounds = array<i64: 1, 1000, 16>}, {transform_indices = @transform_4, window_bounds = array<i64: 1000, 16>}, {transform_indices = @transform_5, window_bounds = array<i64: 1000, 1>}, {transform_indices = @transform_6, window_bounds = array<i64: 1000, 1>}, {pipeline_mode = #tpu.pipeline_mode<synchronous>, transform_indices = @transform_7, window_bounds = array<i64: 1, 16>}, {pipeline_mode = #tpu.pipeline_mode<synchronous>, transform_indices = @transform_8, window_bounds = array<i64: 16, 16>}, {pipeline_mode = #tpu.pipeline_mode<synchronous>, transform_indices = @transform_9, window_bounds = array<i64: 1, 16>}, {pipeline_mode = #tpu.pipeline_mode<synchronous>, transform_indices = @transform_10, window_bounds = array<i64: 1, 16>}, {transform_indices = @transform_11, window_bounds = array<i64: 1000, 16>}, {transform_indices = @transform_12, window_bounds = array<i64: 1000, 1>}, {transform_indices = @transform_13, window_bounds = array<i64: 1000, 1>}]} {
    %get3A = arith.constant 0 : index
    %get3A_0 = arith.constant 0 : index
    %get3A_1 = vector.load %arg6[%get3A, %get3A_0] : memref<1000x1xf32, #tpu.memory_space<vmem>>, vector<1000x1xf32>
    %get3A_2 = arith.constant 0 : index
    %get3A_3 = arith.constant 0 : index
    %get3A_4 = vector.load %arg7[%get3A_2, %get3A_3] : memref<1000x1xf32, #tpu.memory_space<vmem>>, vector<1000x1xf32>
    %add3A = arith.addf %get3A_1, %get3A_4 : vector<1000x1xf32>
    %ge3A = arith.constant 0.000000e+00 : f32
    %ge3A_5 = vector.broadcast %ge3A : f32 to vector<1000x1xf32>
    %ge3A_6 = arith.cmpf oge, %add3A, %ge3A_5 : vector<1000x1xf32>
    %mul3A = arith.constant 2.000000e-01 : f32
    %mul3A_7 = vector.broadcast %mul3A : f32 to vector<1000x1xf32>
    %mul3A_8 = arith.mulf %mul3A_7, %add3A : vector<1000x1xf32>
    %select_n3A = arith.select %ge3A_6, %add3A, %mul3A_8 : vector<1000x1xi1>, vector<1000x1xf32>
    %exp3A = math.exp %select_n3A : vector<1000x1xf32>
    %get3A_9 = arith.constant 0 : index
    %get3A_10 = arith.constant 0 : index
    %get3A_11 = arith.constant 0 : index
    %get3A_12 = vector.load %arg1[%get3A_9, %get3A_10, %get3A_11] : memref<1x1000x16xf32, #tpu.memory_space<vmem>>, vector<1x1000x16xf32>
    %squeeze3A = vector.shape_cast %get3A_12 : vector<1x1000x16xf32> to vector<1000x16xf32>
    %get3A_13 = arith.constant 0 : index
    %get3A_14 = arith.constant 0 : index
    %get3A_15 = arith.constant 0 : index
    %get3A_16 = vector.load %arg2[%get3A_13, %get3A_14, %get3A_15] : memref<1x1000x16xf32, #tpu.memory_space<vmem>>, vector<1x1000x16xf32>
    %squeeze3A_17 = vector.shape_cast %get3A_16 : vector<1x1000x16xf32> to vector<1000x16xf32>
    %add3A_18 = arith.addf %squeeze3A, %squeeze3A_17 : vector<1000x16xf32>
    %get3A_19 = arith.constant 0 : index
    %get3A_20 = arith.constant 0 : index
    %get3A_21 = vector.load %arg5[%get3A_19, %get3A_20] : memref<1000x16xf32, #tpu.memory_space<vmem>>, vector<1000x16xf32>
    %mul3A_22 = vector.broadcast %exp3A : vector<1000x1xf32> to vector<1000x16xf32>
    %mul3A_23 = arith.mulf %get3A_21, %mul3A_22 : vector<1000x16xf32>
    %add3A_24 = arith.addf %add3A_18, %mul3A_23 : vector<1000x16xf32>
    %get3A_25 = arith.constant 0 : index
    %get3A_26 = arith.constant 0 : index
    %get3A_27 = arith.constant 0 : index
    %get3A_28 = vector.load %arg3[%get3A_25, %get3A_26, %get3A_27] : memref<1x1000x16xf32, #tpu.memory_space<vmem>>, vector<1x1000x16xf32>
    %squeeze3A_29 = vector.shape_cast %get3A_28 : vector<1x1000x16xf32> to vector<1000x16xf32>
    %get3A_30 = arith.constant 0 : index
    %get3A_31 = arith.constant 0 : index
    %get3A_32 = arith.constant 0 : index
    %get3A_33 = vector.load %arg4[%get3A_30, %get3A_31, %get3A_32] : memref<1x1000x16xf32, #tpu.memory_space<vmem>>, vector<1x1000x16xf32>
    %squeeze3A_34 = vector.shape_cast %get3A_33 : vector<1x1000x16xf32> to vector<1000x16xf32>
    %add3A_35 = arith.addf %squeeze3A_29, %squeeze3A_34 : vector<1000x16xf32>
    %add3A_36 = vector.broadcast %exp3A : vector<1000x1xf32> to vector<1000x16xf32>
    %add3A_37 = arith.addf %add3A_35, %add3A_36 : vector<1000x16xf32>
    %add3A_38 = arith.constant 1.000000e-16 : f32
    %add3A_39 = vector.broadcast %add3A_38 : f32 to vector<1000x16xf32>
    %add3A_40 = arith.addf %add3A_37, %add3A_39 : vector<1000x16xf32>
    %div3A = arith.divf %add3A_24, %add3A_40 : vector<1000x16xf32>
    %get3A_41 = arith.constant 0 : index
    %get3A_42 = arith.constant 0 : index
    %get3A_43 = vector.load %arg8[%get3A_41, %get3A_42] : memref<1x16xf32, #tpu.memory_space<vmem>>, vector<1x16xf32>
    %add3A_44 = vector.broadcast %get3A_43 : vector<1x16xf32> to vector<1000x16xf32>
    %add3A_45 = arith.addf %div3A, %add3A_44 : vector<1000x16xf32>
    %max3A = arith.constant 0.000000e+00 : f32
    %max3A_46 = vector.broadcast %max3A : f32 to vector<1000x16xf32>
    %max3A_47 = arith.maximumf %add3A_45, %max3A_46 : vector<1000x16xf32>
    %get3A_48 = arith.constant 0 : index
    %get3A_49 = arith.constant 0 : index
    %get3A_50 = vector.load %arg9[%get3A_48, %get3A_49] : memref<16x16xf32, #tpu.memory_space<vmem>>, vector<16x16xf32>
    %dot_general3A = arith.constant dense<0.000000e+00> : vector<1000x16xf32>
    %dot_general3A_51 = tpu.matmul %max3A_47, %get3A_50, %dot_general3A {dimension_numbers = #tpu.dot_dimension_numbers<[1], [0], [0], [1], [0, 0, 1, 1], [], []>, precision = #tpu.contract_precision<fp32>, transpose_lhs_hint = false} : vector<1000x16xf32>, vector<16x16xf32>, vector<1000x16xf32> -> vector<1000x16xf32>
    %swap3A = arith.constant 0 : index
    %swap3A_52 = arith.constant 0 : index
    %swap3A_53 = vector.load %arg12[%swap3A, %swap3A_52] : memref<1000x16xf32, #tpu.memory_space<vmem>>, vector<1000x16xf32>
    tpu.vector_store %arg12[%swap3A, %swap3A_52], %dot_general3A_51 {strides = array<i32>} : memref<1000x16xf32, #tpu.memory_space<vmem>>, vector<1000x16xf32>,
    %get3A_54 = arith.constant 0 : index
    %get3A_55 = arith.constant 0 : index
    %get3A_56 = vector.load %arg10[%get3A_54, %get3A_55] : memref<1x16xf32, #tpu.memory_space<vmem>>, vector<1x16xf32>
    %mul3A_57 = vector.broadcast %get3A_56 : vector<1x16xf32> to vector<1000x16xf32>
    %mul3A_58 = arith.mulf %dot_general3A_51, %mul3A_57 : vector<1000x16xf32>
    %reduce_sum3A = arith.constant dense<0.000000e+00> : vector<1000xf32>
    %reduce_sum3A_59 = vector.multi_reduction <add>, %mul3A_58, %reduce_sum3A [1] : vector<1000x16xf32> to vector<1000xf32>
    %broadcast_in_dim3A = vector.shape_cast %reduce_sum3A_59 : vector<1000xf32> to vector<1000x1xf32>
    %swap3A_60 = arith.constant 0 : index
    %swap3A_61 = arith.constant 0 : index
    %swap3A_62 = vector.load %arg13[%swap3A_60, %swap3A_61] : memref<1000x1xf32, #tpu.memory_space<vmem>>, vector<1000x1xf32>
    tpu.vector_store %arg13[%swap3A_60, %swap3A_61], %broadcast_in_dim3A {strides = array<i32>} : memref<1000x1xf32, #tpu.memory_space<vmem>>, vector<1000x1xf32>,
    %get3A_63 = arith.constant 0 : index
    %get3A_64 = arith.constant 0 : index
    %get3A_65 = vector.load %arg11[%get3A_63, %get3A_64] : memref<1x16xf32, #tpu.memory_space<vmem>>, vector<1x16xf32>
    %mul3A_66 = vector.broadcast %get3A_65 : vector<1x16xf32> to vector<1000x16xf32>
    %mul3A_67 = arith.mulf %dot_general3A_51, %mul3A_66 : vector<1000x16xf32>
    %reduce_sum3A_68 = arith.constant dense<0.000000e+00> : vector<1000xf32>
    %reduce_sum3A_69 = vector.multi_reduction <add>, %mul3A_67, %reduce_sum3A_68 [1] : vector<1000x16xf32> to vector<1000xf32>
    %broadcast_in_dim3A_70 = vector.shape_cast %reduce_sum3A_69 : vector<1000xf32> to vector<1000x1xf32>
    %swap3A_71 = arith.constant 0 : index
    %swap3A_72 = arith.constant 0 : index
    %swap3A_73 = vector.load %arg14[%swap3A_71, %swap3A_72] : memref<1000x1xf32, #tpu.memory_space<vmem>>, vector<1000x1xf32>
    tpu.vector_store %arg14[%swap3A_71, %swap3A_72], %broadcast_in_dim3A_70 {strides = array<i32>} : memref<1000x1xf32, #tpu.memory_space<vmem>>, vector<1000x1xf32>,
    return
  }
  func.func @transform_0(%arg0: i32) -> (i32, i32, i32) {
    %c0_i32 = arith.constant 0 : i32
    %c0_i32_0 = arith.constant 0 : i32
    %c0_i32_1 = arith.constant 0 : i32
    return %c0_i32, %arg0, %c0_i32_0 : i32, i32, i32
  }
  func.func @transform_1(%arg0: i32) -> (i32, i32, i32) {
    %c1_i32 = arith.constant 1 : i32
    %c0_i32 = arith.constant 0 : i32
    %c0_i32_0 = arith.constant 0 : i32
    return %c1_i32, %arg0, %c0_i32 : i32, i32, i32
  }
  func.func @transform_2(%arg0: i32) -> (i32, i32, i32) {
    %c0_i32 = arith.constant 0 : i32
    %c0_i32_0 = arith.constant 0 : i32
    %c0_i32_1 = arith.constant 0 : i32
    return %c0_i32, %arg0, %c0_i32_0 : i32, i32, i32
  }
  func.func @transform_3(%arg0: i32) -> (i32, i32, i32) {
    %c1_i32 = arith.constant 1 : i32
    %c0_i32 = arith.constant 0 : i32
    %c0_i32_0 = arith.constant 0 : i32
    return %c1_i32, %arg0, %c0_i32 : i32, i32, i32
  }
  func.func @transform_4(%arg0: i32) -> (i32, i32) {
    %c0_i32 = arith.constant 0 : i32
    %c0_i32_0 = arith.constant 0 : i32
    return %arg0, %c0_i32 : i32, i32
  }
  func.func @transform_5(%arg0: i32) -> (i32, i32) {
    %c0_i32 = arith.constant 0 : i32
    %c0_i32_0 = arith.constant 0 : i32
    return %arg0, %c0_i32 : i32, i32
  }
  func.func @transform_6(%arg0: i32) -> (i32, i32) {
    %c0_i32 = arith.constant 0 : i32
    %c0_i32_0 = arith.constant 0 : i32
    return %arg0, %c0_i32 : i32, i32
  }
  func.func @transform_7(%arg0: i32) -> (i32, i32) {
    %c0_i32 = arith.constant 0 : i32
    %c0_i32_0 = arith.constant 0 : i32
    %c0_i32_1 = arith.constant 0 : i32
    return %c0_i32, %c0_i32_0 : i32, i32
  }
  func.func @transform_8(%arg0: i32) -> (i32, i32) {
    %c0_i32 = arith.constant 0 : i32
    %c0_i32_0 = arith.constant 0 : i32
    %c0_i32_1 = arith.constant 0 : i32
    return %c0_i32, %c0_i32_0 : i32, i32
  }
  func.func @transform_9(%arg0: i32) -> (i32, i32) {
    %c0_i32 = arith.constant 0 : i32
    %c0_i32_0 = arith.constant 0 : i32
    %c0_i32_1 = arith.constant 0 : i32
    return %c0_i32, %c0_i32_0 : i32, i32
  }
  func.func @transform_10(%arg0: i32) -> (i32, i32) {
    %c0_i32 = arith.constant 0 : i32
    %c0_i32_0 = arith.constant 0 : i32
    %c0_i32_1 = arith.constant 0 : i32
    return %c0_i32, %c0_i32_0 : i32, i32
  }
  func.func @transform_11(%arg0: i32) -> (i32, i32) {
    %c0_i32 = arith.constant 0 : i32
    %c0_i32_0 = arith.constant 0 : i32
    return %arg0, %c0_i32 : i32, i32
  }
  func.func @transform_12(%arg0: i32) -> (i32, i32) {
    %c0_i32 = arith.constant 0 : i32
    %c0_i32_0 = arith.constant 0 : i32
    return %arg0, %c0_i32 : i32, i32
  }
  func.func @transform_13(%arg0: i32) -> (i32, i32) {
    %c0_i32 = arith.constant 0 : i32
    %c0_i32_0 = arith.constant 0 : i32
    return %arg0, %c0_i32 : i32, i32
  }
}

module attributes {stable_mosaic.version = 14 : i64} {
  func.func @_tc3_body(%arg0: i32, %arg1: memref<1x1000x16xf32, #tpu.memory_space<vmem>>, %arg2: memref<1x1000x16xf32, #tpu.memory_space<vmem>>, %arg3: memref<1x1000x16xf32, #tpu.memory_space<vmem>>, %arg4: memref<1x1000x16xf32, #tpu.memory_space<vmem>>, %arg5: memref<1000x16xf32, #tpu.memory_space<vmem>>, %arg6: memref<1000x1xf32, #tpu.memory_space<vmem>>, %arg7: memref<1000x1xf32, #tpu.memory_space<vmem>>, %arg8: memref<1x16xf32, #tpu.memory_space<vmem>>, %arg9: memref<1000x16xf32, #tpu.memory_space<vmem>>) attributes {dimension_semantics = [#tpu.dimension_semantics<arbitrary>], iteration_bounds = array<i64: 10>, scalar_prefetch = 0 : i64, scratch_operands = 0 : i64, tpu.core_type = #tpu.core_type<tc>, window_params = [{transform_indices = @transform_0, window_bounds = array<i64: 1, 1000, 16>}, {transform_indices = @transform_1, window_bounds = array<i64: 1, 1000, 16>}, {transform_indices = @transform_2, window_bounds = array<i64: 1, 1000, 16>}, {transform_indices = @transform_3, window_bounds = array<i64: 1, 1000, 16>}, {transform_indices = @transform_4, window_bounds = array<i64: 1000, 16>}, {transform_indices = @transform_5, window_bounds = array<i64: 1000, 1>}, {transform_indices = @transform_6, window_bounds = array<i64: 1000, 1>}, {pipeline_mode = #tpu.pipeline_mode<synchronous>, transform_indices = @transform_7, window_bounds = array<i64: 1, 16>}, {transform_indices = @transform_8, window_bounds = array<i64: 1000, 16>}]} {
    %get3A = arith.constant 0 : index
    %get3A_0 = arith.constant 0 : index
    %get3A_1 = vector.load %arg6[%get3A, %get3A_0] : memref<1000x1xf32, #tpu.memory_space<vmem>>, vector<1000x1xf32>
    %get3A_2 = arith.constant 0 : index
    %get3A_3 = arith.constant 0 : index
    %get3A_4 = vector.load %arg7[%get3A_2, %get3A_3] : memref<1000x1xf32, #tpu.memory_space<vmem>>, vector<1000x1xf32>
    %add3A = arith.addf %get3A_1, %get3A_4 : vector<1000x1xf32>
    %ge3A = arith.constant 0.000000e+00 : f32
    %ge3A_5 = vector.broadcast %ge3A : f32 to vector<1000x1xf32>
    %ge3A_6 = arith.cmpf oge, %add3A, %ge3A_5 : vector<1000x1xf32>
    %mul3A = arith.constant 2.000000e-01 : f32
    %mul3A_7 = vector.broadcast %mul3A : f32 to vector<1000x1xf32>
    %mul3A_8 = arith.mulf %mul3A_7, %add3A : vector<1000x1xf32>
    %select_n3A = arith.select %ge3A_6, %add3A, %mul3A_8 : vector<1000x1xi1>, vector<1000x1xf32>
    %exp3A = math.exp %select_n3A : vector<1000x1xf32>
    %get3A_9 = arith.constant 0 : index
    %get3A_10 = arith.constant 0 : index
    %get3A_11 = arith.constant 0 : index
    %get3A_12 = vector.load %arg1[%get3A_9, %get3A_10, %get3A_11] : memref<1x1000x16xf32, #tpu.memory_space<vmem>>, vector<1x1000x16xf32>
    %squeeze3A = vector.shape_cast %get3A_12 : vector<1x1000x16xf32> to vector<1000x16xf32>
    %get3A_13 = arith.constant 0 : index
    %get3A_14 = arith.constant 0 : index
    %get3A_15 = arith.constant 0 : index
    %get3A_16 = vector.load %arg2[%get3A_13, %get3A_14, %get3A_15] : memref<1x1000x16xf32, #tpu.memory_space<vmem>>, vector<1x1000x16xf32>
    %squeeze3A_17 = vector.shape_cast %get3A_16 : vector<1x1000x16xf32> to vector<1000x16xf32>
    %add3A_18 = arith.addf %squeeze3A, %squeeze3A_17 : vector<1000x16xf32>
    %get3A_19 = arith.constant 0 : index
    %get3A_20 = arith.constant 0 : index
    %get3A_21 = vector.load %arg5[%get3A_19, %get3A_20] : memref<1000x16xf32, #tpu.memory_space<vmem>>, vector<1000x16xf32>
    %mul3A_22 = vector.broadcast %exp3A : vector<1000x1xf32> to vector<1000x16xf32>
    %mul3A_23 = arith.mulf %get3A_21, %mul3A_22 : vector<1000x16xf32>
    %add3A_24 = arith.addf %add3A_18, %mul3A_23 : vector<1000x16xf32>
    %get3A_25 = arith.constant 0 : index
    %get3A_26 = arith.constant 0 : index
    %get3A_27 = arith.constant 0 : index
    %get3A_28 = vector.load %arg3[%get3A_25, %get3A_26, %get3A_27] : memref<1x1000x16xf32, #tpu.memory_space<vmem>>, vector<1x1000x16xf32>
    %squeeze3A_29 = vector.shape_cast %get3A_28 : vector<1x1000x16xf32> to vector<1000x16xf32>
    %get3A_30 = arith.constant 0 : index
    %get3A_31 = arith.constant 0 : index
    %get3A_32 = arith.constant 0 : index
    %get3A_33 = vector.load %arg4[%get3A_30, %get3A_31, %get3A_32] : memref<1x1000x16xf32, #tpu.memory_space<vmem>>, vector<1x1000x16xf32>
    %squeeze3A_34 = vector.shape_cast %get3A_33 : vector<1x1000x16xf32> to vector<1000x16xf32>
    %add3A_35 = arith.addf %squeeze3A_29, %squeeze3A_34 : vector<1000x16xf32>
    %add3A_36 = vector.broadcast %exp3A : vector<1000x1xf32> to vector<1000x16xf32>
    %add3A_37 = arith.addf %add3A_35, %add3A_36 : vector<1000x16xf32>
    %add3A_38 = arith.constant 1.000000e-16 : f32
    %add3A_39 = vector.broadcast %add3A_38 : f32 to vector<1000x16xf32>
    %add3A_40 = arith.addf %add3A_37, %add3A_39 : vector<1000x16xf32>
    %div3A = arith.divf %add3A_24, %add3A_40 : vector<1000x16xf32>
    %get3A_41 = arith.constant 0 : index
    %get3A_42 = arith.constant 0 : index
    %get3A_43 = vector.load %arg8[%get3A_41, %get3A_42] : memref<1x16xf32, #tpu.memory_space<vmem>>, vector<1x16xf32>
    %add3A_44 = vector.broadcast %get3A_43 : vector<1x16xf32> to vector<1000x16xf32>
    %add3A_45 = arith.addf %div3A, %add3A_44 : vector<1000x16xf32>
    %iota3A = tpu.iota {dimensions = array<i32: 1>} : vector<1000x16xi32>
    %lt3A = arith.constant 5 : i32
    %lt3A_46 = vector.broadcast %lt3A : i32 to vector<1000x16xi32>
    %lt3A_47 = arith.cmpi slt, %iota3A, %lt3A_46 : vector<1000x16xi32>
    %jit3A = arith.constant 0xFF800000 : f32
    %broadcast_in_dim3A = vector.broadcast %jit3A : f32 to vector<1000x16xf32>
    %select_n3A_48 = arith.select %lt3A_47, %add3A_45, %broadcast_in_dim3A : vector<1000x16xi1>, vector<1000x16xf32>
    %reduce_max3A = arith.constant dense<0xFF800000> : vector<1000xf32>
    %reduce_max3A_49 = vector.multi_reduction <maximumf>, %select_n3A_48, %reduce_max3A [1] : vector<1000x16xf32> to vector<1000xf32>
    %broadcast_in_dim3A_50 = vector.shape_cast %reduce_max3A_49 : vector<1000xf32> to vector<1000x1xf32>
    %sub3A = vector.broadcast %broadcast_in_dim3A_50 : vector<1000x1xf32> to vector<1000x16xf32>
    %sub3A_51 = arith.subf %select_n3A_48, %sub3A : vector<1000x16xf32>
    %exp3A_52 = math.exp %sub3A_51 : vector<1000x16xf32>
    %reduce_sum3A = arith.constant dense<0.000000e+00> : vector<1000xf32>
    %reduce_sum3A_53 = vector.multi_reduction <add>, %exp3A_52, %reduce_sum3A [1] : vector<1000x16xf32> to vector<1000xf32>
    %broadcast_in_dim3A_54 = vector.shape_cast %reduce_sum3A_53 : vector<1000xf32> to vector<1000x1xf32>
    %log3A = math.log %broadcast_in_dim3A_54 : vector<1000x1xf32>
    %add3A_55 = arith.addf %broadcast_in_dim3A_50, %log3A : vector<1000x1xf32>
    %sub3A_56 = vector.broadcast %add3A_55 : vector<1000x1xf32> to vector<1000x16xf32>
    %sub3A_57 = arith.subf %add3A_45, %sub3A_56 : vector<1000x16xf32>
    %swap3A = arith.constant 0 : index
    %swap3A_58 = arith.constant 0 : index
    %swap3A_59 = vector.load %arg9[%swap3A, %swap3A_58] : memref<1000x16xf32, #tpu.memory_space<vmem>>, vector<1000x16xf32>
    tpu.vector_store %arg9[%swap3A, %swap3A_58], %sub3A_57 {strides = array<i32>} : memref<1000x16xf32, #tpu.memory_space<vmem>>, vector<1000x16xf32>,
    return
  }
  func.func @transform_0(%arg0: i32) -> (i32, i32, i32) {
    %c0_i32 = arith.constant 0 : i32
    %c0_i32_0 = arith.constant 0 : i32
    %c0_i32_1 = arith.constant 0 : i32
    return %c0_i32, %arg0, %c0_i32_0 : i32, i32, i32
  }
  func.func @transform_1(%arg0: i32) -> (i32, i32, i32) {
    %c1_i32 = arith.constant 1 : i32
    %c0_i32 = arith.constant 0 : i32
    %c0_i32_0 = arith.constant 0 : i32
    return %c1_i32, %arg0, %c0_i32 : i32, i32, i32
  }
  func.func @transform_2(%arg0: i32) -> (i32, i32, i32) {
    %c0_i32 = arith.constant 0 : i32
    %c0_i32_0 = arith.constant 0 : i32
    %c0_i32_1 = arith.constant 0 : i32
    return %c0_i32, %arg0, %c0_i32_0 : i32, i32, i32
  }
  func.func @transform_3(%arg0: i32) -> (i32, i32, i32) {
    %c1_i32 = arith.constant 1 : i32
    %c0_i32 = arith.constant 0 : i32
    %c0_i32_0 = arith.constant 0 : i32
    return %c1_i32, %arg0, %c0_i32 : i32, i32, i32
  }
  func.func @transform_4(%arg0: i32) -> (i32, i32) {
    %c0_i32 = arith.constant 0 : i32
    %c0_i32_0 = arith.constant 0 : i32
    return %arg0, %c0_i32 : i32, i32
  }
  func.func @transform_5(%arg0: i32) -> (i32, i32) {
    %c0_i32 = arith.constant 0 : i32
    %c0_i32_0 = arith.constant 0 : i32
    return %arg0, %c0_i32 : i32, i32
  }
  func.func @transform_6(%arg0: i32) -> (i32, i32) {
    %c0_i32 = arith.constant 0 : i32
    %c0_i32_0 = arith.constant 0 : i32
    return %arg0, %c0_i32 : i32, i32
  }
  func.func @transform_7(%arg0: i32) -> (i32, i32) {
    %c0_i32 = arith.constant 0 : i32
    %c0_i32_0 = arith.constant 0 : i32
    %c0_i32_1 = arith.constant 0 : i32
    return %c0_i32, %c0_i32_0 : i32, i32
  }
  func.func @transform_8(%arg0: i32) -> (i32, i32) {
    %c0_i32 = arith.constant 0 : i32
    %c0_i32_0 = arith.constant 0 : i32
    return %arg0, %c0_i32 : i32, i32
  }
}

</mosaic_0001>

<sc_bundles>
// kernel: kernel.10.cloned.1.call-start
scs
__scs_entry_jumppad:
0x0: {  	(pc) =	sbr.rel $0x88, $3  }
0x1: {  	(tag) =	ssettag $0x0;
	lr =	simm.s32 $0x1  }
0x2: {  	[smem:$0x3F97] =	sst lr;
	_ =	strace $0xD0000000  }
0x3: {  	_ = 	snop  }
0x4: {  	_ = 	snop  }
0x5: {  	_ = 	snop  }
0x6: {  	_ = 	snop  }
0x7: {  	_ = 	snop  }
__scs_overlays_trampoline_lowered:
0x8: {  	[smem:$0x3FA6] =	sst s0  }
0x9: {  	[smem:$0x3FA7] =	sst s1  }
0xa: {  	[smem:$0x3FA8] =	sst s2  }
0xb: {  	[smem:$0x3FA9] =	sst s3  }
0xc: {  	[smem:$0x3FAA] =	sst s4  }
0xd: {  	[smem:$0x3FAB] =	sst s5  }
0xe: {  	[smem:$0x3FAC] =	sst s6  }
0xf: {  	[smem:$0x3FAD] =	sst s7  }
0x10: {  	[smem:$0x3FAE] =	sst s8  }
0x11: {  	[smem:$0x3FAF] =	sst s9;
	s0 =	simm.s32 @!p0 $0x0  }
0x12: {  	s1 =	sld [smem:$0x3F95];
	s0 =	simm.s32 @p0 $0x1  }
0x13: {  	[smem:$0x3FB0] =	sst s0;
	s0 =	simm.s32 @!p1 $0x0  }
0x14: {  	s2 =	sld [smem:$0x3F94];
	s0 =	simm.s32 @p1 $0x1  }
0x15: {  	[smem:$0x3FB1] =	sst s0;
	s0 =	simm.s32 @!p2 $0x0  }
0x16: {  	s3 =	sld [smem:$0x3FDB];
	s0 =	simm.s32 @p2 $0x1  }
0x17: {  	s4 =	simm.s32 $0x1BF5;
	[smem:$0x3FB3] =	sst s0  }
0x18: {  	s0 =	sld [smem:$0x3F96];
	_ =	swait.ge [sflag:s4], $0x0  }
0x19: {  	s7 =	sld [smem:$0x3F97]  }
0x1a: {  	s8 =	sadd.s32 $0xFFFFE003, lr  }
0x1b: {  	s9 =	sadd.s32 $0xFFFFFEF7, lr;
	s5 =	simm.s32 $0xFFFFFFFF;
	p2 =	slt.u32 s8, $0xFFFFF086  }
0x1c: {  	p1 =	slt.u32 s9, $0xF7A;
	s5 =	simm.s32 @!p2 $0x0  }
0x1d: {  	s5 =	simm.s32 @p1 $0x1;
	p0 =	seq.s32 s7, s2  }
0x1e: {  	s7 =	smul.u32 @!p0 $0xF7A, s2;
	p2 =	seq.s32 @!p0 s5, $0x0  }
0x1f: {  	s9 =	smul.u32 $0xF7A, s1;
	s8 =	simm.s32 @!p0 $0x1BF5;
	p2 =	por !p2, p0  }
0x20: {  	[sflag:s8] =	ssyncset.s32 @!p0 $0xFFFFF086;
	s6 =	sadd.s32 @!p0 s3, s7;
	s7 =	simm.s32 @!p0 $0x108  }
0x21: {  	s3 =	sadd.s32 s3, s9;
	s6 =	sadd.s32 @!p0 $0x88, s6;
	s7 =	simm.s32 @p2 $0x1082  }
0x22: {  	[simem:s7], [sflag:s8] =	dma.local @!p0 [hbm:s6], $0xF7A  }
0x23: {  	s9 =	sor.u32 $0xD0000000, s2;
	s6 =	simm.s32 $0x108;
	_ =	swait.ge @!p0 [sflag:s8], $0x0  }
0x24: {  	s3 =	sadd.s32 $0x88, s3;
	s6 =	simm.s32 @!p1 $0x1082;
	[sflag:s4] =	ssyncset.s32 $0xFFFFF086  }
0x25: {  	[simem:s6], [sflag:s4] =	dma.local [hbm:s3], $0xF7A  }
0x26: {  	[smem:$0x3F97] =	sst s1;
	(tag) =	ssettag s2;
	_ =	strace s9  }
0x27: {  	s1 =	sld [smem:$0x3FA7]  }
0x28: {  	s2 =	sld [smem:$0x3FA8]  }
0x29: {  	s4 =	sld [smem:$0x3FAA]  }
0x2a: {  	p0 =	seq.s32 s5, $0x0;
	s5 =	sld [smem:$0x3FAB]  }
0x2b: {  	s6 =	sld [smem:$0x3FAC]  }
0x2c: {  	s7 =	sld [smem:$0x3FAD]  }
0x2d: {  	s3 =	simm.s32 $0x108;
	s8 =	sld [smem:$0x3FAE]  }
0x2e: {  	s3 =	simm.s32 @!p0 $0x1082;
	s9 =	sld [smem:$0x3FAF]  }
0x2f: {  	lr =	sadd.s32 s0, s3;
	s0 =	sld [smem:$0x3FA6]  }
0x30: {  	s3 =	sld [smem:$0x3FA9]  }
0x31: {  	[smem:$0x3FB2] =	sst s10  }
0x32: {  	s10 =	sld [smem:$0x3FB0];
	_ =	sdelay $0x3  }
0x33: {  	p0 =	seq.s32 s10, $0x1;
	s10 =	sld [smem:$0x3FB2];
	_ =	sdelay $0x3  }
0x34: {  	[smem:$0x3FB2] =	sst s10  }
0x35: {  	s10 =	sld [smem:$0x3FB1];
	_ =	sdelay $0x3  }
0x36: {  	p1 =	seq.s32 s10, $0x1;
	s10 =	sld [smem:$0x3FB2];
	_ =	sdelay $0x3  }
0x37: {  	[smem:$0x3FB2] =	sst s10  }
0x38: {  	s10 =	sld [smem:$0x3FB3]  }
0x39: {  	_ = 	snop;
	(pc) =	sbr.ind lr, $3  }
0x3a: {  	_ = 	snop  }
0x3b: {  	_ = 	snop  }
0x3c: {  	p2 =	seq.s32 s10, $0x1;
	s10 =	sld [smem:$0x3FB2]  }
0x3d: {  	_ =	shalt  }
0x3e: {  	_ =	shalt  }
0x3f: {  	_ =	shalt  }
0x40: {  	_ =	shalt  }
0x41: {  	_ =	shalt  }
0x42: {  	_ =	shalt  }
0x43: {  	_ =	shalt  }
0x44: {  	_ =	shalt  }
0x45: {  	_ =	shalt  }
0x46: {  	_ =	shalt  }
0x47: {  	_ =	shalt  }
0x48: {  	_ =	shalt  }
0x49: {  	_ =	shalt  }
0x4a: {  	_ =	shalt  }
0x4b: {  	_ =	shalt  }
0x4c: {  	_ =	shalt  }
0x4d: {  	_ =	shalt  }
0x4e: {  	_ =	shalt  }
0x4f: {  	_ =	shalt  }
0x50: {  	_ =	shalt  }
0x51: {  	_ =	shalt  }
0x52: {  	_ =	shalt  }
0x53: {  	_ =	shalt  }
0x54: {  	_ =	shalt  }
0x55: {  	_ =	shalt  }
0x56: {  	_ =	shalt  }
0x57: {  	_ =	shalt  }
0x58: {  	_ =	shalt  }
0x59: {  	_ =	shalt  }
0x5a: {  	_ =	shalt  }
0x5b: {  	_ =	shalt  }
0x5c: {  	_ =	shalt  }
0x5d: {  	_ =	shalt  }
0x5e: {  	_ =	shalt  }
0x5f: {  	_ =	shalt  }
0x60: {  	_ =	shalt  }
0x61: {  	_ =	shalt  }
0x62: {  	_ =	shalt  }
0x63: {  	_ =	shalt  }
0x64: {  	_ =	shalt  }
0x65: {  	_ =	shalt  }
0x66: {  	_ =	shalt  }
0x67: {  	_ =	shalt  }
0x68: {  	_ =	shalt  }
0x69: {  	_ =	shalt  }
0x6a: {  	_ =	shalt  }
0x6b: {  	_ =	shalt  }
0x6c: {  	_ =	shalt  }
0x6d: {  	_ =	shalt  }
0x6e: {  	_ =	shalt  }
0x6f: {  	_ =	shalt  }
0x70: {  	_ =	shalt  }
0x71: {  	_ =	shalt  }
0x72: {  	_ =	shalt  }
0x73: {  	_ =	shalt  }
0x74: {  	_ =	shalt  }
0x75: {  	_ =	shalt  }
0x76: {  	_ =	shalt  }
0x77: {  	_ =	shalt  }
0x78: {  	_ =	shalt  }
0x79: {  	_ =	shalt  }
0x7a: {  	_ =	shalt  }
0x7b: {  	_ =	shalt  }
0x7c: {  	_ =	shalt  }
0x7d: {  	_ =	shalt  }
0x7e: {  	_ =	shalt  }
0x7f: {  	_ =	shalt  }
0x80: {  	_ =	shalt  }
0x81: {  	_ =	shalt  }
0x82: {  	_ =	shalt  }
0x83: {  	_ =	shalt  }
0x84: {  	_ =	shalt  }
0x85: {  	_ =	shalt  }
0x86: {  	_ =	shalt  }
0x87: {  	_ =	shalt  }
.Lfunc_end0:
.L_simem_size_0:
called_computation.1_lowered:
.L_overlay_start_0:
0x88: {  	s2 =	sld [smem:$0x3FD9]  }
0x89: {  	s3 =	sld [smem:$0x3FFE];
	_ =	sdelay $0x1  }
0x8a: {  	s1 =	srdreg.scid  }
0x8b: {  	s0 =	sand.u32 $0x1, s1  }
0x8c: {  	s17 =	sshll.u32 s0, $0xA;
	s2 =	sadd.s32 s3, s2  }
0x8d: {  	s2 =	sadd.s32 s2, s17  }
0x8e: {  	[smem:$0x3FBE] =	sst s2  }
0x8f: {  	_ = 	snop  }
0x90: {  	s2 =	sld [smem:$0x3FD0];
	(tm) =	ssettm $0x1  }
0x91: {  	s18 =	sld [smem:$0x3FFB];
	_ =	sdelay $0x3  }
0x92: {  	_ =	strace s18  }
0x93: {  	s3 =	sld [smem:$0x3FFC];
	_ =	sdelay $0x3  }
0x94: {  	_ =	strace s3  }
0x95: {  	s3 =	sld [smem:$0x3FFD];
	_ =	sdelay $0x3  }
0x96: {  	_ =	strace s3  }
0x97: {  	_ =	strace $0x8FFFFFFF  }
0x98: {  	s19 =	sld [smem:$0x3FDB];
	_ =	sdelay $0x1  }
0x99: {  	s4 =	simm.s32 $_scs_section_size  }
0x9a: {  	s5 =	simm.s32 $_size__tile_overlayer_lowered;
	s6 =	simm.s32 $_tile_overlayer_lowered  }
0x9b: {  	s22 =	simm.s32 $0x1BFF;
	s21 =	sshll.u32 s6, $0x1;
	s3 =	sadd.s32 s4, s19  }
0x9c: {  	s7 =	simm.s32 $0x0;
	s20 =	sshll.u32 s5, $0x1;
	s5 =	sadd.s32 s21, s3  }
0x9d: {  	[timem:s7], [sflag:s22] =	dma.local [hbm:s5], s20  }
0x9e: {  	_ =	swait.ge [sflag:s22], s20  }
0x9f: {  	s4 =	ssub.s32 $0x0, s20;
	[sflag:s22] =	ssyncset.done $0x0  }
0xa0: {  	[sflag:s22] =	ssyncadd.s32 s4;
	_ =	sdelay $0x1  }
0xa1: {  	s23 =	simm.s32 $0x1B8B  }
0xa2: {  	_ =	swait.ge [sflag:s23], $0x1  }
0xa3: {  	[sflag:s23] =	ssyncset.done $0x0  }
0xa4: {  	s25 =	simm.s32 $0x1B8E;
	s24 =	sld [smem:$0x3FFE];
	[sflag:s23] =	ssyncadd.s32 $0xFFFFFFFF  }
0xa5: {  	s26 =	simm.s32 $execute0_lowered;
	[smem:$0x3FD2] =	sst s25  }
0xa6: {  	s5 =	sshll.u32 s26, $0x1;
	_ =	strace $0x80000049;
	[dreg:$0x1] =	wrdreg $0xFFFFFFFF  }
0xa7: {  	s28 =	simm.s32 $_size_execute0_lowered;
	s3 =	sadd.s32 s3, s5;
	[dreg:$0x0] =	wrdreg $0x0  }
0xa8: {  	s5 =	sshll.u32 s28, $0x1;
	[dreg:$0x2] =	wrdreg s3  }
0xa9: {  	[dreg:$0x3] =	wrdreg s5  }
0xaa: {  	[dreg:$0x4] =	wrdreg $0xC0  }
0xab: {  	_ =	task [dreg:s7], $0x5FFFF  }
0xac: {  	[dreg:$0x1] =	wrdreg $0xFFFFFFFF  }
0xad: {  	[dreg:$0x0] =	wrdreg $0x60  }
0xae: {  	[dreg:$0x2] =	wrdreg s24  }
0xaf: {  	[dreg:$0x3] =	wrdreg s2  }
0xb0: {  	[dreg:$0x4] =	wrdreg $0xDAC80  }
0xb1: {  	[dreg:$0x5] =	wrdreg $0xB1300  }
0xb2: {  	[dreg:$0x6] =	wrdreg $0xD8500  }
0xb3: {  	[dreg:$0x7] =	wrdreg $0x9  }
0xb4: {  	_ =	task.clear_ibuf [dreg:s7], $0x8FFFF;
	_ =	strace $0x90000049  }
0xb5: {  	s29 =	simm.s32 $0x9;
	_ =	strace $0x8000004B  }
0xb6: {  	_ =	swait.ge [sflag:s29], $0x1  }
0xb7: {  	[sflag:s29] =	ssyncadd.s32 $0xFFFFFFFF  }
0xb8: {  	_ =	strace $0x9000004B  }
0xb9: {  	_ =	sfence  }
0xba: {  	s30 =	sld [smem:$0x0];
	_ =	sdelay $0x2  }
0xbb: {  	s31 =	sshll.u32 s1, $0xD;
	s1 =	sshrl.u32 s1, $0x2  }
0xbc: {  	s3 =	sand.u32 $0x4000, s31;
	s1 =	sadd.s32 s1, s30  }
0xbd: {  	s0 =	sor.u32 s3, s0;
	s1 =	sshll.u32 s1, $0x11  }
0xbe: {  	s0 =	sor.u32 s1, s0  }
0xbf: {  	s0 =	sadd.s32 $0x8F2B, s0  }
0xc0: {  	[sflag:s0] =	ssyncadd.remote.s32 $0x1  }
0xc1: {  	_ =	sfence.sel $0xFFFF  }
0xc2: {  	[dreg:$0x0] =	wrdreg $0xFFFFFFFF;
	(pc) =	sbr.abs _section_cstart, $3  }
0xc3: {  	[dreg:$0x1] =	wrdreg $0xFFFFFFFF  }
0xc4: {  	_ =	task.clear_ibuf [dreg:s7], $0x2FFFF;
	_ =	strace $0x9FFFFFFF  }
0xc5: {  	(tm) =	ssettm $0x7FFFFFFF  }
tec
execute0_lowered:
.L_overlay_start_1:
0x0: {  	(tag) =	ssettag $0x1  }
0x1: {  	s0 =	rddreg [dreg:$0x0]  }
0x2: {  	s2 =	rddreg [dreg:$0x2]  }
0x3: {  	s3 =	rddreg [dreg:$0x3]  }
0x4: {  	s5 =	rddreg [dreg:$0x4]  }
0x5: {  	s6 =	simm.s32 $0x0;
	s14 =	stileid.u32;
	s9 =	srdreg.scid  }
0x6: {  	[smem:$0x7FF] =	sst s6;
	s1 =	smul.u32 $0x2700, s14  }
0x7: {  	s7 =	sadd.s32 $0x5E800, s0;
	s4 =	smul.u32 $0x270, s14;
	s8 =	sadd.s32 $0x54A00, s0  }
0x8: {  	s10 =	sadd.s32 $0x6000, s0;
	s9 =	sand.u32 $0x1, s9;
	s15 =	sadd.s32 $0x10400, s0  }
0x9: {  	s16 =	sadd.s32 $0x6600, s0;
	s24 =	sadd.s32 $0x5E00, s0;
	s30 =	sadd.s32 $0x6D400, s0  }
0xa: {  	s31 =	sshll.u32 s14, $0x5;
	_ =	strace $0x8000004A;
	[dreg:$0x6] =	wrdreg s10  }
0xb: {  	p0 =	sne.s32 s14, $0xF;
	s12 =	ssub.s32 $0x2, s9;
	[dreg:$0x8] =	wrdreg s24  }
0xc: {  	s25 =	smul.u32 $0x27100, s9;
	[dreg:$0xd] =	wrdreg s30;
	s9 =	sshll.u32 s9, $0x4  }
0xd: {  	s23 =	sshrl.u32 s1, $0x3;
	s11 =	sshrl.u32 s4, $0x3;
	s28 =	sadd.s32 s1, s3  }
0xe: {  	s29 =	sadd.s32 s4, s5;
	s10 =	sadd.s32 s23, s0;
	[dreg:$0x9] =	wrdreg s28  }
0xf: {  	s11 =	sadd.s32 s11, s0;
	s0 =	sadd.s32 $0x6DAE0, s0;
	[dreg:$0xb] =	wrdreg s29  }
0x10: {  	s13 =	sshrl.u32 s12, $0x1;
	s17 =	sadd.s32 $0x1000, s10;
	[dreg:$0x12] =	wrdreg s0  }
0x11: {  	s12 =	ssub.s32 s12, s13;
	s10 =	sadd.s32 $0x68600, s10;
	[dreg:$0x7] =	wrdreg s17  }
0x12: {  	s13 =	sadd.s32 s1, s2;
	s26 =	sadd.s32 $0x6D600, s11;
	[dreg:$0xa] =	wrdreg s10  }
0x13: {  	s1 =	sadd.s32 s1, s25;
	s24 =	smax.u32 s12, $0x1;
	[dreg:$0xc] =	wrdreg s26  }
0x14: {  	s11 =	sshrl.u32 s25, $0x3;
	s25 =	sshrl.u32 s13, $0x3;
	[dreg:$0x17] =	wrdreg s24  }
0x15: {  	s1 =	sshrl.u32 s1, $0x3;
	s12 =	sadd.s32 $0x2700, s5;
	[dreg:$0x18] =	wrdreg s25  }
0x16: {  	s17 =	sor.u32 s9, s31;
	s18 =	sadd.s32 s15, s1;
	[dreg:$0x1b] =	wrdreg s12  }
0x17: {  	s1 =	sadd.s32 s16, s1;
	s19 =	sadd.s32 $0x4E00, s11;
	[dreg:$0xe] =	wrdreg s18  }
0x18: {  	s26 =	sadd.s32 $0x27000, s3;
	s9 =	simm.s32 $0x5;
	[dreg:$0xf] =	wrdreg s1  }
0x19: {  	s10 =	simm.s32 $0x2720;
	s4 =	sadd.s32 s15, s19;
	[dreg:$0x1a] =	wrdreg s26  }
0x1a: {  	s24 =	simm.s32 $0x0;
	s1 =	sadd.s32 s16, s19;
	[dreg:$0x10] =	wrdreg s4  }
0x1b: {  	s20 =	sor.u32 $0x200, s17;
	s30 =	sadd.s32 s7, s17;
	[dreg:$0x11] =	wrdreg s1  }
0x1c: {  	s22 =	sor.u32 $0x400, s17;
	s31 =	sadd.s32 s8, s17;
	[dreg:$0x1c] =	wrdreg s30  }
0x1d: {  	s18 =	simm.s32 $0x1;
	s21 =	sadd.s32 s7, s20;
	[dreg:$0x1d] =	wrdreg s31  }
0x1e: {  	s19 =	simm.s32 $0x80;
	s1 =	sadd.s32 s8, s20;
	[dreg:$0x13] =	wrdreg s21  }
0x1f: {  	s23 =	sadd.s32 s7, s22;
	s0 =	sadd.s32 s8, s22;
	[dreg:$0x14] =	wrdreg s1  }
0x20: {  	s20 =	simm.s32 $0x2;
	[dreg:$0x16] =	wrdreg s0;
	s0 =	sadd.s32 $0x27000, s2  }
0x21: {  	v0 =	vimm.s32 $0x0;
	vm0 =	vcmask $0x300;
	s22 =	simm.s32 $0x4;
	[dreg:$0x15] =	wrdreg s23;
	s0 =	sshrl.u32 @!p0 s0, $0x3  }
0x22: {  	v0 =	vsel vm0, $0x3, v0;
	s21 =	simm.s32 $0x3;
	s23 =	simm.s32 $0x87C0;
	[dreg:$0x19] =	wrdreg s0  }
.LBB2_1:
0x23: {  	s0 =	rddreg [dreg:$0x1]  }
0x24: {  	[tilespmem:s6], [sflag:$0x5] =	stream.linear.gather [hbm4b:s0+s6], $0x2720, $0x38;
	[tilespmem:$0x101E8] =	vst v63  }
0x25: {  	_ =	swait.ge [sflag:s9], $0x2720  }
0x26: {  	[sflag:s9] =	ssyncset.done $0x0  }
0x27: {  	s16 =	rddreg [dreg:$0x6];
	[sflag:s9] =	ssyncadd.s32 $0xFFFFD8E0  }
0x28: {  	[tilespmem:s10], [sflag:$0x5] =	stream.linear.gather [hbm4b:s16+s6], $0x2720, $0x38;
	[tilespmem:$0x101E8] =	vst v63  }
0x29: {  	s25 =	stileid.u32;
	_ =	swait.ge [sflag:s9], $0x2720  }
0x2a: {  	s0 =	sshll.u32 s25, $0x6;
	[sflag:s9] =	ssyncset.done $0x0;
	s26 =	rddreg [dreg:$0x7]  }
0x2b: {  	s25 =	sor.u32 $0x1C05, s0;
	s1 =	rddreg [dreg:$0x18];
	[sflag:s9] =	ssyncadd.s32 $0xFFFFD8E0  }
0x2c: {  	[spmem:s1], [sflag:s25] =	dma.local [hbm:s26], $0x4E0  }
0x2d: {  	_ =	swait.ge [sflag:s9], $0x4E0  }
0x2e: {  	[sflag:s9] =	ssyncset.done $0x0  }
0x2f: {  	s0 =	sshrl.u32 @p0 s28, $0x3;
	s4 =	rddreg [dreg:$0xa];
	[sflag:s9] =	ssyncadd.s32 $0xFFFFFB20  }
0x30: {  	[spmem:s0], [sflag:s25] =	dma.local @p0 [hbm:s4], $0x4E0  }
0x31: {  	s0 =	simm.s32 @p0 $0x5  }
0x32: {  	_ =	swait.ge @p0 [sflag:s0], $0x4E0  }
0x33: {  	[sflag:s0] =	ssyncset.done @p0 $0x0  }
0x34: {  	s1 =	sshrl.u32 @p0 s29, $0x3;
	s11 =	rddreg [dreg:$0xc];
	[sflag:s0] =	ssyncadd.s32 @p0 $0xFFFFFB20  }
0x35: {  	[spmem:s1], [sflag:s25] =	dma.local @p0 [hbm:s11], $0x4E  }
0x36: {  	_ =	swait.ge @p0 [sflag:s0], $0x4E  }
0x37: {  	[sflag:s0] =	ssyncset.done @p0 $0x0;
	s1 =	rddreg [dreg:$0x19]  }
0x38: {  	[sflag:s0] =	ssyncadd.s32 @p0 $0xFFFFFFB2;
	s0 =	rddreg [dreg:$0x8]  }
0x39: {  	[spmem:s1], [sflag:s25] =	dma.local @!p0 [hbm:s0], $0x40  }
0x3a: {  	s0 =	simm.s32 @!p0 $0x5  }
0x3b: {  	_ =	swait.ge @!p0 [sflag:s0], $0x40  }
0x3c: {  	[sflag:s0] =	ssyncset.done @!p0 $0x0  }
0x3d: {  	s1 =	sshrl.u32 @!p0 s28, $0x3;
	[sflag:s0] =	ssyncadd.s32 @!p0 $0xFFFFFFC0  }
0x3e: {  	[spmem:s1], [sflag:s25] =	dma.local @!p0 [hbm:s4], $0x4E0  }
0x3f: {  	_ =	swait.ge @!p0 [sflag:s0], $0x4E0  }
0x40: {  	[sflag:s0] =	ssyncset.done @!p0 $0x0  }
0x41: {  	s1 =	sshrl.u32 @!p0 s29, $0x3;
	[sflag:s0] =	ssyncadd.s32 @!p0 $0xFFFFFB20  }
0x42: {  	[spmem:s1], [sflag:s25] =	dma.local @!p0 [hbm:s11], $0x4E  }
0x43: {  	_ =	swait.ge @!p0 [sflag:s0], $0x4E  }
0x44: {  	[sflag:s0] =	ssyncset.done @!p0 $0x0;
	s1 =	rddreg [dreg:$0x1a]  }
0x45: {  	[sflag:s0] =	ssyncadd.s32 @!p0 $0xFFFFFFB2;
	s26 =	sshrl.u32 @!p0 s1, $0x3;
	s1 =	rddreg [dreg:$0xd]  }
0x46: {  	[spmem:s26], [sflag:s25] =	dma.local @!p0 [hbm:s1], $0x40  }
0x47: {  	_ =	swait.ge @!p0 [sflag:s0], $0x40  }
0x48: {  	[sflag:s0] =	ssyncset.done @!p0 $0x0  }
0x49: {  	s1 =	sshrl.u32 @!p0 s12, $0x3;
	s4 =	rddreg [dreg:$0x12];
	[sflag:s0] =	ssyncadd.s32 @!p0 $0xFFFFFFC0  }
0x4a: {  	[spmem:s1], [sflag:s25] =	dma.local @!p0 [hbm:s4], $0x4  }
0x4b: {  	_ =	swait.ge @!p0 [sflag:s0], $0x4  }
0x4c: {  	[sflag:s0] =	ssyncset.done @!p0 $0x0  }
0x4d: {  	[sflag:s0] =	ssyncadd.s32 @!p0 $0xFFFFFFFC  }
0x4e: {  	[bflag:$0x0] =	sbarrier.arrive $0xFFFF  }
0x4f: {  	s1 =	simm.s32 $0x4E40;
	s29 =	rddreg [dreg:$0x1c]  }
0x50: {  	[tilespmem:s1], [sflag:$0x1] =	stream.linear.gather [hbm4b:s29+s6], $0x80, $0x38;
	[tilespmem:$0x101E8] =	vst v63  }
0x51: {  	s31 =	simm.s32 $0x5240;
	s30 =	rddreg [dreg:$0x1d]  }
0x52: {  	[tilespmem:s31], [sflag:$0x1] =	stream.linear.gather [hbm4b:s30+s6], $0x80, $0x38;
	[tilespmem:$0x101E8] =	vst v63  }
0x53: {  	s4 =	simm.s32 $0x4EC0;
	s11 =	rddreg [dreg:$0x13]  }
0x54: {  	[tilespmem:s4], [sflag:$0x1] =	stream.linear.gather [hbm4b:s11+s6], $0x80, $0x38;
	[tilespmem:$0x101E8] =	vst v63  }
0x55: {  	s13 =	simm.s32 $0x52C0;
	s12 =	rddreg [dreg:$0x14]  }
0x56: {  	[tilespmem:s13], [sflag:$0x1] =	stream.linear.gather [hbm4b:s12+s6], $0x80, $0x38;
	[tilespmem:$0x101E8] =	vst v63  }
0x57: {  	s15 =	simm.s32 $0x4F40;
	s14 =	rddreg [dreg:$0x15]  }
0x58: {  	[tilespmem:s15], [sflag:$0x1] =	stream.linear.gather [hbm4b:s14+s6], $0x80, $0x38;
	[tilespmem:$0x101E8] =	vst v63  }
0x59: {  	s16 =	rddreg [dreg:$0x16];
	s29 =	simm.s32 $0x5340  }
0x5a: {  	[tilespmem:s29], [sflag:$0x1] =	stream.linear.gather [hbm4b:s16+s6], $0x80, $0x38;
	[tilespmem:$0x101E8] =	vst v63  }
0x5b: {  	_ =	swait.ge [sflag:s18], $0x80  }
0x5c: {  	[sflag:s18] =	ssyncset.done $0x0  }
0x5d: {  	[sflag:s18] =	ssyncadd.s32 $0xFFFFFF80  }
0x5e: {  	_ =	swait.ge [sflag:s18], $0x80  }
0x5f: {  	[sflag:s18] =	ssyncset.done $0x0  }
0x60: {  	s30 =	simm.s32 $0x5640;
	[sflag:s18] =	ssyncadd.s32 $0xFFFFFF80  }
0x61: {  	[tilespmem:s30], [sflag:$0x2] =	stream.indirect.gather [spmem:s2], $0x10, s1, s19, $0xb8;
	[tilespmem:$0x101E8] =	vst v63  }
0x62: {  	_ =	swait.ge [sflag:s18], $0x80  }
0x63: {  	[sflag:s18] =	ssyncset.done $0x0  }
0x64: {  	[sflag:s18] =	ssyncadd.s32 $0xFFFFFF80  }
0x65: {  	_ =	swait.ge [sflag:s18], $0x80  }
0x66: {  	s28 =	simm.s32 $0x56B0;
	s31 =	simm.s32 $0x5E40;
	[sflag:s18] =	ssyncset.done $0x0  }
0x67: {  	s13 =	simm.s32 $0x6E40;
	s16 =	simm.s32 $0x0;
	[sflag:s18] =	ssyncadd.s32 $0xFFFFFF80  }
0x68: {  	[tilespmem:s31], [sflag:$0x2] =	stream.indirect.gather [spmem:s2], $0x10, s4, s19, $0xb8;
	[tilespmem:$0x101E8] =	vst v63  }
.LBB2_2:
0x69: {  	p1 =	slt.u32 s16, $0x3  }
0x6a: {  	s0 =	simm.s32 @!p1 $0x3  }
0x6b: {  	_ =	swait.ge @!p1 [sflag:s0], $0x800  }
0x6c: {  	[sflag:s0] =	ssyncset.done @!p1 $0x0  }
0x6d: {  	[sflag:s0] =	ssyncadd.s32 @!p1 $0xFFFFF800;
	s0 =	simm.s32 @!p1 $0x4  }
0x6e: {  	p2 =	sgt.u32 @!p1 s16, $0x4C;
	_ =	swait.ge @!p1 [sflag:s0], $0x80  }
0x6f: {  	p2 =	por p1, !p2;
	[sflag:s0] =	ssyncset.done @!p1 $0x0  }
0x70: {  	[sflag:s0] =	ssyncadd.s32 @!p1 $0xFFFFFF80;
	s0 =	sadd.s32 @p2 $0x2, s16  }
0x71: {  	s1 =	smul.u32 @p2 $0xAB, s0;
	_ =	sdelay $0x1  }
0x72: {  	s1 =	sshrl.u32 @p2 s1, $0x9  }
0x73: {  	s1 =	sand.u32 @p2 $0x7F, s1  }
0x74: {  	_ =	swait.ge @p2 [sflag:s18], $0x80;
	s1 =	smul.u32 @p2 $0x3, s1  }
0x75: {  	[sflag:s18] =	ssyncset.done @p2 $0x0  }
0x76: {  	s11 =	smul.u32 $0xAB, s16;
	[sflag:s18] =	ssyncadd.s32 @p2 $0xFFFFFF80;
	s1 =	ssub.s32 @p2 s0, s1  }
0x77: {  	_ =	swait.ge @p2 [sflag:s18], $0x80;
	s0 =	sshll.u32 @p2 s0, $0x7;
	s1 =	sand.u32 @p2 $0xFF, s1  }
0x78: {  	[sflag:s18] =	ssyncset.done @p2 $0x0;
	s0 =	sand.u32 @p2 $0x380, s0;
	s1 =	sshll.u32 @p2 s1, $0xB  }
0x79: {  	[sflag:s18] =	ssyncadd.s32 @p2 $0xFFFFFF80;
	s0 =	sadd.s32 @p2 $0x4E40, s0;
	s1 =	sadd.s32 @p2 $0x5640, s1  }
0x7a: {  	[tilespmem:s1], [sflag:$0x2] =	stream.indirect.gather @p2 [spmem:s2], $0x10, s0, s19, $0xb8;
	[tilespmem:$0x101E8] =	vst v63  }
0x7b: {  	s0 =	sshrl.u32 s11, $0x9  }
0x7c: {  	s4 =	sand.u32 $0x7, s16;
	s0 =	sand.u32 $0x7F, s0  }
0x7d: {  	s14 =	sshll.u32 s4, $0x7;
	s0 =	smul.u32 $0x3, s0  }
0x7e: {  	s11 =	sadd.s32 $0x4E40, s14  }
0x7f: {  	s30 =	sadd.s32 $0x5240, s14;
	v1 =	vmov s11;
	s0 =	ssub.s32 s16, s0  }
0x80: {  	s12 =	smulhi.u32 $0xAAAAAAAB, s16;
	s4 =	simm.s32 $0x0;
	v2 =	vmov s30;
	s29 =	sand.u32 $0xFF, s0  }
0x81: {  	p1 =	por $0x1, $0x1;
	_ =	swait.ge [sflag:s20], $0x800;
	s15 =	sshll.u32 s29, $0x7  }
0x82: {  	s1 =	sshrl.u32 s12, $0x1;
	[sflag:s20] =	ssyncset.done $0x0;
	s31 =	sadd.s32 $0x8640, s15  }
0x83: {  	s1 =	smul.u32 $0xFFFFA000, s1;
	[sflag:s20] =	ssyncadd.s32 $0xFFFFF800;
	s0 =	simm.s32 $0x0;
	v3 =	vmov s31  }
.LBB2_3:
0x84: {  	v4 =	vld.idx.msk [tilespmem:v1+s0+$0x0 ss:$0x1], $0xffff  }
0x85: {  	v5 =	vld.idx.msk [tilespmem:v2+s0+$0x0 ss:$0x1], $0xffff;
	s11 =	sor.u32 $0x10, s0  }
0x86: {  	v6 =	vld.idx.msk [tilespmem:v1+s11+$0x0 ss:$0x1], $0xffff  }
0x87: {  	s12 =	sor.u32 $0x20, s0;
	v7 =	vld.idx.msk [tilespmem:v2+s11+$0x0 ss:$0x1], $0xffff  }
0x88: {  	v8 =	vld.idx.msk [tilespmem:v1+s12+$0x0 ss:$0x1], $0xffff  }
0x89: {  	s15 =	sor.u32 $0x30, s0;
	v9 =	vld.idx.msk [tilespmem:v2+s12+$0x0 ss:$0x1], $0xffff  }
0x8a: {  	v10 =	vld.idx.msk [tilespmem:v1+s15+$0x0 ss:$0x1], $0xffff  }
0x8b: {  	v11 =	vld.idx.msk [tilespmem:v2+s15+$0x0 ss:$0x1], $0xffff  }
0x8c: {  	v4 =	vld.idx.msk [tilespmem:v4+s4+$0x0], $0xffff  }
0x8d: {  	v5 =	vld.idx.msk [tilespmem:v5+s10+$0x0], $0xffff  }
0x8e: {  	v6 =	vld.idx.msk [tilespmem:v6+s4+$0x0], $0xffff  }
0x8f: {  	v7 =	vld.idx.msk [tilespmem:v7+s10+$0x0], $0xffff  }
0x90: {  	v8 =	vld.idx.msk [tilespmem:v8+s4+$0x0], $0xffff  }
0x91: {  	v9 =	vld.idx.msk [tilespmem:v9+s10+$0x0], $0xffff  }
0x92: {  	v10 =	vld.idx.msk [tilespmem:v10+s4+$0x0], $0xffff  }
0x93: {  	v11 =	vld.idx.msk [tilespmem:v11+s10+$0x0], $0xffff;
	_ =	sdelay $0x2  }
0x94: {  	v4 =	vadd.f32 v5, v4  }
0x95: {  	v5 =	vadd.f32 v7, v6  }
0x96: {  	v59 =	vadd.f32 v9, v8;
	v61 =	vadd.f32 v11, v10;
	v58 =	vmul.f32 $2.000000030e-01, v4  }
0x97: {  	vm0 =	vge.f32 v4, $0.0e+00;
	v60 =	vmul.f32 $2.000000030e-01, v5;
	vm13 =	vge.f32 v5, $0.0e+00  }
0x98: {  	v9 =	vmul.f32 $2.000000030e-01, v59;
	vm14 =	vge.f32 v59, $0.0e+00;
	v4 =	vsel vm0, v4, v58  }
0x99: {  	v62 =	vmul.f32 $2.000000030e-01, v61;
	v4 =	vmul.f32 $1.442695020e+00, v4;
	v5 =	vsel vm13, v5, v60  }
0x9a: {  	vm15 =	vge.f32 v61, $0.0e+00;
	v7 =	vsel vm14, v59, v9;
	v5 =	vmul.f32 $1.442695020e+00, v5  }
0x9b: {  	v63 =	vmul.f32 $1.442695020e+00, v7;
	(erf) = vpow2.f32 v4;
	v4 =	vsel vm15, v61, v62  }
0x9c: {  	(erf) = vpow2.f32 v5;
	v4 =	vmul.f32 $1.442695020e+00, v4  }
0x9d: {  	(erf) = vpow2.f32 v63  }
0x9e: {  	(erf) = vpow2.f32 v4;
	_ =	sdelay $0x4  }
0x9f: {  	p2 =	por p1, p1  }
.Ltmp0:
0xa0: {  	v4 =	vpop (erf);
	(pc) =	sbr.rel @p2 .LBB2_3-.Ltmp0, $4  }
0xa1: {  	[tilespmem:v3+s0+$0x0 ss:$0x1] =	vst.idx.msk $0xffff, v4;
	v4 =	vpop (erf)  }
0xa2: {  	[tilespmem:v3+s11+$0x0 ss:$0x1] =	vst.idx.msk $0xffff, v4;
	v4 =	vpop (erf)  }
0xa3: {  	[tilespmem:v3+s12+$0x0 ss:$0x1] =	vst.idx.msk $0xffff, v4;
	v4 =	vpop (erf)  }
0xa4: {  	p1 =	por $0x0, $0x0;
	s0 =	simm.s32 $0x40;
	[tilespmem:v3+s15+$0x0 ss:$0x1] =	vst.idx.msk $0xffff, v4  }
0xa5: {  	v1 =	vmov s4  }
0xa6: {  	s0 =	sadd.s32 $0x1, s4;
	s11 =	sadd.s32 $0x2, s4;
	s15 =	sadd.s32 $0x3, s4;
	v1 =	vshrl.u32 v1, $0x3  }
0xa7: {  	s12 =	sadd.s32 $0x4, s4;
	s14 =	sadd.s32 $0x5, s4;
	v2 =	vmov s0;
	v3 =	vmov s11;
	v4 =	vmov s15  }
0xa8: {  	v5 =	vmov s12;
	s15 =	sadd.s32 $0x6, s4;
	v6 =	vmov s14;
	v1 =	vshll.u32 v1, v0  }
0xa9: {  	v7 =	vmov s15;
	v2 =	vshrl.u32 v2, $0x3;
	v3 =	vshrl.u32 v3, $0x3  }
0xaa: {  	s12 =	sadd.s32 $0x7, s4;
	s0 =	sadd.s32 $0x8, s4;
	v4 =	vshrl.u32 v4, $0x3;
	v5 =	vshrl.u32 v5, $0x3;
	v6 =	vshrl.u32 v6, $0x3  }
0xab: {  	v8 =	vmov s12;
	v9 =	vmov s0;
	v7 =	vshrl.u32 v7, $0x3  }
0xac: {  	v1 =	vbroadcast v1, $0x0;
	v2 =	vshll.u32 v2, v0;
	v3 =	vshll.u32 v3, v0  }
0xad: {  	s1 =	sshra.s32 s1, $0x2;
	s14 =	sadd.s32 $0x2, s0;
	v4 =	vshll.u32 v4, v0;
	v5 =	vshll.u32 v5, v0;
	v6 =	vshll.u32 v6, v0  }
0xae: {  	s4 =	sadd.s32 $0x1, s0;
	s15 =	sadd.s32 $0x3, s0;
	v8 =	vshrl.u32 v8, $0x3;
	v9 =	vshrl.u32 v9, $0x3;
	v11 =	vmov s14;
	s14 =	sadd.s32 $0x4, s0  }
0xaf: {  	s12 =	sadd.s32 $0x6, s0;
	v10 =	vmov s4;
	v12 =	vmov s15;
	v13 =	vmov s14;
	s14 =	sadd.s32 s1, s28  }
0xb0: {  	v15 =	vmov s12;
	v2 =	vadd.s32 $0x1, v2;
	v3 =	vadd.s32 $0x2, v3;
	v16 =	vld [tilespmem:s14+$0x0]  }
0xb1: {  	v7 =	vshll.u32 v7, v0;
	v4 =	vadd.s32 $0x3, v4;
	v8 =	vshll.u32 v8, v0;
	v17 =	vld [tilespmem:s14+$0xFFFFFF90]  }
0xb2: {  	v5 =	vadd.s32 $0x4, v5;
	v2 =	vbroadcast v2, $0x0;
	v8 =	vadd.s32 $0x7, v8;
	v18 =	vld [tilespmem:s14+$0xFFFFFFA0]  }
0xb3: {  	s15 =	sadd.s32 $0x5, s0;
	v6 =	vadd.s32 $0x5, v6;
	v9 =	vshll.u32 v9, v0;
	v19 =	vld [tilespmem:s14+$0xFFFFFFB0];
	v8 =	vbroadcast v8, $0x0  }
0xb4: {  	v14 =	vmov s15;
	v10 =	vshrl.u32 v10, $0x3;
	v3 =	vbroadcast v3, $0x0;
	v20 =	vld [tilespmem:s14+$0xFFFFFFC0]  }
0xb5: {  	v11 =	vshrl.u32 v11, $0x3;
	v12 =	vshrl.u32 v12, $0x3;
	v4 =	vbroadcast v4, $0x0;
	v22 =	vld [tilespmem:s14+$0xFFFFFFD0]  }
0xb6: {  	v15 =	vshrl.u32 v15, $0x3;
	v5 =	vbroadcast v5, $0x0;
	v7 =	vadd.s32 $0x6, v7;
	v23 =	vld [tilespmem:s14+$0xFFFFFFF0]  }
0xb7: {  	v6 =	vbroadcast v6, $0x0;
	v13 =	vshrl.u32 v13, $0x3;
	v7 =	vbroadcast v7, $0x0;
	v1 =	vld.idx.msk [tilespmem:v1+s31+$0x0], $0xffff  }
0xb8: {  	v14 =	vshrl.u32 v14, $0x3;
	v9 =	vbroadcast v9, $0x0;
	v10 =	vshll.u32 v10, v0;
	v2 =	vld.idx.msk [tilespmem:v2+s31+$0x0], $0xffff  }
0xb9: {  	s15 =	sadd.s32 $0x7, s0;
	v11 =	vshll.u32 v11, v0;
	v12 =	vshll.u32 v12, v0;
	v10 =	vadd.s32 $0x1, v10;
	v8 =	vld.idx.msk [tilespmem:v8+s31+$0x0], $0xffff  }
0xba: {  	v15 =	vshll.u32 v15, v0;
	v21 =	vmov s15;
	v10 =	vbroadcast v10, $0x0;
	v3 =	vld.idx.msk [tilespmem:v3+s31+$0x0], $0xffff  }
0xbb: {  	v13 =	vshll.u32 v13, v0;
	v14 =	vshll.u32 v14, v0;
	v11 =	vadd.s32 $0x2, v11;
	v4 =	vld.idx.msk [tilespmem:v4+s31+$0x0], $0xffff  }
0xbc: {  	v12 =	vadd.s32 $0x3, v12;
	v15 =	vadd.s32 $0x6, v15;
	v11 =	vbroadcast v11, $0x0;
	v5 =	vld.idx.msk [tilespmem:v5+s31+$0x0], $0xffff  }
0xbd: {  	v13 =	vadd.s32 $0x4, v13;
	v14 =	vadd.s32 $0x5, v14;
	v12 =	vbroadcast v12, $0x0;
	v7 =	vld.idx.msk [tilespmem:v7+s31+$0x0], $0xffff  }
0xbe: {  	v13 =	vbroadcast v13, $0x0;
	v6 =	vld.idx.msk [tilespmem:v6+s31+$0x0], $0xffff;
	v8 =	vmul.f32 v16, v8;
	v16 =	vshrl.u32 v21, $0x3  }
0xbf: {  	v17 =	vmul.f32 v17, v1;
	v1 =	vld.idx.msk [tilespmem:v9+s31+$0x0], $0xffff;
	v9 =	vbroadcast v15, $0x0;
	v16 =	vshll.u32 v16, v0  }
0xc0: {  	s11 =	sadd.s32 $0x8, s0;
	v14 =	vbroadcast v14, $0x0;
	v18 =	vmul.f32 v18, v2;
	v2 =	vld.idx.msk [tilespmem:v10+s31+$0x0], $0xffff;
	v15 =	vadd.s32 $0x7, v16  }
0xc1: {  	s15 =	sadd.s32 $0x4, s11;
	v21 =	vld [tilespmem:s14+$0xFFFFFFE0];
	v16 =	vmul.f32 v19, v3;
	v3 =	vmov s11;
	v10 =	vbroadcast v15, $0x0  }
0xc2: {  	s12 =	sadd.s32 $0x2, s11;
	v24 =	vmov s15;
	v23 =	vmul.f32 v23, v7;
	v19 =	vshrl.u32 v3, $0x3;
	v3 =	vld.idx.msk [tilespmem:v11+s31+$0x0], $0xffff  }
0xc3: {  	s0 =	sadd.s32 $0x1, s11;
	s14 =	sadd.s32 $0x3, s11;
	v15 =	vmul.f32 v20, v4;
	v20 =	vmul.f32 v22, v5;
	v22 =	vmov s12;
	v4 =	vld.idx.msk [tilespmem:v12+s31+$0x0], $0xffff;
	s12 =	sadd.s32 s1, s13  }
0xc4: {  	s15 =	sadd.s32 $0x6, s11;
	v11 =	vmov s0;
	v12 =	vmov s14;
	s14 =	sadd.s32 $0x5, s11;
	v5 =	vld.idx.msk [tilespmem:v13+s31+$0x0], $0xffff;
	[tilespmem:s12+$0x70] =	vst v8;
	v8 =	vshll.u32 v19, v0  }
0xc5: {  	v7 =	vld.idx.msk [tilespmem:v9+s31+$0x0], $0xffff;
	v13 =	vmov s14;
	v19 =	vmov s15;
	v11 =	vshrl.u32 v11, $0x3  }
0xc6: {  	s4 =	sadd.s32 $0x80, s28;
	[tilespmem:s12+$0x0] =	vst v17;
	v12 =	vshrl.u32 v12, $0x3;
	v17 =	vshrl.u32 v24, $0x3;
	v21 =	vmul.f32 v21, v6;
	v6 =	vld.idx.msk [tilespmem:v14+s31+$0x0], $0xffff  }
0xc7: {  	s0 =	sadd.s32 s1, s4;
	[tilespmem:s12+$0x10] =	vst v18;
	v14 =	vshrl.u32 v22, $0x3;
	v13 =	vshrl.u32 v13, $0x3;
	v18 =	vshrl.u32 v19, $0x3;
	v9 =	vld.idx.msk [tilespmem:v10+s31+$0x0], $0xffff  }
0xc8: {  	[tilespmem:s12+$0x20] =	vst v16;
	v8 =	vbroadcast v8, $0x0;
	v16 =	vshll.u32 v12, v0;
	v10 =	vshll.u32 v11, v0;
	v11 =	vld [tilespmem:s0+$0x0]  }
0xc9: {  	[tilespmem:s12+$0x60] =	vst v23;
	v17 =	vshll.u32 v17, v0;
	v12 =	vld [tilespmem:s0+$0xFFFFFF90];
	v14 =	vshll.u32 v14, v0;
	v22 =	vshll.u32 v13, v0  }
0xca: {  	[tilespmem:s12+$0x40] =	vst v20;
	v63 =	vshll.u32 v18, v0;
	v13 =	vld [tilespmem:s0+$0xFFFFFFA0];
	v20 =	vadd.s32 $0x3, v16;
	v10 =	vadd.s32 $0x1, v10  }
0xcb: {  	[tilespmem:s12+$0x30] =	vst v15;
	v19 =	vadd.s32 $0x4, v17;
	v14 =	vadd.s32 $0x2, v14;
	v15 =	vbroadcast v10, $0x0;
	v10 =	vld [tilespmem:s0+$0xFFFFFFB0]  }
0xcc: {  	s15 =	sadd.s32 $0x8, s11;
	[tilespmem:s12+$0x50] =	vst v21;
	v18 =	vadd.s32 $0x5, v22;
	v17 =	vadd.s32 $0x6, v63;
	s12 =	sadd.s32 $0x7, s11;
	s11 =	smov.u32 s13;
	v16 =	vbroadcast v14, $0x0;
	v14 =	vld [tilespmem:s0+$0xFFFFFFC0]  }
.LBB2_5:
0xcd: {  	p1 =	slt.u32 s15, $0x78;
	v20 =	vbroadcast v20, $0x0;
	v21 =	vmov s12;
	v22 =	vld [tilespmem:s0+$0xFFFFFFD0];
	v9 =	vmul.f32 v11, v9;
	s11 =	sadd.s32 $0x80, s11  }
0xce: {  	v11 =	vbroadcast v19, $0x0;
	v19 =	vshrl.u32 v21, $0x3;
	v12 =	vmul.f32 v12, v1;
	s12 =	sadd.s32 s1, s11;
	v21 =	vld [tilespmem:s0+$0xFFFFFFE0]  }
0xcf: {  	v18 =	vbroadcast v18, $0x0;
	v19 =	vshll.u32 v19, v0;
	v13 =	vmul.f32 v13, v2;
	v23 =	vld [tilespmem:s0+$0xFFFFFFF0];
	[tilespmem:s12+$0x70] =	vst v9  }
0xd0: {  	v1 =	vld.idx.msk [tilespmem:v8+s31+$0x0], $0xffff;
	v8 =	vbroadcast v17, $0x0;
	v9 =	vadd.s32 $0x7, v19;
	[tilespmem:s12+$0x0] =	vst v12;
	v10 =	vmul.f32 v10, v3  }
0xd1: {  	v3 =	vmov s15;
	v2 =	vld.idx.msk [tilespmem:v15+s31+$0x0], $0xffff;
	v9 =	vbroadcast v9, $0x0;
	[tilespmem:s12+$0x10] =	vst v13;
	v12 =	vmul.f32 v14, v4  }
0xd2: {  	s14 =	sadd.s32 $0x2, s15;
	s0 =	sadd.s32 $0x1, s15;
	v13 =	vshrl.u32 v3, $0x3;
	v3 =	vld.idx.msk [tilespmem:v16+s31+$0x0], $0xffff;
	[tilespmem:s12+$0x20] =	vst v10;
	v10 =	vmul.f32 v22, v5  }
0xd3: {  	v14 =	vmov s0;
	v15 =	vmov s14;
	s0 =	sadd.s32 $0x3, s15;
	s14 =	sadd.s32 $0x4, s15;
	v4 =	vld.idx.msk [tilespmem:v20+s31+$0x0], $0xffff;
	[tilespmem:s12+$0x30] =	vst v12;
	v12 =	vmul.f32 v21, v6  }
0xd4: {  	v16 =	vmov s0;
	v17 =	vmov s14;
	s0 =	sadd.s32 $0x5, s15;
	s14 =	sadd.s32 $0x6, s15;
	v5 =	vld.idx.msk [tilespmem:v11+s31+$0x0], $0xffff;
	[tilespmem:s12+$0x40] =	vst v10;
	v10 =	vmul.f32 v23, v7  }
0xd5: {  	v19 =	vmov s14;
	v11 =	vshll.u32 v13, v0;
	v13 =	vmov s0;
	v6 =	vld.idx.msk [tilespmem:v18+s31+$0x0], $0xffff;
	[tilespmem:s12+$0x50] =	vst v12  }
0xd6: {  	s4 =	sadd.s32 $0x80, s4;
	v12 =	vshrl.u32 v14, $0x3;
	v14 =	vshrl.u32 v15, $0x3;
	v15 =	vshrl.u32 v16, $0x3;
	v7 =	vld.idx.msk [tilespmem:v8+s31+$0x0], $0xffff;
	[tilespmem:s12+$0x60] =	vst v10  }
0xd7: {  	s0 =	sadd.s32 s1, s4;
	v13 =	vshrl.u32 v13, $0x3;
	v16 =	vshrl.u32 v19, $0x3;
	v10 =	vshrl.u32 v17, $0x3;
	v9 =	vld.idx.msk [tilespmem:v9+s31+$0x0], $0xffff  }
.Ltmp1:
0xd8: {  	v8 =	vbroadcast v11, $0x0;
	v17 =	vshll.u32 v12, v0;
	v14 =	vshll.u32 v14, v0;
	v11 =	vld [tilespmem:s0+$0x0];
	(pc) =	sbr.rel @p1 .LBB2_5-.Ltmp1, $4  }
0xd9: {  	v18 =	vshll.u32 v15, v0;
	v21 =	vshll.u32 v13, v0;
	v10 =	vshll.u32 v10, v0;
	v12 =	vld [tilespmem:s0+$0xFFFFFF90]  }
0xda: {  	v15 =	vadd.s32 $0x1, v17;
	v14 =	vadd.s32 $0x2, v14;
	v17 =	vshll.u32 v16, v0;
	v13 =	vld [tilespmem:s0+$0xFFFFFFA0]  }
0xdb: {  	v20 =	vadd.s32 $0x3, v18;
	v15 =	vbroadcast v15, $0x0;
	v19 =	vadd.s32 $0x4, v10;
	v10 =	vld [tilespmem:s0+$0xFFFFFFB0]  }
0xdc: {  	s12 =	sadd.s32 $0x7, s15;
	s15 =	sadd.s32 $0x8, s15;
	v18 =	vadd.s32 $0x5, v21;
	v16 =	vbroadcast v14, $0x0;
	v17 =	vadd.s32 $0x6, v17;
	v14 =	vld [tilespmem:s0+$0xFFFFFFC0]  }
0xdd: {  	_ = 	snop  }
0xde: {  	v22 =	vld [tilespmem:s0+$0xFFFFFFD0]  }
0xdf: {  	v23 =	vld [tilespmem:s0+$0xFFFFFFE0]  }
0xe0: {  	v24 =	vld [tilespmem:s0+$0xFFFFFFF0]  }
0xe1: {  	v8 =	vld.idx.msk [tilespmem:v8+s31+$0x0], $0xffff  }
0xe2: {  	v15 =	vld.idx.msk [tilespmem:v15+s31+$0x0], $0xffff;
	s4 =	sadd.s32 $0x80, s4  }
0xe3: {  	v16 =	vld.idx.msk [tilespmem:v16+s31+$0x0], $0xffff;
	s4 =	sadd.s32 s1, s4  }
0xe4: {  	v21 =	vmov s12;
	v58 =	vld [tilespmem:s4+$0xFFFFFF90]  }
0xe5: {  	v19 =	vbroadcast v19, $0x0;
	s14 =	sadd.s32 $0x80, s11;
	v21 =	vshrl.u32 v21, $0x3;
	v1 =	vmul.f32 v12, v1;
	v59 =	vld [tilespmem:s4+$0xFFFFFFA0]  }
0xe6: {  	s11 =	sadd.s32 s1, s14;
	v21 =	vshll.u32 v21, v0;
	v2 =	vmul.f32 v13, v2;
	v60 =	vld [tilespmem:s4+$0xFFFFFFB0]  }
0xe7: {  	v18 =	vbroadcast v18, $0x0;
	v61 =	vld [tilespmem:s4+$0xFFFFFFC0];
	v21 =	vadd.s32 $0x7, v21;
	[tilespmem:s11+$0x0] =	vst v1;
	v1 =	vmul.f32 v10, v3  }
0xe8: {  	v62 =	vld [tilespmem:s4+$0xFFFFFFE0];
	v21 =	vbroadcast v21, $0x0;
	[tilespmem:s11+$0x10] =	vst v2;
	v2 =	vmul.f32 v14, v4  }
0xe9: {  	v17 =	vbroadcast v17, $0x0;
	v63 =	vld [tilespmem:s4+$0xFFFFFFF0];
	[tilespmem:s11+$0x20] =	vst v1;
	v1 =	vmul.f32 v22, v5  }
0xea: {  	v20 =	vbroadcast v20, $0x0;
	v3 =	vld [tilespmem:s4+$0x0];
	[tilespmem:s11+$0x30] =	vst v2;
	v2 =	vmul.f32 v23, v6  }
0xeb: {  	v19 =	vld.idx.msk [tilespmem:v19+s31+$0x0], $0xffff;
	[tilespmem:s11+$0x40] =	vst v1;
	v1 =	vmul.f32 v24, v7  }
0xec: {  	[tilespmem:s11+$0x50] =	vst v2;
	v2 =	vld [tilespmem:s4+$0xFFFFFFD0]  }
0xed: {  	s0 =	sadd.s32 $0x80, s14;
	v55 =	vld.idx.msk [tilespmem:v18+s31+$0x0], $0xffff;
	[tilespmem:s11+$0x60] =	vst v1;
	v1 =	vmul.f32 v58, v8  }
0xee: {  	v9 =	vmul.f32 v11, v9;
	s0 =	sadd.s32 s1, s0;
	v57 =	vld.idx.msk [tilespmem:v21+s31+$0x0], $0xffff  }
0xef: {  	v56 =	vld.idx.msk [tilespmem:v17+s31+$0x0], $0xffff;
	[tilespmem:s0+$0x0] =	vst v1;
	v1 =	vmul.f32 v60, v16  }
0xf0: {  	[tilespmem:s11+$0x70] =	vst v9;
	v20 =	vld.idx.msk [tilespmem:v20+s31+$0x0], $0xffff;
	v5 =	vmul.f32 v59, v15  }
0xf1: {  	[tilespmem:s0+$0x20] =	vst v1;
	v1 =	vmul.f32 v2, v19  }
0xf2: {  	[tilespmem:s0+$0x10] =	vst v5;
	v2 =	vmul.f32 v62, v55  }
0xf3: {  	v3 =	vmul.f32 v3, v57;
	[tilespmem:s0+$0x40] =	vst v1  }
0xf4: {  	v1 =	vmul.f32 v63, v56;
	[tilespmem:s0+$0x50] =	vst v2  }
0xf5: {  	[tilespmem:s0+$0x70] =	vst v3;
	v3 =	vmul.f32 v61, v20  }
0xf6: {  	s15 =	sshll.u32 s29, $0xB;
	p1 =	sgt.u32 s16, $0x4B;
	[tilespmem:s0+$0x60] =	vst v1  }
0xf7: {  	s29 =	sadd.s32 $0x6E40, s15;
	[tilespmem:s0+$0x30] =	vst v3;
	s0 =	sadd.s32 @!p1 $0x3, s16  }
0xf8: {  	[spmem:s3] =	stream.indirect.scatter.add.f32 [tilespmem:s29], [sflag:$0x3], $0x10, s30, s19, $0xb8;
	[tilespmem:$0x101E8] =	vst v63  }
0xf9: {  	s1 =	sshll.u32 @!p1 s0, $0x7;
	s0 =	sshll.u32 @!p1 s0, $0x9  }
0xfa: {  	s1 =	sand.u32 @!p1 $0x380, s1;
	s0 =	sor.u32 @!p1 s17, s0  }
0xfb: {  	[spmem:s5] =	stream.indirect.scatter.add.f32 [tilespmem:s31], [sflag:$0x4], $0x1, s30, s19, $0xb8;
	[tilespmem:$0x101E8] =	vst v63  }
0xfc: {  	s12 =	simm.s32 @!p1 $0x0;
	s4 =	sadd.s32 @!p1 $0x4E40, s1;
	s11 =	sadd.s32 @!p1 s7, s0  }
0xfd: {  	[tilespmem:s4], [sflag:$0x1] =	stream.linear.gather @!p1 [hbm4b:s11+s12], $0x80, $0x38;
	[tilespmem:$0x101E8] =	vst v63  }
0xfe: {  	s16 =	sadd.s32 $0x1, s16;
	s1 =	sadd.s32 @!p1 $0x5240, s1;
	s0 =	sadd.s32 @!p1 s8, s0  }
0xff: {  	[tilespmem:s1], [sflag:$0x1] =	stream.linear.gather @!p1 [hbm4b:s0+s12], $0x80, $0x38;
	[tilespmem:$0x101E8] =	vst v63  }
0x100: {  	p1 =	sne.s32 s16, $0x4F  }
.Ltmp2:
0x101: {  	_ = 	snop;
	(pc) =	sbr.rel @p1 .LBB2_2-.Ltmp2, $2  }
0x102: {  	_ =	sdelay $0x2  }
0x103: {  	s13 =	sadd.s32 $0x800, s13;
	s28 =	sadd.s32 $0x800, s28  }
0x104: {  	_ =	swait.ge [sflag:s21], $0x800  }
0x105: {  	[sflag:s21] =	ssyncset.done $0x0  }
0x106: {  	[sflag:s21] =	ssyncadd.s32 $0xFFFFF800  }
0x107: {  	_ =	swait.ge [sflag:s22], $0x80  }
0x108: {  	[sflag:s22] =	ssyncset.done $0x0  }
0x109: {  	[sflag:s22] =	ssyncadd.s32 $0xFFFFFF80  }
0x10a: {  	_ =	swait.ge [sflag:s21], $0x800  }
0x10b: {  	[sflag:s21] =	ssyncset.done $0x0  }
0x10c: {  	[sflag:s21] =	ssyncadd.s32 $0xFFFFF800  }
0x10d: {  	_ =	swait.ge [sflag:s22], $0x80  }
0x10e: {  	[sflag:s22] =	ssyncset.done $0x0  }
0x10f: {  	[sflag:s22] =	ssyncadd.s32 $0xFFFFFF80  }
0x110: {  	_ =	swait.ge [sflag:s21], $0x800  }
0x111: {  	[sflag:s21] =	ssyncset.done $0x0  }
0x112: {  	[sflag:s21] =	ssyncadd.s32 $0xFFFFF800  }
0x113: {  	_ =	swait.ge [sflag:s22], $0x80  }
0x114: {  	[sflag:s22] =	ssyncset.done $0x0  }
0x115: {  	[sflag:s22] =	ssyncadd.s32 $0xFFFFFF80  }
0x116: {  	[bflag:$0x0] =	sbarrier.arrive $0xFFFF  }
0x117: {  	s28 =	rddreg [dreg:$0x9]  }
0x118: {  	s1 =	rddreg [dreg:$0xe];
	s0 =	sshrl.u32 s28, $0x3  }
0x119: {  	[hbm:s1], [sflag:s25] =	dma.local [spmem:s0], $0x4E0  }
0x11a: {  	_ =	swait.ge [sflag:s9], $0x4E0  }
0x11b: {  	s16 =	simm.s32 $0x0;
	[sflag:s9] =	ssyncset.done $0x0  }
0x11c: {  	v1 =	vmov s16;
	s29 =	rddreg [dreg:$0xb];
	[sflag:s9] =	ssyncadd.s32 $0xFFFFFB20  }
0x11d: {  	[tilespmem:s23], [sflag:$0x5] =	stream.linear.gather [spmem:s29], $0x270, $0x38;
	[tilespmem:$0x101E8] =	vst v63  }
0x11e: {  	_ =	swait.ge [sflag:s9], $0x270  }
0x11f: {  	[sflag:s9] =	ssyncset.done $0x0  }
0x120: {  	[sflag:s9] =	ssyncadd.s32 $0xFFFFFD90  }
0x121: {  	s30 =	simm.s32 $0x1;
	v1 =	vld.idx.msk [tilespmem:v1+s23+$0x0], $0xffff  }
0x122: {  	v2 =	vmov s30;
	_ =	sdelay $0x2  }
0x123: {  	s0 =	simm.s32 $0x8A30  }
0x124: {  	[tilespmem:s0+$0x0] =	vst v1  }
0x125: {  	s31 =	simm.s32 $0x2;
	v1 =	vld.idx.msk [tilespmem:v2+s23+$0x0], $0xffff  }
0x126: {  	s1 =	simm.s32 $0x3;
	v2 =	vmov s31  }
.LBB2_8:
0x127: {  	p1 =	sne.s32 s1, $0x26F;
	_ =	sdelay $0x1  }
.Ltmp3:
0x128: {  	s0 =	sadd.s32 $0x10, s0;
	(pc) =	sbr.rel @p1 .LBB2_8-.Ltmp3, $3  }
0x129: {  	[tilespmem:s0+$0x0] =	vst v1  }
0x12a: {  	v1 =	vld.idx.msk [tilespmem:v2+s23+$0x0], $0xffff;
	_ =	sdelay $0x1  }
0x12b: {  	v2 =	vmov s1;
	s1 =	sadd.s32 $0x1, s1  }
0x12c: {  	_ =	sdelay $0x1  }
0x12d: {  	s0 =	sadd.s32 $0x10, s0  }
0x12e: {  	[tilespmem:s0+$0x0] =	vst v1  }
0x12f: {  	v1 =	vld.idx.msk [tilespmem:v2+s23+$0x0], $0xffff;
	_ =	sdelay $0x3  }
0x130: {  	s0 =	sadd.s32 $0x10, s0  }
0x131: {  	s30 =	rddreg [dreg:$0xf];
	s1 =	simm.s32 $0x8A30;
	[tilespmem:s0+$0x0] =	vst v1  }
0x132: {  	[hbm4b:s30+s6] =	stream.linear.scatter [tilespmem:s1], [sflag:$0x5], $0x2700, $0x38;
	[tilespmem:$0x101E8] =	vst v63  }
0x133: {  	_ =	swait.ge [sflag:s9], $0x2700  }
0x134: {  	[sflag:s9] =	ssyncset.done $0x0  }
0x135: {  	s0 =	rddreg [dreg:$0x10];
	[sflag:s9] =	ssyncadd.s32 $0xFFFFD900  }
0x136: {  	[hbm:s0], [sflag:s25] =	dma.local @!p0 [spmem:s26], $0x20  }
0x137: {  	s0 =	simm.s32 @!p0 $0x5  }
0x138: {  	_ =	swait.ge @!p0 [sflag:s0], $0x20  }
0x139: {  	[sflag:s0] =	ssyncset.done @!p0 $0x0  }
0x13a: {  	s1 =	simm.s32 @!p0 $0x87C0;
	s12 =	rddreg [dreg:$0x1b];
	[sflag:s0] =	ssyncadd.s32 @!p0 $0xFFFFFFE0  }
0x13b: {  	[tilespmem:s1], [sflag:$0x5] =	stream.linear.gather @!p0 [spmem:s12], $0x10, $0x38;
	[tilespmem:$0x101E8] =	vst v63  }
0x13c: {  	_ =	swait.ge @!p0 [sflag:s0], $0x10  }
0x13d: {  	[sflag:s0] =	ssyncset.done @!p0 $0x0  }
0x13e: {  	[sflag:s0] =	ssyncadd.s32 @!p0 $0xFFFFFFF0  }
0x13f: {  	v1 =	vld.msk @!p0 [tilespmem:s1+$0x0], $0xffff  }
0x140: {  	v2 =	vimm.s32 @!p0 $0x1;
	_ =	sdelay $0x3  }
0x141: {  	[tilespmem:$0x8A30] =	vst @!p0 v1  }
0x142: {  	v1 =	vld.idx.msk @!p0 [tilespmem:v2+s1+$0x0], $0xffff  }
0x143: {  	v2 =	vimm.s32 @!p0 $0x2;
	_ =	sdelay $0x3  }
0x144: {  	[tilespmem:$0x8A40] =	vst @!p0 v1  }
0x145: {  	v1 =	vld.idx.msk @!p0 [tilespmem:v2+s1+$0x0], $0xffff  }
0x146: {  	v2 =	vimm.s32 @!p0 $0x3;
	_ =	sdelay $0x3  }
0x147: {  	[tilespmem:$0x8A50] =	vst @!p0 v1  }
0x148: {  	v1 =	vld.idx.msk @!p0 [tilespmem:v2+s1+$0x0], $0xffff  }
0x149: {  	v2 =	vimm.s32 @!p0 $0x4;
	_ =	sdelay $0x3  }
0x14a: {  	[tilespmem:$0x8A60] =	vst @!p0 v1  }
0x14b: {  	v1 =	vld.idx.msk @!p0 [tilespmem:v2+s1+$0x0], $0xffff  }
0x14c: {  	v2 =	vimm.s32 @!p0 $0x5;
	_ =	sdelay $0x3  }
0x14d: {  	[tilespmem:$0x8A70] =	vst @!p0 v1  }
0x14e: {  	v1 =	vld.idx.msk @!p0 [tilespmem:v2+s1+$0x0], $0xffff  }
0x14f: {  	v2 =	vimm.s32 @!p0 $0x6;
	_ =	sdelay $0x3  }
0x150: {  	[tilespmem:$0x8A80] =	vst @!p0 v1  }
0x151: {  	v1 =	vld.idx.msk @!p0 [tilespmem:v2+s1+$0x0], $0xffff  }
0x152: {  	v2 =	vimm.s32 @!p0 $0x7;
	_ =	sdelay $0x3  }
0x153: {  	[tilespmem:$0x8A90] =	vst @!p0 v1  }
0x154: {  	v1 =	vld.idx.msk @!p0 [tilespmem:v2+s1+$0x0], $0xffff  }
0x155: {  	v2 =	vimm.s32 @!p0 $0x8;
	_ =	sdelay $0x3  }
0x156: {  	[tilespmem:$0x8AA0] =	vst @!p0 v1  }
0x157: {  	v1 =	vld.idx.msk @!p0 [tilespmem:v2+s1+$0x0], $0xffff  }
0x158: {  	v2 =	vimm.s32 @!p0 $0x9;
	_ =	sdelay $0x3  }
0x159: {  	[tilespmem:$0x8AB0] =	vst @!p0 v1  }
0x15a: {  	v1 =	vld.idx.msk @!p0 [tilespmem:v2+s1+$0x0], $0xffff  }
0x15b: {  	v2 =	vimm.s32 @!p0 $0xA;
	_ =	sdelay $0x3  }
0x15c: {  	[tilespmem:$0x8AC0] =	vst @!p0 v1  }
0x15d: {  	v1 =	vld.idx.msk @!p0 [tilespmem:v2+s1+$0x0], $0xffff  }
0x15e: {  	v2 =	vimm.s32 @!p0 $0xB;
	_ =	sdelay $0x3  }
0x15f: {  	[tilespmem:$0x8AD0] =	vst @!p0 v1  }
0x160: {  	v1 =	vld.idx.msk @!p0 [tilespmem:v2+s1+$0x0], $0xffff  }
0x161: {  	v2 =	vimm.s32 @!p0 $0xC;
	_ =	sdelay $0x3  }
0x162: {  	[tilespmem:$0x8AE0] =	vst @!p0 v1  }
0x163: {  	v1 =	vld.idx.msk @!p0 [tilespmem:v2+s1+$0x0], $0xffff  }
0x164: {  	v2 =	vimm.s32 @!p0 $0xD;
	_ =	sdelay $0x3  }
0x165: {  	[tilespmem:$0x8AF0] =	vst @!p0 v1  }
0x166: {  	v1 =	vld.idx.msk @!p0 [tilespmem:v2+s1+$0x0], $0xffff  }
0x167: {  	v2 =	vimm.s32 @!p0 $0xE;
	_ =	sdelay $0x3  }
0x168: {  	[tilespmem:$0x8B00] =	vst @!p0 v1  }
0x169: {  	v1 =	vld.idx.msk @!p0 [tilespmem:v2+s1+$0x0], $0xffff  }
0x16a: {  	v2 =	vimm.s32 @!p0 $0xF;
	_ =	sdelay $0x3  }
0x16b: {  	[tilespmem:$0x8B10] =	vst @!p0 v1  }
0x16c: {  	v1 =	vld.idx.msk @!p0 [tilespmem:v2+s1+$0x0], $0xffff;
	_ =	sdelay $0x4  }
0x16d: {  	s4 =	simm.s32 @!p0 $0x8A30;
	s11 =	rddreg [dreg:$0x11];
	s1 =	simm.s32 @!p0 $0x0;
	[tilespmem:$0x8B20] =	vst @!p0 v1  }
0x16e: {  	[hbm4b:s11+s1] =	stream.linear.scatter @!p0 [tilespmem:s4], [sflag:$0x5], $0x100, $0x38;
	[tilespmem:$0x101E8] =	vst v63  }
0x16f: {  	_ =	swait.ge @!p0 [sflag:s0], $0x100  }
0x170: {  	s24 =	sadd.s32 $0x1, s24;
	s31 =	rddreg [dreg:$0x17]  }
0x171: {  	p1 =	sne.s32 s24, s31  }
.Ltmp4:
0x172: {  	_ = 	snop;
	(pc) =	sbr.rel @p1 .LBB2_1-.Ltmp4, $3  }
0x173: {  	_ =	sdelay $0x1  }
0x174: {  	[sflag:s0] =	ssyncset.done @!p0 $0x0  }
0x175: {  	[sflag:s0] =	ssyncadd.s32 @!p0 $0xFFFFFF00  }
0x176: {  	_ =	sfence.sel $0x180000  }
0x177: {  	[bflag:$0x0] =	sbarrier.arrive $0xFFFF  }
0x178: {  	_ =	strace $0x9000004A  }
0x179: {  	s0 =	stileid.u32;
	[bflag:$0x2] =	sbarrier.arrive $0xFFFF  }
0x17a: {  	p0 =	sne.s32 s0, $0x0;
	s0 =	rddreg [dreg:$0x5]  }
0x17b: {  	s0 =	sadd.s32 @!p0 $0x100000, s0  }
0x17c: {  	[sflag:s0] =	ssyncadd.tile.s32 @!p0 $0x1;
	_ =	shalt  }
.Lfunc_end2:
_tile_overlayer_lowered:
.L_overlay_start_2:
0x17d: {  	(tag) =	ssettag $0x2  }
0x17e: {  	s0 =	rddreg [dreg:$0x0];
	s2 =	stileid.u32  }
0x17f: {  	s1 =	rddreg [dreg:$0x1];
	p0 =	sne.s32 s2, $0x0  }
0x180: {  	s3 =	rddreg [dreg:$0x2];
	[bflag:$0x3] =	sbarrier.arrive $0xFFFF;
	s2 =	simm.s32 @!p0 $0x1C05  }
0x181: {  	[timem:s3], [sflag:s2] =	dma.local @!p0 [hbm:s0], s1  }
0x182: {  	s0 =	simm.s32 @!p0 $0x5  }
0x183: {  	_ =	swait.ge @!p0 [sflag:s0], s1  }
0x184: {  	s1 =	ssub.s32 @!p0 $0x0, s1;
	[sflag:s0] =	ssyncset.done @!p0 $0x0  }
0x185: {  	[sflag:s0] =	ssyncadd.s32 @!p0 s1  }
0x186: {  	[bflag:$0x3] =	sbarrier.arrive $0xFFFF  }
0x187: {  	_ =	shalt  }

// kernel: kernel.7.cloned.1.call-start
scs
__scs_entry_jumppad:
0x0: {  	(pc) =	sbr.rel $0x88, $3  }
0x1: {  	(tag) =	ssettag $0x0;
	lr =	simm.s32 $0x1  }
0x2: {  	[smem:$0x3F97] =	sst lr;
	_ =	strace $0xD0000000  }
0x3: {  	_ = 	snop  }
0x4: {  	_ = 	snop  }
0x5: {  	_ = 	snop  }
0x6: {  	_ = 	snop  }
0x7: {  	_ = 	snop  }
__scs_overlays_trampoline_lowered:
0x8: {  	[smem:$0x3FA6] =	sst s0  }
0x9: {  	[smem:$0x3FA7] =	sst s1  }
0xa: {  	[smem:$0x3FA8] =	sst s2  }
0xb: {  	[smem:$0x3FA9] =	sst s3  }
0xc: {  	[smem:$0x3FAA] =	sst s4  }
0xd: {  	[smem:$0x3FAB] =	sst s5  }
0xe: {  	[smem:$0x3FAC] =	sst s6  }
0xf: {  	[smem:$0x3FAD] =	sst s7  }
0x10: {  	[smem:$0x3FAE] =	sst s8  }
0x11: {  	[smem:$0x3FAF] =	sst s9;
	s0 =	simm.s32 @!p0 $0x0  }
0x12: {  	s1 =	sld [smem:$0x3F95];
	s0 =	simm.s32 @p0 $0x1  }
0x13: {  	[smem:$0x3FB0] =	sst s0;
	s0 =	simm.s32 @!p1 $0x0  }
0x14: {  	s2 =	sld [smem:$0x3F94];
	s0 =	simm.s32 @p1 $0x1  }
0x15: {  	[smem:$0x3FB1] =	sst s0;
	s0 =	simm.s32 @!p2 $0x0  }
0x16: {  	s3 =	sld [smem:$0x3FDB];
	s0 =	simm.s32 @p2 $0x1  }
0x17: {  	s4 =	simm.s32 $0x1BF5;
	[smem:$0x3FB3] =	sst s0  }
0x18: {  	s0 =	sld [smem:$0x3F96];
	_ =	swait.ge [sflag:s4], $0x0  }
0x19: {  	s7 =	sld [smem:$0x3F97]  }
0x1a: {  	s8 =	sadd.s32 $0xFFFFE003, lr  }
0x1b: {  	s9 =	sadd.s32 $0xFFFFFEF7, lr;
	s5 =	simm.s32 $0xFFFFFFFF;
	p2 =	slt.u32 s8, $0xFFFFF086  }
0x1c: {  	p1 =	slt.u32 s9, $0xF7A;
	s5 =	simm.s32 @!p2 $0x0  }
0x1d: {  	s5 =	simm.s32 @p1 $0x1;
	p0 =	seq.s32 s7, s2  }
0x1e: {  	s7 =	smul.u32 @!p0 $0xF7A, s2;
	p2 =	seq.s32 @!p0 s5, $0x0  }
0x1f: {  	s9 =	smul.u32 $0xF7A, s1;
	s8 =	simm.s32 @!p0 $0x1BF5;
	p2 =	por !p2, p0  }
0x20: {  	[sflag:s8] =	ssyncset.s32 @!p0 $0xFFFFF086;
	s6 =	sadd.s32 @!p0 s3, s7;
	s7 =	simm.s32 @!p0 $0x108  }
0x21: {  	s3 =	sadd.s32 s3, s9;
	s6 =	sadd.s32 @!p0 $0x88, s6;
	s7 =	simm.s32 @p2 $0x1082  }
0x22: {  	[simem:s7], [sflag:s8] =	dma.local @!p0 [hbm:s6], $0xF7A  }
0x23: {  	s9 =	sor.u32 $0xD0000000, s2;
	s6 =	simm.s32 $0x108;
	_ =	swait.ge @!p0 [sflag:s8], $0x0  }
0x24: {  	s3 =	sadd.s32 $0x88, s3;
	s6 =	simm.s32 @!p1 $0x1082;
	[sflag:s4] =	ssyncset.s32 $0xFFFFF086  }
0x25: {  	[simem:s6], [sflag:s4] =	dma.local [hbm:s3], $0xF7A  }
0x26: {  	[smem:$0x3F97] =	sst s1;
	(tag) =	ssettag s2;
	_ =	strace s9  }
0x27: {  	s1 =	sld [smem:$0x3FA7]  }
0x28: {  	s2 =	sld [smem:$0x3FA8]  }
0x29: {  	s4 =	sld [smem:$0x3FAA]  }
0x2a: {  	p0 =	seq.s32 s5, $0x0;
	s5 =	sld [smem:$0x3FAB]  }
0x2b: {  	s6 =	sld [smem:$0x3FAC]  }
0x2c: {  	s7 =	sld [smem:$0x3FAD]  }
0x2d: {  	s3 =	simm.s32 $0x108;
	s8 =	sld [smem:$0x3FAE]  }
0x2e: {  	s3 =	simm.s32 @!p0 $0x1082;
	s9 =	sld [smem:$0x3FAF]  }
0x2f: {  	lr =	sadd.s32 s0, s3;
	s0 =	sld [smem:$0x3FA6]  }
0x30: {  	s3 =	sld [smem:$0x3FA9]  }
0x31: {  	[smem:$0x3FB2] =	sst s10  }
0x32: {  	s10 =	sld [smem:$0x3FB0];
	_ =	sdelay $0x3  }
0x33: {  	p0 =	seq.s32 s10, $0x1;
	s10 =	sld [smem:$0x3FB2];
	_ =	sdelay $0x3  }
0x34: {  	[smem:$0x3FB2] =	sst s10  }
0x35: {  	s10 =	sld [smem:$0x3FB1];
	_ =	sdelay $0x3  }
0x36: {  	p1 =	seq.s32 s10, $0x1;
	s10 =	sld [smem:$0x3FB2];
	_ =	sdelay $0x3  }
0x37: {  	[smem:$0x3FB2] =	sst s10  }
0x38: {  	s10 =	sld [smem:$0x3FB3]  }
0x39: {  	_ = 	snop;
	(pc) =	sbr.ind lr, $3  }
0x3a: {  	_ = 	snop  }
0x3b: {  	_ = 	snop  }
0x3c: {  	p2 =	seq.s32 s10, $0x1;
	s10 =	sld [smem:$0x3FB2]  }
0x3d: {  	_ =	shalt  }
0x3e: {  	_ =	shalt  }
0x3f: {  	_ =	shalt  }
0x40: {  	_ =	shalt  }
0x41: {  	_ =	shalt  }
0x42: {  	_ =	shalt  }
0x43: {  	_ =	shalt  }
0x44: {  	_ =	shalt  }
0x45: {  	_ =	shalt  }
0x46: {  	_ =	shalt  }
0x47: {  	_ =	shalt  }
0x48: {  	_ =	shalt  }
0x49: {  	_ =	shalt  }
0x4a: {  	_ =	shalt  }
0x4b: {  	_ =	shalt  }
0x4c: {  	_ =	shalt  }
0x4d: {  	_ =	shalt  }
0x4e: {  	_ =	shalt  }
0x4f: {  	_ =	shalt  }
0x50: {  	_ =	shalt  }
0x51: {  	_ =	shalt  }
0x52: {  	_ =	shalt  }
0x53: {  	_ =	shalt  }
0x54: {  	_ =	shalt  }
0x55: {  	_ =	shalt  }
0x56: {  	_ =	shalt  }
0x57: {  	_ =	shalt  }
0x58: {  	_ =	shalt  }
0x59: {  	_ =	shalt  }
0x5a: {  	_ =	shalt  }
0x5b: {  	_ =	shalt  }
0x5c: {  	_ =	shalt  }
0x5d: {  	_ =	shalt  }
0x5e: {  	_ =	shalt  }
0x5f: {  	_ =	shalt  }
0x60: {  	_ =	shalt  }
0x61: {  	_ =	shalt  }
0x62: {  	_ =	shalt  }
0x63: {  	_ =	shalt  }
0x64: {  	_ =	shalt  }
0x65: {  	_ =	shalt  }
0x66: {  	_ =	shalt  }
0x67: {  	_ =	shalt  }
0x68: {  	_ =	shalt  }
0x69: {  	_ =	shalt  }
0x6a: {  	_ =	shalt  }
0x6b: {  	_ =	shalt  }
0x6c: {  	_ =	shalt  }
0x6d: {  	_ =	shalt  }
0x6e: {  	_ =	shalt  }
0x6f: {  	_ =	shalt  }
0x70: {  	_ =	shalt  }
0x71: {  	_ =	shalt  }
0x72: {  	_ =	shalt  }
0x73: {  	_ =	shalt  }
0x74: {  	_ =	shalt  }
0x75: {  	_ =	shalt  }
0x76: {  	_ =	shalt  }
0x77: {  	_ =	shalt  }
0x78: {  	_ =	shalt  }
0x79: {  	_ =	shalt  }
0x7a: {  	_ =	shalt  }
0x7b: {  	_ =	shalt  }
0x7c: {  	_ =	shalt  }
0x7d: {  	_ =	shalt  }
0x7e: {  	_ =	shalt  }
0x7f: {  	_ =	shalt  }
0x80: {  	_ =	shalt  }
0x81: {  	_ =	shalt  }
0x82: {  	_ =	shalt  }
0x83: {  	_ =	shalt  }
0x84: {  	_ =	shalt  }
0x85: {  	_ =	shalt  }
0x86: {  	_ =	shalt  }
0x87: {  	_ =	shalt  }
.Lfunc_end0:
.L_simem_size_0:
called_computation_lowered:
.L_overlay_start_0:
0x88: {  	s2 =	sld [smem:$0x3FD9]  }
0x89: {  	s3 =	sld [smem:$0x3FFE];
	_ =	sdelay $0x1  }
0x8a: {  	s1 =	srdreg.scid  }
0x8b: {  	s0 =	sand.u32 $0x1, s1  }
0x8c: {  	s17 =	sshll.u32 s0, $0xA;
	s2 =	sadd.s32 s3, s2  }
0x8d: {  	s2 =	sadd.s32 s2, s17  }
0x8e: {  	[smem:$0x3FBE] =	sst s2  }
0x8f: {  	_ = 	snop  }
0x90: {  	s2 =	sld [smem:$0x3FD0];
	(tm) =	ssettm $0x1  }
0x91: {  	s18 =	sld [smem:$0x3FFB];
	_ =	sdelay $0x3  }
0x92: {  	_ =	strace s18  }
0x93: {  	s3 =	sld [smem:$0x3FFC];
	_ =	sdelay $0x3  }
0x94: {  	_ =	strace s3  }
0x95: {  	s3 =	sld [smem:$0x3FFD];
	_ =	sdelay $0x3  }
0x96: {  	_ =	strace s3  }
0x97: {  	_ =	strace $0x8FFFFFFF  }
0x98: {  	s19 =	sld [smem:$0x3FDB];
	_ =	sdelay $0x1  }
0x99: {  	s4 =	simm.s32 $_scs_section_size  }
0x9a: {  	s5 =	simm.s32 $_size__tile_overlayer_lowered;
	s6 =	simm.s32 $_tile_overlayer_lowered  }
0x9b: {  	s22 =	simm.s32 $0x1BFF;
	s21 =	sshll.u32 s6, $0x1;
	s3 =	sadd.s32 s4, s19  }
0x9c: {  	s7 =	simm.s32 $0x0;
	s20 =	sshll.u32 s5, $0x1;
	s5 =	sadd.s32 s21, s3  }
0x9d: {  	[timem:s7], [sflag:s22] =	dma.local [hbm:s5], s20  }
0x9e: {  	_ =	swait.ge [sflag:s22], s20  }
0x9f: {  	s4 =	ssub.s32 $0x0, s20;
	[sflag:s22] =	ssyncset.done $0x0  }
0xa0: {  	[sflag:s22] =	ssyncadd.s32 s4;
	_ =	sdelay $0x1  }
0xa1: {  	s23 =	simm.s32 $0x1B8B  }
0xa2: {  	_ =	swait.ge [sflag:s23], $0x1  }
0xa3: {  	[sflag:s23] =	ssyncset.done $0x0  }
0xa4: {  	s25 =	simm.s32 $0x1B8E;
	s24 =	sld [smem:$0x3FFE];
	[sflag:s23] =	ssyncadd.s32 $0xFFFFFFFF  }
0xa5: {  	s26 =	simm.s32 $execute0_lowered;
	[smem:$0x3FD2] =	sst s25  }
0xa6: {  	s5 =	sshll.u32 s26, $0x1;
	_ =	strace $0x80000046;
	[dreg:$0x1] =	wrdreg $0xFFFFFFFF  }
0xa7: {  	s28 =	simm.s32 $_size_execute0_lowered;
	s3 =	sadd.s32 s3, s5;
	[dreg:$0x0] =	wrdreg $0x0  }
0xa8: {  	s5 =	sshll.u32 s28, $0x1;
	[dreg:$0x2] =	wrdreg s3  }
0xa9: {  	[dreg:$0x3] =	wrdreg s5  }
0xaa: {  	[dreg:$0x4] =	wrdreg $0xC0  }
0xab: {  	_ =	task [dreg:s7], $0x5FFFF  }
0xac: {  	[dreg:$0x1] =	wrdreg $0xFFFFFFFF  }
0xad: {  	[dreg:$0x0] =	wrdreg $0x60  }
0xae: {  	[dreg:$0x2] =	wrdreg s24  }
0xaf: {  	[dreg:$0x3] =	wrdreg s2  }
0xb0: {  	[dreg:$0x4] =	wrdreg $0xDAC80  }
0xb1: {  	[dreg:$0x5] =	wrdreg $0xB1300  }
0xb2: {  	[dreg:$0x6] =	wrdreg $0xD8500  }
0xb3: {  	[dreg:$0x7] =	wrdreg $0x9  }
0xb4: {  	_ =	task.clear_ibuf [dreg:s7], $0x8FFFF;
	_ =	strace $0x90000046  }
0xb5: {  	s29 =	simm.s32 $0x9;
	_ =	strace $0x80000048  }
0xb6: {  	_ =	swait.ge [sflag:s29], $0x1  }
0xb7: {  	[sflag:s29] =	ssyncadd.s32 $0xFFFFFFFF  }
0xb8: {  	_ =	strace $0x90000048  }
0xb9: {  	_ =	sfence  }
0xba: {  	s30 =	sld [smem:$0x0];
	_ =	sdelay $0x2  }
0xbb: {  	s31 =	sshll.u32 s1, $0xD;
	s1 =	sshrl.u32 s1, $0x2  }
0xbc: {  	s3 =	sand.u32 $0x4000, s31;
	s1 =	sadd.s32 s1, s30  }
0xbd: {  	s0 =	sor.u32 s3, s0;
	s1 =	sshll.u32 s1, $0x11  }
0xbe: {  	s0 =	sor.u32 s1, s0  }
0xbf: {  	s0 =	sadd.s32 $0x8F2B, s0  }
0xc0: {  	[sflag:s0] =	ssyncadd.remote.s32 $0x1  }
0xc1: {  	_ =	sfence.sel $0xFFFF  }
0xc2: {  	[dreg:$0x0] =	wrdreg $0xFFFFFFFF;
	(pc) =	sbr.abs _section_cstart, $3  }
0xc3: {  	[dreg:$0x1] =	wrdreg $0xFFFFFFFF  }
0xc4: {  	_ =	task.clear_ibuf [dreg:s7], $0x2FFFF;
	_ =	strace $0x9FFFFFFF  }
0xc5: {  	(tm) =	ssettm $0x7FFFFFFF  }
tec
execute0_lowered:
.L_overlay_start_1:
0x0: {  	(tag) =	ssettag $0x1  }
0x1: {  	s0 =	rddreg [dreg:$0x0]  }
0x2: {  	s2 =	rddreg [dreg:$0x2]  }
0x3: {  	s3 =	rddreg [dreg:$0x3]  }
0x4: {  	s5 =	rddreg [dreg:$0x4]  }
0x5: {  	s6 =	simm.s32 $0x0;
	s14 =	stileid.u32;
	s9 =	srdreg.scid  }
0x6: {  	[smem:$0x7FF] =	sst s6;
	s1 =	smul.u32 $0x2700, s14  }
0x7: {  	s7 =	sadd.s32 $0x5E800, s0;
	s4 =	smul.u32 $0x270, s14;
	s8 =	sadd.s32 $0x54A00, s0  }
0x8: {  	s10 =	sadd.s32 $0x54400, s0;
	s9 =	sand.u32 $0x1, s9;
	s15 =	sadd.s32 $0x77A00, s0  }
0x9: {  	s16 =	sadd.s32 $0x6DC00, s0;
	s24 =	sadd.s32 $0x54200, s0;
	s30 =	sadd.s32 $0x6D400, s0  }
0xa: {  	s31 =	sshll.u32 s14, $0x5;
	_ =	strace $0x80000047;
	[dreg:$0x6] =	wrdreg s10  }
0xb: {  	p0 =	sne.s32 s14, $0xF;
	s12 =	ssub.s32 $0x2, s9;
	[dreg:$0x8] =	wrdreg s24  }
0xc: {  	s25 =	smul.u32 $0x27100, s9;
	[dreg:$0xd] =	wrdreg s30;
	s9 =	sshll.u32 s9, $0x4  }
0xd: {  	s23 =	sshrl.u32 s1, $0x3;
	s11 =	sshrl.u32 s4, $0x3;
	s28 =	sadd.s32 s1, s3  }
0xe: {  	s29 =	sadd.s32 s4, s5;
	s10 =	sadd.s32 s23, s0;
	[dreg:$0x9] =	wrdreg s28  }
0xf: {  	s11 =	sadd.s32 s11, s0;
	s0 =	sadd.s32 $0x6DAE0, s0;
	[dreg:$0xb] =	wrdreg s29  }
0x10: {  	s13 =	sshrl.u32 s12, $0x1;
	s17 =	sadd.s32 $0x4F400, s10;
	[dreg:$0x12] =	wrdreg s0  }
0x11: {  	s12 =	ssub.s32 s12, s13;
	s10 =	sadd.s32 $0x68600, s10;
	[dreg:$0x7] =	wrdreg s17  }
0x12: {  	s13 =	sadd.s32 s1, s2;
	s26 =	sadd.s32 $0x6D600, s11;
	[dreg:$0xa] =	wrdreg s10  }
0x13: {  	s1 =	sadd.s32 s1, s25;
	s24 =	smax.u32 s12, $0x1;
	[dreg:$0xc] =	wrdreg s26  }
0x14: {  	s11 =	sshrl.u32 s25, $0x3;
	s25 =	sshrl.u32 s13, $0x3;
	[dreg:$0x17] =	wrdreg s24  }
0x15: {  	s1 =	sshrl.u32 s1, $0x3;
	s12 =	sadd.s32 $0x2700, s5;
	[dreg:$0x18] =	wrdreg s25  }
0x16: {  	s17 =	sor.u32 s9, s31;
	s18 =	sadd.s32 s15, s1;
	[dreg:$0x1b] =	wrdreg s12  }
0x17: {  	s1 =	sadd.s32 s16, s1;
	s19 =	sadd.s32 $0x4E00, s11;
	[dreg:$0xe] =	wrdreg s18  }
0x18: {  	s26 =	sadd.s32 $0x27000, s3;
	s9 =	simm.s32 $0x5;
	[dreg:$0xf] =	wrdreg s1  }
0x19: {  	s10 =	simm.s32 $0x2720;
	s4 =	sadd.s32 s15, s19;
	[dreg:$0x1a] =	wrdreg s26  }
0x1a: {  	s24 =	simm.s32 $0x0;
	s1 =	sadd.s32 s16, s19;
	[dreg:$0x10] =	wrdreg s4  }
0x1b: {  	s20 =	sor.u32 $0x200, s17;
	s30 =	sadd.s32 s7, s17;
	[dreg:$0x11] =	wrdreg s1  }
0x1c: {  	s22 =	sor.u32 $0x400, s17;
	s31 =	sadd.s32 s8, s17;
	[dreg:$0x1c] =	wrdreg s30  }
0x1d: {  	s18 =	simm.s32 $0x1;
	s21 =	sadd.s32 s7, s20;
	[dreg:$0x1d] =	wrdreg s31  }
0x1e: {  	s19 =	simm.s32 $0x80;
	s1 =	sadd.s32 s8, s20;
	[dreg:$0x13] =	wrdreg s21  }
0x1f: {  	s23 =	sadd.s32 s7, s22;
	s0 =	sadd.s32 s8, s22;
	[dreg:$0x14] =	wrdreg s1  }
0x20: {  	s20 =	simm.s32 $0x2;
	[dreg:$0x16] =	wrdreg s0;
	s0 =	sadd.s32 $0x27000, s2  }
0x21: {  	v0 =	vimm.s32 $0x0;
	vm0 =	vcmask $0x300;
	s22 =	simm.s32 $0x4;
	[dreg:$0x15] =	wrdreg s23;
	s0 =	sshrl.u32 @!p0 s0, $0x3  }
0x22: {  	v0 =	vsel vm0, $0x3, v0;
	s21 =	simm.s32 $0x3;
	s23 =	simm.s32 $0x87C0;
	[dreg:$0x19] =	wrdreg s0  }
.LBB2_1:
0x23: {  	s0 =	rddreg [dreg:$0x1]  }
0x24: {  	[tilespmem:s6], [sflag:$0x5] =	stream.linear.gather [hbm4b:s0+s6], $0x2720, $0x38;
	[tilespmem:$0x101E8] =	vst v63  }
0x25: {  	_ =	swait.ge [sflag:s9], $0x2720  }
0x26: {  	[sflag:s9] =	ssyncset.done $0x0  }
0x27: {  	s16 =	rddreg [dreg:$0x6];
	[sflag:s9] =	ssyncadd.s32 $0xFFFFD8E0  }
0x28: {  	[tilespmem:s10], [sflag:$0x5] =	stream.linear.gather [hbm4b:s16+s6], $0x2720, $0x38;
	[tilespmem:$0x101E8] =	vst v63  }
0x29: {  	s25 =	stileid.u32;
	_ =	swait.ge [sflag:s9], $0x2720  }
0x2a: {  	s0 =	sshll.u32 s25, $0x6;
	[sflag:s9] =	ssyncset.done $0x0;
	s26 =	rddreg [dreg:$0x7]  }
0x2b: {  	s25 =	sor.u32 $0x1C05, s0;
	s1 =	rddreg [dreg:$0x18];
	[sflag:s9] =	ssyncadd.s32 $0xFFFFD8E0  }
0x2c: {  	[spmem:s1], [sflag:s25] =	dma.local [hbm:s26], $0x4E0  }
0x2d: {  	_ =	swait.ge [sflag:s9], $0x4E0  }
0x2e: {  	[sflag:s9] =	ssyncset.done $0x0  }
0x2f: {  	s0 =	sshrl.u32 @p0 s28, $0x3;
	s4 =	rddreg [dreg:$0xa];
	[sflag:s9] =	ssyncadd.s32 $0xFFFFFB20  }
0x30: {  	[spmem:s0], [sflag:s25] =	dma.local @p0 [hbm:s4], $0x4E0  }
0x31: {  	s0 =	simm.s32 @p0 $0x5  }
0x32: {  	_ =	swait.ge @p0 [sflag:s0], $0x4E0  }
0x33: {  	[sflag:s0] =	ssyncset.done @p0 $0x0  }
0x34: {  	s1 =	sshrl.u32 @p0 s29, $0x3;
	s11 =	rddreg [dreg:$0xc];
	[sflag:s0] =	ssyncadd.s32 @p0 $0xFFFFFB20  }
0x35: {  	[spmem:s1], [sflag:s25] =	dma.local @p0 [hbm:s11], $0x4E  }
0x36: {  	_ =	swait.ge @p0 [sflag:s0], $0x4E  }
0x37: {  	[sflag:s0] =	ssyncset.done @p0 $0x0;
	s1 =	rddreg [dreg:$0x19]  }
0x38: {  	[sflag:s0] =	ssyncadd.s32 @p0 $0xFFFFFFB2;
	s0 =	rddreg [dreg:$0x8]  }
0x39: {  	[spmem:s1], [sflag:s25] =	dma.local @!p0 [hbm:s0], $0x40  }
0x3a: {  	s0 =	simm.s32 @!p0 $0x5  }
0x3b: {  	_ =	swait.ge @!p0 [sflag:s0], $0x40  }
0x3c: {  	[sflag:s0] =	ssyncset.done @!p0 $0x0  }
0x3d: {  	s1 =	sshrl.u32 @!p0 s28, $0x3;
	[sflag:s0] =	ssyncadd.s32 @!p0 $0xFFFFFFC0  }
0x3e: {  	[spmem:s1], [sflag:s25] =	dma.local @!p0 [hbm:s4], $0x4E0  }
0x3f: {  	_ =	swait.ge @!p0 [sflag:s0], $0x4E0  }
0x40: {  	[sflag:s0] =	ssyncset.done @!p0 $0x0  }
0x41: {  	s1 =	sshrl.u32 @!p0 s29, $0x3;
	[sflag:s0] =	ssyncadd.s32 @!p0 $0xFFFFFB20  }
0x42: {  	[spmem:s1], [sflag:s25] =	dma.local @!p0 [hbm:s11], $0x4E  }
0x43: {  	_ =	swait.ge @!p0 [sflag:s0], $0x4E  }
0x44: {  	[sflag:s0] =	ssyncset.done @!p0 $0x0;
	s1 =	rddreg [dreg:$0x1a]  }
0x45: {  	[sflag:s0] =	ssyncadd.s32 @!p0 $0xFFFFFFB2;
	s26 =	sshrl.u32 @!p0 s1, $0x3;
	s1 =	rddreg [dreg:$0xd]  }
0x46: {  	[spmem:s26], [sflag:s25] =	dma.local @!p0 [hbm:s1], $0x40  }
0x47: {  	_ =	swait.ge @!p0 [sflag:s0], $0x40  }
0x48: {  	[sflag:s0] =	ssyncset.done @!p0 $0x0  }
0x49: {  	s1 =	sshrl.u32 @!p0 s12, $0x3;
	s4 =	rddreg [dreg:$0x12];
	[sflag:s0] =	ssyncadd.s32 @!p0 $0xFFFFFFC0  }
0x4a: {  	[spmem:s1], [sflag:s25] =	dma.local @!p0 [hbm:s4], $0x4  }
0x4b: {  	_ =	swait.ge @!p0 [sflag:s0], $0x4  }
0x4c: {  	[sflag:s0] =	ssyncset.done @!p0 $0x0  }
0x4d: {  	[sflag:s0] =	ssyncadd.s32 @!p0 $0xFFFFFFFC  }
0x4e: {  	[bflag:$0x0] =	sbarrier.arrive $0xFFFF  }
0x4f: {  	s1 =	simm.s32 $0x4E40;
	s29 =	rddreg [dreg:$0x1c]  }
0x50: {  	[tilespmem:s1], [sflag:$0x1] =	stream.linear.gather [hbm4b:s29+s6], $0x80, $0x38;
	[tilespmem:$0x101E8] =	vst v63  }
0x51: {  	s31 =	simm.s32 $0x5240;
	s30 =	rddreg [dreg:$0x1d]  }
0x52: {  	[tilespmem:s31], [sflag:$0x1] =	stream.linear.gather [hbm4b:s30+s6], $0x80, $0x38;
	[tilespmem:$0x101E8] =	vst v63  }
0x53: {  	s4 =	simm.s32 $0x4EC0;
	s11 =	rddreg [dreg:$0x13]  }
0x54: {  	[tilespmem:s4], [sflag:$0x1] =	stream.linear.gather [hbm4b:s11+s6], $0x80, $0x38;
	[tilespmem:$0x101E8] =	vst v63  }
0x55: {  	s13 =	simm.s32 $0x52C0;
	s12 =	rddreg [dreg:$0x14]  }
0x56: {  	[tilespmem:s13], [sflag:$0x1] =	stream.linear.gather [hbm4b:s12+s6], $0x80, $0x38;
	[tilespmem:$0x101E8] =	vst v63  }
0x57: {  	s15 =	simm.s32 $0x4F40;
	s14 =	rddreg [dreg:$0x15]  }
0x58: {  	[tilespmem:s15], [sflag:$0x1] =	stream.linear.gather [hbm4b:s14+s6], $0x80, $0x38;
	[tilespmem:$0x101E8] =	vst v63  }
0x59: {  	s16 =	rddreg [dreg:$0x16];
	s29 =	simm.s32 $0x5340  }
0x5a: {  	[tilespmem:s29], [sflag:$0x1] =	stream.linear.gather [hbm4b:s16+s6], $0x80, $0x38;
	[tilespmem:$0x101E8] =	vst v63  }
0x5b: {  	_ =	swait.ge [sflag:s18], $0x80  }
0x5c: {  	[sflag:s18] =	ssyncset.done $0x0  }
0x5d: {  	[sflag:s18] =	ssyncadd.s32 $0xFFFFFF80  }
0x5e: {  	_ =	swait.ge [sflag:s18], $0x80  }
0x5f: {  	[sflag:s18] =	ssyncset.done $0x0  }
0x60: {  	s30 =	simm.s32 $0x5640;
	[sflag:s18] =	ssyncadd.s32 $0xFFFFFF80  }
0x61: {  	[tilespmem:s30], [sflag:$0x2] =	stream.indirect.gather [spmem:s2], $0x10, s1, s19, $0xb8;
	[tilespmem:$0x101E8] =	vst v63  }
0x62: {  	_ =	swait.ge [sflag:s18], $0x80  }
0x63: {  	[sflag:s18] =	ssyncset.done $0x0  }
0x64: {  	[sflag:s18] =	ssyncadd.s32 $0xFFFFFF80  }
0x65: {  	_ =	swait.ge [sflag:s18], $0x80  }
0x66: {  	s28 =	simm.s32 $0x56B0;
	s31 =	simm.s32 $0x5E40;
	[sflag:s18] =	ssyncset.done $0x0  }
0x67: {  	s13 =	simm.s32 $0x6E40;
	s16 =	simm.s32 $0x0;
	[sflag:s18] =	ssyncadd.s32 $0xFFFFFF80  }
0x68: {  	[tilespmem:s31], [sflag:$0x2] =	stream.indirect.gather [spmem:s2], $0x10, s4, s19, $0xb8;
	[tilespmem:$0x101E8] =	vst v63  }
.LBB2_2:
0x69: {  	p1 =	slt.u32 s16, $0x3  }
0x6a: {  	s0 =	simm.s32 @!p1 $0x3  }
0x6b: {  	_ =	swait.ge @!p1 [sflag:s0], $0x800  }
0x6c: {  	[sflag:s0] =	ssyncset.done @!p1 $0x0  }
0x6d: {  	[sflag:s0] =	ssyncadd.s32 @!p1 $0xFFFFF800;
	s0 =	simm.s32 @!p1 $0x4  }
0x6e: {  	p2 =	sgt.u32 @!p1 s16, $0x4C;
	_ =	swait.ge @!p1 [sflag:s0], $0x80  }
0x6f: {  	p2 =	por p1, !p2;
	[sflag:s0] =	ssyncset.done @!p1 $0x0  }
0x70: {  	[sflag:s0] =	ssyncadd.s32 @!p1 $0xFFFFFF80;
	s0 =	sadd.s32 @p2 $0x2, s16  }
0x71: {  	s1 =	smul.u32 @p2 $0xAB, s0;
	_ =	sdelay $0x1  }
0x72: {  	s1 =	sshrl.u32 @p2 s1, $0x9  }
0x73: {  	s1 =	sand.u32 @p2 $0x7F, s1  }
0x74: {  	_ =	swait.ge @p2 [sflag:s18], $0x80;
	s1 =	smul.u32 @p2 $0x3, s1  }
0x75: {  	[sflag:s18] =	ssyncset.done @p2 $0x0  }
0x76: {  	s11 =	smul.u32 $0xAB, s16;
	[sflag:s18] =	ssyncadd.s32 @p2 $0xFFFFFF80;
	s1 =	ssub.s32 @p2 s0, s1  }
0x77: {  	_ =	swait.ge @p2 [sflag:s18], $0x80;
	s0 =	sshll.u32 @p2 s0, $0x7;
	s1 =	sand.u32 @p2 $0xFF, s1  }
0x78: {  	[sflag:s18] =	ssyncset.done @p2 $0x0;
	s0 =	sand.u32 @p2 $0x380, s0;
	s1 =	sshll.u32 @p2 s1, $0xB  }
0x79: {  	[sflag:s18] =	ssyncadd.s32 @p2 $0xFFFFFF80;
	s0 =	sadd.s32 @p2 $0x4E40, s0;
	s1 =	sadd.s32 @p2 $0x5640, s1  }
0x7a: {  	[tilespmem:s1], [sflag:$0x2] =	stream.indirect.gather @p2 [spmem:s2], $0x10, s0, s19, $0xb8;
	[tilespmem:$0x101E8] =	vst v63  }
0x7b: {  	s0 =	sshrl.u32 s11, $0x9  }
0x7c: {  	s4 =	sand.u32 $0x7, s16;
	s0 =	sand.u32 $0x7F, s0  }
0x7d: {  	s14 =	sshll.u32 s4, $0x7;
	s0 =	smul.u32 $0x3, s0  }
0x7e: {  	s11 =	sadd.s32 $0x4E40, s14  }
0x7f: {  	s30 =	sadd.s32 $0x5240, s14;
	v1 =	vmov s11;
	s0 =	ssub.s32 s16, s0  }
0x80: {  	s12 =	smulhi.u32 $0xAAAAAAAB, s16;
	s4 =	simm.s32 $0x0;
	v2 =	vmov s30;
	s29 =	sand.u32 $0xFF, s0  }
0x81: {  	p1 =	por $0x1, $0x1;
	_ =	swait.ge [sflag:s20], $0x800;
	s15 =	sshll.u32 s29, $0x7  }
0x82: {  	s1 =	sshrl.u32 s12, $0x1;
	[sflag:s20] =	ssyncset.done $0x0;
	s31 =	sadd.s32 $0x8640, s15  }
0x83: {  	s1 =	smul.u32 $0xFFFFA000, s1;
	[sflag:s20] =	ssyncadd.s32 $0xFFFFF800;
	s0 =	simm.s32 $0x0;
	v3 =	vmov s31  }
.LBB2_3:
0x84: {  	v4 =	vld.idx.msk [tilespmem:v1+s0+$0x0 ss:$0x1], $0xffff  }
0x85: {  	v5 =	vld.idx.msk [tilespmem:v2+s0+$0x0 ss:$0x1], $0xffff;
	s11 =	sor.u32 $0x10, s0  }
0x86: {  	v6 =	vld.idx.msk [tilespmem:v1+s11+$0x0 ss:$0x1], $0xffff  }
0x87: {  	s12 =	sor.u32 $0x20, s0;
	v7 =	vld.idx.msk [tilespmem:v2+s11+$0x0 ss:$0x1], $0xffff  }
0x88: {  	v8 =	vld.idx.msk [tilespmem:v1+s12+$0x0 ss:$0x1], $0xffff  }
0x89: {  	s15 =	sor.u32 $0x30, s0;
	v9 =	vld.idx.msk [tilespmem:v2+s12+$0x0 ss:$0x1], $0xffff  }
0x8a: {  	v10 =	vld.idx.msk [tilespmem:v1+s15+$0x0 ss:$0x1], $0xffff  }
0x8b: {  	v11 =	vld.idx.msk [tilespmem:v2+s15+$0x0 ss:$0x1], $0xffff  }
0x8c: {  	v4 =	vld.idx.msk [tilespmem:v4+s4+$0x0], $0xffff  }
0x8d: {  	v5 =	vld.idx.msk [tilespmem:v5+s10+$0x0], $0xffff  }
0x8e: {  	v6 =	vld.idx.msk [tilespmem:v6+s4+$0x0], $0xffff  }
0x8f: {  	v7 =	vld.idx.msk [tilespmem:v7+s10+$0x0], $0xffff  }
0x90: {  	v8 =	vld.idx.msk [tilespmem:v8+s4+$0x0], $0xffff  }
0x91: {  	v9 =	vld.idx.msk [tilespmem:v9+s10+$0x0], $0xffff  }
0x92: {  	v10 =	vld.idx.msk [tilespmem:v10+s4+$0x0], $0xffff  }
0x93: {  	v11 =	vld.idx.msk [tilespmem:v11+s10+$0x0], $0xffff;
	_ =	sdelay $0x2  }
0x94: {  	v4 =	vadd.f32 v5, v4  }
0x95: {  	v5 =	vadd.f32 v7, v6  }
0x96: {  	v59 =	vadd.f32 v9, v8;
	v61 =	vadd.f32 v11, v10;
	v58 =	vmul.f32 $2.000000030e-01, v4  }
0x97: {  	vm0 =	vge.f32 v4, $0.0e+00;
	v60 =	vmul.f32 $2.000000030e-01, v5;
	vm13 =	vge.f32 v5, $0.0e+00  }
0x98: {  	v9 =	vmul.f32 $2.000000030e-01, v59;
	vm14 =	vge.f32 v59, $0.0e+00;
	v4 =	vsel vm0, v4, v58  }
0x99: {  	v62 =	vmul.f32 $2.000000030e-01, v61;
	v4 =	vmul.f32 $1.442695020e+00, v4;
	v5 =	vsel vm13, v5, v60  }
0x9a: {  	vm15 =	vge.f32 v61, $0.0e+00;
	v7 =	vsel vm14, v59, v9;
	v5 =	vmul.f32 $1.442695020e+00, v5  }
0x9b: {  	v63 =	vmul.f32 $1.442695020e+00, v7;
	(erf) = vpow2.f32 v4;
	v4 =	vsel vm15, v61, v62  }
0x9c: {  	(erf) = vpow2.f32 v5;
	v4 =	vmul.f32 $1.442695020e+00, v4  }
0x9d: {  	(erf) = vpow2.f32 v63  }
0x9e: {  	(erf) = vpow2.f32 v4;
	_ =	sdelay $0x4  }
0x9f: {  	p2 =	por p1, p1  }
.Ltmp0:
0xa0: {  	v4 =	vpop (erf);
	(pc) =	sbr.rel @p2 .LBB2_3-.Ltmp0, $4  }
0xa1: {  	[tilespmem:v3+s0+$0x0 ss:$0x1] =	vst.idx.msk $0xffff, v4;
	v4 =	vpop (erf)  }
0xa2: {  	[tilespmem:v3+s11+$0x0 ss:$0x1] =	vst.idx.msk $0xffff, v4;
	v4 =	vpop (erf)  }
0xa3: {  	[tilespmem:v3+s12+$0x0 ss:$0x1] =	vst.idx.msk $0xffff, v4;
	v4 =	vpop (erf)  }
0xa4: {  	p1 =	por $0x0, $0x0;
	s0 =	simm.s32 $0x40;
	[tilespmem:v3+s15+$0x0 ss:$0x1] =	vst.idx.msk $0xffff, v4  }
0xa5: {  	v1 =	vmov s4  }
0xa6: {  	s0 =	sadd.s32 $0x1, s4;
	s11 =	sadd.s32 $0x2, s4;
	s15 =	sadd.s32 $0x3, s4;
	v1 =	vshrl.u32 v1, $0x3  }
0xa7: {  	s12 =	sadd.s32 $0x4, s4;
	s14 =	sadd.s32 $0x5, s4;
	v2 =	vmov s0;
	v3 =	vmov s11;
	v4 =	vmov s15  }
0xa8: {  	v5 =	vmov s12;
	s15 =	sadd.s32 $0x6, s4;
	v6 =	vmov s14;
	v1 =	vshll.u32 v1, v0  }
0xa9: {  	v7 =	vmov s15;
	v2 =	vshrl.u32 v2, $0x3;
	v3 =	vshrl.u32 v3, $0x3  }
0xaa: {  	s12 =	sadd.s32 $0x7, s4;
	s0 =	sadd.s32 $0x8, s4;
	v4 =	vshrl.u32 v4, $0x3;
	v5 =	vshrl.u32 v5, $0x3;
	v6 =	vshrl.u32 v6, $0x3  }
0xab: {  	v8 =	vmov s12;
	v9 =	vmov s0;
	v7 =	vshrl.u32 v7, $0x3  }
0xac: {  	v1 =	vbroadcast v1, $0x0;
	v2 =	vshll.u32 v2, v0;
	v3 =	vshll.u32 v3, v0  }
0xad: {  	s1 =	sshra.s32 s1, $0x2;
	s14 =	sadd.s32 $0x2, s0;
	v4 =	vshll.u32 v4, v0;
	v5 =	vshll.u32 v5, v0;
	v6 =	vshll.u32 v6, v0  }
0xae: {  	s4 =	sadd.s32 $0x1, s0;
	s15 =	sadd.s32 $0x3, s0;
	v8 =	vshrl.u32 v8, $0x3;
	v9 =	vshrl.u32 v9, $0x3;
	v11 =	vmov s14;
	s14 =	sadd.s32 $0x4, s0  }
0xaf: {  	s12 =	sadd.s32 $0x6, s0;
	v10 =	vmov s4;
	v12 =	vmov s15;
	v13 =	vmov s14;
	s14 =	sadd.s32 s1, s28  }
0xb0: {  	v15 =	vmov s12;
	v2 =	vadd.s32 $0x1, v2;
	v3 =	vadd.s32 $0x2, v3;
	v16 =	vld [tilespmem:s14+$0x0]  }
0xb1: {  	v7 =	vshll.u32 v7, v0;
	v4 =	vadd.s32 $0x3, v4;
	v8 =	vshll.u32 v8, v0;
	v17 =	vld [tilespmem:s14+$0xFFFFFF90]  }
0xb2: {  	v5 =	vadd.s32 $0x4, v5;
	v2 =	vbroadcast v2, $0x0;
	v8 =	vadd.s32 $0x7, v8;
	v18 =	vld [tilespmem:s14+$0xFFFFFFA0]  }
0xb3: {  	s15 =	sadd.s32 $0x5, s0;
	v6 =	vadd.s32 $0x5, v6;
	v9 =	vshll.u32 v9, v0;
	v19 =	vld [tilespmem:s14+$0xFFFFFFB0];
	v8 =	vbroadcast v8, $0x0  }
0xb4: {  	v14 =	vmov s15;
	v10 =	vshrl.u32 v10, $0x3;
	v3 =	vbroadcast v3, $0x0;
	v20 =	vld [tilespmem:s14+$0xFFFFFFC0]  }
0xb5: {  	v11 =	vshrl.u32 v11, $0x3;
	v12 =	vshrl.u32 v12, $0x3;
	v4 =	vbroadcast v4, $0x0;
	v22 =	vld [tilespmem:s14+$0xFFFFFFD0]  }
0xb6: {  	v15 =	vshrl.u32 v15, $0x3;
	v5 =	vbroadcast v5, $0x0;
	v7 =	vadd.s32 $0x6, v7;
	v23 =	vld [tilespmem:s14+$0xFFFFFFF0]  }
0xb7: {  	v6 =	vbroadcast v6, $0x0;
	v13 =	vshrl.u32 v13, $0x3;
	v7 =	vbroadcast v7, $0x0;
	v1 =	vld.idx.msk [tilespmem:v1+s31+$0x0], $0xffff  }
0xb8: {  	v14 =	vshrl.u32 v14, $0x3;
	v9 =	vbroadcast v9, $0x0;
	v10 =	vshll.u32 v10, v0;
	v2 =	vld.idx.msk [tilespmem:v2+s31+$0x0], $0xffff  }
0xb9: {  	s15 =	sadd.s32 $0x7, s0;
	v11 =	vshll.u32 v11, v0;
	v12 =	vshll.u32 v12, v0;
	v10 =	vadd.s32 $0x1, v10;
	v8 =	vld.idx.msk [tilespmem:v8+s31+$0x0], $0xffff  }
0xba: {  	v15 =	vshll.u32 v15, v0;
	v21 =	vmov s15;
	v10 =	vbroadcast v10, $0x0;
	v3 =	vld.idx.msk [tilespmem:v3+s31+$0x0], $0xffff  }
0xbb: {  	v13 =	vshll.u32 v13, v0;
	v14 =	vshll.u32 v14, v0;
	v11 =	vadd.s32 $0x2, v11;
	v4 =	vld.idx.msk [tilespmem:v4+s31+$0x0], $0xffff  }
0xbc: {  	v12 =	vadd.s32 $0x3, v12;
	v15 =	vadd.s32 $0x6, v15;
	v11 =	vbroadcast v11, $0x0;
	v5 =	vld.idx.msk [tilespmem:v5+s31+$0x0], $0xffff  }
0xbd: {  	v13 =	vadd.s32 $0x4, v13;
	v14 =	vadd.s32 $0x5, v14;
	v12 =	vbroadcast v12, $0x0;
	v7 =	vld.idx.msk [tilespmem:v7+s31+$0x0], $0xffff  }
0xbe: {  	v13 =	vbroadcast v13, $0x0;
	v6 =	vld.idx.msk [tilespmem:v6+s31+$0x0], $0xffff;
	v8 =	vmul.f32 v16, v8;
	v16 =	vshrl.u32 v21, $0x3  }
0xbf: {  	v17 =	vmul.f32 v17, v1;
	v1 =	vld.idx.msk [tilespmem:v9+s31+$0x0], $0xffff;
	v9 =	vbroadcast v15, $0x0;
	v16 =	vshll.u32 v16, v0  }
0xc0: {  	s11 =	sadd.s32 $0x8, s0;
	v14 =	vbroadcast v14, $0x0;
	v18 =	vmul.f32 v18, v2;
	v2 =	vld.idx.msk [tilespmem:v10+s31+$0x0], $0xffff;
	v15 =	vadd.s32 $0x7, v16  }
0xc1: {  	s15 =	sadd.s32 $0x4, s11;
	v21 =	vld [tilespmem:s14+$0xFFFFFFE0];
	v16 =	vmul.f32 v19, v3;
	v3 =	vmov s11;
	v10 =	vbroadcast v15, $0x0  }
0xc2: {  	s12 =	sadd.s32 $0x2, s11;
	v24 =	vmov s15;
	v23 =	vmul.f32 v23, v7;
	v19 =	vshrl.u32 v3, $0x3;
	v3 =	vld.idx.msk [tilespmem:v11+s31+$0x0], $0xffff  }
0xc3: {  	s0 =	sadd.s32 $0x1, s11;
	s14 =	sadd.s32 $0x3, s11;
	v15 =	vmul.f32 v20, v4;
	v20 =	vmul.f32 v22, v5;
	v22 =	vmov s12;
	v4 =	vld.idx.msk [tilespmem:v12+s31+$0x0], $0xffff;
	s12 =	sadd.s32 s1, s13  }
0xc4: {  	s15 =	sadd.s32 $0x6, s11;
	v11 =	vmov s0;
	v12 =	vmov s14;
	s14 =	sadd.s32 $0x5, s11;
	v5 =	vld.idx.msk [tilespmem:v13+s31+$0x0], $0xffff;
	[tilespmem:s12+$0x70] =	vst v8;
	v8 =	vshll.u32 v19, v0  }
0xc5: {  	v7 =	vld.idx.msk [tilespmem:v9+s31+$0x0], $0xffff;
	v13 =	vmov s14;
	v19 =	vmov s15;
	v11 =	vshrl.u32 v11, $0x3  }
0xc6: {  	s4 =	sadd.s32 $0x80, s28;
	[tilespmem:s12+$0x0] =	vst v17;
	v12 =	vshrl.u32 v12, $0x3;
	v17 =	vshrl.u32 v24, $0x3;
	v21 =	vmul.f32 v21, v6;
	v6 =	vld.idx.msk [tilespmem:v14+s31+$0x0], $0xffff  }
0xc7: {  	s0 =	sadd.s32 s1, s4;
	[tilespmem:s12+$0x10] =	vst v18;
	v14 =	vshrl.u32 v22, $0x3;
	v13 =	vshrl.u32 v13, $0x3;
	v18 =	vshrl.u32 v19, $0x3;
	v9 =	vld.idx.msk [tilespmem:v10+s31+$0x0], $0xffff  }
0xc8: {  	[tilespmem:s12+$0x20] =	vst v16;
	v8 =	vbroadcast v8, $0x0;
	v16 =	vshll.u32 v12, v0;
	v10 =	vshll.u32 v11, v0;
	v11 =	vld [tilespmem:s0+$0x0]  }
0xc9: {  	[tilespmem:s12+$0x60] =	vst v23;
	v17 =	vshll.u32 v17, v0;
	v12 =	vld [tilespmem:s0+$0xFFFFFF90];
	v14 =	vshll.u32 v14, v0;
	v22 =	vshll.u32 v13, v0  }
0xca: {  	[tilespmem:s12+$0x40] =	vst v20;
	v63 =	vshll.u32 v18, v0;
	v13 =	vld [tilespmem:s0+$0xFFFFFFA0];
	v20 =	vadd.s32 $0x3, v16;
	v10 =	vadd.s32 $0x1, v10  }
0xcb: {  	[tilespmem:s12+$0x30] =	vst v15;
	v19 =	vadd.s32 $0x4, v17;
	v14 =	vadd.s32 $0x2, v14;
	v15 =	vbroadcast v10, $0x0;
	v10 =	vld [tilespmem:s0+$0xFFFFFFB0]  }
0xcc: {  	s15 =	sadd.s32 $0x8, s11;
	[tilespmem:s12+$0x50] =	vst v21;
	v18 =	vadd.s32 $0x5, v22;
	v17 =	vadd.s32 $0x6, v63;
	s12 =	sadd.s32 $0x7, s11;
	s11 =	smov.u32 s13;
	v16 =	vbroadcast v14, $0x0;
	v14 =	vld [tilespmem:s0+$0xFFFFFFC0]  }
.LBB2_5:
0xcd: {  	p1 =	slt.u32 s15, $0x78;
	v20 =	vbroadcast v20, $0x0;
	v21 =	vmov s12;
	v22 =	vld [tilespmem:s0+$0xFFFFFFD0];
	v9 =	vmul.f32 v11, v9;
	s11 =	sadd.s32 $0x80, s11  }
0xce: {  	v11 =	vbroadcast v19, $0x0;
	v19 =	vshrl.u32 v21, $0x3;
	v12 =	vmul.f32 v12, v1;
	s12 =	sadd.s32 s1, s11;
	v21 =	vld [tilespmem:s0+$0xFFFFFFE0]  }
0xcf: {  	v18 =	vbroadcast v18, $0x0;
	v19 =	vshll.u32 v19, v0;
	v13 =	vmul.f32 v13, v2;
	v23 =	vld [tilespmem:s0+$0xFFFFFFF0];
	[tilespmem:s12+$0x70] =	vst v9  }
0xd0: {  	v1 =	vld.idx.msk [tilespmem:v8+s31+$0x0], $0xffff;
	v8 =	vbroadcast v17, $0x0;
	v9 =	vadd.s32 $0x7, v19;
	[tilespmem:s12+$0x0] =	vst v12;
	v10 =	vmul.f32 v10, v3  }
0xd1: {  	v3 =	vmov s15;
	v2 =	vld.idx.msk [tilespmem:v15+s31+$0x0], $0xffff;
	v9 =	vbroadcast v9, $0x0;
	[tilespmem:s12+$0x10] =	vst v13;
	v12 =	vmul.f32 v14, v4  }
0xd2: {  	s14 =	sadd.s32 $0x2, s15;
	s0 =	sadd.s32 $0x1, s15;
	v13 =	vshrl.u32 v3, $0x3;
	v3 =	vld.idx.msk [tilespmem:v16+s31+$0x0], $0xffff;
	[tilespmem:s12+$0x20] =	vst v10;
	v10 =	vmul.f32 v22, v5  }
0xd3: {  	v14 =	vmov s0;
	v15 =	vmov s14;
	s0 =	sadd.s32 $0x3, s15;
	s14 =	sadd.s32 $0x4, s15;
	v4 =	vld.idx.msk [tilespmem:v20+s31+$0x0], $0xffff;
	[tilespmem:s12+$0x30] =	vst v12;
	v12 =	vmul.f32 v21, v6  }
0xd4: {  	v16 =	vmov s0;
	v17 =	vmov s14;
	s0 =	sadd.s32 $0x5, s15;
	s14 =	sadd.s32 $0x6, s15;
	v5 =	vld.idx.msk [tilespmem:v11+s31+$0x0], $0xffff;
	[tilespmem:s12+$0x40] =	vst v10;
	v10 =	vmul.f32 v23, v7  }
0xd5: {  	v19 =	vmov s14;
	v11 =	vshll.u32 v13, v0;
	v13 =	vmov s0;
	v6 =	vld.idx.msk [tilespmem:v18+s31+$0x0], $0xffff;
	[tilespmem:s12+$0x50] =	vst v12  }
0xd6: {  	s4 =	sadd.s32 $0x80, s4;
	v12 =	vshrl.u32 v14, $0x3;
	v14 =	vshrl.u32 v15, $0x3;
	v15 =	vshrl.u32 v16, $0x3;
	v7 =	vld.idx.msk [tilespmem:v8+s31+$0x0], $0xffff;
	[tilespmem:s12+$0x60] =	vst v10  }
0xd7: {  	s0 =	sadd.s32 s1, s4;
	v13 =	vshrl.u32 v13, $0x3;
	v16 =	vshrl.u32 v19, $0x3;
	v10 =	vshrl.u32 v17, $0x3;
	v9 =	vld.idx.msk [tilespmem:v9+s31+$0x0], $0xffff  }
.Ltmp1:
0xd8: {  	v8 =	vbroadcast v11, $0x0;
	v17 =	vshll.u32 v12, v0;
	v14 =	vshll.u32 v14, v0;
	v11 =	vld [tilespmem:s0+$0x0];
	(pc) =	sbr.rel @p1 .LBB2_5-.Ltmp1, $4  }
0xd9: {  	v18 =	vshll.u32 v15, v0;
	v21 =	vshll.u32 v13, v0;
	v10 =	vshll.u32 v10, v0;
	v12 =	vld [tilespmem:s0+$0xFFFFFF90]  }
0xda: {  	v15 =	vadd.s32 $0x1, v17;
	v14 =	vadd.s32 $0x2, v14;
	v17 =	vshll.u32 v16, v0;
	v13 =	vld [tilespmem:s0+$0xFFFFFFA0]  }
0xdb: {  	v20 =	vadd.s32 $0x3, v18;
	v15 =	vbroadcast v15, $0x0;
	v19 =	vadd.s32 $0x4, v10;
	v10 =	vld [tilespmem:s0+$0xFFFFFFB0]  }
0xdc: {  	s12 =	sadd.s32 $0x7, s15;
	s15 =	sadd.s32 $0x8, s15;
	v18 =	vadd.s32 $0x5, v21;
	v16 =	vbroadcast v14, $0x0;
	v17 =	vadd.s32 $0x6, v17;
	v14 =	vld [tilespmem:s0+$0xFFFFFFC0]  }
0xdd: {  	_ = 	snop  }
0xde: {  	v22 =	vld [tilespmem:s0+$0xFFFFFFD0]  }
0xdf: {  	v23 =	vld [tilespmem:s0+$0xFFFFFFE0]  }
0xe0: {  	v24 =	vld [tilespmem:s0+$0xFFFFFFF0]  }
0xe1: {  	v8 =	vld.idx.msk [tilespmem:v8+s31+$0x0], $0xffff  }
0xe2: {  	v15 =	vld.idx.msk [tilespmem:v15+s31+$0x0], $0xffff;
	s4 =	sadd.s32 $0x80, s4  }
0xe3: {  	v16 =	vld.idx.msk [tilespmem:v16+s31+$0x0], $0xffff;
	s4 =	sadd.s32 s1, s4  }
0xe4: {  	v21 =	vmov s12;
	v58 =	vld [tilespmem:s4+$0xFFFFFF90]  }
0xe5: {  	v19 =	vbroadcast v19, $0x0;
	s14 =	sadd.s32 $0x80, s11;
	v21 =	vshrl.u32 v21, $0x3;
	v1 =	vmul.f32 v12, v1;
	v59 =	vld [tilespmem:s4+$0xFFFFFFA0]  }
0xe6: {  	s11 =	sadd.s32 s1, s14;
	v21 =	vshll.u32 v21, v0;
	v2 =	vmul.f32 v13, v2;
	v60 =	vld [tilespmem:s4+$0xFFFFFFB0]  }
0xe7: {  	v18 =	vbroadcast v18, $0x0;
	v61 =	vld [tilespmem:s4+$0xFFFFFFC0];
	v21 =	vadd.s32 $0x7, v21;
	[tilespmem:s11+$0x0] =	vst v1;
	v1 =	vmul.f32 v10, v3  }
0xe8: {  	v62 =	vld [tilespmem:s4+$0xFFFFFFE0];
	v21 =	vbroadcast v21, $0x0;
	[tilespmem:s11+$0x10] =	vst v2;
	v2 =	vmul.f32 v14, v4  }
0xe9: {  	v17 =	vbroadcast v17, $0x0;
	v63 =	vld [tilespmem:s4+$0xFFFFFFF0];
	[tilespmem:s11+$0x20] =	vst v1;
	v1 =	vmul.f32 v22, v5  }
0xea: {  	v20 =	vbroadcast v20, $0x0;
	v3 =	vld [tilespmem:s4+$0x0];
	[tilespmem:s11+$0x30] =	vst v2;
	v2 =	vmul.f32 v23, v6  }
0xeb: {  	v19 =	vld.idx.msk [tilespmem:v19+s31+$0x0], $0xffff;
	[tilespmem:s11+$0x40] =	vst v1;
	v1 =	vmul.f32 v24, v7  }
0xec: {  	[tilespmem:s11+$0x50] =	vst v2;
	v2 =	vld [tilespmem:s4+$0xFFFFFFD0]  }
0xed: {  	s0 =	sadd.s32 $0x80, s14;
	v55 =	vld.idx.msk [tilespmem:v18+s31+$0x0], $0xffff;
	[tilespmem:s11+$0x60] =	vst v1;
	v1 =	vmul.f32 v58, v8  }
0xee: {  	v9 =	vmul.f32 v11, v9;
	s0 =	sadd.s32 s1, s0;
	v57 =	vld.idx.msk [tilespmem:v21+s31+$0x0], $0xffff  }
0xef: {  	v56 =	vld.idx.msk [tilespmem:v17+s31+$0x0], $0xffff;
	[tilespmem:s0+$0x0] =	vst v1;
	v1 =	vmul.f32 v60, v16  }
0xf0: {  	[tilespmem:s11+$0x70] =	vst v9;
	v20 =	vld.idx.msk [tilespmem:v20+s31+$0x0], $0xffff;
	v5 =	vmul.f32 v59, v15  }
0xf1: {  	[tilespmem:s0+$0x20] =	vst v1;
	v1 =	vmul.f32 v2, v19  }
0xf2: {  	[tilespmem:s0+$0x10] =	vst v5;
	v2 =	vmul.f32 v62, v55  }
0xf3: {  	v3 =	vmul.f32 v3, v57;
	[tilespmem:s0+$0x40] =	vst v1  }
0xf4: {  	v1 =	vmul.f32 v63, v56;
	[tilespmem:s0+$0x50] =	vst v2  }
0xf5: {  	[tilespmem:s0+$0x70] =	vst v3;
	v3 =	vmul.f32 v61, v20  }
0xf6: {  	s15 =	sshll.u32 s29, $0xB;
	p1 =	sgt.u32 s16, $0x4B;
	[tilespmem:s0+$0x60] =	vst v1  }
0xf7: {  	s29 =	sadd.s32 $0x6E40, s15;
	[tilespmem:s0+$0x30] =	vst v3;
	s0 =	sadd.s32 @!p1 $0x3, s16  }
0xf8: {  	[spmem:s3] =	stream.indirect.scatter.add.f32 [tilespmem:s29], [sflag:$0x3], $0x10, s30, s19, $0xb8;
	[tilespmem:$0x101E8] =	vst v63  }
0xf9: {  	s1 =	sshll.u32 @!p1 s0, $0x7;
	s0 =	sshll.u32 @!p1 s0, $0x9  }
0xfa: {  	s1 =	sand.u32 @!p1 $0x380, s1;
	s0 =	sor.u32 @!p1 s17, s0  }
0xfb: {  	[spmem:s5] =	stream.indirect.scatter.add.f32 [tilespmem:s31], [sflag:$0x4], $0x1, s30, s19, $0xb8;
	[tilespmem:$0x101E8] =	vst v63  }
0xfc: {  	s12 =	simm.s32 @!p1 $0x0;
	s4 =	sadd.s32 @!p1 $0x4E40, s1;
	s11 =	sadd.s32 @!p1 s7, s0  }
0xfd: {  	[tilespmem:s4], [sflag:$0x1] =	stream.linear.gather @!p1 [hbm4b:s11+s12], $0x80, $0x38;
	[tilespmem:$0x101E8] =	vst v63  }
0xfe: {  	s16 =	sadd.s32 $0x1, s16;
	s1 =	sadd.s32 @!p1 $0x5240, s1;
	s0 =	sadd.s32 @!p1 s8, s0  }
0xff: {  	[tilespmem:s1], [sflag:$0x1] =	stream.linear.gather @!p1 [hbm4b:s0+s12], $0x80, $0x38;
	[tilespmem:$0x101E8] =	vst v63  }
0x100: {  	p1 =	sne.s32 s16, $0x4F  }
.Ltmp2:
0x101: {  	_ = 	snop;
	(pc) =	sbr.rel @p1 .LBB2_2-.Ltmp2, $2  }
0x102: {  	_ =	sdelay $0x2  }
0x103: {  	s13 =	sadd.s32 $0x800, s13;
	s28 =	sadd.s32 $0x800, s28  }
0x104: {  	_ =	swait.ge [sflag:s21], $0x800  }
0x105: {  	[sflag:s21] =	ssyncset.done $0x0  }
0x106: {  	[sflag:s21] =	ssyncadd.s32 $0xFFFFF800  }
0x107: {  	_ =	swait.ge [sflag:s22], $0x80  }
0x108: {  	[sflag:s22] =	ssyncset.done $0x0  }
0x109: {  	[sflag:s22] =	ssyncadd.s32 $0xFFFFFF80  }
0x10a: {  	_ =	swait.ge [sflag:s21], $0x800  }
0x10b: {  	[sflag:s21] =	ssyncset.done $0x0  }
0x10c: {  	[sflag:s21] =	ssyncadd.s32 $0xFFFFF800  }
0x10d: {  	_ =	swait.ge [sflag:s22], $0x80  }
0x10e: {  	[sflag:s22] =	ssyncset.done $0x0  }
0x10f: {  	[sflag:s22] =	ssyncadd.s32 $0xFFFFFF80  }
0x110: {  	_ =	swait.ge [sflag:s21], $0x800  }
0x111: {  	[sflag:s21] =	ssyncset.done $0x0  }
0x112: {  	[sflag:s21] =	ssyncadd.s32 $0xFFFFF800  }
0x113: {  	_ =	swait.ge [sflag:s22], $0x80  }
0x114: {  	[sflag:s22] =	ssyncset.done $0x0  }
0x115: {  	[sflag:s22] =	ssyncadd.s32 $0xFFFFFF80  }
0x116: {  	[bflag:$0x0] =	sbarrier.arrive $0xFFFF  }
0x117: {  	s28 =	rddreg [dreg:$0x9]  }
0x118: {  	s1 =	rddreg [dreg:$0xe];
	s0 =	sshrl.u32 s28, $0x3  }
0x119: {  	[hbm:s1], [sflag:s25] =	dma.local [spmem:s0], $0x4E0  }
0x11a: {  	_ =	swait.ge [sflag:s9], $0x4E0  }
0x11b: {  	s16 =	simm.s32 $0x0;
	[sflag:s9] =	ssyncset.done $0x0  }
0x11c: {  	v1 =	vmov s16;
	s29 =	rddreg [dreg:$0xb];
	[sflag:s9] =	ssyncadd.s32 $0xFFFFFB20  }
0x11d: {  	[tilespmem:s23], [sflag:$0x5] =	stream.linear.gather [spmem:s29], $0x270, $0x38;
	[tilespmem:$0x101E8] =	vst v63  }
0x11e: {  	_ =	swait.ge [sflag:s9], $0x270  }
0x11f: {  	[sflag:s9] =	ssyncset.done $0x0  }
0x120: {  	[sflag:s9] =	ssyncadd.s32 $0xFFFFFD90  }
0x121: {  	s30 =	simm.s32 $0x1;
	v1 =	vld.idx.msk [tilespmem:v1+s23+$0x0], $0xffff  }
0x122: {  	v2 =	vmov s30;
	_ =	sdelay $0x2  }
0x123: {  	s0 =	simm.s32 $0x8A30  }
0x124: {  	[tilespmem:s0+$0x0] =	vst v1  }
0x125: {  	s31 =	simm.s32 $0x2;
	v1 =	vld.idx.msk [tilespmem:v2+s23+$0x0], $0xffff  }
0x126: {  	s1 =	simm.s32 $0x3;
	v2 =	vmov s31  }
.LBB2_8:
0x127: {  	p1 =	sne.s32 s1, $0x26F;
	_ =	sdelay $0x1  }
.Ltmp3:
0x128: {  	s0 =	sadd.s32 $0x10, s0;
	(pc) =	sbr.rel @p1 .LBB2_8-.Ltmp3, $3  }
0x129: {  	[tilespmem:s0+$0x0] =	vst v1  }
0x12a: {  	v1 =	vld.idx.msk [tilespmem:v2+s23+$0x0], $0xffff;
	_ =	sdelay $0x1  }
0x12b: {  	v2 =	vmov s1;
	s1 =	sadd.s32 $0x1, s1  }
0x12c: {  	_ =	sdelay $0x1  }
0x12d: {  	s0 =	sadd.s32 $0x10, s0  }
0x12e: {  	[tilespmem:s0+$0x0] =	vst v1  }
0x12f: {  	v1 =	vld.idx.msk [tilespmem:v2+s23+$0x0], $0xffff;
	_ =	sdelay $0x3  }
0x130: {  	s0 =	sadd.s32 $0x10, s0  }
0x131: {  	s30 =	rddreg [dreg:$0xf];
	s1 =	simm.s32 $0x8A30;
	[tilespmem:s0+$0x0] =	vst v1  }
0x132: {  	[hbm4b:s30+s6] =	stream.linear.scatter [tilespmem:s1], [sflag:$0x5], $0x2700, $0x38;
	[tilespmem:$0x101E8] =	vst v63  }
0x133: {  	_ =	swait.ge [sflag:s9], $0x2700  }
0x134: {  	[sflag:s9] =	ssyncset.done $0x0  }
0x135: {  	s0 =	rddreg [dreg:$0x10];
	[sflag:s9] =	ssyncadd.s32 $0xFFFFD900  }
0x136: {  	[hbm:s0], [sflag:s25] =	dma.local @!p0 [spmem:s26], $0x20  }
0x137: {  	s0 =	simm.s32 @!p0 $0x5  }
0x138: {  	_ =	swait.ge @!p0 [sflag:s0], $0x20  }
0x139: {  	[sflag:s0] =	ssyncset.done @!p0 $0x0  }
0x13a: {  	s1 =	simm.s32 @!p0 $0x87C0;
	s12 =	rddreg [dreg:$0x1b];
	[sflag:s0] =	ssyncadd.s32 @!p0 $0xFFFFFFE0  }
0x13b: {  	[tilespmem:s1], [sflag:$0x5] =	stream.linear.gather @!p0 [spmem:s12], $0x10, $0x38;
	[tilespmem:$0x101E8] =	vst v63  }
0x13c: {  	_ =	swait.ge @!p0 [sflag:s0], $0x10  }
0x13d: {  	[sflag:s0] =	ssyncset.done @!p0 $0x0  }
0x13e: {  	[sflag:s0] =	ssyncadd.s32 @!p0 $0xFFFFFFF0  }
0x13f: {  	v1 =	vld.msk @!p0 [tilespmem:s1+$0x0], $0xffff  }
0x140: {  	v2 =	vimm.s32 @!p0 $0x1;
	_ =	sdelay $0x3  }
0x141: {  	[tilespmem:$0x8A30] =	vst @!p0 v1  }
0x142: {  	v1 =	vld.idx.msk @!p0 [tilespmem:v2+s1+$0x0], $0xffff  }
0x143: {  	v2 =	vimm.s32 @!p0 $0x2;
	_ =	sdelay $0x3  }
0x144: {  	[tilespmem:$0x8A40] =	vst @!p0 v1  }
0x145: {  	v1 =	vld.idx.msk @!p0 [tilespmem:v2+s1+$0x0], $0xffff  }
0x146: {  	v2 =	vimm.s32 @!p0 $0x3;
	_ =	sdelay $0x3  }
0x147: {  	[tilespmem:$0x8A50] =	vst @!p0 v1  }
0x148: {  	v1 =	vld.idx.msk @!p0 [tilespmem:v2+s1+$0x0], $0xffff  }
0x149: {  	v2 =	vimm.s32 @!p0 $0x4;
	_ =	sdelay $0x3  }
0x14a: {  	[tilespmem:$0x8A60] =	vst @!p0 v1  }
0x14b: {  	v1 =	vld.idx.msk @!p0 [tilespmem:v2+s1+$0x0], $0xffff  }
0x14c: {  	v2 =	vimm.s32 @!p0 $0x5;
	_ =	sdelay $0x3  }
0x14d: {  	[tilespmem:$0x8A70] =	vst @!p0 v1  }
0x14e: {  	v1 =	vld.idx.msk @!p0 [tilespmem:v2+s1+$0x0], $0xffff  }
0x14f: {  	v2 =	vimm.s32 @!p0 $0x6;
	_ =	sdelay $0x3  }
0x150: {  	[tilespmem:$0x8A80] =	vst @!p0 v1  }
0x151: {  	v1 =	vld.idx.msk @!p0 [tilespmem:v2+s1+$0x0], $0xffff  }
0x152: {  	v2 =	vimm.s32 @!p0 $0x7;
	_ =	sdelay $0x3  }
0x153: {  	[tilespmem:$0x8A90] =	vst @!p0 v1  }
0x154: {  	v1 =	vld.idx.msk @!p0 [tilespmem:v2+s1+$0x0], $0xffff  }
0x155: {  	v2 =	vimm.s32 @!p0 $0x8;
	_ =	sdelay $0x3  }
0x156: {  	[tilespmem:$0x8AA0] =	vst @!p0 v1  }
0x157: {  	v1 =	vld.idx.msk @!p0 [tilespmem:v2+s1+$0x0], $0xffff  }
0x158: {  	v2 =	vimm.s32 @!p0 $0x9;
	_ =	sdelay $0x3  }
0x159: {  	[tilespmem:$0x8AB0] =	vst @!p0 v1  }
0x15a: {  	v1 =	vld.idx.msk @!p0 [tilespmem:v2+s1+$0x0], $0xffff  }
0x15b: {  	v2 =	vimm.s32 @!p0 $0xA;
	_ =	sdelay $0x3  }
0x15c: {  	[tilespmem:$0x8AC0] =	vst @!p0 v1  }
0x15d: {  	v1 =	vld.idx.msk @!p0 [tilespmem:v2+s1+$0x0], $0xffff  }
0x15e: {  	v2 =	vimm.s32 @!p0 $0xB;
	_ =	sdelay $0x3  }
0x15f: {  	[tilespmem:$0x8AD0] =	vst @!p0 v1  }
0x160: {  	v1 =	vld.idx.msk @!p0 [tilespmem:v2+s1+$0x0], $0xffff  }
0x161: {  	v2 =	vimm.s32 @!p0 $0xC;
	_ =	sdelay $0x3  }
0x162: {  	[tilespmem:$0x8AE0] =	vst @!p0 v1  }
0x163: {  	v1 =	vld.idx.msk @!p0 [tilespmem:v2+s1+$0x0], $0xffff  }
0x164: {  	v2 =	vimm.s32 @!p0 $0xD;
	_ =	sdelay $0x3  }
0x165: {  	[tilespmem:$0x8AF0] =	vst @!p0 v1  }
0x166: {  	v1 =	vld.idx.msk @!p0 [tilespmem:v2+s1+$0x0], $0xffff  }
0x167: {  	v2 =	vimm.s32 @!p0 $0xE;
	_ =	sdelay $0x3  }
0x168: {  	[tilespmem:$0x8B00] =	vst @!p0 v1  }
0x169: {  	v1 =	vld.idx.msk @!p0 [tilespmem:v2+s1+$0x0], $0xffff  }
0x16a: {  	v2 =	vimm.s32 @!p0 $0xF;
	_ =	sdelay $0x3  }
0x16b: {  	[tilespmem:$0x8B10] =	vst @!p0 v1  }
0x16c: {  	v1 =	vld.idx.msk @!p0 [tilespmem:v2+s1+$0x0], $0xffff;
	_ =	sdelay $0x4  }
0x16d: {  	s4 =	simm.s32 @!p0 $0x8A30;
	s11 =	rddreg [dreg:$0x11];
	s1 =	simm.s32 @!p0 $0x0;
	[tilespmem:$0x8B20] =	vst @!p0 v1  }
0x16e: {  	[hbm4b:s11+s1] =	stream.linear.scatter @!p0 [tilespmem:s4], [sflag:$0x5], $0x100, $0x38;
	[tilespmem:$0x101E8] =	vst v63  }
0x16f: {  	_ =	swait.ge @!p0 [sflag:s0], $0x100  }
0x170: {  	s24 =	sadd.s32 $0x1, s24;
	s31 =	rddreg [dreg:$0x17]  }
0x171: {  	p1 =	sne.s32 s24, s31  }
.Ltmp4:
0x172: {  	_ = 	snop;
	(pc) =	sbr.rel @p1 .LBB2_1-.Ltmp4, $3  }
0x173: {  	_ =	sdelay $0x1  }
0x174: {  	[sflag:s0] =	ssyncset.done @!p0 $0x0  }
0x175: {  	[sflag:s0] =	ssyncadd.s32 @!p0 $0xFFFFFF00  }
0x176: {  	_ =	sfence.sel $0x180000  }
0x177: {  	[bflag:$0x0] =	sbarrier.arrive $0xFFFF  }
0x178: {  	_ =	strace $0x90000047  }
0x179: {  	s0 =	stileid.u32;
	[bflag:$0x2] =	sbarrier.arrive $0xFFFF  }
0x17a: {  	p0 =	sne.s32 s0, $0x0;
	s0 =	rddreg [dreg:$0x5]  }
0x17b: {  	s0 =	sadd.s32 @!p0 $0x100000, s0  }
0x17c: {  	[sflag:s0] =	ssyncadd.tile.s32 @!p0 $0x1;
	_ =	shalt  }
.Lfunc_end2:
_tile_overlayer_lowered:
.L_overlay_start_2:
0x17d: {  	(tag) =	ssettag $0x2  }
0x17e: {  	s0 =	rddreg [dreg:$0x0];
	s2 =	stileid.u32  }
0x17f: {  	s1 =	rddreg [dreg:$0x1];
	p0 =	sne.s32 s2, $0x0  }
0x180: {  	s3 =	rddreg [dreg:$0x2];
	[bflag:$0x3] =	sbarrier.arrive $0xFFFF;
	s2 =	simm.s32 @!p0 $0x1C05  }
0x181: {  	[timem:s3], [sflag:s2] =	dma.local @!p0 [hbm:s0], s1  }
0x182: {  	s0 =	simm.s32 @!p0 $0x5  }
0x183: {  	_ =	swait.ge @!p0 [sflag:s0], s1  }
0x184: {  	s1 =	ssub.s32 @!p0 $0x0, s1;
	[sflag:s0] =	ssyncset.done @!p0 $0x0  }
0x185: {  	[sflag:s0] =	ssyncadd.s32 @!p0 s1  }
0x186: {  	[bflag:$0x3] =	sbarrier.arrive $0xFFFF  }
0x187: {  	_ =	shalt  }

</sc_bundles>
